<compile_context>
chip_gen: v7x
topology: tpu7x:2x2x1
jax: 0.10.2.dev20260603
libtpu: 0.0.44.dev20260713+nightly
codegen_flags: <defaults>
</compile_context>

<pallas_src>
import functools

import jax
import jax.numpy as jnp
from jax import lax
from jax.experimental import pallas as pl
from jax.experimental.pallas import tpu as pltpu
from jax.experimental.pallas import tpu_sc as plsc

NC = 2
NS = 16
NW = NC * NS
L = 16


@functools.lru_cache(maxsize=None)
def _make_gather(N, E, D):
  BLK = 512
  NBLK = E // BLK
  KMAX = -(-NBLK // NW)
  mesh = plsc.VectorSubcoreMesh(core_axis_name="c", subcore_axis_name="s")

  @functools.partial(
      pl.kernel,
      out_type=(jax.ShapeDtypeStruct((NBLK, BLK, D), jnp.float32),
                jax.ShapeDtypeStruct((NBLK, BLK, D), jnp.float32)),
      mesh=mesh,
      scratch_types=[
          pltpu.VMEM((4, 128), jnp.int32),
          pltpu.VMEM((4, 128), jnp.int32),
          pltpu.VMEM((BLK, D), jnp.float32),
          pltpu.VMEM((BLK, D), jnp.float32),
          pltpu.SemaphoreType.DMA,
      ],
      compiler_params=pltpu.CompilerParams(use_tc_tiling_on_sc=False),
  )
  def gk(atoms_hbm, idx1_hbm, idx2_hbm, out1, out2, i1v, i2v, r1v, r2v, sem):
    wid = lax.axis_index("s") * NC + lax.axis_index("c")

    def body(k, _):
      b = wid + k * NW

      @pl.when(b < NBLK)
      def _():
        pltpu.sync_copy(idx1_hbm.at[pl.ds(b * 4, 4)], i1v)
        pltpu.sync_copy(idx2_hbm.at[pl.ds(b * 4, 4)], i2v)
        cps = []
        for j in range(4):
          cps.append(pltpu.async_copy(
              atoms_hbm.at[i1v.at[j]], r1v.at[pl.ds(j * 128, 128)], sem))
          cps.append(pltpu.async_copy(
              atoms_hbm.at[i2v.at[j]], r2v.at[pl.ds(j * 128, 128)], sem))
        for cp in cps:
          cp.wait()
        pltpu.sync_copy(r1v, out1.at[b])
        pltpu.sync_copy(r2v, out2.at[b])
      return 0

    lax.fori_loop(0, KMAX, body, 0)

  return gk


def _edge_mlp_body(a1r, a2r, br, w1, b1, w2, b2, w3, b3, outr):
  x = jnp.concatenate([a1r[...], a2r[...], br[...]], axis=1)
  h = jnp.maximum(
      jnp.dot(x, w1[...], preferred_element_type=jnp.float32) + b1[...], 0.0)
  h = jnp.maximum(
      jnp.dot(h, w2[...], preferred_element_type=jnp.float32) + b2[...], 0.0)
  outr[...] = jnp.dot(h, w3[...], preferred_element_type=jnp.float32) + b3[...]


@functools.lru_cache(maxsize=None)
def _make_edge_mlp(EP, B):
  G = EP // B
  full = lambda s: pl.BlockSpec(s, lambda i: (0, 0))
  return pl.pallas_call(
      _edge_mlp_body,
      grid=(G,),
      in_specs=[
          pl.BlockSpec((B, 128), lambda i: (i, 0)),
          pl.BlockSpec((B, 128), lambda i: (i, 0)),
          pl.BlockSpec((B, 128), lambda i: (i, 0)),
          full((384, 512)), full((1, 512)),
          full((512, 256)), full((1, 256)),
          full((256, 128)), full((1, 128)),
      ],
      out_specs=pl.BlockSpec((B, 128), lambda i: (i, 0)),
      out_shape=jax.ShapeDtypeStruct((EP, 128), jnp.float32),
  )


def _blockdiag4(w):
  din, dout = w.shape
  out = jnp.zeros((4 * din, 4 * dout), w.dtype)
  for q in range(4):
    out = out.at[q * din:(q + 1) * din, q * dout:(q + 1) * dout].set(w)
  return out


@functools.lru_cache(maxsize=None)
def _make_scatter(N, E, D):
  CH = 256
  NCH = E // CH
  KMAX = -(-NCH // NS)
  KP = (KMAX + 2) // 2
  NH = N // 2
  NHP = NH + 176
  STRIPE = NHP // NS
  NF = N + 352
  SN = NF // NS
  ZR = 64
  mesh = plsc.VectorSubcoreMesh(core_axis_name="c", subcore_axis_name="s")

  @functools.partial(
      pl.kernel,
      out_type=(jax.ShapeDtypeStruct((NC, NHP, D), jnp.float32),
                jax.ShapeDtypeStruct((NC, NF), jnp.float32)),
      mesh=mesh,
      scratch_types=[
          pltpu.VMEM((2, 128), jnp.int32),
          pltpu.VMEM((2, 128), jnp.int32),
          pltpu.VMEM((2, 128), jnp.int32),
          pltpu.VMEM((2, 128), jnp.int32),
          pltpu.VMEM((CH, D), jnp.float32),
          pltpu.VMEM((CH, D), jnp.float32),
          pltpu.VMEM((128,), jnp.float32),
          pltpu.VMEM((ZR, D), jnp.float32),
          pltpu.VMEM((ZR,), jnp.float32),
          pltpu.VMEM_SHARED((NHP, D), jnp.float32),
          pltpu.VMEM_SHARED((NF,), jnp.float32),
          pltpu.SemaphoreType.DMA,
          pltpu.SemaphoreType.DMA,
          pltpu.SemaphoreType.DMA,
          pltpu.SemaphoreType.DMA,
      ],
      compiler_params=pltpu.CompilerParams(use_tc_tiling_on_sc=False),
  )
  def sk(edges_hbm, idx_hbm, sums_out, cnt_out,
         iv0, iv1, lv0, lv1, pv0, pv1, ov, zv, zcv, acc, accc,
         ls0, ls1, ss0, ss1):
    c = lax.axis_index("c")
    s = lax.axis_index("s")
    base = c * NH
    IV, LV, PV = (iv0, iv1), (lv0, lv1), (pv0, pv1)
    LS, SS = (ls0, ls1), (ss0, ss1)

    def fill_z(r, _):
      for g in range(D // L):
        zv[r, pl.ds(g * L, L)] = jnp.zeros((L,), jnp.float32)
      return 0
    lax.fori_loop(0, ZR, fill_z, 0)

    def fill_zc(r, _):
      zcv[pl.ds(r * L, L)] = jnp.zeros((L,), jnp.float32)
      return 0
    lax.fori_loop(0, ZR // L, fill_zc, 0)

    for r in range(128 // L):
      ov[pl.ds(r * L, L)] = jnp.ones((L,), jnp.float32)

    for q in range(STRIPE // ZR):
      pltpu.sync_copy(zv, acc.at[pl.ds(s * STRIPE + q * ZR, ZR)])
    for q in range(SN // ZR):
      pltpu.sync_copy(zcv, accc.at[pl.ds(s * SN + q * ZR, ZR)])
    plsc.subcore_barrier()

    def fire_loads(b, i):
      pltpu.async_copy(idx_hbm.at[pl.ds(i * 2, 2)], IV[b], LS[b])
      pltpu.async_copy(edges_hbm.at[i], PV[b], LS[b])

    def drain_loads(b):
      pltpu.make_async_copy(idx_hbm.at[pl.ds(0, 2)], IV[b], LS[b]).wait()
      pltpu.make_async_copy(edges_hbm.at[0], PV[b], LS[b]).wait()

    def fire_scats(b):
      for j in range(2):
        pltpu.async_copy(PV[b].at[pl.ds(j * 128, 128)], acc.at[LV[b].at[j]],
                         SS[b], add=True)
        pltpu.async_copy(ov, accc.at[IV[b].at[j]], SS[b], add=True)

    def drain_scats(b):
      for j in range(2):
        pltpu.make_async_copy(PV[b].at[pl.ds(j * 128, 128)],
                              acc.at[LV[b].at[j]], SS[b]).wait()
        pltpu.make_async_copy(ov, accc.at[IV[b].at[j]], SS[b]).wait()

    @pl.when(s < NCH)
    def _():
      fire_loads(0, s)

    def outer(k2, _):
      for b in range(2):
        kk = 2 * k2 + b
        i = s + kk * NS

        @pl.when(i < NCH)
        def _():
          drain_loads(b)
          for j in range(2):
            for g in range(128 // L):
              v = IV[b][j, pl.ds(g * L, L)] - base
              ok = (v >= 0) & (v < NH)
              LV[b][j, pl.ds(g * L, L)] = jnp.where(ok, v, NH)
          fire_scats(b)

        o = 1 - b
        iprev = s + (kk - 1) * NS

        @pl.when((kk >= 1) & (iprev < NCH))
        def _():
          drain_scats(o)

        inext = s + (kk + 1) * NS

        @pl.when(inext < NCH)
        def _():
          fire_loads(o, inext)
      return 0

    lax.fori_loop(0, KP, outer, 0)
    plsc.subcore_barrier()

    pltpu.sync_copy(acc.at[pl.ds(s * STRIPE, STRIPE)],
                    sums_out.at[c].at[pl.ds(s * STRIPE, STRIPE)])
    pltpu.sync_copy(accc.at[pl.ds(s * SN, SN)],
                    cnt_out.at[c].at[pl.ds(s * SN, SN)])

  return sk


def _node_mlp_body(sr, crA, crB, ar, w1a, w1b, b1, w2, b2, w3, b3, outr):
  cnt = jnp.maximum((crA[0] + crB[0]) * 0.5, 1.0)
  mean = sr[0] / cnt
  x = (jnp.dot(mean, w1a[...], preferred_element_type=jnp.float32)
       + jnp.dot(ar[...], w1b[...], preferred_element_type=jnp.float32)
       + b1[...])
  h = jnp.maximum(x, 0.0)
  h = jnp.maximum(
      jnp.dot(h, w2[...], preferred_element_type=jnp.float32) + b2[...], 0.0)
  outr[...] = jnp.dot(h, w3[...], preferred_element_type=jnp.float32) + b3[...]


@functools.lru_cache(maxsize=None)
def _make_node_mlp(N, NHP, D, Bn):
  G = N // Bn
  PB = G // NC
  full = lambda s: pl.BlockSpec(s, lambda i: (0, 0))
  return pl.pallas_call(
      _node_mlp_body,
      grid=(G,),
      in_specs=[
          pl.BlockSpec((1, Bn, D), lambda i: (i // PB, i % PB, 0)),
          pl.BlockSpec((1, Bn, 1), lambda i: (0, i, 0)),
          pl.BlockSpec((1, Bn, 1), lambda i: (1, i, 0)),
          pl.BlockSpec((Bn, D), lambda i: (i, 0)),
          full((D, 128)), full((D, 128)), full((1, 128)),
          full((128, 64)), full((1, 64)),
          full((64, D)), full((1, D)),
      ],
      out_specs=pl.BlockSpec((Bn, D), lambda i: (i, 0)),
      out_shape=jax.ShapeDtypeStruct((N, D), jnp.float32),
  )


def kernel(bonds, bond_atom_1, bond_atom_2, atoms,
           We1, be1, We2, be2, We3, be3,
           Wv1, bv1, Wv2, bv2, Wv3, bv3):
  E, D = bonds.shape
  N = atoms.shape[0]

  idx1 = bond_atom_1.astype(jnp.int32).reshape(E // 128, 128)
  idx2 = bond_atom_2.astype(jnp.int32).reshape(E // 128, 128)

  EP = E // 4
  a1p, a2p = _make_gather(N, E, D)(atoms, idx1, idx2)
  a1p = a1p.reshape(EP, 4 * D)
  a2p = a2p.reshape(EP, 4 * D)
  bp = bonds.reshape(EP, 4 * D)

  w1 = jnp.concatenate(
      [_blockdiag4(We1[:D]), _blockdiag4(We1[D:2 * D]),
       _blockdiag4(We1[2 * D:])], axis=0)
  bonds_new_p = _make_edge_mlp(EP, 2000)(
      a1p, a2p, bp,
      w1, jnp.tile(be1, 4).reshape(1, -1),
      _blockdiag4(We2), jnp.tile(be2, 4).reshape(1, -1),
      _blockdiag4(We3), jnp.tile(be3, 4).reshape(1, -1))

  sums, cnt = _make_scatter(N, E, D)(
      bonds_new_p.reshape(E // 256, 256, D), idx2)
  NHP = sums.shape[1]
  bonds_new = bonds_new_p.reshape(E, D)

  NF = cnt.shape[1]
  cnt3 = cnt.reshape(NC, NF, 1)
  atoms_new = _make_node_mlp(N, NHP, D, 1000)(
      sums, cnt3, cnt3, atoms,
      Wv1[:D], Wv1[D:], bv1.reshape(1, -1),
      Wv2, bv2.reshape(1, -1), Wv3, bv3.reshape(1, -1))

  return (atoms_new, bonds_new)

# --- scband reference (transcript-rebuilt; emitter-appended) ---
"""Pipeline reference for scband-meg-net-layer-89043261981129 (READ-ONLY COPY).

The authoritative reference and input builder live on the scoring server;
editing this copy changes nothing except your own understanding.
"""

import jax, jax.numpy as jnp
import numpy as np


def _mlp(x, W1, b1, W2, b2, W3, b3):
    h = jax.nn.relu(x @ W1 + b1)
    h = jax.nn.relu(h @ W2 + b2)
    return h @ W3 + b3


def setup_inputs(seed: int = 0) -> dict:
    key = jax.random.key(seed)
    ks = jax.random.split(key, 20)
    N = 100000
    E = 1600000
    inp = {
        "bonds": jax.random.normal(ks[0], (E, 32), dtype=jnp.float32),
        "bond_atom_1": jax.random.randint(ks[1], (E,), 0, N, dtype=jnp.int64) if jax.config.jax_enable_x64 else jax.random.randint(ks[1], (E,), 0, N).astype(jnp.int32),
        "bond_atom_2": jax.random.randint(ks[2], (E,), 0, N, dtype=jnp.int64) if jax.config.jax_enable_x64 else jax.random.randint(ks[2], (E,), 0, N).astype(jnp.int32),
        "atoms": jax.random.normal(ks[3], (N, 32), dtype=jnp.float32),
    }
    # phi_e: Linear(96,128) -> ReLU -> Linear(128,64) -> ReLU -> Linear(64,32)
    dims_e = [(96, 128), (128, 64), (64, 32)]
    # phi_v: Linear(64,128) -> ReLU -> Linear(128,64) -> ReLU -> Linear(64,32)
    dims_v = [(64, 128), (128, 64), (64, 32)]
    i = 4
    for j, (din, dout) in enumerate(dims_e, 1):
        inp[f"We{j}"] = jax.random.normal(ks[i], (din, dout), dtype=jnp.float32) / np.sqrt(din); i += 1
        inp[f"be{j}"] = jax.random.normal(ks[i], (dout,), dtype=jnp.float32) * 0.01; i += 1
    for j, (din, dout) in enumerate(dims_v, 1):
        inp[f"Wv{j}"] = jax.random.normal(ks[i], (din, dout), dtype=jnp.float32) / np.sqrt(din); i += 1
        inp[f"bv{j}"] = jax.random.normal(ks[i], (dout,), dtype=jnp.float32) * 0.01; i += 1
    return inp


def reference(bonds, bond_atom_1, bond_atom_2, atoms,
              We1, be1, We2, be2, We3, be3,
              Wv1, bv1, Wv2, bv2, Wv3, bv3):
    # EdgeUpdate: gather endpoint atom features, concat with bond features, MLP
    a1 = jnp.take(atoms, bond_atom_1, axis=0)
    a2 = jnp.take(atoms, bond_atom_2, axis=0)
    e_in = jnp.concatenate([a1, a2, bonds], axis=1)  # [E, 96]
    bonds_new = _mlp(e_in, We1, be1, We2, be2, We3, be3)  # [E, 32]

    # NodeUpdate: mean-aggregate updated bond features at dst node (bond_atom_2)
    N = atoms.shape[0]
    s = jax.ops.segment_sum(bonds_new, bond_atom_2, num_segments=N)
    cnt = jax.ops.segment_sum(jnp.ones((bonds_new.shape[0],), dtype=jnp.float32), bond_atom_2, num_segments=N)
    bonds_to_atoms = s / jnp.clip(cnt, 1.0)[:, None]  # [N, 32]

    v_in = jnp.concatenate([bonds_to_atoms, atoms], axis=1)  # [N, 64]
    atoms_new = _mlp(v_in, Wv1, bv1, Wv2, bv2, Wv3, bv3)  # [N, 32]
    return (atoms_new, bonds_new)

if __name__ == "__main__":
    import jax
    _d = setup_inputs()
    print(jax.jit(kernel)(*tuple(_d.values())))

</pallas_src>

<mosaic_0001>
#map = affine_map<(d0, d1) -> (0, 0, 0)>
#map1 = affine_map<(d0, d1) -> (0, 0)>
module attributes {stable_mosaic.version = 14 : i64} {
  func.func @sk(%arg0: i32, %arg1: i32, %arg2: memref<6250x256x32xf32, #tpu.memory_space<hbm>>, %arg3: memref<12500x128xi32, #tpu.memory_space<hbm>>, %arg4: memref<2x50176x32xf32, #tpu.memory_space<hbm>>, %arg5: memref<2x100352xf32, #tpu.memory_space<hbm>>, %arg6: memref<2x128xi32, #tpu.memory_space<vmem>>, %arg7: memref<2x128xi32, #tpu.memory_space<vmem>>, %arg8: memref<2x128xi32, #tpu.memory_space<vmem>>, %arg9: memref<2x128xi32, #tpu.memory_space<vmem>>, %arg10: memref<256x32xf32, #tpu.memory_space<vmem>>, %arg11: memref<256x32xf32, #tpu.memory_space<vmem>>, %arg12: memref<128xf32, #tpu.memory_space<vmem>>, %arg13: memref<64x32xf32, #tpu.memory_space<vmem>>, %arg14: memref<64xf32, #tpu.memory_space<vmem>>, %arg15: memref<50176x32xf32, #tpu.memory_space<vmem_shared>>, %arg16: memref<100352xf32, #tpu.memory_space<vmem_shared>>, %arg17: memref<!tpu.dma_semaphore, #tpu.memory_space<semaphore_mem>>, %arg18: memref<!tpu.dma_semaphore, #tpu.memory_space<semaphore_mem>>, %arg19: memref<!tpu.dma_semaphore, #tpu.memory_space<semaphore_mem>>, %arg20: memref<!tpu.dma_semaphore, #tpu.memory_space<semaphore_mem>>) attributes {dimension_semantics = [#tpu.dimension_semantics<core_parallel>, #tpu.dimension_semantics<subcore_parallel>], iteration_bounds = array<i64: 2, 16>, scalar_prefetch = 0 : i64, scratch_operands = 15 : i64, tpu.core_type = #tpu.core_type<sc_vector_subcore>, window_params = [{transform_indices = #map}, {transform_indices = #map1}, {transform_indices = #map}, {transform_indices = #map1}]} {
    %mul3A = arith.constant 50000 : i32
    %mul3A_0 = arith.muli %arg0, %mul3A : i32
    %scan3A = arith.constant 0 : i32
    %scan3A_1 = arith.constant 0 : i32
    %scan3A_2 = arith.constant 64 : i32
    %scan3A_3 = arith.addi %scan3A_1, %scan3A_2 : i32
    %scan3A_4 = arith.constant 1 : i32
    %scan3A_5 = scf.for %scan3A_665 = %scan3A_1 to %scan3A_3 step %scan3A_4 iter_args(%scan3A_666 = %scan3A) -> (i32)  : i32 {
      %broadcast_in_dim3A_667 = arith.constant 0.000000e+00 : f32
      %broadcast_in_dim3A_668 = vector.broadcast %broadcast_in_dim3A_667 : f32 to vector<16xf32>
      %swap3A_669 = arith.index_cast %scan3A_665 : i32 to index
      %swap3A_670 = arith.constant 0 : index
      %swap3A_671 = tpu.vector_load %arg13[%swap3A_669, %swap3A_670] {strides = array<i32>} : memref<64x32xf32, #tpu.memory_space<vmem>>, vector<1x16xf32>,
      %swap3A_672 = vector.shape_cast %swap3A_671 : vector<1x16xf32> to vector<16xf32>
      %swap3A_673 = vector.shape_cast %broadcast_in_dim3A_668 : vector<16xf32> to vector<1x16xf32>
      tpu.vector_store %arg13[%swap3A_669, %swap3A_670], %swap3A_673 {strides = array<i32>} : memref<64x32xf32, #tpu.memory_space<vmem>>, vector<1x16xf32>,
      %broadcast_in_dim3A_674 = arith.constant 0.000000e+00 : f32
      %broadcast_in_dim3A_675 = vector.broadcast %broadcast_in_dim3A_674 : f32 to vector<16xf32>
      %swap3A_676 = arith.index_cast %scan3A_665 : i32 to index
      %swap3A_677 = arith.constant 16 : index
      %swap3A_678 = tpu.vector_load %arg13[%swap3A_676, %swap3A_677] {strides = array<i32>} : memref<64x32xf32, #tpu.memory_space<vmem>>, vector<1x16xf32>,
      %swap3A_679 = vector.shape_cast %swap3A_678 : vector<1x16xf32> to vector<16xf32>
      %swap3A_680 = vector.shape_cast %broadcast_in_dim3A_675 : vector<16xf32> to vector<1x16xf32>
      tpu.vector_store %arg13[%swap3A_676, %swap3A_677], %swap3A_680 {strides = array<i32>} : memref<64x32xf32, #tpu.memory_space<vmem>>, vector<1x16xf32>,
      %scan3A_681 = arith.constant 0 : i32
      scf.yield %scan3A_681 : i32
    }
    %scan3A_6 = arith.constant 64 : i32
    %scan3A_7 = arith.constant 0 : i32
    %scan3A_8 = arith.constant 0 : i32
    %scan3A_9 = arith.constant 4 : i32
    %scan3A_10 = arith.addi %scan3A_8, %scan3A_9 : i32
    %scan3A_11 = arith.constant 1 : i32
    %scan3A_12 = scf.for %scan3A_665 = %scan3A_8 to %scan3A_10 step %scan3A_11 iter_args(%scan3A_666 = %scan3A_7) -> (i32)  : i32 {
      %broadcast_in_dim3A_667 = arith.constant 0.000000e+00 : f32
      %broadcast_in_dim3A_668 = vector.broadcast %broadcast_in_dim3A_667 : f32 to vector<16xf32>
      %mul3A_669 = arith.constant 16 : i32
      %mul3A_670 = arith.muli %scan3A_665, %mul3A_669 : i32
      %swap3A_671 = arith.index_cast %mul3A_670 : i32 to index
      %swap3A_672 = tpu.vector_load %arg14[%swap3A_671] {strides = array<i32>} : memref<64xf32, #tpu.memory_space<vmem>>, vector<16xf32>,
      %swap3A_673 = vector.shape_cast %swap3A_672 : vector<16xf32> to vector<16xf32>
      %swap3A_674 = vector.shape_cast %broadcast_in_dim3A_668 : vector<16xf32> to vector<16xf32>
      tpu.vector_store %arg14[%swap3A_671], %swap3A_674 {strides = array<i32>} : memref<64xf32, #tpu.memory_space<vmem>>, vector<16xf32>,
      %scan3A_675 = arith.constant 0 : i32
      scf.yield %scan3A_675 : i32
    }
    %scan3A_13 = arith.constant 4 : i32
    %broadcast_in_dim3A = arith.constant 1.000000e+00 : f32
    %broadcast_in_dim3A_14 = vector.broadcast %broadcast_in_dim3A : f32 to vector<16xf32>
    %swap3A = arith.constant 0 : index
    %swap3A_15 = tpu.vector_load %arg12[%swap3A] {strides = array<i32>} : memref<128xf32, #tpu.memory_space<vmem>>, vector<16xf32>,
    %swap3A_16 = vector.shape_cast %swap3A_15 : vector<16xf32> to vector<16xf32>
    %swap3A_17 = vector.shape_cast %broadcast_in_dim3A_14 : vector<16xf32> to vector<16xf32>
    tpu.vector_store %arg12[%swap3A], %swap3A_17 {strides = array<i32>} : memref<128xf32, #tpu.memory_space<vmem>>, vector<16xf32>,
    %broadcast_in_dim3A_18 = arith.constant 1.000000e+00 : f32
    %broadcast_in_dim3A_19 = vector.broadcast %broadcast_in_dim3A_18 : f32 to vector<16xf32>
    %swap3A_20 = arith.constant 16 : index
    %swap3A_21 = tpu.vector_load %arg12[%swap3A_20] {strides = array<i32>} : memref<128xf32, #tpu.memory_space<vmem>>, vector<16xf32>,
    %swap3A_22 = vector.shape_cast %swap3A_21 : vector<16xf32> to vector<16xf32>
    %swap3A_23 = vector.shape_cast %broadcast_in_dim3A_19 : vector<16xf32> to vector<16xf32>
    tpu.vector_store %arg12[%swap3A_20], %swap3A_23 {strides = array<i32>} : memref<128xf32, #tpu.memory_space<vmem>>, vector<16xf32>,
    %broadcast_in_dim3A_24 = arith.constant 1.000000e+00 : f32
    %broadcast_in_dim3A_25 = vector.broadcast %broadcast_in_dim3A_24 : f32 to vector<16xf32>
    %swap3A_26 = arith.constant 32 : index
    %swap3A_27 = tpu.vector_load %arg12[%swap3A_26] {strides = array<i32>} : memref<128xf32, #tpu.memory_space<vmem>>, vector<16xf32>,
    %swap3A_28 = vector.shape_cast %swap3A_27 : vector<16xf32> to vector<16xf32>
    %swap3A_29 = vector.shape_cast %broadcast_in_dim3A_25 : vector<16xf32> to vector<16xf32>
    tpu.vector_store %arg12[%swap3A_26], %swap3A_29 {strides = array<i32>} : memref<128xf32, #tpu.memory_space<vmem>>, vector<16xf32>,
    %broadcast_in_dim3A_30 = arith.constant 1.000000e+00 : f32
    %broadcast_in_dim3A_31 = vector.broadcast %broadcast_in_dim3A_30 : f32 to vector<16xf32>
    %swap3A_32 = arith.constant 48 : index
    %swap3A_33 = tpu.vector_load %arg12[%swap3A_32] {strides = array<i32>} : memref<128xf32, #tpu.memory_space<vmem>>, vector<16xf32>,
    %swap3A_34 = vector.shape_cast %swap3A_33 : vector<16xf32> to vector<16xf32>
    %swap3A_35 = vector.shape_cast %broadcast_in_dim3A_31 : vector<16xf32> to vector<16xf32>
    tpu.vector_store %arg12[%swap3A_32], %swap3A_35 {strides = array<i32>} : memref<128xf32, #tpu.memory_space<vmem>>, vector<16xf32>,
    %broadcast_in_dim3A_36 = arith.constant 1.000000e+00 : f32
    %broadcast_in_dim3A_37 = vector.broadcast %broadcast_in_dim3A_36 : f32 to vector<16xf32>
    %swap3A_38 = arith.constant 64 : index
    %swap3A_39 = tpu.vector_load %arg12[%swap3A_38] {strides = array<i32>} : memref<128xf32, #tpu.memory_space<vmem>>, vector<16xf32>,
    %swap3A_40 = vector.shape_cast %swap3A_39 : vector<16xf32> to vector<16xf32>
    %swap3A_41 = vector.shape_cast %broadcast_in_dim3A_37 : vector<16xf32> to vector<16xf32>
    tpu.vector_store %arg12[%swap3A_38], %swap3A_41 {strides = array<i32>} : memref<128xf32, #tpu.memory_space<vmem>>, vector<16xf32>,
    %broadcast_in_dim3A_42 = arith.constant 1.000000e+00 : f32
    %broadcast_in_dim3A_43 = vector.broadcast %broadcast_in_dim3A_42 : f32 to vector<16xf32>
    %swap3A_44 = arith.constant 80 : index
    %swap3A_45 = tpu.vector_load %arg12[%swap3A_44] {strides = array<i32>} : memref<128xf32, #tpu.memory_space<vmem>>, vector<16xf32>,
    %swap3A_46 = vector.shape_cast %swap3A_45 : vector<16xf32> to vector<16xf32>
    %swap3A_47 = vector.shape_cast %broadcast_in_dim3A_43 : vector<16xf32> to vector<16xf32>
    tpu.vector_store %arg12[%swap3A_44], %swap3A_47 {strides = array<i32>} : memref<128xf32, #tpu.memory_space<vmem>>, vector<16xf32>,
    %broadcast_in_dim3A_48 = arith.constant 1.000000e+00 : f32
    %broadcast_in_dim3A_49 = vector.broadcast %broadcast_in_dim3A_48 : f32 to vector<16xf32>
    %swap3A_50 = arith.constant 96 : index
    %swap3A_51 = tpu.vector_load %arg12[%swap3A_50] {strides = array<i32>} : memref<128xf32, #tpu.memory_space<vmem>>, vector<16xf32>,
    %swap3A_52 = vector.shape_cast %swap3A_51 : vector<16xf32> to vector<16xf32>
    %swap3A_53 = vector.shape_cast %broadcast_in_dim3A_49 : vector<16xf32> to vector<16xf32>
    tpu.vector_store %arg12[%swap3A_50], %swap3A_53 {strides = array<i32>} : memref<128xf32, #tpu.memory_space<vmem>>, vector<16xf32>,
    %broadcast_in_dim3A_54 = arith.constant 1.000000e+00 : f32
    %broadcast_in_dim3A_55 = vector.broadcast %broadcast_in_dim3A_54 : f32 to vector<16xf32>
    %swap3A_56 = arith.constant 112 : index
    %swap3A_57 = tpu.vector_load %arg12[%swap3A_56] {strides = array<i32>} : memref<128xf32, #tpu.memory_space<vmem>>, vector<16xf32>,
    %swap3A_58 = vector.shape_cast %swap3A_57 : vector<16xf32> to vector<16xf32>
    %swap3A_59 = vector.shape_cast %broadcast_in_dim3A_55 : vector<16xf32> to vector<16xf32>
    tpu.vector_store %arg12[%swap3A_56], %swap3A_59 {strides = array<i32>} : memref<128xf32, #tpu.memory_space<vmem>>, vector<16xf32>,
    %mul3A_60 = arith.constant 3136 : i32
    %mul3A_61 = arith.muli %arg1, %mul3A_60 : i32
    %add3A = arith.constant 0 : i32
    %add3A_62 = arith.addi %mul3A_61, %add3A : i32
    "tpu.region"() ({
      %run_scoped3A = tpu.sem_alloc : memref<!tpu.dma_semaphore, #tpu.memory_space<semaphore_mem>>
      %dma_start3A = arith.constant 0 : i32
      %dma_start3A_665 = tpu.memref_slice %arg15[%add3A_62, %dma_start3A] : memref<50176x32xf32, #tpu.memory_space<vmem_shared>> -> memref<64x32xf32, #tpu.memory_space<vmem_shared>>
      %dma_start3A_666 = arith.constant 0 : i32
      %dma_start3A_667 = tpu.memref_slice %arg15[%add3A_62, %dma_start3A_666] : memref<50176x32xf32, #tpu.memory_space<vmem_shared>> -> memref<64x32xf32, #tpu.memory_space<vmem_shared>>
      tpu.enqueue_dma source(%arg13 : memref<64x32xf32, #tpu.memory_space<vmem>>) target(%dma_start3A_667 : memref<64x32xf32, #tpu.memory_space<vmem_shared>>) target_semaphore(%run_scoped3A : memref<!tpu.dma_semaphore, #tpu.memory_space<semaphore_mem>>)
      %dma_wait3A = arith.constant 0 : i32
      %dma_wait3A_668 = tpu.memref_slice %arg15[%add3A_62, %dma_wait3A] : memref<50176x32xf32, #tpu.memory_space<vmem_shared>> -> memref<64x32xf32, #tpu.memory_space<vmem_shared>>
      %dma_wait3A_669 = arith.constant 0 : i32
      %dma_wait3A_670 = tpu.memref_slice %arg15[%add3A_62, %dma_wait3A_669] : memref<50176x32xf32, #tpu.memory_space<vmem_shared>> -> memref<64x32xf32, #tpu.memory_space<vmem_shared>>
      tpu.wait_dma2 semaphore(%run_scoped3A : memref<!tpu.dma_semaphore, #tpu.memory_space<semaphore_mem>>) src(%arg13 : memref<64x32xf32, #tpu.memory_space<vmem>>) dst(%dma_wait3A_670 : memref<64x32xf32, #tpu.memory_space<vmem_shared>>)
      tpu.yield
    }) : () -> ()
    %mul3A_63 = arith.constant 3136 : i32
    %mul3A_64 = arith.muli %arg1, %mul3A_63 : i32
    %add3A_65 = arith.constant 64 : i32
    %add3A_66 = arith.addi %mul3A_64, %add3A_65 : i32
    "tpu.region"() ({
      %run_scoped3A = tpu.sem_alloc : memref<!tpu.dma_semaphore, #tpu.memory_space<semaphore_mem>>
      %dma_start3A = arith.constant 0 : i32
      %dma_start3A_665 = tpu.memref_slice %arg15[%add3A_66, %dma_start3A] : memref<50176x32xf32, #tpu.memory_space<vmem_shared>> -> memref<64x32xf32, #tpu.memory_space<vmem_shared>>
      %dma_start3A_666 = arith.constant 0 : i32
      %dma_start3A_667 = tpu.memref_slice %arg15[%add3A_66, %dma_start3A_666] : memref<50176x32xf32, #tpu.memory_space<vmem_shared>> -> memref<64x32xf32, #tpu.memory_space<vmem_shared>>
      tpu.enqueue_dma source(%arg13 : memref<64x32xf32, #tpu.memory_space<vmem>>) target(%dma_start3A_667 : memref<64x32xf32, #tpu.memory_space<vmem_shared>>) target_semaphore(%run_scoped3A : memref<!tpu.dma_semaphore, #tpu.memory_space<semaphore_mem>>)
      %dma_wait3A = arith.constant 0 : i32
      %dma_wait3A_668 = tpu.memref_slice %arg15[%add3A_66, %dma_wait3A] : memref<50176x32xf32, #tpu.memory_space<vmem_shared>> -> memref<64x32xf32, #tpu.memory_space<vmem_shared>>
      %dma_wait3A_669 = arith.constant 0 : i32
      %dma_wait3A_670 = tpu.memref_slice %arg15[%add3A_66, %dma_wait3A_669] : memref<50176x32xf32, #tpu.memory_space<vmem_shared>> -> memref<64x32xf32, #tpu.memory_space<vmem_shared>>
      tpu.wait_dma2 semaphore(%run_scoped3A : memref<!tpu.dma_semaphore, #tpu.memory_space<semaphore_mem>>) src(%arg13 : memref<64x32xf32, #tpu.memory_space<vmem>>) dst(%dma_wait3A_670 : memref<64x32xf32, #tpu.memory_space<vmem_shared>>)
      tpu.yield
    }) : () -> ()
    %mul3A_67 = arith.constant 3136 : i32
    %mul3A_68 = arith.muli %arg1, %mul3A_67 : i32
    %add3A_69 = arith.constant 128 : i32
    %add3A_70 = arith.addi %mul3A_68, %add3A_69 : i32
    "tpu.region"() ({
      %run_scoped3A = tpu.sem_alloc : memref<!tpu.dma_semaphore, #tpu.memory_space<semaphore_mem>>
      %dma_start3A = arith.constant 0 : i32
      %dma_start3A_665 = tpu.memref_slice %arg15[%add3A_70, %dma_start3A] : memref<50176x32xf32, #tpu.memory_space<vmem_shared>> -> memref<64x32xf32, #tpu.memory_space<vmem_shared>>
      %dma_start3A_666 = arith.constant 0 : i32
      %dma_start3A_667 = tpu.memref_slice %arg15[%add3A_70, %dma_start3A_666] : memref<50176x32xf32, #tpu.memory_space<vmem_shared>> -> memref<64x32xf32, #tpu.memory_space<vmem_shared>>
      tpu.enqueue_dma source(%arg13 : memref<64x32xf32, #tpu.memory_space<vmem>>) target(%dma_start3A_667 : memref<64x32xf32, #tpu.memory_space<vmem_shared>>) target_semaphore(%run_scoped3A : memref<!tpu.dma_semaphore, #tpu.memory_space<semaphore_mem>>)
      %dma_wait3A = arith.constant 0 : i32
      %dma_wait3A_668 = tpu.memref_slice %arg15[%add3A_70, %dma_wait3A] : memref<50176x32xf32, #tpu.memory_space<vmem_shared>> -> memref<64x32xf32, #tpu.memory_space<vmem_shared>>
      %dma_wait3A_669 = arith.constant 0 : i32
      %dma_wait3A_670 = tpu.memref_slice %arg15[%add3A_70, %dma_wait3A_669] : memref<50176x32xf32, #tpu.memory_space<vmem_shared>> -> memref<64x32xf32, #tpu.memory_space<vmem_shared>>
      tpu.wait_dma2 semaphore(%run_scoped3A : memref<!tpu.dma_semaphore, #tpu.memory_space<semaphore_mem>>) src(%arg13 : memref<64x32xf32, #tpu.memory_space<vmem>>) dst(%dma_wait3A_670 : memref<64x32xf32, #tpu.memory_space<vmem_shared>>)
      tpu.yield
    }) : () -> ()
    %mul3A_71 = arith.constant 3136 : i32
    %mul3A_72 = arith.muli %arg1, %mul3A_71 : i32
    %add3A_73 = arith.constant 192 : i32
    %add3A_74 = arith.addi %mul3A_72, %add3A_73 : i32
    "tpu.region"() ({
      %run_scoped3A = tpu.sem_alloc : memref<!tpu.dma_semaphore, #tpu.memory_space<semaphore_mem>>
      %dma_start3A = arith.constant 0 : i32
      %dma_start3A_665 = tpu.memref_slice %arg15[%add3A_74, %dma_start3A] : memref<50176x32xf32, #tpu.memory_space<vmem_shared>> -> memref<64x32xf32, #tpu.memory_space<vmem_shared>>
      %dma_start3A_666 = arith.constant 0 : i32
      %dma_start3A_667 = tpu.memref_slice %arg15[%add3A_74, %dma_start3A_666] : memref<50176x32xf32, #tpu.memory_space<vmem_shared>> -> memref<64x32xf32, #tpu.memory_space<vmem_shared>>
      tpu.enqueue_dma source(%arg13 : memref<64x32xf32, #tpu.memory_space<vmem>>) target(%dma_start3A_667 : memref<64x32xf32, #tpu.memory_space<vmem_shared>>) target_semaphore(%run_scoped3A : memref<!tpu.dma_semaphore, #tpu.memory_space<semaphore_mem>>)
      %dma_wait3A = arith.constant 0 : i32
      %dma_wait3A_668 = tpu.memref_slice %arg15[%add3A_74, %dma_wait3A] : memref<50176x32xf32, #tpu.memory_space<vmem_shared>> -> memref<64x32xf32, #tpu.memory_space<vmem_shared>>
      %dma_wait3A_669 = arith.constant 0 : i32
      %dma_wait3A_670 = tpu.memref_slice %arg15[%add3A_74, %dma_wait3A_669] : memref<50176x32xf32, #tpu.memory_space<vmem_shared>> -> memref<64x32xf32, #tpu.memory_space<vmem_shared>>
      tpu.wait_dma2 semaphore(%run_scoped3A : memref<!tpu.dma_semaphore, #tpu.memory_space<semaphore_mem>>) src(%arg13 : memref<64x32xf32, #tpu.memory_space<vmem>>) dst(%dma_wait3A_670 : memref<64x32xf32, #tpu.memory_space<vmem_shared>>)
      tpu.yield
    }) : () -> ()
    %mul3A_75 = arith.constant 3136 : i32
    %mul3A_76 = arith.muli %arg1, %mul3A_75 : i32
    %add3A_77 = arith.constant 256 : i32
    %add3A_78 = arith.addi %mul3A_76, %add3A_77 : i32
    "tpu.region"() ({
      %run_scoped3A = tpu.sem_alloc : memref<!tpu.dma_semaphore, #tpu.memory_space<semaphore_mem>>
      %dma_start3A = arith.constant 0 : i32
      %dma_start3A_665 = tpu.memref_slice %arg15[%add3A_78, %dma_start3A] : memref<50176x32xf32, #tpu.memory_space<vmem_shared>> -> memref<64x32xf32, #tpu.memory_space<vmem_shared>>
      %dma_start3A_666 = arith.constant 0 : i32
      %dma_start3A_667 = tpu.memref_slice %arg15[%add3A_78, %dma_start3A_666] : memref<50176x32xf32, #tpu.memory_space<vmem_shared>> -> memref<64x32xf32, #tpu.memory_space<vmem_shared>>
      tpu.enqueue_dma source(%arg13 : memref<64x32xf32, #tpu.memory_space<vmem>>) target(%dma_start3A_667 : memref<64x32xf32, #tpu.memory_space<vmem_shared>>) target_semaphore(%run_scoped3A : memref<!tpu.dma_semaphore, #tpu.memory_space<semaphore_mem>>)
      %dma_wait3A = arith.constant 0 : i32
      %dma_wait3A_668 = tpu.memref_slice %arg15[%add3A_78, %dma_wait3A] : memref<50176x32xf32, #tpu.memory_space<vmem_shared>> -> memref<64x32xf32, #tpu.memory_space<vmem_shared>>
      %dma_wait3A_669 = arith.constant 0 : i32
      %dma_wait3A_670 = tpu.memref_slice %arg15[%add3A_78, %dma_wait3A_669] : memref<50176x32xf32, #tpu.memory_space<vmem_shared>> -> memref<64x32xf32, #tpu.memory_space<vmem_shared>>
      tpu.wait_dma2 semaphore(%run_scoped3A : memref<!tpu.dma_semaphore, #tpu.memory_space<semaphore_mem>>) src(%arg13 : memref<64x32xf32, #tpu.memory_space<vmem>>) dst(%dma_wait3A_670 : memref<64x32xf32, #tpu.memory_space<vmem_shared>>)
      tpu.yield
    }) : () -> ()
    %mul3A_79 = arith.constant 3136 : i32
    %mul3A_80 = arith.muli %arg1, %mul3A_79 : i32
    %add3A_81 = arith.constant 320 : i32
    %add3A_82 = arith.addi %mul3A_80, %add3A_81 : i32
    "tpu.region"() ({
      %run_scoped3A = tpu.sem_alloc : memref<!tpu.dma_semaphore, #tpu.memory_space<semaphore_mem>>
      %dma_start3A = arith.constant 0 : i32
      %dma_start3A_665 = tpu.memref_slice %arg15[%add3A_82, %dma_start3A] : memref<50176x32xf32, #tpu.memory_space<vmem_shared>> -> memref<64x32xf32, #tpu.memory_space<vmem_shared>>
      %dma_start3A_666 = arith.constant 0 : i32
      %dma_start3A_667 = tpu.memref_slice %arg15[%add3A_82, %dma_start3A_666] : memref<50176x32xf32, #tpu.memory_space<vmem_shared>> -> memref<64x32xf32, #tpu.memory_space<vmem_shared>>
      tpu.enqueue_dma source(%arg13 : memref<64x32xf32, #tpu.memory_space<vmem>>) target(%dma_start3A_667 : memref<64x32xf32, #tpu.memory_space<vmem_shared>>) target_semaphore(%run_scoped3A : memref<!tpu.dma_semaphore, #tpu.memory_space<semaphore_mem>>)
      %dma_wait3A = arith.constant 0 : i32
      %dma_wait3A_668 = tpu.memref_slice %arg15[%add3A_82, %dma_wait3A] : memref<50176x32xf32, #tpu.memory_space<vmem_shared>> -> memref<64x32xf32, #tpu.memory_space<vmem_shared>>
      %dma_wait3A_669 = arith.constant 0 : i32
      %dma_wait3A_670 = tpu.memref_slice %arg15[%add3A_82, %dma_wait3A_669] : memref<50176x32xf32, #tpu.memory_space<vmem_shared>> -> memref<64x32xf32, #tpu.memory_space<vmem_shared>>
      tpu.wait_dma2 semaphore(%run_scoped3A : memref<!tpu.dma_semaphore, #tpu.memory_space<semaphore_mem>>) src(%arg13 : memref<64x32xf32, #tpu.memory_space<vmem>>) dst(%dma_wait3A_670 : memref<64x32xf32, #tpu.memory_space<vmem_shared>>)
      tpu.yield
    }) : () -> ()
    %mul3A_83 = arith.constant 3136 : i32
    %mul3A_84 = arith.muli %arg1, %mul3A_83 : i32
    %add3A_85 = arith.constant 384 : i32
    %add3A_86 = arith.addi %mul3A_84, %add3A_85 : i32
    "tpu.region"() ({
      %run_scoped3A = tpu.sem_alloc : memref<!tpu.dma_semaphore, #tpu.memory_space<semaphore_mem>>
      %dma_start3A = arith.constant 0 : i32
      %dma_start3A_665 = tpu.memref_slice %arg15[%add3A_86, %dma_start3A] : memref<50176x32xf32, #tpu.memory_space<vmem_shared>> -> memref<64x32xf32, #tpu.memory_space<vmem_shared>>
      %dma_start3A_666 = arith.constant 0 : i32
      %dma_start3A_667 = tpu.memref_slice %arg15[%add3A_86, %dma_start3A_666] : memref<50176x32xf32, #tpu.memory_space<vmem_shared>> -> memref<64x32xf32, #tpu.memory_space<vmem_shared>>
      tpu.enqueue_dma source(%arg13 : memref<64x32xf32, #tpu.memory_space<vmem>>) target(%dma_start3A_667 : memref<64x32xf32, #tpu.memory_space<vmem_shared>>) target_semaphore(%run_scoped3A : memref<!tpu.dma_semaphore, #tpu.memory_space<semaphore_mem>>)
      %dma_wait3A = arith.constant 0 : i32
      %dma_wait3A_668 = tpu.memref_slice %arg15[%add3A_86, %dma_wait3A] : memref<50176x32xf32, #tpu.memory_space<vmem_shared>> -> memref<64x32xf32, #tpu.memory_space<vmem_shared>>
      %dma_wait3A_669 = arith.constant 0 : i32
      %dma_wait3A_670 = tpu.memref_slice %arg15[%add3A_86, %dma_wait3A_669] : memref<50176x32xf32, #tpu.memory_space<vmem_shared>> -> memref<64x32xf32, #tpu.memory_space<vmem_shared>>
      tpu.wait_dma2 semaphore(%run_scoped3A : memref<!tpu.dma_semaphore, #tpu.memory_space<semaphore_mem>>) src(%arg13 : memref<64x32xf32, #tpu.memory_space<vmem>>) dst(%dma_wait3A_670 : memref<64x32xf32, #tpu.memory_space<vmem_shared>>)
      tpu.yield
    }) : () -> ()
    %mul3A_87 = arith.constant 3136 : i32
    %mul3A_88 = arith.muli %arg1, %mul3A_87 : i32
    %add3A_89 = arith.constant 448 : i32
    %add3A_90 = arith.addi %mul3A_88, %add3A_89 : i32
    "tpu.region"() ({
      %run_scoped3A = tpu.sem_alloc : memref<!tpu.dma_semaphore, #tpu.memory_space<semaphore_mem>>
      %dma_start3A = arith.constant 0 : i32
      %dma_start3A_665 = tpu.memref_slice %arg15[%add3A_90, %dma_start3A] : memref<50176x32xf32, #tpu.memory_space<vmem_shared>> -> memref<64x32xf32, #tpu.memory_space<vmem_shared>>
      %dma_start3A_666 = arith.constant 0 : i32
      %dma_start3A_667 = tpu.memref_slice %arg15[%add3A_90, %dma_start3A_666] : memref<50176x32xf32, #tpu.memory_space<vmem_shared>> -> memref<64x32xf32, #tpu.memory_space<vmem_shared>>
      tpu.enqueue_dma source(%arg13 : memref<64x32xf32, #tpu.memory_space<vmem>>) target(%dma_start3A_667 : memref<64x32xf32, #tpu.memory_space<vmem_shared>>) target_semaphore(%run_scoped3A : memref<!tpu.dma_semaphore, #tpu.memory_space<semaphore_mem>>)
      %dma_wait3A = arith.constant 0 : i32
      %dma_wait3A_668 = tpu.memref_slice %arg15[%add3A_90, %dma_wait3A] : memref<50176x32xf32, #tpu.memory_space<vmem_shared>> -> memref<64x32xf32, #tpu.memory_space<vmem_shared>>
      %dma_wait3A_669 = arith.constant 0 : i32
      %dma_wait3A_670 = tpu.memref_slice %arg15[%add3A_90, %dma_wait3A_669] : memref<50176x32xf32, #tpu.memory_space<vmem_shared>> -> memref<64x32xf32, #tpu.memory_space<vmem_shared>>
      tpu.wait_dma2 semaphore(%run_scoped3A : memref<!tpu.dma_semaphore, #tpu.memory_space<semaphore_mem>>) src(%arg13 : memref<64x32xf32, #tpu.memory_space<vmem>>) dst(%dma_wait3A_670 : memref<64x32xf32, #tpu.memory_space<vmem_shared>>)
      tpu.yield
    }) : () -> ()
    %mul3A_91 = arith.constant 3136 : i32
    %mul3A_92 = arith.muli %arg1, %mul3A_91 : i32
    %add3A_93 = arith.constant 512 : i32
    %add3A_94 = arith.addi %mul3A_92, %add3A_93 : i32
    "tpu.region"() ({
      %run_scoped3A = tpu.sem_alloc : memref<!tpu.dma_semaphore, #tpu.memory_space<semaphore_mem>>
      %dma_start3A = arith.constant 0 : i32
      %dma_start3A_665 = tpu.memref_slice %arg15[%add3A_94, %dma_start3A] : memref<50176x32xf32, #tpu.memory_space<vmem_shared>> -> memref<64x32xf32, #tpu.memory_space<vmem_shared>>
      %dma_start3A_666 = arith.constant 0 : i32
      %dma_start3A_667 = tpu.memref_slice %arg15[%add3A_94, %dma_start3A_666] : memref<50176x32xf32, #tpu.memory_space<vmem_shared>> -> memref<64x32xf32, #tpu.memory_space<vmem_shared>>
      tpu.enqueue_dma source(%arg13 : memref<64x32xf32, #tpu.memory_space<vmem>>) target(%dma_start3A_667 : memref<64x32xf32, #tpu.memory_space<vmem_shared>>) target_semaphore(%run_scoped3A : memref<!tpu.dma_semaphore, #tpu.memory_space<semaphore_mem>>)
      %dma_wait3A = arith.constant 0 : i32
      %dma_wait3A_668 = tpu.memref_slice %arg15[%add3A_94, %dma_wait3A] : memref<50176x32xf32, #tpu.memory_space<vmem_shared>> -> memref<64x32xf32, #tpu.memory_space<vmem_shared>>
      %dma_wait3A_669 = arith.constant 0 : i32
      %dma_wait3A_670 = tpu.memref_slice %arg15[%add3A_94, %dma_wait3A_669] : memref<50176x32xf32, #tpu.memory_space<vmem_shared>> -> memref<64x32xf32, #tpu.memory_space<vmem_shared>>
      tpu.wait_dma2 semaphore(%run_scoped3A : memref<!tpu.dma_semaphore, #tpu.memory_space<semaphore_mem>>) src(%arg13 : memref<64x32xf32, #tpu.memory_space<vmem>>) dst(%dma_wait3A_670 : memref<64x32xf32, #tpu.memory_space<vmem_shared>>)
      tpu.yield
    }) : () -> ()
    %mul3A_95 = arith.constant 3136 : i32
    %mul3A_96 = arith.muli %arg1, %mul3A_95 : i32
    %add3A_97 = arith.constant 576 : i32
    %add3A_98 = arith.addi %mul3A_96, %add3A_97 : i32
    "tpu.region"() ({
      %run_scoped3A = tpu.sem_alloc : memref<!tpu.dma_semaphore, #tpu.memory_space<semaphore_mem>>
      %dma_start3A = arith.constant 0 : i32
      %dma_start3A_665 = tpu.memref_slice %arg15[%add3A_98, %dma_start3A] : memref<50176x32xf32, #tpu.memory_space<vmem_shared>> -> memref<64x32xf32, #tpu.memory_space<vmem_shared>>
      %dma_start3A_666 = arith.constant 0 : i32
      %dma_start3A_667 = tpu.memref_slice %arg15[%add3A_98, %dma_start3A_666] : memref<50176x32xf32, #tpu.memory_space<vmem_shared>> -> memref<64x32xf32, #tpu.memory_space<vmem_shared>>
      tpu.enqueue_dma source(%arg13 : memref<64x32xf32, #tpu.memory_space<vmem>>) target(%dma_start3A_667 : memref<64x32xf32, #tpu.memory_space<vmem_shared>>) target_semaphore(%run_scoped3A : memref<!tpu.dma_semaphore, #tpu.memory_space<semaphore_mem>>)
      %dma_wait3A = arith.constant 0 : i32
      %dma_wait3A_668 = tpu.memref_slice %arg15[%add3A_98, %dma_wait3A] : memref<50176x32xf32, #tpu.memory_space<vmem_shared>> -> memref<64x32xf32, #tpu.memory_space<vmem_shared>>
      %dma_wait3A_669 = arith.constant 0 : i32
      %dma_wait3A_670 = tpu.memref_slice %arg15[%add3A_98, %dma_wait3A_669] : memref<50176x32xf32, #tpu.memory_space<vmem_shared>> -> memref<64x32xf32, #tpu.memory_space<vmem_shared>>
      tpu.wait_dma2 semaphore(%run_scoped3A : memref<!tpu.dma_semaphore, #tpu.memory_space<semaphore_mem>>) src(%arg13 : memref<64x32xf32, #tpu.memory_space<vmem>>) dst(%dma_wait3A_670 : memref<64x32xf32, #tpu.memory_space<vmem_shared>>)
      tpu.yield
    }) : () -> ()
    %mul3A_99 = arith.constant 3136 : i32
    %mul3A_100 = arith.muli %arg1, %mul3A_99 : i32
    %add3A_101 = arith.constant 640 : i32
    %add3A_102 = arith.addi %mul3A_100, %add3A_101 : i32
    "tpu.region"() ({
      %run_scoped3A = tpu.sem_alloc : memref<!tpu.dma_semaphore, #tpu.memory_space<semaphore_mem>>
      %dma_start3A = arith.constant 0 : i32
      %dma_start3A_665 = tpu.memref_slice %arg15[%add3A_102, %dma_start3A] : memref<50176x32xf32, #tpu.memory_space<vmem_shared>> -> memref<64x32xf32, #tpu.memory_space<vmem_shared>>
      %dma_start3A_666 = arith.constant 0 : i32
      %dma_start3A_667 = tpu.memref_slice %arg15[%add3A_102, %dma_start3A_666] : memref<50176x32xf32, #tpu.memory_space<vmem_shared>> -> memref<64x32xf32, #tpu.memory_space<vmem_shared>>
      tpu.enqueue_dma source(%arg13 : memref<64x32xf32, #tpu.memory_space<vmem>>) target(%dma_start3A_667 : memref<64x32xf32, #tpu.memory_space<vmem_shared>>) target_semaphore(%run_scoped3A : memref<!tpu.dma_semaphore, #tpu.memory_space<semaphore_mem>>)
      %dma_wait3A = arith.constant 0 : i32
      %dma_wait3A_668 = tpu.memref_slice %arg15[%add3A_102, %dma_wait3A] : memref<50176x32xf32, #tpu.memory_space<vmem_shared>> -> memref<64x32xf32, #tpu.memory_space<vmem_shared>>
      %dma_wait3A_669 = arith.constant 0 : i32
      %dma_wait3A_670 = tpu.memref_slice %arg15[%add3A_102, %dma_wait3A_669] : memref<50176x32xf32, #tpu.memory_space<vmem_shared>> -> memref<64x32xf32, #tpu.memory_space<vmem_shared>>
      tpu.wait_dma2 semaphore(%run_scoped3A : memref<!tpu.dma_semaphore, #tpu.memory_space<semaphore_mem>>) src(%arg13 : memref<64x32xf32, #tpu.memory_space<vmem>>) dst(%dma_wait3A_670 : memref<64x32xf32, #tpu.memory_space<vmem_shared>>)
      tpu.yield
    }) : () -> ()
    %mul3A_103 = arith.constant 3136 : i32
    %mul3A_104 = arith.muli %arg1, %mul3A_103 : i32
    %add3A_105 = arith.constant 704 : i32
    %add3A_106 = arith.addi %mul3A_104, %add3A_105 : i32
    "tpu.region"() ({
      %run_scoped3A = tpu.sem_alloc : memref<!tpu.dma_semaphore, #tpu.memory_space<semaphore_mem>>
      %dma_start3A = arith.constant 0 : i32
      %dma_start3A_665 = tpu.memref_slice %arg15[%add3A_106, %dma_start3A] : memref<50176x32xf32, #tpu.memory_space<vmem_shared>> -> memref<64x32xf32, #tpu.memory_space<vmem_shared>>
      %dma_start3A_666 = arith.constant 0 : i32
      %dma_start3A_667 = tpu.memref_slice %arg15[%add3A_106, %dma_start3A_666] : memref<50176x32xf32, #tpu.memory_space<vmem_shared>> -> memref<64x32xf32, #tpu.memory_space<vmem_shared>>
      tpu.enqueue_dma source(%arg13 : memref<64x32xf32, #tpu.memory_space<vmem>>) target(%dma_start3A_667 : memref<64x32xf32, #tpu.memory_space<vmem_shared>>) target_semaphore(%run_scoped3A : memref<!tpu.dma_semaphore, #tpu.memory_space<semaphore_mem>>)
      %dma_wait3A = arith.constant 0 : i32
      %dma_wait3A_668 = tpu.memref_slice %arg15[%add3A_106, %dma_wait3A] : memref<50176x32xf32, #tpu.memory_space<vmem_shared>> -> memref<64x32xf32, #tpu.memory_space<vmem_shared>>
      %dma_wait3A_669 = arith.constant 0 : i32
      %dma_wait3A_670 = tpu.memref_slice %arg15[%add3A_106, %dma_wait3A_669] : memref<50176x32xf32, #tpu.memory_space<vmem_shared>> -> memref<64x32xf32, #tpu.memory_space<vmem_shared>>
      tpu.wait_dma2 semaphore(%run_scoped3A : memref<!tpu.dma_semaphore, #tpu.memory_space<semaphore_mem>>) src(%arg13 : memref<64x32xf32, #tpu.memory_space<vmem>>) dst(%dma_wait3A_670 : memref<64x32xf32, #tpu.memory_space<vmem_shared>>)
      tpu.yield
    }) : () -> ()
    %mul3A_107 = arith.constant 3136 : i32
    %mul3A_108 = arith.muli %arg1, %mul3A_107 : i32
    %add3A_109 = arith.constant 768 : i32
    %add3A_110 = arith.addi %mul3A_108, %add3A_109 : i32
    "tpu.region"() ({
      %run_scoped3A = tpu.sem_alloc : memref<!tpu.dma_semaphore, #tpu.memory_space<semaphore_mem>>
      %dma_start3A = arith.constant 0 : i32
      %dma_start3A_665 = tpu.memref_slice %arg15[%add3A_110, %dma_start3A] : memref<50176x32xf32, #tpu.memory_space<vmem_shared>> -> memref<64x32xf32, #tpu.memory_space<vmem_shared>>
      %dma_start3A_666 = arith.constant 0 : i32
      %dma_start3A_667 = tpu.memref_slice %arg15[%add3A_110, %dma_start3A_666] : memref<50176x32xf32, #tpu.memory_space<vmem_shared>> -> memref<64x32xf32, #tpu.memory_space<vmem_shared>>
      tpu.enqueue_dma source(%arg13 : memref<64x32xf32, #tpu.memory_space<vmem>>) target(%dma_start3A_667 : memref<64x32xf32, #tpu.memory_space<vmem_shared>>) target_semaphore(%run_scoped3A : memref<!tpu.dma_semaphore, #tpu.memory_space<semaphore_mem>>)
      %dma_wait3A = arith.constant 0 : i32
      %dma_wait3A_668 = tpu.memref_slice %arg15[%add3A_110, %dma_wait3A] : memref<50176x32xf32, #tpu.memory_space<vmem_shared>> -> memref<64x32xf32, #tpu.memory_space<vmem_shared>>
      %dma_wait3A_669 = arith.constant 0 : i32
      %dma_wait3A_670 = tpu.memref_slice %arg15[%add3A_110, %dma_wait3A_669] : memref<50176x32xf32, #tpu.memory_space<vmem_shared>> -> memref<64x32xf32, #tpu.memory_space<vmem_shared>>
      tpu.wait_dma2 semaphore(%run_scoped3A : memref<!tpu.dma_semaphore, #tpu.memory_space<semaphore_mem>>) src(%arg13 : memref<64x32xf32, #tpu.memory_space<vmem>>) dst(%dma_wait3A_670 : memref<64x32xf32, #tpu.memory_space<vmem_shared>>)
      tpu.yield
    }) : () -> ()
    %mul3A_111 = arith.constant 3136 : i32
    %mul3A_112 = arith.muli %arg1, %mul3A_111 : i32
    %add3A_113 = arith.constant 832 : i32
    %add3A_114 = arith.addi %mul3A_112, %add3A_113 : i32
    "tpu.region"() ({
      %run_scoped3A = tpu.sem_alloc : memref<!tpu.dma_semaphore, #tpu.memory_space<semaphore_mem>>
      %dma_start3A = arith.constant 0 : i32
      %dma_start3A_665 = tpu.memref_slice %arg15[%add3A_114, %dma_start3A] : memref<50176x32xf32, #tpu.memory_space<vmem_shared>> -> memref<64x32xf32, #tpu.memory_space<vmem_shared>>
      %dma_start3A_666 = arith.constant 0 : i32
      %dma_start3A_667 = tpu.memref_slice %arg15[%add3A_114, %dma_start3A_666] : memref<50176x32xf32, #tpu.memory_space<vmem_shared>> -> memref<64x32xf32, #tpu.memory_space<vmem_shared>>
      tpu.enqueue_dma source(%arg13 : memref<64x32xf32, #tpu.memory_space<vmem>>) target(%dma_start3A_667 : memref<64x32xf32, #tpu.memory_space<vmem_shared>>) target_semaphore(%run_scoped3A : memref<!tpu.dma_semaphore, #tpu.memory_space<semaphore_mem>>)
      %dma_wait3A = arith.constant 0 : i32
      %dma_wait3A_668 = tpu.memref_slice %arg15[%add3A_114, %dma_wait3A] : memref<50176x32xf32, #tpu.memory_space<vmem_shared>> -> memref<64x32xf32, #tpu.memory_space<vmem_shared>>
      %dma_wait3A_669 = arith.constant 0 : i32
      %dma_wait3A_670 = tpu.memref_slice %arg15[%add3A_114, %dma_wait3A_669] : memref<50176x32xf32, #tpu.memory_space<vmem_shared>> -> memref<64x32xf32, #tpu.memory_space<vmem_shared>>
      tpu.wait_dma2 semaphore(%run_scoped3A : memref<!tpu.dma_semaphore, #tpu.memory_space<semaphore_mem>>) src(%arg13 : memref<64x32xf32, #tpu.memory_space<vmem>>) dst(%dma_wait3A_670 : memref<64x32xf32, #tpu.memory_space<vmem_shared>>)
      tpu.yield
    }) : () -> ()
    %mul3A_115 = arith.constant 3136 : i32
    %mul3A_116 = arith.muli %arg1, %mul3A_115 : i32
    %add3A_117 = arith.constant 896 : i32
    %add3A_118 = arith.addi %mul3A_116, %add3A_117 : i32
    "tpu.region"() ({
      %run_scoped3A = tpu.sem_alloc : memref<!tpu.dma_semaphore, #tpu.memory_space<semaphore_mem>>
      %dma_start3A = arith.constant 0 : i32
      %dma_start3A_665 = tpu.memref_slice %arg15[%add3A_118, %dma_start3A] : memref<50176x32xf32, #tpu.memory_space<vmem_shared>> -> memref<64x32xf32, #tpu.memory_space<vmem_shared>>
      %dma_start3A_666 = arith.constant 0 : i32
      %dma_start3A_667 = tpu.memref_slice %arg15[%add3A_118, %dma_start3A_666] : memref<50176x32xf32, #tpu.memory_space<vmem_shared>> -> memref<64x32xf32, #tpu.memory_space<vmem_shared>>
      tpu.enqueue_dma source(%arg13 : memref<64x32xf32, #tpu.memory_space<vmem>>) target(%dma_start3A_667 : memref<64x32xf32, #tpu.memory_space<vmem_shared>>) target_semaphore(%run_scoped3A : memref<!tpu.dma_semaphore, #tpu.memory_space<semaphore_mem>>)
      %dma_wait3A = arith.constant 0 : i32
      %dma_wait3A_668 = tpu.memref_slice %arg15[%add3A_118, %dma_wait3A] : memref<50176x32xf32, #tpu.memory_space<vmem_shared>> -> memref<64x32xf32, #tpu.memory_space<vmem_shared>>
      %dma_wait3A_669 = arith.constant 0 : i32
      %dma_wait3A_670 = tpu.memref_slice %arg15[%add3A_118, %dma_wait3A_669] : memref<50176x32xf32, #tpu.memory_space<vmem_shared>> -> memref<64x32xf32, #tpu.memory_space<vmem_shared>>
      tpu.wait_dma2 semaphore(%run_scoped3A : memref<!tpu.dma_semaphore, #tpu.memory_space<semaphore_mem>>) src(%arg13 : memref<64x32xf32, #tpu.memory_space<vmem>>) dst(%dma_wait3A_670 : memref<64x32xf32, #tpu.memory_space<vmem_shared>>)
      tpu.yield
    }) : () -> ()
    %mul3A_119 = arith.constant 3136 : i32
    %mul3A_120 = arith.muli %arg1, %mul3A_119 : i32
    %add3A_121 = arith.constant 960 : i32
    %add3A_122 = arith.addi %mul3A_120, %add3A_121 : i32
    "tpu.region"() ({
      %run_scoped3A = tpu.sem_alloc : memref<!tpu.dma_semaphore, #tpu.memory_space<semaphore_mem>>
      %dma_start3A = arith.constant 0 : i32
      %dma_start3A_665 = tpu.memref_slice %arg15[%add3A_122, %dma_start3A] : memref<50176x32xf32, #tpu.memory_space<vmem_shared>> -> memref<64x32xf32, #tpu.memory_space<vmem_shared>>
      %dma_start3A_666 = arith.constant 0 : i32
      %dma_start3A_667 = tpu.memref_slice %arg15[%add3A_122, %dma_start3A_666] : memref<50176x32xf32, #tpu.memory_space<vmem_shared>> -> memref<64x32xf32, #tpu.memory_space<vmem_shared>>
      tpu.enqueue_dma source(%arg13 : memref<64x32xf32, #tpu.memory_space<vmem>>) target(%dma_start3A_667 : memref<64x32xf32, #tpu.memory_space<vmem_shared>>) target_semaphore(%run_scoped3A : memref<!tpu.dma_semaphore, #tpu.memory_space<semaphore_mem>>)
      %dma_wait3A = arith.constant 0 : i32
      %dma_wait3A_668 = tpu.memref_slice %arg15[%add3A_122, %dma_wait3A] : memref<50176x32xf32, #tpu.memory_space<vmem_shared>> -> memref<64x32xf32, #tpu.memory_space<vmem_shared>>
      %dma_wait3A_669 = arith.constant 0 : i32
      %dma_wait3A_670 = tpu.memref_slice %arg15[%add3A_122, %dma_wait3A_669] : memref<50176x32xf32, #tpu.memory_space<vmem_shared>> -> memref<64x32xf32, #tpu.memory_space<vmem_shared>>
      tpu.wait_dma2 semaphore(%run_scoped3A : memref<!tpu.dma_semaphore, #tpu.memory_space<semaphore_mem>>) src(%arg13 : memref<64x32xf32, #tpu.memory_space<vmem>>) dst(%dma_wait3A_670 : memref<64x32xf32, #tpu.memory_space<vmem_shared>>)
      tpu.yield
    }) : () -> ()
    %mul3A_123 = arith.constant 3136 : i32
    %mul3A_124 = arith.muli %arg1, %mul3A_123 : i32
    %add3A_125 = arith.constant 1024 : i32
    %add3A_126 = arith.addi %mul3A_124, %add3A_125 : i32
    "tpu.region"() ({
      %run_scoped3A = tpu.sem_alloc : memref<!tpu.dma_semaphore, #tpu.memory_space<semaphore_mem>>
      %dma_start3A = arith.constant 0 : i32
      %dma_start3A_665 = tpu.memref_slice %arg15[%add3A_126, %dma_start3A] : memref<50176x32xf32, #tpu.memory_space<vmem_shared>> -> memref<64x32xf32, #tpu.memory_space<vmem_shared>>
      %dma_start3A_666 = arith.constant 0 : i32
      %dma_start3A_667 = tpu.memref_slice %arg15[%add3A_126, %dma_start3A_666] : memref<50176x32xf32, #tpu.memory_space<vmem_shared>> -> memref<64x32xf32, #tpu.memory_space<vmem_shared>>
      tpu.enqueue_dma source(%arg13 : memref<64x32xf32, #tpu.memory_space<vmem>>) target(%dma_start3A_667 : memref<64x32xf32, #tpu.memory_space<vmem_shared>>) target_semaphore(%run_scoped3A : memref<!tpu.dma_semaphore, #tpu.memory_space<semaphore_mem>>)
      %dma_wait3A = arith.constant 0 : i32
      %dma_wait3A_668 = tpu.memref_slice %arg15[%add3A_126, %dma_wait3A] : memref<50176x32xf32, #tpu.memory_space<vmem_shared>> -> memref<64x32xf32, #tpu.memory_space<vmem_shared>>
      %dma_wait3A_669 = arith.constant 0 : i32
      %dma_wait3A_670 = tpu.memref_slice %arg15[%add3A_126, %dma_wait3A_669] : memref<50176x32xf32, #tpu.memory_space<vmem_shared>> -> memref<64x32xf32, #tpu.memory_space<vmem_shared>>
      tpu.wait_dma2 semaphore(%run_scoped3A : memref<!tpu.dma_semaphore, #tpu.memory_space<semaphore_mem>>) src(%arg13 : memref<64x32xf32, #tpu.memory_space<vmem>>) dst(%dma_wait3A_670 : memref<64x32xf32, #tpu.memory_space<vmem_shared>>)
      tpu.yield
    }) : () -> ()
    %mul3A_127 = arith.constant 3136 : i32
    %mul3A_128 = arith.muli %arg1, %mul3A_127 : i32
    %add3A_129 = arith.constant 1088 : i32
    %add3A_130 = arith.addi %mul3A_128, %add3A_129 : i32
    "tpu.region"() ({
      %run_scoped3A = tpu.sem_alloc : memref<!tpu.dma_semaphore, #tpu.memory_space<semaphore_mem>>
      %dma_start3A = arith.constant 0 : i32
      %dma_start3A_665 = tpu.memref_slice %arg15[%add3A_130, %dma_start3A] : memref<50176x32xf32, #tpu.memory_space<vmem_shared>> -> memref<64x32xf32, #tpu.memory_space<vmem_shared>>
      %dma_start3A_666 = arith.constant 0 : i32
      %dma_start3A_667 = tpu.memref_slice %arg15[%add3A_130, %dma_start3A_666] : memref<50176x32xf32, #tpu.memory_space<vmem_shared>> -> memref<64x32xf32, #tpu.memory_space<vmem_shared>>
      tpu.enqueue_dma source(%arg13 : memref<64x32xf32, #tpu.memory_space<vmem>>) target(%dma_start3A_667 : memref<64x32xf32, #tpu.memory_space<vmem_shared>>) target_semaphore(%run_scoped3A : memref<!tpu.dma_semaphore, #tpu.memory_space<semaphore_mem>>)
      %dma_wait3A = arith.constant 0 : i32
      %dma_wait3A_668 = tpu.memref_slice %arg15[%add3A_130, %dma_wait3A] : memref<50176x32xf32, #tpu.memory_space<vmem_shared>> -> memref<64x32xf32, #tpu.memory_space<vmem_shared>>
      %dma_wait3A_669 = arith.constant 0 : i32
      %dma_wait3A_670 = tpu.memref_slice %arg15[%add3A_130, %dma_wait3A_669] : memref<50176x32xf32, #tpu.memory_space<vmem_shared>> -> memref<64x32xf32, #tpu.memory_space<vmem_shared>>
      tpu.wait_dma2 semaphore(%run_scoped3A : memref<!tpu.dma_semaphore, #tpu.memory_space<semaphore_mem>>) src(%arg13 : memref<64x32xf32, #tpu.memory_space<vmem>>) dst(%dma_wait3A_670 : memref<64x32xf32, #tpu.memory_space<vmem_shared>>)
      tpu.yield
    }) : () -> ()
    %mul3A_131 = arith.constant 3136 : i32
    %mul3A_132 = arith.muli %arg1, %mul3A_131 : i32
    %add3A_133 = arith.constant 1152 : i32
    %add3A_134 = arith.addi %mul3A_132, %add3A_133 : i32
    "tpu.region"() ({
      %run_scoped3A = tpu.sem_alloc : memref<!tpu.dma_semaphore, #tpu.memory_space<semaphore_mem>>
      %dma_start3A = arith.constant 0 : i32
      %dma_start3A_665 = tpu.memref_slice %arg15[%add3A_134, %dma_start3A] : memref<50176x32xf32, #tpu.memory_space<vmem_shared>> -> memref<64x32xf32, #tpu.memory_space<vmem_shared>>
      %dma_start3A_666 = arith.constant 0 : i32
      %dma_start3A_667 = tpu.memref_slice %arg15[%add3A_134, %dma_start3A_666] : memref<50176x32xf32, #tpu.memory_space<vmem_shared>> -> memref<64x32xf32, #tpu.memory_space<vmem_shared>>
      tpu.enqueue_dma source(%arg13 : memref<64x32xf32, #tpu.memory_space<vmem>>) target(%dma_start3A_667 : memref<64x32xf32, #tpu.memory_space<vmem_shared>>) target_semaphore(%run_scoped3A : memref<!tpu.dma_semaphore, #tpu.memory_space<semaphore_mem>>)
      %dma_wait3A = arith.constant 0 : i32
      %dma_wait3A_668 = tpu.memref_slice %arg15[%add3A_134, %dma_wait3A] : memref<50176x32xf32, #tpu.memory_space<vmem_shared>> -> memref<64x32xf32, #tpu.memory_space<vmem_shared>>
      %dma_wait3A_669 = arith.constant 0 : i32
      %dma_wait3A_670 = tpu.memref_slice %arg15[%add3A_134, %dma_wait3A_669] : memref<50176x32xf32, #tpu.memory_space<vmem_shared>> -> memref<64x32xf32, #tpu.memory_space<vmem_shared>>
      tpu.wait_dma2 semaphore(%run_scoped3A : memref<!tpu.dma_semaphore, #tpu.memory_space<semaphore_mem>>) src(%arg13 : memref<64x32xf32, #tpu.memory_space<vmem>>) dst(%dma_wait3A_670 : memref<64x32xf32, #tpu.memory_space<vmem_shared>>)
      tpu.yield
    }) : () -> ()
    %mul3A_135 = arith.constant 3136 : i32
    %mul3A_136 = arith.muli %arg1, %mul3A_135 : i32
    %add3A_137 = arith.constant 1216 : i32
    %add3A_138 = arith.addi %mul3A_136, %add3A_137 : i32
    "tpu.region"() ({
      %run_scoped3A = tpu.sem_alloc : memref<!tpu.dma_semaphore, #tpu.memory_space<semaphore_mem>>
      %dma_start3A = arith.constant 0 : i32
      %dma_start3A_665 = tpu.memref_slice %arg15[%add3A_138, %dma_start3A] : memref<50176x32xf32, #tpu.memory_space<vmem_shared>> -> memref<64x32xf32, #tpu.memory_space<vmem_shared>>
      %dma_start3A_666 = arith.constant 0 : i32
      %dma_start3A_667 = tpu.memref_slice %arg15[%add3A_138, %dma_start3A_666] : memref<50176x32xf32, #tpu.memory_space<vmem_shared>> -> memref<64x32xf32, #tpu.memory_space<vmem_shared>>
      tpu.enqueue_dma source(%arg13 : memref<64x32xf32, #tpu.memory_space<vmem>>) target(%dma_start3A_667 : memref<64x32xf32, #tpu.memory_space<vmem_shared>>) target_semaphore(%run_scoped3A : memref<!tpu.dma_semaphore, #tpu.memory_space<semaphore_mem>>)
      %dma_wait3A = arith.constant 0 : i32
      %dma_wait3A_668 = tpu.memref_slice %arg15[%add3A_138, %dma_wait3A] : memref<50176x32xf32, #tpu.memory_space<vmem_shared>> -> memref<64x32xf32, #tpu.memory_space<vmem_shared>>
      %dma_wait3A_669 = arith.constant 0 : i32
      %dma_wait3A_670 = tpu.memref_slice %arg15[%add3A_138, %dma_wait3A_669] : memref<50176x32xf32, #tpu.memory_space<vmem_shared>> -> memref<64x32xf32, #tpu.memory_space<vmem_shared>>
      tpu.wait_dma2 semaphore(%run_scoped3A : memref<!tpu.dma_semaphore, #tpu.memory_space<semaphore_mem>>) src(%arg13 : memref<64x32xf32, #tpu.memory_space<vmem>>) dst(%dma_wait3A_670 : memref<64x32xf32, #tpu.memory_space<vmem_shared>>)
      tpu.yield
    }) : () -> ()
    %mul3A_139 = arith.constant 3136 : i32
    %mul3A_140 = arith.muli %arg1, %mul3A_139 : i32
    %add3A_141 = arith.constant 1280 : i32
    %add3A_142 = arith.addi %mul3A_140, %add3A_141 : i32
    "tpu.region"() ({
      %run_scoped3A = tpu.sem_alloc : memref<!tpu.dma_semaphore, #tpu.memory_space<semaphore_mem>>
      %dma_start3A = arith.constant 0 : i32
      %dma_start3A_665 = tpu.memref_slice %arg15[%add3A_142, %dma_start3A] : memref<50176x32xf32, #tpu.memory_space<vmem_shared>> -> memref<64x32xf32, #tpu.memory_space<vmem_shared>>
      %dma_start3A_666 = arith.constant 0 : i32
      %dma_start3A_667 = tpu.memref_slice %arg15[%add3A_142, %dma_start3A_666] : memref<50176x32xf32, #tpu.memory_space<vmem_shared>> -> memref<64x32xf32, #tpu.memory_space<vmem_shared>>
      tpu.enqueue_dma source(%arg13 : memref<64x32xf32, #tpu.memory_space<vmem>>) target(%dma_start3A_667 : memref<64x32xf32, #tpu.memory_space<vmem_shared>>) target_semaphore(%run_scoped3A : memref<!tpu.dma_semaphore, #tpu.memory_space<semaphore_mem>>)
      %dma_wait3A = arith.constant 0 : i32
      %dma_wait3A_668 = tpu.memref_slice %arg15[%add3A_142, %dma_wait3A] : memref<50176x32xf32, #tpu.memory_space<vmem_shared>> -> memref<64x32xf32, #tpu.memory_space<vmem_shared>>
      %dma_wait3A_669 = arith.constant 0 : i32
      %dma_wait3A_670 = tpu.memref_slice %arg15[%add3A_142, %dma_wait3A_669] : memref<50176x32xf32, #tpu.memory_space<vmem_shared>> -> memref<64x32xf32, #tpu.memory_space<vmem_shared>>
      tpu.wait_dma2 semaphore(%run_scoped3A : memref<!tpu.dma_semaphore, #tpu.memory_space<semaphore_mem>>) src(%arg13 : memref<64x32xf32, #tpu.memory_space<vmem>>) dst(%dma_wait3A_670 : memref<64x32xf32, #tpu.memory_space<vmem_shared>>)
      tpu.yield
    }) : () -> ()
    %mul3A_143 = arith.constant 3136 : i32
    %mul3A_144 = arith.muli %arg1, %mul3A_143 : i32
    %add3A_145 = arith.constant 1344 : i32
    %add3A_146 = arith.addi %mul3A_144, %add3A_145 : i32
    "tpu.region"() ({
      %run_scoped3A = tpu.sem_alloc : memref<!tpu.dma_semaphore, #tpu.memory_space<semaphore_mem>>
      %dma_start3A = arith.constant 0 : i32
      %dma_start3A_665 = tpu.memref_slice %arg15[%add3A_146, %dma_start3A] : memref<50176x32xf32, #tpu.memory_space<vmem_shared>> -> memref<64x32xf32, #tpu.memory_space<vmem_shared>>
      %dma_start3A_666 = arith.constant 0 : i32
      %dma_start3A_667 = tpu.memref_slice %arg15[%add3A_146, %dma_start3A_666] : memref<50176x32xf32, #tpu.memory_space<vmem_shared>> -> memref<64x32xf32, #tpu.memory_space<vmem_shared>>
      tpu.enqueue_dma source(%arg13 : memref<64x32xf32, #tpu.memory_space<vmem>>) target(%dma_start3A_667 : memref<64x32xf32, #tpu.memory_space<vmem_shared>>) target_semaphore(%run_scoped3A : memref<!tpu.dma_semaphore, #tpu.memory_space<semaphore_mem>>)
      %dma_wait3A = arith.constant 0 : i32
      %dma_wait3A_668 = tpu.memref_slice %arg15[%add3A_146, %dma_wait3A] : memref<50176x32xf32, #tpu.memory_space<vmem_shared>> -> memref<64x32xf32, #tpu.memory_space<vmem_shared>>
      %dma_wait3A_669 = arith.constant 0 : i32
      %dma_wait3A_670 = tpu.memref_slice %arg15[%add3A_146, %dma_wait3A_669] : memref<50176x32xf32, #tpu.memory_space<vmem_shared>> -> memref<64x32xf32, #tpu.memory_space<vmem_shared>>
      tpu.wait_dma2 semaphore(%run_scoped3A : memref<!tpu.dma_semaphore, #tpu.memory_space<semaphore_mem>>) src(%arg13 : memref<64x32xf32, #tpu.memory_space<vmem>>) dst(%dma_wait3A_670 : memref<64x32xf32, #tpu.memory_space<vmem_shared>>)
      tpu.yield
    }) : () -> ()
    %mul3A_147 = arith.constant 3136 : i32
    %mul3A_148 = arith.muli %arg1, %mul3A_147 : i32
    %add3A_149 = arith.constant 1408 : i32
    %add3A_150 = arith.addi %mul3A_148, %add3A_149 : i32
    "tpu.region"() ({
      %run_scoped3A = tpu.sem_alloc : memref<!tpu.dma_semaphore, #tpu.memory_space<semaphore_mem>>
      %dma_start3A = arith.constant 0 : i32
      %dma_start3A_665 = tpu.memref_slice %arg15[%add3A_150, %dma_start3A] : memref<50176x32xf32, #tpu.memory_space<vmem_shared>> -> memref<64x32xf32, #tpu.memory_space<vmem_shared>>
      %dma_start3A_666 = arith.constant 0 : i32
      %dma_start3A_667 = tpu.memref_slice %arg15[%add3A_150, %dma_start3A_666] : memref<50176x32xf32, #tpu.memory_space<vmem_shared>> -> memref<64x32xf32, #tpu.memory_space<vmem_shared>>
      tpu.enqueue_dma source(%arg13 : memref<64x32xf32, #tpu.memory_space<vmem>>) target(%dma_start3A_667 : memref<64x32xf32, #tpu.memory_space<vmem_shared>>) target_semaphore(%run_scoped3A : memref<!tpu.dma_semaphore, #tpu.memory_space<semaphore_mem>>)
      %dma_wait3A = arith.constant 0 : i32
      %dma_wait3A_668 = tpu.memref_slice %arg15[%add3A_150, %dma_wait3A] : memref<50176x32xf32, #tpu.memory_space<vmem_shared>> -> memref<64x32xf32, #tpu.memory_space<vmem_shared>>
      %dma_wait3A_669 = arith.constant 0 : i32
      %dma_wait3A_670 = tpu.memref_slice %arg15[%add3A_150, %dma_wait3A_669] : memref<50176x32xf32, #tpu.memory_space<vmem_shared>> -> memref<64x32xf32, #tpu.memory_space<vmem_shared>>
      tpu.wait_dma2 semaphore(%run_scoped3A : memref<!tpu.dma_semaphore, #tpu.memory_space<semaphore_mem>>) src(%arg13 : memref<64x32xf32, #tpu.memory_space<vmem>>) dst(%dma_wait3A_670 : memref<64x32xf32, #tpu.memory_space<vmem_shared>>)
      tpu.yield
    }) : () -> ()
    %mul3A_151 = arith.constant 3136 : i32
    %mul3A_152 = arith.muli %arg1, %mul3A_151 : i32
    %add3A_153 = arith.constant 1472 : i32
    %add3A_154 = arith.addi %mul3A_152, %add3A_153 : i32
    "tpu.region"() ({
      %run_scoped3A = tpu.sem_alloc : memref<!tpu.dma_semaphore, #tpu.memory_space<semaphore_mem>>
      %dma_start3A = arith.constant 0 : i32
      %dma_start3A_665 = tpu.memref_slice %arg15[%add3A_154, %dma_start3A] : memref<50176x32xf32, #tpu.memory_space<vmem_shared>> -> memref<64x32xf32, #tpu.memory_space<vmem_shared>>
      %dma_start3A_666 = arith.constant 0 : i32
      %dma_start3A_667 = tpu.memref_slice %arg15[%add3A_154, %dma_start3A_666] : memref<50176x32xf32, #tpu.memory_space<vmem_shared>> -> memref<64x32xf32, #tpu.memory_space<vmem_shared>>
      tpu.enqueue_dma source(%arg13 : memref<64x32xf32, #tpu.memory_space<vmem>>) target(%dma_start3A_667 : memref<64x32xf32, #tpu.memory_space<vmem_shared>>) target_semaphore(%run_scoped3A : memref<!tpu.dma_semaphore, #tpu.memory_space<semaphore_mem>>)
      %dma_wait3A = arith.constant 0 : i32
      %dma_wait3A_668 = tpu.memref_slice %arg15[%add3A_154, %dma_wait3A] : memref<50176x32xf32, #tpu.memory_space<vmem_shared>> -> memref<64x32xf32, #tpu.memory_space<vmem_shared>>
      %dma_wait3A_669 = arith.constant 0 : i32
      %dma_wait3A_670 = tpu.memref_slice %arg15[%add3A_154, %dma_wait3A_669] : memref<50176x32xf32, #tpu.memory_space<vmem_shared>> -> memref<64x32xf32, #tpu.memory_space<vmem_shared>>
      tpu.wait_dma2 semaphore(%run_scoped3A : memref<!tpu.dma_semaphore, #tpu.memory_space<semaphore_mem>>) src(%arg13 : memref<64x32xf32, #tpu.memory_space<vmem>>) dst(%dma_wait3A_670 : memref<64x32xf32, #tpu.memory_space<vmem_shared>>)
      tpu.yield
    }) : () -> ()
    %mul3A_155 = arith.constant 3136 : i32
    %mul3A_156 = arith.muli %arg1, %mul3A_155 : i32
    %add3A_157 = arith.constant 1536 : i32
    %add3A_158 = arith.addi %mul3A_156, %add3A_157 : i32
    "tpu.region"() ({
      %run_scoped3A = tpu.sem_alloc : memref<!tpu.dma_semaphore, #tpu.memory_space<semaphore_mem>>
      %dma_start3A = arith.constant 0 : i32
      %dma_start3A_665 = tpu.memref_slice %arg15[%add3A_158, %dma_start3A] : memref<50176x32xf32, #tpu.memory_space<vmem_shared>> -> memref<64x32xf32, #tpu.memory_space<vmem_shared>>
      %dma_start3A_666 = arith.constant 0 : i32
      %dma_start3A_667 = tpu.memref_slice %arg15[%add3A_158, %dma_start3A_666] : memref<50176x32xf32, #tpu.memory_space<vmem_shared>> -> memref<64x32xf32, #tpu.memory_space<vmem_shared>>
      tpu.enqueue_dma source(%arg13 : memref<64x32xf32, #tpu.memory_space<vmem>>) target(%dma_start3A_667 : memref<64x32xf32, #tpu.memory_space<vmem_shared>>) target_semaphore(%run_scoped3A : memref<!tpu.dma_semaphore, #tpu.memory_space<semaphore_mem>>)
      %dma_wait3A = arith.constant 0 : i32
      %dma_wait3A_668 = tpu.memref_slice %arg15[%add3A_158, %dma_wait3A] : memref<50176x32xf32, #tpu.memory_space<vmem_shared>> -> memref<64x32xf32, #tpu.memory_space<vmem_shared>>
      %dma_wait3A_669 = arith.constant 0 : i32
      %dma_wait3A_670 = tpu.memref_slice %arg15[%add3A_158, %dma_wait3A_669] : memref<50176x32xf32, #tpu.memory_space<vmem_shared>> -> memref<64x32xf32, #tpu.memory_space<vmem_shared>>
      tpu.wait_dma2 semaphore(%run_scoped3A : memref<!tpu.dma_semaphore, #tpu.memory_space<semaphore_mem>>) src(%arg13 : memref<64x32xf32, #tpu.memory_space<vmem>>) dst(%dma_wait3A_670 : memref<64x32xf32, #tpu.memory_space<vmem_shared>>)
      tpu.yield
    }) : () -> ()
    %mul3A_159 = arith.constant 3136 : i32
    %mul3A_160 = arith.muli %arg1, %mul3A_159 : i32
    %add3A_161 = arith.constant 1600 : i32
    %add3A_162 = arith.addi %mul3A_160, %add3A_161 : i32
    "tpu.region"() ({
      %run_scoped3A = tpu.sem_alloc : memref<!tpu.dma_semaphore, #tpu.memory_space<semaphore_mem>>
      %dma_start3A = arith.constant 0 : i32
      %dma_start3A_665 = tpu.memref_slice %arg15[%add3A_162, %dma_start3A] : memref<50176x32xf32, #tpu.memory_space<vmem_shared>> -> memref<64x32xf32, #tpu.memory_space<vmem_shared>>
      %dma_start3A_666 = arith.constant 0 : i32
      %dma_start3A_667 = tpu.memref_slice %arg15[%add3A_162, %dma_start3A_666] : memref<50176x32xf32, #tpu.memory_space<vmem_shared>> -> memref<64x32xf32, #tpu.memory_space<vmem_shared>>
      tpu.enqueue_dma source(%arg13 : memref<64x32xf32, #tpu.memory_space<vmem>>) target(%dma_start3A_667 : memref<64x32xf32, #tpu.memory_space<vmem_shared>>) target_semaphore(%run_scoped3A : memref<!tpu.dma_semaphore, #tpu.memory_space<semaphore_mem>>)
      %dma_wait3A = arith.constant 0 : i32
      %dma_wait3A_668 = tpu.memref_slice %arg15[%add3A_162, %dma_wait3A] : memref<50176x32xf32, #tpu.memory_space<vmem_shared>> -> memref<64x32xf32, #tpu.memory_space<vmem_shared>>
      %dma_wait3A_669 = arith.constant 0 : i32
      %dma_wait3A_670 = tpu.memref_slice %arg15[%add3A_162, %dma_wait3A_669] : memref<50176x32xf32, #tpu.memory_space<vmem_shared>> -> memref<64x32xf32, #tpu.memory_space<vmem_shared>>
      tpu.wait_dma2 semaphore(%run_scoped3A : memref<!tpu.dma_semaphore, #tpu.memory_space<semaphore_mem>>) src(%arg13 : memref<64x32xf32, #tpu.memory_space<vmem>>) dst(%dma_wait3A_670 : memref<64x32xf32, #tpu.memory_space<vmem_shared>>)
      tpu.yield
    }) : () -> ()
    %mul3A_163 = arith.constant 3136 : i32
    %mul3A_164 = arith.muli %arg1, %mul3A_163 : i32
    %add3A_165 = arith.constant 1664 : i32
    %add3A_166 = arith.addi %mul3A_164, %add3A_165 : i32
    "tpu.region"() ({
      %run_scoped3A = tpu.sem_alloc : memref<!tpu.dma_semaphore, #tpu.memory_space<semaphore_mem>>
      %dma_start3A = arith.constant 0 : i32
      %dma_start3A_665 = tpu.memref_slice %arg15[%add3A_166, %dma_start3A] : memref<50176x32xf32, #tpu.memory_space<vmem_shared>> -> memref<64x32xf32, #tpu.memory_space<vmem_shared>>
      %dma_start3A_666 = arith.constant 0 : i32
      %dma_start3A_667 = tpu.memref_slice %arg15[%add3A_166, %dma_start3A_666] : memref<50176x32xf32, #tpu.memory_space<vmem_shared>> -> memref<64x32xf32, #tpu.memory_space<vmem_shared>>
      tpu.enqueue_dma source(%arg13 : memref<64x32xf32, #tpu.memory_space<vmem>>) target(%dma_start3A_667 : memref<64x32xf32, #tpu.memory_space<vmem_shared>>) target_semaphore(%run_scoped3A : memref<!tpu.dma_semaphore, #tpu.memory_space<semaphore_mem>>)
      %dma_wait3A = arith.constant 0 : i32
      %dma_wait3A_668 = tpu.memref_slice %arg15[%add3A_166, %dma_wait3A] : memref<50176x32xf32, #tpu.memory_space<vmem_shared>> -> memref<64x32xf32, #tpu.memory_space<vmem_shared>>
      %dma_wait3A_669 = arith.constant 0 : i32
      %dma_wait3A_670 = tpu.memref_slice %arg15[%add3A_166, %dma_wait3A_669] : memref<50176x32xf32, #tpu.memory_space<vmem_shared>> -> memref<64x32xf32, #tpu.memory_space<vmem_shared>>
      tpu.wait_dma2 semaphore(%run_scoped3A : memref<!tpu.dma_semaphore, #tpu.memory_space<semaphore_mem>>) src(%arg13 : memref<64x32xf32, #tpu.memory_space<vmem>>) dst(%dma_wait3A_670 : memref<64x32xf32, #tpu.memory_space<vmem_shared>>)
      tpu.yield
    }) : () -> ()
    %mul3A_167 = arith.constant 3136 : i32
    %mul3A_168 = arith.muli %arg1, %mul3A_167 : i32
    %add3A_169 = arith.constant 1728 : i32
    %add3A_170 = arith.addi %mul3A_168, %add3A_169 : i32
    "tpu.region"() ({
      %run_scoped3A = tpu.sem_alloc : memref<!tpu.dma_semaphore, #tpu.memory_space<semaphore_mem>>
      %dma_start3A = arith.constant 0 : i32
      %dma_start3A_665 = tpu.memref_slice %arg15[%add3A_170, %dma_start3A] : memref<50176x32xf32, #tpu.memory_space<vmem_shared>> -> memref<64x32xf32, #tpu.memory_space<vmem_shared>>
      %dma_start3A_666 = arith.constant 0 : i32
      %dma_start3A_667 = tpu.memref_slice %arg15[%add3A_170, %dma_start3A_666] : memref<50176x32xf32, #tpu.memory_space<vmem_shared>> -> memref<64x32xf32, #tpu.memory_space<vmem_shared>>
      tpu.enqueue_dma source(%arg13 : memref<64x32xf32, #tpu.memory_space<vmem>>) target(%dma_start3A_667 : memref<64x32xf32, #tpu.memory_space<vmem_shared>>) target_semaphore(%run_scoped3A : memref<!tpu.dma_semaphore, #tpu.memory_space<semaphore_mem>>)
      %dma_wait3A = arith.constant 0 : i32
      %dma_wait3A_668 = tpu.memref_slice %arg15[%add3A_170, %dma_wait3A] : memref<50176x32xf32, #tpu.memory_space<vmem_shared>> -> memref<64x32xf32, #tpu.memory_space<vmem_shared>>
      %dma_wait3A_669 = arith.constant 0 : i32
      %dma_wait3A_670 = tpu.memref_slice %arg15[%add3A_170, %dma_wait3A_669] : memref<50176x32xf32, #tpu.memory_space<vmem_shared>> -> memref<64x32xf32, #tpu.memory_space<vmem_shared>>
      tpu.wait_dma2 semaphore(%run_scoped3A : memref<!tpu.dma_semaphore, #tpu.memory_space<semaphore_mem>>) src(%arg13 : memref<64x32xf32, #tpu.memory_space<vmem>>) dst(%dma_wait3A_670 : memref<64x32xf32, #tpu.memory_space<vmem_shared>>)
      tpu.yield
    }) : () -> ()
    %mul3A_171 = arith.constant 3136 : i32
    %mul3A_172 = arith.muli %arg1, %mul3A_171 : i32
    %add3A_173 = arith.constant 1792 : i32
    %add3A_174 = arith.addi %mul3A_172, %add3A_173 : i32
    "tpu.region"() ({
      %run_scoped3A = tpu.sem_alloc : memref<!tpu.dma_semaphore, #tpu.memory_space<semaphore_mem>>
      %dma_start3A = arith.constant 0 : i32
      %dma_start3A_665 = tpu.memref_slice %arg15[%add3A_174, %dma_start3A] : memref<50176x32xf32, #tpu.memory_space<vmem_shared>> -> memref<64x32xf32, #tpu.memory_space<vmem_shared>>
      %dma_start3A_666 = arith.constant 0 : i32
      %dma_start3A_667 = tpu.memref_slice %arg15[%add3A_174, %dma_start3A_666] : memref<50176x32xf32, #tpu.memory_space<vmem_shared>> -> memref<64x32xf32, #tpu.memory_space<vmem_shared>>
      tpu.enqueue_dma source(%arg13 : memref<64x32xf32, #tpu.memory_space<vmem>>) target(%dma_start3A_667 : memref<64x32xf32, #tpu.memory_space<vmem_shared>>) target_semaphore(%run_scoped3A : memref<!tpu.dma_semaphore, #tpu.memory_space<semaphore_mem>>)
      %dma_wait3A = arith.constant 0 : i32
      %dma_wait3A_668 = tpu.memref_slice %arg15[%add3A_174, %dma_wait3A] : memref<50176x32xf32, #tpu.memory_space<vmem_shared>> -> memref<64x32xf32, #tpu.memory_space<vmem_shared>>
      %dma_wait3A_669 = arith.constant 0 : i32
      %dma_wait3A_670 = tpu.memref_slice %arg15[%add3A_174, %dma_wait3A_669] : memref<50176x32xf32, #tpu.memory_space<vmem_shared>> -> memref<64x32xf32, #tpu.memory_space<vmem_shared>>
      tpu.wait_dma2 semaphore(%run_scoped3A : memref<!tpu.dma_semaphore, #tpu.memory_space<semaphore_mem>>) src(%arg13 : memref<64x32xf32, #tpu.memory_space<vmem>>) dst(%dma_wait3A_670 : memref<64x32xf32, #tpu.memory_space<vmem_shared>>)
      tpu.yield
    }) : () -> ()
    %mul3A_175 = arith.constant 3136 : i32
    %mul3A_176 = arith.muli %arg1, %mul3A_175 : i32
    %add3A_177 = arith.constant 1856 : i32
    %add3A_178 = arith.addi %mul3A_176, %add3A_177 : i32
    "tpu.region"() ({
      %run_scoped3A = tpu.sem_alloc : memref<!tpu.dma_semaphore, #tpu.memory_space<semaphore_mem>>
      %dma_start3A = arith.constant 0 : i32
      %dma_start3A_665 = tpu.memref_slice %arg15[%add3A_178, %dma_start3A] : memref<50176x32xf32, #tpu.memory_space<vmem_shared>> -> memref<64x32xf32, #tpu.memory_space<vmem_shared>>
      %dma_start3A_666 = arith.constant 0 : i32
      %dma_start3A_667 = tpu.memref_slice %arg15[%add3A_178, %dma_start3A_666] : memref<50176x32xf32, #tpu.memory_space<vmem_shared>> -> memref<64x32xf32, #tpu.memory_space<vmem_shared>>
      tpu.enqueue_dma source(%arg13 : memref<64x32xf32, #tpu.memory_space<vmem>>) target(%dma_start3A_667 : memref<64x32xf32, #tpu.memory_space<vmem_shared>>) target_semaphore(%run_scoped3A : memref<!tpu.dma_semaphore, #tpu.memory_space<semaphore_mem>>)
      %dma_wait3A = arith.constant 0 : i32
      %dma_wait3A_668 = tpu.memref_slice %arg15[%add3A_178, %dma_wait3A] : memref<50176x32xf32, #tpu.memory_space<vmem_shared>> -> memref<64x32xf32, #tpu.memory_space<vmem_shared>>
      %dma_wait3A_669 = arith.constant 0 : i32
      %dma_wait3A_670 = tpu.memref_slice %arg15[%add3A_178, %dma_wait3A_669] : memref<50176x32xf32, #tpu.memory_space<vmem_shared>> -> memref<64x32xf32, #tpu.memory_space<vmem_shared>>
      tpu.wait_dma2 semaphore(%run_scoped3A : memref<!tpu.dma_semaphore, #tpu.memory_space<semaphore_mem>>) src(%arg13 : memref<64x32xf32, #tpu.memory_space<vmem>>) dst(%dma_wait3A_670 : memref<64x32xf32, #tpu.memory_space<vmem_shared>>)
      tpu.yield
    }) : () -> ()
    %mul3A_179 = arith.constant 3136 : i32
    %mul3A_180 = arith.muli %arg1, %mul3A_179 : i32
    %add3A_181 = arith.constant 1920 : i32
    %add3A_182 = arith.addi %mul3A_180, %add3A_181 : i32
    "tpu.region"() ({
      %run_scoped3A = tpu.sem_alloc : memref<!tpu.dma_semaphore, #tpu.memory_space<semaphore_mem>>
      %dma_start3A = arith.constant 0 : i32
      %dma_start3A_665 = tpu.memref_slice %arg15[%add3A_182, %dma_start3A] : memref<50176x32xf32, #tpu.memory_space<vmem_shared>> -> memref<64x32xf32, #tpu.memory_space<vmem_shared>>
      %dma_start3A_666 = arith.constant 0 : i32
      %dma_start3A_667 = tpu.memref_slice %arg15[%add3A_182, %dma_start3A_666] : memref<50176x32xf32, #tpu.memory_space<vmem_shared>> -> memref<64x32xf32, #tpu.memory_space<vmem_shared>>
      tpu.enqueue_dma source(%arg13 : memref<64x32xf32, #tpu.memory_space<vmem>>) target(%dma_start3A_667 : memref<64x32xf32, #tpu.memory_space<vmem_shared>>) target_semaphore(%run_scoped3A : memref<!tpu.dma_semaphore, #tpu.memory_space<semaphore_mem>>)
      %dma_wait3A = arith.constant 0 : i32
      %dma_wait3A_668 = tpu.memref_slice %arg15[%add3A_182, %dma_wait3A] : memref<50176x32xf32, #tpu.memory_space<vmem_shared>> -> memref<64x32xf32, #tpu.memory_space<vmem_shared>>
      %dma_wait3A_669 = arith.constant 0 : i32
      %dma_wait3A_670 = tpu.memref_slice %arg15[%add3A_182, %dma_wait3A_669] : memref<50176x32xf32, #tpu.memory_space<vmem_shared>> -> memref<64x32xf32, #tpu.memory_space<vmem_shared>>
      tpu.wait_dma2 semaphore(%run_scoped3A : memref<!tpu.dma_semaphore, #tpu.memory_space<semaphore_mem>>) src(%arg13 : memref<64x32xf32, #tpu.memory_space<vmem>>) dst(%dma_wait3A_670 : memref<64x32xf32, #tpu.memory_space<vmem_shared>>)
      tpu.yield
    }) : () -> ()
    %mul3A_183 = arith.constant 3136 : i32
    %mul3A_184 = arith.muli %arg1, %mul3A_183 : i32
    %add3A_185 = arith.constant 1984 : i32
    %add3A_186 = arith.addi %mul3A_184, %add3A_185 : i32
    "tpu.region"() ({
      %run_scoped3A = tpu.sem_alloc : memref<!tpu.dma_semaphore, #tpu.memory_space<semaphore_mem>>
      %dma_start3A = arith.constant 0 : i32
      %dma_start3A_665 = tpu.memref_slice %arg15[%add3A_186, %dma_start3A] : memref<50176x32xf32, #tpu.memory_space<vmem_shared>> -> memref<64x32xf32, #tpu.memory_space<vmem_shared>>
      %dma_start3A_666 = arith.constant 0 : i32
      %dma_start3A_667 = tpu.memref_slice %arg15[%add3A_186, %dma_start3A_666] : memref<50176x32xf32, #tpu.memory_space<vmem_shared>> -> memref<64x32xf32, #tpu.memory_space<vmem_shared>>
      tpu.enqueue_dma source(%arg13 : memref<64x32xf32, #tpu.memory_space<vmem>>) target(%dma_start3A_667 : memref<64x32xf32, #tpu.memory_space<vmem_shared>>) target_semaphore(%run_scoped3A : memref<!tpu.dma_semaphore, #tpu.memory_space<semaphore_mem>>)
      %dma_wait3A = arith.constant 0 : i32
      %dma_wait3A_668 = tpu.memref_slice %arg15[%add3A_186, %dma_wait3A] : memref<50176x32xf32, #tpu.memory_space<vmem_shared>> -> memref<64x32xf32, #tpu.memory_space<vmem_shared>>
      %dma_wait3A_669 = arith.constant 0 : i32
      %dma_wait3A_670 = tpu.memref_slice %arg15[%add3A_186, %dma_wait3A_669] : memref<50176x32xf32, #tpu.memory_space<vmem_shared>> -> memref<64x32xf32, #tpu.memory_space<vmem_shared>>
      tpu.wait_dma2 semaphore(%run_scoped3A : memref<!tpu.dma_semaphore, #tpu.memory_space<semaphore_mem>>) src(%arg13 : memref<64x32xf32, #tpu.memory_space<vmem>>) dst(%dma_wait3A_670 : memref<64x32xf32, #tpu.memory_space<vmem_shared>>)
      tpu.yield
    }) : () -> ()
    %mul3A_187 = arith.constant 3136 : i32
    %mul3A_188 = arith.muli %arg1, %mul3A_187 : i32
    %add3A_189 = arith.constant 2048 : i32
    %add3A_190 = arith.addi %mul3A_188, %add3A_189 : i32
    "tpu.region"() ({
      %run_scoped3A = tpu.sem_alloc : memref<!tpu.dma_semaphore, #tpu.memory_space<semaphore_mem>>
      %dma_start3A = arith.constant 0 : i32
      %dma_start3A_665 = tpu.memref_slice %arg15[%add3A_190, %dma_start3A] : memref<50176x32xf32, #tpu.memory_space<vmem_shared>> -> memref<64x32xf32, #tpu.memory_space<vmem_shared>>
      %dma_start3A_666 = arith.constant 0 : i32
      %dma_start3A_667 = tpu.memref_slice %arg15[%add3A_190, %dma_start3A_666] : memref<50176x32xf32, #tpu.memory_space<vmem_shared>> -> memref<64x32xf32, #tpu.memory_space<vmem_shared>>
      tpu.enqueue_dma source(%arg13 : memref<64x32xf32, #tpu.memory_space<vmem>>) target(%dma_start3A_667 : memref<64x32xf32, #tpu.memory_space<vmem_shared>>) target_semaphore(%run_scoped3A : memref<!tpu.dma_semaphore, #tpu.memory_space<semaphore_mem>>)
      %dma_wait3A = arith.constant 0 : i32
      %dma_wait3A_668 = tpu.memref_slice %arg15[%add3A_190, %dma_wait3A] : memref<50176x32xf32, #tpu.memory_space<vmem_shared>> -> memref<64x32xf32, #tpu.memory_space<vmem_shared>>
      %dma_wait3A_669 = arith.constant 0 : i32
      %dma_wait3A_670 = tpu.memref_slice %arg15[%add3A_190, %dma_wait3A_669] : memref<50176x32xf32, #tpu.memory_space<vmem_shared>> -> memref<64x32xf32, #tpu.memory_space<vmem_shared>>
      tpu.wait_dma2 semaphore(%run_scoped3A : memref<!tpu.dma_semaphore, #tpu.memory_space<semaphore_mem>>) src(%arg13 : memref<64x32xf32, #tpu.memory_space<vmem>>) dst(%dma_wait3A_670 : memref<64x32xf32, #tpu.memory_space<vmem_shared>>)
      tpu.yield
    }) : () -> ()
    %mul3A_191 = arith.constant 3136 : i32
    %mul3A_192 = arith.muli %arg1, %mul3A_191 : i32
    %add3A_193 = arith.constant 2112 : i32
    %add3A_194 = arith.addi %mul3A_192, %add3A_193 : i32
    "tpu.region"() ({
      %run_scoped3A = tpu.sem_alloc : memref<!tpu.dma_semaphore, #tpu.memory_space<semaphore_mem>>
      %dma_start3A = arith.constant 0 : i32
      %dma_start3A_665 = tpu.memref_slice %arg15[%add3A_194, %dma_start3A] : memref<50176x32xf32, #tpu.memory_space<vmem_shared>> -> memref<64x32xf32, #tpu.memory_space<vmem_shared>>
      %dma_start3A_666 = arith.constant 0 : i32
      %dma_start3A_667 = tpu.memref_slice %arg15[%add3A_194, %dma_start3A_666] : memref<50176x32xf32, #tpu.memory_space<vmem_shared>> -> memref<64x32xf32, #tpu.memory_space<vmem_shared>>
      tpu.enqueue_dma source(%arg13 : memref<64x32xf32, #tpu.memory_space<vmem>>) target(%dma_start3A_667 : memref<64x32xf32, #tpu.memory_space<vmem_shared>>) target_semaphore(%run_scoped3A : memref<!tpu.dma_semaphore, #tpu.memory_space<semaphore_mem>>)
      %dma_wait3A = arith.constant 0 : i32
      %dma_wait3A_668 = tpu.memref_slice %arg15[%add3A_194, %dma_wait3A] : memref<50176x32xf32, #tpu.memory_space<vmem_shared>> -> memref<64x32xf32, #tpu.memory_space<vmem_shared>>
      %dma_wait3A_669 = arith.constant 0 : i32
      %dma_wait3A_670 = tpu.memref_slice %arg15[%add3A_194, %dma_wait3A_669] : memref<50176x32xf32, #tpu.memory_space<vmem_shared>> -> memref<64x32xf32, #tpu.memory_space<vmem_shared>>
      tpu.wait_dma2 semaphore(%run_scoped3A : memref<!tpu.dma_semaphore, #tpu.memory_space<semaphore_mem>>) src(%arg13 : memref<64x32xf32, #tpu.memory_space<vmem>>) dst(%dma_wait3A_670 : memref<64x32xf32, #tpu.memory_space<vmem_shared>>)
      tpu.yield
    }) : () -> ()
    %mul3A_195 = arith.constant 3136 : i32
    %mul3A_196 = arith.muli %arg1, %mul3A_195 : i32
    %add3A_197 = arith.constant 2176 : i32
    %add3A_198 = arith.addi %mul3A_196, %add3A_197 : i32
    "tpu.region"() ({
      %run_scoped3A = tpu.sem_alloc : memref<!tpu.dma_semaphore, #tpu.memory_space<semaphore_mem>>
      %dma_start3A = arith.constant 0 : i32
      %dma_start3A_665 = tpu.memref_slice %arg15[%add3A_198, %dma_start3A] : memref<50176x32xf32, #tpu.memory_space<vmem_shared>> -> memref<64x32xf32, #tpu.memory_space<vmem_shared>>
      %dma_start3A_666 = arith.constant 0 : i32
      %dma_start3A_667 = tpu.memref_slice %arg15[%add3A_198, %dma_start3A_666] : memref<50176x32xf32, #tpu.memory_space<vmem_shared>> -> memref<64x32xf32, #tpu.memory_space<vmem_shared>>
      tpu.enqueue_dma source(%arg13 : memref<64x32xf32, #tpu.memory_space<vmem>>) target(%dma_start3A_667 : memref<64x32xf32, #tpu.memory_space<vmem_shared>>) target_semaphore(%run_scoped3A : memref<!tpu.dma_semaphore, #tpu.memory_space<semaphore_mem>>)
      %dma_wait3A = arith.constant 0 : i32
      %dma_wait3A_668 = tpu.memref_slice %arg15[%add3A_198, %dma_wait3A] : memref<50176x32xf32, #tpu.memory_space<vmem_shared>> -> memref<64x32xf32, #tpu.memory_space<vmem_shared>>
      %dma_wait3A_669 = arith.constant 0 : i32
      %dma_wait3A_670 = tpu.memref_slice %arg15[%add3A_198, %dma_wait3A_669] : memref<50176x32xf32, #tpu.memory_space<vmem_shared>> -> memref<64x32xf32, #tpu.memory_space<vmem_shared>>
      tpu.wait_dma2 semaphore(%run_scoped3A : memref<!tpu.dma_semaphore, #tpu.memory_space<semaphore_mem>>) src(%arg13 : memref<64x32xf32, #tpu.memory_space<vmem>>) dst(%dma_wait3A_670 : memref<64x32xf32, #tpu.memory_space<vmem_shared>>)
      tpu.yield
    }) : () -> ()
    %mul3A_199 = arith.constant 3136 : i32
    %mul3A_200 = arith.muli %arg1, %mul3A_199 : i32
    %add3A_201 = arith.constant 2240 : i32
    %add3A_202 = arith.addi %mul3A_200, %add3A_201 : i32
    "tpu.region"() ({
      %run_scoped3A = tpu.sem_alloc : memref<!tpu.dma_semaphore, #tpu.memory_space<semaphore_mem>>
      %dma_start3A = arith.constant 0 : i32
      %dma_start3A_665 = tpu.memref_slice %arg15[%add3A_202, %dma_start3A] : memref<50176x32xf32, #tpu.memory_space<vmem_shared>> -> memref<64x32xf32, #tpu.memory_space<vmem_shared>>
      %dma_start3A_666 = arith.constant 0 : i32
      %dma_start3A_667 = tpu.memref_slice %arg15[%add3A_202, %dma_start3A_666] : memref<50176x32xf32, #tpu.memory_space<vmem_shared>> -> memref<64x32xf32, #tpu.memory_space<vmem_shared>>
      tpu.enqueue_dma source(%arg13 : memref<64x32xf32, #tpu.memory_space<vmem>>) target(%dma_start3A_667 : memref<64x32xf32, #tpu.memory_space<vmem_shared>>) target_semaphore(%run_scoped3A : memref<!tpu.dma_semaphore, #tpu.memory_space<semaphore_mem>>)
      %dma_wait3A = arith.constant 0 : i32
      %dma_wait3A_668 = tpu.memref_slice %arg15[%add3A_202, %dma_wait3A] : memref<50176x32xf32, #tpu.memory_space<vmem_shared>> -> memref<64x32xf32, #tpu.memory_space<vmem_shared>>
      %dma_wait3A_669 = arith.constant 0 : i32
      %dma_wait3A_670 = tpu.memref_slice %arg15[%add3A_202, %dma_wait3A_669] : memref<50176x32xf32, #tpu.memory_space<vmem_shared>> -> memref<64x32xf32, #tpu.memory_space<vmem_shared>>
      tpu.wait_dma2 semaphore(%run_scoped3A : memref<!tpu.dma_semaphore, #tpu.memory_space<semaphore_mem>>) src(%arg13 : memref<64x32xf32, #tpu.memory_space<vmem>>) dst(%dma_wait3A_670 : memref<64x32xf32, #tpu.memory_space<vmem_shared>>)
      tpu.yield
    }) : () -> ()
    %mul3A_203 = arith.constant 3136 : i32
    %mul3A_204 = arith.muli %arg1, %mul3A_203 : i32
    %add3A_205 = arith.constant 2304 : i32
    %add3A_206 = arith.addi %mul3A_204, %add3A_205 : i32
    "tpu.region"() ({
      %run_scoped3A = tpu.sem_alloc : memref<!tpu.dma_semaphore, #tpu.memory_space<semaphore_mem>>
      %dma_start3A = arith.constant 0 : i32
      %dma_start3A_665 = tpu.memref_slice %arg15[%add3A_206, %dma_start3A] : memref<50176x32xf32, #tpu.memory_space<vmem_shared>> -> memref<64x32xf32, #tpu.memory_space<vmem_shared>>
      %dma_start3A_666 = arith.constant 0 : i32
      %dma_start3A_667 = tpu.memref_slice %arg15[%add3A_206, %dma_start3A_666] : memref<50176x32xf32, #tpu.memory_space<vmem_shared>> -> memref<64x32xf32, #tpu.memory_space<vmem_shared>>
      tpu.enqueue_dma source(%arg13 : memref<64x32xf32, #tpu.memory_space<vmem>>) target(%dma_start3A_667 : memref<64x32xf32, #tpu.memory_space<vmem_shared>>) target_semaphore(%run_scoped3A : memref<!tpu.dma_semaphore, #tpu.memory_space<semaphore_mem>>)
      %dma_wait3A = arith.constant 0 : i32
      %dma_wait3A_668 = tpu.memref_slice %arg15[%add3A_206, %dma_wait3A] : memref<50176x32xf32, #tpu.memory_space<vmem_shared>> -> memref<64x32xf32, #tpu.memory_space<vmem_shared>>
      %dma_wait3A_669 = arith.constant 0 : i32
      %dma_wait3A_670 = tpu.memref_slice %arg15[%add3A_206, %dma_wait3A_669] : memref<50176x32xf32, #tpu.memory_space<vmem_shared>> -> memref<64x32xf32, #tpu.memory_space<vmem_shared>>
      tpu.wait_dma2 semaphore(%run_scoped3A : memref<!tpu.dma_semaphore, #tpu.memory_space<semaphore_mem>>) src(%arg13 : memref<64x32xf32, #tpu.memory_space<vmem>>) dst(%dma_wait3A_670 : memref<64x32xf32, #tpu.memory_space<vmem_shared>>)
      tpu.yield
    }) : () -> ()
    %mul3A_207 = arith.constant 3136 : i32
    %mul3A_208 = arith.muli %arg1, %mul3A_207 : i32
    %add3A_209 = arith.constant 2368 : i32
    %add3A_210 = arith.addi %mul3A_208, %add3A_209 : i32
    "tpu.region"() ({
      %run_scoped3A = tpu.sem_alloc : memref<!tpu.dma_semaphore, #tpu.memory_space<semaphore_mem>>
      %dma_start3A = arith.constant 0 : i32
      %dma_start3A_665 = tpu.memref_slice %arg15[%add3A_210, %dma_start3A] : memref<50176x32xf32, #tpu.memory_space<vmem_shared>> -> memref<64x32xf32, #tpu.memory_space<vmem_shared>>
      %dma_start3A_666 = arith.constant 0 : i32
      %dma_start3A_667 = tpu.memref_slice %arg15[%add3A_210, %dma_start3A_666] : memref<50176x32xf32, #tpu.memory_space<vmem_shared>> -> memref<64x32xf32, #tpu.memory_space<vmem_shared>>
      tpu.enqueue_dma source(%arg13 : memref<64x32xf32, #tpu.memory_space<vmem>>) target(%dma_start3A_667 : memref<64x32xf32, #tpu.memory_space<vmem_shared>>) target_semaphore(%run_scoped3A : memref<!tpu.dma_semaphore, #tpu.memory_space<semaphore_mem>>)
      %dma_wait3A = arith.constant 0 : i32
      %dma_wait3A_668 = tpu.memref_slice %arg15[%add3A_210, %dma_wait3A] : memref<50176x32xf32, #tpu.memory_space<vmem_shared>> -> memref<64x32xf32, #tpu.memory_space<vmem_shared>>
      %dma_wait3A_669 = arith.constant 0 : i32
      %dma_wait3A_670 = tpu.memref_slice %arg15[%add3A_210, %dma_wait3A_669] : memref<50176x32xf32, #tpu.memory_space<vmem_shared>> -> memref<64x32xf32, #tpu.memory_space<vmem_shared>>
      tpu.wait_dma2 semaphore(%run_scoped3A : memref<!tpu.dma_semaphore, #tpu.memory_space<semaphore_mem>>) src(%arg13 : memref<64x32xf32, #tpu.memory_space<vmem>>) dst(%dma_wait3A_670 : memref<64x32xf32, #tpu.memory_space<vmem_shared>>)
      tpu.yield
    }) : () -> ()
    %mul3A_211 = arith.constant 3136 : i32
    %mul3A_212 = arith.muli %arg1, %mul3A_211 : i32
    %add3A_213 = arith.constant 2432 : i32
    %add3A_214 = arith.addi %mul3A_212, %add3A_213 : i32
    "tpu.region"() ({
      %run_scoped3A = tpu.sem_alloc : memref<!tpu.dma_semaphore, #tpu.memory_space<semaphore_mem>>
      %dma_start3A = arith.constant 0 : i32
      %dma_start3A_665 = tpu.memref_slice %arg15[%add3A_214, %dma_start3A] : memref<50176x32xf32, #tpu.memory_space<vmem_shared>> -> memref<64x32xf32, #tpu.memory_space<vmem_shared>>
      %dma_start3A_666 = arith.constant 0 : i32
      %dma_start3A_667 = tpu.memref_slice %arg15[%add3A_214, %dma_start3A_666] : memref<50176x32xf32, #tpu.memory_space<vmem_shared>> -> memref<64x32xf32, #tpu.memory_space<vmem_shared>>
      tpu.enqueue_dma source(%arg13 : memref<64x32xf32, #tpu.memory_space<vmem>>) target(%dma_start3A_667 : memref<64x32xf32, #tpu.memory_space<vmem_shared>>) target_semaphore(%run_scoped3A : memref<!tpu.dma_semaphore, #tpu.memory_space<semaphore_mem>>)
      %dma_wait3A = arith.constant 0 : i32
      %dma_wait3A_668 = tpu.memref_slice %arg15[%add3A_214, %dma_wait3A] : memref<50176x32xf32, #tpu.memory_space<vmem_shared>> -> memref<64x32xf32, #tpu.memory_space<vmem_shared>>
      %dma_wait3A_669 = arith.constant 0 : i32
      %dma_wait3A_670 = tpu.memref_slice %arg15[%add3A_214, %dma_wait3A_669] : memref<50176x32xf32, #tpu.memory_space<vmem_shared>> -> memref<64x32xf32, #tpu.memory_space<vmem_shared>>
      tpu.wait_dma2 semaphore(%run_scoped3A : memref<!tpu.dma_semaphore, #tpu.memory_space<semaphore_mem>>) src(%arg13 : memref<64x32xf32, #tpu.memory_space<vmem>>) dst(%dma_wait3A_670 : memref<64x32xf32, #tpu.memory_space<vmem_shared>>)
      tpu.yield
    }) : () -> ()
    %mul3A_215 = arith.constant 3136 : i32
    %mul3A_216 = arith.muli %arg1, %mul3A_215 : i32
    %add3A_217 = arith.constant 2496 : i32
    %add3A_218 = arith.addi %mul3A_216, %add3A_217 : i32
    "tpu.region"() ({
      %run_scoped3A = tpu.sem_alloc : memref<!tpu.dma_semaphore, #tpu.memory_space<semaphore_mem>>
      %dma_start3A = arith.constant 0 : i32
      %dma_start3A_665 = tpu.memref_slice %arg15[%add3A_218, %dma_start3A] : memref<50176x32xf32, #tpu.memory_space<vmem_shared>> -> memref<64x32xf32, #tpu.memory_space<vmem_shared>>
      %dma_start3A_666 = arith.constant 0 : i32
      %dma_start3A_667 = tpu.memref_slice %arg15[%add3A_218, %dma_start3A_666] : memref<50176x32xf32, #tpu.memory_space<vmem_shared>> -> memref<64x32xf32, #tpu.memory_space<vmem_shared>>
      tpu.enqueue_dma source(%arg13 : memref<64x32xf32, #tpu.memory_space<vmem>>) target(%dma_start3A_667 : memref<64x32xf32, #tpu.memory_space<vmem_shared>>) target_semaphore(%run_scoped3A : memref<!tpu.dma_semaphore, #tpu.memory_space<semaphore_mem>>)
      %dma_wait3A = arith.constant 0 : i32
      %dma_wait3A_668 = tpu.memref_slice %arg15[%add3A_218, %dma_wait3A] : memref<50176x32xf32, #tpu.memory_space<vmem_shared>> -> memref<64x32xf32, #tpu.memory_space<vmem_shared>>
      %dma_wait3A_669 = arith.constant 0 : i32
      %dma_wait3A_670 = tpu.memref_slice %arg15[%add3A_218, %dma_wait3A_669] : memref<50176x32xf32, #tpu.memory_space<vmem_shared>> -> memref<64x32xf32, #tpu.memory_space<vmem_shared>>
      tpu.wait_dma2 semaphore(%run_scoped3A : memref<!tpu.dma_semaphore, #tpu.memory_space<semaphore_mem>>) src(%arg13 : memref<64x32xf32, #tpu.memory_space<vmem>>) dst(%dma_wait3A_670 : memref<64x32xf32, #tpu.memory_space<vmem_shared>>)
      tpu.yield
    }) : () -> ()
    %mul3A_219 = arith.constant 3136 : i32
    %mul3A_220 = arith.muli %arg1, %mul3A_219 : i32
    %add3A_221 = arith.constant 2560 : i32
    %add3A_222 = arith.addi %mul3A_220, %add3A_221 : i32
    "tpu.region"() ({
      %run_scoped3A = tpu.sem_alloc : memref<!tpu.dma_semaphore, #tpu.memory_space<semaphore_mem>>
      %dma_start3A = arith.constant 0 : i32
      %dma_start3A_665 = tpu.memref_slice %arg15[%add3A_222, %dma_start3A] : memref<50176x32xf32, #tpu.memory_space<vmem_shared>> -> memref<64x32xf32, #tpu.memory_space<vmem_shared>>
      %dma_start3A_666 = arith.constant 0 : i32
      %dma_start3A_667 = tpu.memref_slice %arg15[%add3A_222, %dma_start3A_666] : memref<50176x32xf32, #tpu.memory_space<vmem_shared>> -> memref<64x32xf32, #tpu.memory_space<vmem_shared>>
      tpu.enqueue_dma source(%arg13 : memref<64x32xf32, #tpu.memory_space<vmem>>) target(%dma_start3A_667 : memref<64x32xf32, #tpu.memory_space<vmem_shared>>) target_semaphore(%run_scoped3A : memref<!tpu.dma_semaphore, #tpu.memory_space<semaphore_mem>>)
      %dma_wait3A = arith.constant 0 : i32
      %dma_wait3A_668 = tpu.memref_slice %arg15[%add3A_222, %dma_wait3A] : memref<50176x32xf32, #tpu.memory_space<vmem_shared>> -> memref<64x32xf32, #tpu.memory_space<vmem_shared>>
      %dma_wait3A_669 = arith.constant 0 : i32
      %dma_wait3A_670 = tpu.memref_slice %arg15[%add3A_222, %dma_wait3A_669] : memref<50176x32xf32, #tpu.memory_space<vmem_shared>> -> memref<64x32xf32, #tpu.memory_space<vmem_shared>>
      tpu.wait_dma2 semaphore(%run_scoped3A : memref<!tpu.dma_semaphore, #tpu.memory_space<semaphore_mem>>) src(%arg13 : memref<64x32xf32, #tpu.memory_space<vmem>>) dst(%dma_wait3A_670 : memref<64x32xf32, #tpu.memory_space<vmem_shared>>)
      tpu.yield
    }) : () -> ()
    %mul3A_223 = arith.constant 3136 : i32
    %mul3A_224 = arith.muli %arg1, %mul3A_223 : i32
    %add3A_225 = arith.constant 2624 : i32
    %add3A_226 = arith.addi %mul3A_224, %add3A_225 : i32
    "tpu.region"() ({
      %run_scoped3A = tpu.sem_alloc : memref<!tpu.dma_semaphore, #tpu.memory_space<semaphore_mem>>
      %dma_start3A = arith.constant 0 : i32
      %dma_start3A_665 = tpu.memref_slice %arg15[%add3A_226, %dma_start3A] : memref<50176x32xf32, #tpu.memory_space<vmem_shared>> -> memref<64x32xf32, #tpu.memory_space<vmem_shared>>
      %dma_start3A_666 = arith.constant 0 : i32
      %dma_start3A_667 = tpu.memref_slice %arg15[%add3A_226, %dma_start3A_666] : memref<50176x32xf32, #tpu.memory_space<vmem_shared>> -> memref<64x32xf32, #tpu.memory_space<vmem_shared>>
      tpu.enqueue_dma source(%arg13 : memref<64x32xf32, #tpu.memory_space<vmem>>) target(%dma_start3A_667 : memref<64x32xf32, #tpu.memory_space<vmem_shared>>) target_semaphore(%run_scoped3A : memref<!tpu.dma_semaphore, #tpu.memory_space<semaphore_mem>>)
      %dma_wait3A = arith.constant 0 : i32
      %dma_wait3A_668 = tpu.memref_slice %arg15[%add3A_226, %dma_wait3A] : memref<50176x32xf32, #tpu.memory_space<vmem_shared>> -> memref<64x32xf32, #tpu.memory_space<vmem_shared>>
      %dma_wait3A_669 = arith.constant 0 : i32
      %dma_wait3A_670 = tpu.memref_slice %arg15[%add3A_226, %dma_wait3A_669] : memref<50176x32xf32, #tpu.memory_space<vmem_shared>> -> memref<64x32xf32, #tpu.memory_space<vmem_shared>>
      tpu.wait_dma2 semaphore(%run_scoped3A : memref<!tpu.dma_semaphore, #tpu.memory_space<semaphore_mem>>) src(%arg13 : memref<64x32xf32, #tpu.memory_space<vmem>>) dst(%dma_wait3A_670 : memref<64x32xf32, #tpu.memory_space<vmem_shared>>)
      tpu.yield
    }) : () -> ()
    %mul3A_227 = arith.constant 3136 : i32
    %mul3A_228 = arith.muli %arg1, %mul3A_227 : i32
    %add3A_229 = arith.constant 2688 : i32
    %add3A_230 = arith.addi %mul3A_228, %add3A_229 : i32
    "tpu.region"() ({
      %run_scoped3A = tpu.sem_alloc : memref<!tpu.dma_semaphore, #tpu.memory_space<semaphore_mem>>
      %dma_start3A = arith.constant 0 : i32
      %dma_start3A_665 = tpu.memref_slice %arg15[%add3A_230, %dma_start3A] : memref<50176x32xf32, #tpu.memory_space<vmem_shared>> -> memref<64x32xf32, #tpu.memory_space<vmem_shared>>
      %dma_start3A_666 = arith.constant 0 : i32
      %dma_start3A_667 = tpu.memref_slice %arg15[%add3A_230, %dma_start3A_666] : memref<50176x32xf32, #tpu.memory_space<vmem_shared>> -> memref<64x32xf32, #tpu.memory_space<vmem_shared>>
      tpu.enqueue_dma source(%arg13 : memref<64x32xf32, #tpu.memory_space<vmem>>) target(%dma_start3A_667 : memref<64x32xf32, #tpu.memory_space<vmem_shared>>) target_semaphore(%run_scoped3A : memref<!tpu.dma_semaphore, #tpu.memory_space<semaphore_mem>>)
      %dma_wait3A = arith.constant 0 : i32
      %dma_wait3A_668 = tpu.memref_slice %arg15[%add3A_230, %dma_wait3A] : memref<50176x32xf32, #tpu.memory_space<vmem_shared>> -> memref<64x32xf32, #tpu.memory_space<vmem_shared>>
      %dma_wait3A_669 = arith.constant 0 : i32
      %dma_wait3A_670 = tpu.memref_slice %arg15[%add3A_230, %dma_wait3A_669] : memref<50176x32xf32, #tpu.memory_space<vmem_shared>> -> memref<64x32xf32, #tpu.memory_space<vmem_shared>>
      tpu.wait_dma2 semaphore(%run_scoped3A : memref<!tpu.dma_semaphore, #tpu.memory_space<semaphore_mem>>) src(%arg13 : memref<64x32xf32, #tpu.memory_space<vmem>>) dst(%dma_wait3A_670 : memref<64x32xf32, #tpu.memory_space<vmem_shared>>)
      tpu.yield
    }) : () -> ()
    %mul3A_231 = arith.constant 3136 : i32
    %mul3A_232 = arith.muli %arg1, %mul3A_231 : i32
    %add3A_233 = arith.constant 2752 : i32
    %add3A_234 = arith.addi %mul3A_232, %add3A_233 : i32
    "tpu.region"() ({
      %run_scoped3A = tpu.sem_alloc : memref<!tpu.dma_semaphore, #tpu.memory_space<semaphore_mem>>
      %dma_start3A = arith.constant 0 : i32
      %dma_start3A_665 = tpu.memref_slice %arg15[%add3A_234, %dma_start3A] : memref<50176x32xf32, #tpu.memory_space<vmem_shared>> -> memref<64x32xf32, #tpu.memory_space<vmem_shared>>
      %dma_start3A_666 = arith.constant 0 : i32
      %dma_start3A_667 = tpu.memref_slice %arg15[%add3A_234, %dma_start3A_666] : memref<50176x32xf32, #tpu.memory_space<vmem_shared>> -> memref<64x32xf32, #tpu.memory_space<vmem_shared>>
      tpu.enqueue_dma source(%arg13 : memref<64x32xf32, #tpu.memory_space<vmem>>) target(%dma_start3A_667 : memref<64x32xf32, #tpu.memory_space<vmem_shared>>) target_semaphore(%run_scoped3A : memref<!tpu.dma_semaphore, #tpu.memory_space<semaphore_mem>>)
      %dma_wait3A = arith.constant 0 : i32
      %dma_wait3A_668 = tpu.memref_slice %arg15[%add3A_234, %dma_wait3A] : memref<50176x32xf32, #tpu.memory_space<vmem_shared>> -> memref<64x32xf32, #tpu.memory_space<vmem_shared>>
      %dma_wait3A_669 = arith.constant 0 : i32
      %dma_wait3A_670 = tpu.memref_slice %arg15[%add3A_234, %dma_wait3A_669] : memref<50176x32xf32, #tpu.memory_space<vmem_shared>> -> memref<64x32xf32, #tpu.memory_space<vmem_shared>>
      tpu.wait_dma2 semaphore(%run_scoped3A : memref<!tpu.dma_semaphore, #tpu.memory_space<semaphore_mem>>) src(%arg13 : memref<64x32xf32, #tpu.memory_space<vmem>>) dst(%dma_wait3A_670 : memref<64x32xf32, #tpu.memory_space<vmem_shared>>)
      tpu.yield
    }) : () -> ()
    %mul3A_235 = arith.constant 3136 : i32
    %mul3A_236 = arith.muli %arg1, %mul3A_235 : i32
    %add3A_237 = arith.constant 2816 : i32
    %add3A_238 = arith.addi %mul3A_236, %add3A_237 : i32
    "tpu.region"() ({
      %run_scoped3A = tpu.sem_alloc : memref<!tpu.dma_semaphore, #tpu.memory_space<semaphore_mem>>
      %dma_start3A = arith.constant 0 : i32
      %dma_start3A_665 = tpu.memref_slice %arg15[%add3A_238, %dma_start3A] : memref<50176x32xf32, #tpu.memory_space<vmem_shared>> -> memref<64x32xf32, #tpu.memory_space<vmem_shared>>
      %dma_start3A_666 = arith.constant 0 : i32
      %dma_start3A_667 = tpu.memref_slice %arg15[%add3A_238, %dma_start3A_666] : memref<50176x32xf32, #tpu.memory_space<vmem_shared>> -> memref<64x32xf32, #tpu.memory_space<vmem_shared>>
      tpu.enqueue_dma source(%arg13 : memref<64x32xf32, #tpu.memory_space<vmem>>) target(%dma_start3A_667 : memref<64x32xf32, #tpu.memory_space<vmem_shared>>) target_semaphore(%run_scoped3A : memref<!tpu.dma_semaphore, #tpu.memory_space<semaphore_mem>>)
      %dma_wait3A = arith.constant 0 : i32
      %dma_wait3A_668 = tpu.memref_slice %arg15[%add3A_238, %dma_wait3A] : memref<50176x32xf32, #tpu.memory_space<vmem_shared>> -> memref<64x32xf32, #tpu.memory_space<vmem_shared>>
      %dma_wait3A_669 = arith.constant 0 : i32
      %dma_wait3A_670 = tpu.memref_slice %arg15[%add3A_238, %dma_wait3A_669] : memref<50176x32xf32, #tpu.memory_space<vmem_shared>> -> memref<64x32xf32, #tpu.memory_space<vmem_shared>>
      tpu.wait_dma2 semaphore(%run_scoped3A : memref<!tpu.dma_semaphore, #tpu.memory_space<semaphore_mem>>) src(%arg13 : memref<64x32xf32, #tpu.memory_space<vmem>>) dst(%dma_wait3A_670 : memref<64x32xf32, #tpu.memory_space<vmem_shared>>)
      tpu.yield
    }) : () -> ()
    %mul3A_239 = arith.constant 3136 : i32
    %mul3A_240 = arith.muli %arg1, %mul3A_239 : i32
    %add3A_241 = arith.constant 2880 : i32
    %add3A_242 = arith.addi %mul3A_240, %add3A_241 : i32
    "tpu.region"() ({
      %run_scoped3A = tpu.sem_alloc : memref<!tpu.dma_semaphore, #tpu.memory_space<semaphore_mem>>
      %dma_start3A = arith.constant 0 : i32
      %dma_start3A_665 = tpu.memref_slice %arg15[%add3A_242, %dma_start3A] : memref<50176x32xf32, #tpu.memory_space<vmem_shared>> -> memref<64x32xf32, #tpu.memory_space<vmem_shared>>
      %dma_start3A_666 = arith.constant 0 : i32
      %dma_start3A_667 = tpu.memref_slice %arg15[%add3A_242, %dma_start3A_666] : memref<50176x32xf32, #tpu.memory_space<vmem_shared>> -> memref<64x32xf32, #tpu.memory_space<vmem_shared>>
      tpu.enqueue_dma source(%arg13 : memref<64x32xf32, #tpu.memory_space<vmem>>) target(%dma_start3A_667 : memref<64x32xf32, #tpu.memory_space<vmem_shared>>) target_semaphore(%run_scoped3A : memref<!tpu.dma_semaphore, #tpu.memory_space<semaphore_mem>>)
      %dma_wait3A = arith.constant 0 : i32
      %dma_wait3A_668 = tpu.memref_slice %arg15[%add3A_242, %dma_wait3A] : memref<50176x32xf32, #tpu.memory_space<vmem_shared>> -> memref<64x32xf32, #tpu.memory_space<vmem_shared>>
      %dma_wait3A_669 = arith.constant 0 : i32
      %dma_wait3A_670 = tpu.memref_slice %arg15[%add3A_242, %dma_wait3A_669] : memref<50176x32xf32, #tpu.memory_space<vmem_shared>> -> memref<64x32xf32, #tpu.memory_space<vmem_shared>>
      tpu.wait_dma2 semaphore(%run_scoped3A : memref<!tpu.dma_semaphore, #tpu.memory_space<semaphore_mem>>) src(%arg13 : memref<64x32xf32, #tpu.memory_space<vmem>>) dst(%dma_wait3A_670 : memref<64x32xf32, #tpu.memory_space<vmem_shared>>)
      tpu.yield
    }) : () -> ()
    %mul3A_243 = arith.constant 3136 : i32
    %mul3A_244 = arith.muli %arg1, %mul3A_243 : i32
    %add3A_245 = arith.constant 2944 : i32
    %add3A_246 = arith.addi %mul3A_244, %add3A_245 : i32
    "tpu.region"() ({
      %run_scoped3A = tpu.sem_alloc : memref<!tpu.dma_semaphore, #tpu.memory_space<semaphore_mem>>
      %dma_start3A = arith.constant 0 : i32
      %dma_start3A_665 = tpu.memref_slice %arg15[%add3A_246, %dma_start3A] : memref<50176x32xf32, #tpu.memory_space<vmem_shared>> -> memref<64x32xf32, #tpu.memory_space<vmem_shared>>
      %dma_start3A_666 = arith.constant 0 : i32
      %dma_start3A_667 = tpu.memref_slice %arg15[%add3A_246, %dma_start3A_666] : memref<50176x32xf32, #tpu.memory_space<vmem_shared>> -> memref<64x32xf32, #tpu.memory_space<vmem_shared>>
      tpu.enqueue_dma source(%arg13 : memref<64x32xf32, #tpu.memory_space<vmem>>) target(%dma_start3A_667 : memref<64x32xf32, #tpu.memory_space<vmem_shared>>) target_semaphore(%run_scoped3A : memref<!tpu.dma_semaphore, #tpu.memory_space<semaphore_mem>>)
      %dma_wait3A = arith.constant 0 : i32
      %dma_wait3A_668 = tpu.memref_slice %arg15[%add3A_246, %dma_wait3A] : memref<50176x32xf32, #tpu.memory_space<vmem_shared>> -> memref<64x32xf32, #tpu.memory_space<vmem_shared>>
      %dma_wait3A_669 = arith.constant 0 : i32
      %dma_wait3A_670 = tpu.memref_slice %arg15[%add3A_246, %dma_wait3A_669] : memref<50176x32xf32, #tpu.memory_space<vmem_shared>> -> memref<64x32xf32, #tpu.memory_space<vmem_shared>>
      tpu.wait_dma2 semaphore(%run_scoped3A : memref<!tpu.dma_semaphore, #tpu.memory_space<semaphore_mem>>) src(%arg13 : memref<64x32xf32, #tpu.memory_space<vmem>>) dst(%dma_wait3A_670 : memref<64x32xf32, #tpu.memory_space<vmem_shared>>)
      tpu.yield
    }) : () -> ()
    %mul3A_247 = arith.constant 3136 : i32
    %mul3A_248 = arith.muli %arg1, %mul3A_247 : i32
    %add3A_249 = arith.constant 3008 : i32
    %add3A_250 = arith.addi %mul3A_248, %add3A_249 : i32
    "tpu.region"() ({
      %run_scoped3A = tpu.sem_alloc : memref<!tpu.dma_semaphore, #tpu.memory_space<semaphore_mem>>
      %dma_start3A = arith.constant 0 : i32
      %dma_start3A_665 = tpu.memref_slice %arg15[%add3A_250, %dma_start3A] : memref<50176x32xf32, #tpu.memory_space<vmem_shared>> -> memref<64x32xf32, #tpu.memory_space<vmem_shared>>
      %dma_start3A_666 = arith.constant 0 : i32
      %dma_start3A_667 = tpu.memref_slice %arg15[%add3A_250, %dma_start3A_666] : memref<50176x32xf32, #tpu.memory_space<vmem_shared>> -> memref<64x32xf32, #tpu.memory_space<vmem_shared>>
      tpu.enqueue_dma source(%arg13 : memref<64x32xf32, #tpu.memory_space<vmem>>) target(%dma_start3A_667 : memref<64x32xf32, #tpu.memory_space<vmem_shared>>) target_semaphore(%run_scoped3A : memref<!tpu.dma_semaphore, #tpu.memory_space<semaphore_mem>>)
      %dma_wait3A = arith.constant 0 : i32
      %dma_wait3A_668 = tpu.memref_slice %arg15[%add3A_250, %dma_wait3A] : memref<50176x32xf32, #tpu.memory_space<vmem_shared>> -> memref<64x32xf32, #tpu.memory_space<vmem_shared>>
      %dma_wait3A_669 = arith.constant 0 : i32
      %dma_wait3A_670 = tpu.memref_slice %arg15[%add3A_250, %dma_wait3A_669] : memref<50176x32xf32, #tpu.memory_space<vmem_shared>> -> memref<64x32xf32, #tpu.memory_space<vmem_shared>>
      tpu.wait_dma2 semaphore(%run_scoped3A : memref<!tpu.dma_semaphore, #tpu.memory_space<semaphore_mem>>) src(%arg13 : memref<64x32xf32, #tpu.memory_space<vmem>>) dst(%dma_wait3A_670 : memref<64x32xf32, #tpu.memory_space<vmem_shared>>)
      tpu.yield
    }) : () -> ()
    %mul3A_251 = arith.constant 3136 : i32
    %mul3A_252 = arith.muli %arg1, %mul3A_251 : i32
    %add3A_253 = arith.constant 3072 : i32
    %add3A_254 = arith.addi %mul3A_252, %add3A_253 : i32
    "tpu.region"() ({
      %run_scoped3A = tpu.sem_alloc : memref<!tpu.dma_semaphore, #tpu.memory_space<semaphore_mem>>
      %dma_start3A = arith.constant 0 : i32
      %dma_start3A_665 = tpu.memref_slice %arg15[%add3A_254, %dma_start3A] : memref<50176x32xf32, #tpu.memory_space<vmem_shared>> -> memref<64x32xf32, #tpu.memory_space<vmem_shared>>
      %dma_start3A_666 = arith.constant 0 : i32
      %dma_start3A_667 = tpu.memref_slice %arg15[%add3A_254, %dma_start3A_666] : memref<50176x32xf32, #tpu.memory_space<vmem_shared>> -> memref<64x32xf32, #tpu.memory_space<vmem_shared>>
      tpu.enqueue_dma source(%arg13 : memref<64x32xf32, #tpu.memory_space<vmem>>) target(%dma_start3A_667 : memref<64x32xf32, #tpu.memory_space<vmem_shared>>) target_semaphore(%run_scoped3A : memref<!tpu.dma_semaphore, #tpu.memory_space<semaphore_mem>>)
      %dma_wait3A = arith.constant 0 : i32
      %dma_wait3A_668 = tpu.memref_slice %arg15[%add3A_254, %dma_wait3A] : memref<50176x32xf32, #tpu.memory_space<vmem_shared>> -> memref<64x32xf32, #tpu.memory_space<vmem_shared>>
      %dma_wait3A_669 = arith.constant 0 : i32
      %dma_wait3A_670 = tpu.memref_slice %arg15[%add3A_254, %dma_wait3A_669] : memref<50176x32xf32, #tpu.memory_space<vmem_shared>> -> memref<64x32xf32, #tpu.memory_space<vmem_shared>>
      tpu.wait_dma2 semaphore(%run_scoped3A : memref<!tpu.dma_semaphore, #tpu.memory_space<semaphore_mem>>) src(%arg13 : memref<64x32xf32, #tpu.memory_space<vmem>>) dst(%dma_wait3A_670 : memref<64x32xf32, #tpu.memory_space<vmem_shared>>)
      tpu.yield
    }) : () -> ()
    %mul3A_255 = arith.constant 6272 : i32
    %mul3A_256 = arith.muli %arg1, %mul3A_255 : i32
    %add3A_257 = arith.constant 0 : i32
    %add3A_258 = arith.addi %mul3A_256, %add3A_257 : i32
    "tpu.region"() ({
      %run_scoped3A = tpu.sem_alloc : memref<!tpu.dma_semaphore, #tpu.memory_space<semaphore_mem>>
      %dma_start3A = tpu.memref_slice %arg16[%add3A_258] : memref<100352xf32, #tpu.memory_space<vmem_shared>> -> memref<64xf32, #tpu.memory_space<vmem_shared>>
      %dma_start3A_665 = tpu.memref_slice %arg16[%add3A_258] : memref<100352xf32, #tpu.memory_space<vmem_shared>> -> memref<64xf32, #tpu.memory_space<vmem_shared>>
      tpu.enqueue_dma source(%arg14 : memref<64xf32, #tpu.memory_space<vmem>>) target(%dma_start3A_665 : memref<64xf32, #tpu.memory_space<vmem_shared>>) target_semaphore(%run_scoped3A : memref<!tpu.dma_semaphore, #tpu.memory_space<semaphore_mem>>)
      %dma_wait3A = tpu.memref_slice %arg16[%add3A_258] : memref<100352xf32, #tpu.memory_space<vmem_shared>> -> memref<64xf32, #tpu.memory_space<vmem_shared>>
      %dma_wait3A_666 = tpu.memref_slice %arg16[%add3A_258] : memref<100352xf32, #tpu.memory_space<vmem_shared>> -> memref<64xf32, #tpu.memory_space<vmem_shared>>
      tpu.wait_dma2 semaphore(%run_scoped3A : memref<!tpu.dma_semaphore, #tpu.memory_space<semaphore_mem>>) src(%arg14 : memref<64xf32, #tpu.memory_space<vmem>>) dst(%dma_wait3A_666 : memref<64xf32, #tpu.memory_space<vmem_shared>>)
      tpu.yield
    }) : () -> ()
    %mul3A_259 = arith.constant 6272 : i32
    %mul3A_260 = arith.muli %arg1, %mul3A_259 : i32
    %add3A_261 = arith.constant 64 : i32
    %add3A_262 = arith.addi %mul3A_260, %add3A_261 : i32
    "tpu.region"() ({
      %run_scoped3A = tpu.sem_alloc : memref<!tpu.dma_semaphore, #tpu.memory_space<semaphore_mem>>
      %dma_start3A = tpu.memref_slice %arg16[%add3A_262] : memref<100352xf32, #tpu.memory_space<vmem_shared>> -> memref<64xf32, #tpu.memory_space<vmem_shared>>
      %dma_start3A_665 = tpu.memref_slice %arg16[%add3A_262] : memref<100352xf32, #tpu.memory_space<vmem_shared>> -> memref<64xf32, #tpu.memory_space<vmem_shared>>
      tpu.enqueue_dma source(%arg14 : memref<64xf32, #tpu.memory_space<vmem>>) target(%dma_start3A_665 : memref<64xf32, #tpu.memory_space<vmem_shared>>) target_semaphore(%run_scoped3A : memref<!tpu.dma_semaphore, #tpu.memory_space<semaphore_mem>>)
      %dma_wait3A = tpu.memref_slice %arg16[%add3A_262] : memref<100352xf32, #tpu.memory_space<vmem_shared>> -> memref<64xf32, #tpu.memory_space<vmem_shared>>
      %dma_wait3A_666 = tpu.memref_slice %arg16[%add3A_262] : memref<100352xf32, #tpu.memory_space<vmem_shared>> -> memref<64xf32, #tpu.memory_space<vmem_shared>>
      tpu.wait_dma2 semaphore(%run_scoped3A : memref<!tpu.dma_semaphore, #tpu.memory_space<semaphore_mem>>) src(%arg14 : memref<64xf32, #tpu.memory_space<vmem>>) dst(%dma_wait3A_666 : memref<64xf32, #tpu.memory_space<vmem_shared>>)
      tpu.yield
    }) : () -> ()
    %mul3A_263 = arith.constant 6272 : i32
    %mul3A_264 = arith.muli %arg1, %mul3A_263 : i32
    %add3A_265 = arith.constant 128 : i32
    %add3A_266 = arith.addi %mul3A_264, %add3A_265 : i32
    "tpu.region"() ({
      %run_scoped3A = tpu.sem_alloc : memref<!tpu.dma_semaphore, #tpu.memory_space<semaphore_mem>>
      %dma_start3A = tpu.memref_slice %arg16[%add3A_266] : memref<100352xf32, #tpu.memory_space<vmem_shared>> -> memref<64xf32, #tpu.memory_space<vmem_shared>>
      %dma_start3A_665 = tpu.memref_slice %arg16[%add3A_266] : memref<100352xf32, #tpu.memory_space<vmem_shared>> -> memref<64xf32, #tpu.memory_space<vmem_shared>>
      tpu.enqueue_dma source(%arg14 : memref<64xf32, #tpu.memory_space<vmem>>) target(%dma_start3A_665 : memref<64xf32, #tpu.memory_space<vmem_shared>>) target_semaphore(%run_scoped3A : memref<!tpu.dma_semaphore, #tpu.memory_space<semaphore_mem>>)
      %dma_wait3A = tpu.memref_slice %arg16[%add3A_266] : memref<100352xf32, #tpu.memory_space<vmem_shared>> -> memref<64xf32, #tpu.memory_space<vmem_shared>>
      %dma_wait3A_666 = tpu.memref_slice %arg16[%add3A_266] : memref<100352xf32, #tpu.memory_space<vmem_shared>> -> memref<64xf32, #tpu.memory_space<vmem_shared>>
      tpu.wait_dma2 semaphore(%run_scoped3A : memref<!tpu.dma_semaphore, #tpu.memory_space<semaphore_mem>>) src(%arg14 : memref<64xf32, #tpu.memory_space<vmem>>) dst(%dma_wait3A_666 : memref<64xf32, #tpu.memory_space<vmem_shared>>)
      tpu.yield
    }) : () -> ()
    %mul3A_267 = arith.constant 6272 : i32
    %mul3A_268 = arith.muli %arg1, %mul3A_267 : i32
    %add3A_269 = arith.constant 192 : i32
    %add3A_270 = arith.addi %mul3A_268, %add3A_269 : i32
    "tpu.region"() ({
      %run_scoped3A = tpu.sem_alloc : memref<!tpu.dma_semaphore, #tpu.memory_space<semaphore_mem>>
      %dma_start3A = tpu.memref_slice %arg16[%add3A_270] : memref<100352xf32, #tpu.memory_space<vmem_shared>> -> memref<64xf32, #tpu.memory_space<vmem_shared>>
      %dma_start3A_665 = tpu.memref_slice %arg16[%add3A_270] : memref<100352xf32, #tpu.memory_space<vmem_shared>> -> memref<64xf32, #tpu.memory_space<vmem_shared>>
      tpu.enqueue_dma source(%arg14 : memref<64xf32, #tpu.memory_space<vmem>>) target(%dma_start3A_665 : memref<64xf32, #tpu.memory_space<vmem_shared>>) target_semaphore(%run_scoped3A : memref<!tpu.dma_semaphore, #tpu.memory_space<semaphore_mem>>)
      %dma_wait3A = tpu.memref_slice %arg16[%add3A_270] : memref<100352xf32, #tpu.memory_space<vmem_shared>> -> memref<64xf32, #tpu.memory_space<vmem_shared>>
      %dma_wait3A_666 = tpu.memref_slice %arg16[%add3A_270] : memref<100352xf32, #tpu.memory_space<vmem_shared>> -> memref<64xf32, #tpu.memory_space<vmem_shared>>
      tpu.wait_dma2 semaphore(%run_scoped3A : memref<!tpu.dma_semaphore, #tpu.memory_space<semaphore_mem>>) src(%arg14 : memref<64xf32, #tpu.memory_space<vmem>>) dst(%dma_wait3A_666 : memref<64xf32, #tpu.memory_space<vmem_shared>>)
      tpu.yield
    }) : () -> ()
    %mul3A_271 = arith.constant 6272 : i32
    %mul3A_272 = arith.muli %arg1, %mul3A_271 : i32
    %add3A_273 = arith.constant 256 : i32
    %add3A_274 = arith.addi %mul3A_272, %add3A_273 : i32
    "tpu.region"() ({
      %run_scoped3A = tpu.sem_alloc : memref<!tpu.dma_semaphore, #tpu.memory_space<semaphore_mem>>
      %dma_start3A = tpu.memref_slice %arg16[%add3A_274] : memref<100352xf32, #tpu.memory_space<vmem_shared>> -> memref<64xf32, #tpu.memory_space<vmem_shared>>
      %dma_start3A_665 = tpu.memref_slice %arg16[%add3A_274] : memref<100352xf32, #tpu.memory_space<vmem_shared>> -> memref<64xf32, #tpu.memory_space<vmem_shared>>
      tpu.enqueue_dma source(%arg14 : memref<64xf32, #tpu.memory_space<vmem>>) target(%dma_start3A_665 : memref<64xf32, #tpu.memory_space<vmem_shared>>) target_semaphore(%run_scoped3A : memref<!tpu.dma_semaphore, #tpu.memory_space<semaphore_mem>>)
      %dma_wait3A = tpu.memref_slice %arg16[%add3A_274] : memref<100352xf32, #tpu.memory_space<vmem_shared>> -> memref<64xf32, #tpu.memory_space<vmem_shared>>
      %dma_wait3A_666 = tpu.memref_slice %arg16[%add3A_274] : memref<100352xf32, #tpu.memory_space<vmem_shared>> -> memref<64xf32, #tpu.memory_space<vmem_shared>>
      tpu.wait_dma2 semaphore(%run_scoped3A : memref<!tpu.dma_semaphore, #tpu.memory_space<semaphore_mem>>) src(%arg14 : memref<64xf32, #tpu.memory_space<vmem>>) dst(%dma_wait3A_666 : memref<64xf32, #tpu.memory_space<vmem_shared>>)
      tpu.yield
    }) : () -> ()
    %mul3A_275 = arith.constant 6272 : i32
    %mul3A_276 = arith.muli %arg1, %mul3A_275 : i32
    %add3A_277 = arith.constant 320 : i32
    %add3A_278 = arith.addi %mul3A_276, %add3A_277 : i32
    "tpu.region"() ({
      %run_scoped3A = tpu.sem_alloc : memref<!tpu.dma_semaphore, #tpu.memory_space<semaphore_mem>>
      %dma_start3A = tpu.memref_slice %arg16[%add3A_278] : memref<100352xf32, #tpu.memory_space<vmem_shared>> -> memref<64xf32, #tpu.memory_space<vmem_shared>>
      %dma_start3A_665 = tpu.memref_slice %arg16[%add3A_278] : memref<100352xf32, #tpu.memory_space<vmem_shared>> -> memref<64xf32, #tpu.memory_space<vmem_shared>>
      tpu.enqueue_dma source(%arg14 : memref<64xf32, #tpu.memory_space<vmem>>) target(%dma_start3A_665 : memref<64xf32, #tpu.memory_space<vmem_shared>>) target_semaphore(%run_scoped3A : memref<!tpu.dma_semaphore, #tpu.memory_space<semaphore_mem>>)
      %dma_wait3A = tpu.memref_slice %arg16[%add3A_278] : memref<100352xf32, #tpu.memory_space<vmem_shared>> -> memref<64xf32, #tpu.memory_space<vmem_shared>>
      %dma_wait3A_666 = tpu.memref_slice %arg16[%add3A_278] : memref<100352xf32, #tpu.memory_space<vmem_shared>> -> memref<64xf32, #tpu.memory_space<vmem_shared>>
      tpu.wait_dma2 semaphore(%run_scoped3A : memref<!tpu.dma_semaphore, #tpu.memory_space<semaphore_mem>>) src(%arg14 : memref<64xf32, #tpu.memory_space<vmem>>) dst(%dma_wait3A_666 : memref<64xf32, #tpu.memory_space<vmem_shared>>)
      tpu.yield
    }) : () -> ()
    %mul3A_279 = arith.constant 6272 : i32
    %mul3A_280 = arith.muli %arg1, %mul3A_279 : i32
    %add3A_281 = arith.constant 384 : i32
    %add3A_282 = arith.addi %mul3A_280, %add3A_281 : i32
    "tpu.region"() ({
      %run_scoped3A = tpu.sem_alloc : memref<!tpu.dma_semaphore, #tpu.memory_space<semaphore_mem>>
      %dma_start3A = tpu.memref_slice %arg16[%add3A_282] : memref<100352xf32, #tpu.memory_space<vmem_shared>> -> memref<64xf32, #tpu.memory_space<vmem_shared>>
      %dma_start3A_665 = tpu.memref_slice %arg16[%add3A_282] : memref<100352xf32, #tpu.memory_space<vmem_shared>> -> memref<64xf32, #tpu.memory_space<vmem_shared>>
      tpu.enqueue_dma source(%arg14 : memref<64xf32, #tpu.memory_space<vmem>>) target(%dma_start3A_665 : memref<64xf32, #tpu.memory_space<vmem_shared>>) target_semaphore(%run_scoped3A : memref<!tpu.dma_semaphore, #tpu.memory_space<semaphore_mem>>)
      %dma_wait3A = tpu.memref_slice %arg16[%add3A_282] : memref<100352xf32, #tpu.memory_space<vmem_shared>> -> memref<64xf32, #tpu.memory_space<vmem_shared>>
      %dma_wait3A_666 = tpu.memref_slice %arg16[%add3A_282] : memref<100352xf32, #tpu.memory_space<vmem_shared>> -> memref<64xf32, #tpu.memory_space<vmem_shared>>
      tpu.wait_dma2 semaphore(%run_scoped3A : memref<!tpu.dma_semaphore, #tpu.memory_space<semaphore_mem>>) src(%arg14 : memref<64xf32, #tpu.memory_space<vmem>>) dst(%dma_wait3A_666 : memref<64xf32, #tpu.memory_space<vmem_shared>>)
      tpu.yield
    }) : () -> ()
    %mul3A_283 = arith.constant 6272 : i32
    %mul3A_284 = arith.muli %arg1, %mul3A_283 : i32
    %add3A_285 = arith.constant 448 : i32
    %add3A_286 = arith.addi %mul3A_284, %add3A_285 : i32
    "tpu.region"() ({
      %run_scoped3A = tpu.sem_alloc : memref<!tpu.dma_semaphore, #tpu.memory_space<semaphore_mem>>
      %dma_start3A = tpu.memref_slice %arg16[%add3A_286] : memref<100352xf32, #tpu.memory_space<vmem_shared>> -> memref<64xf32, #tpu.memory_space<vmem_shared>>
      %dma_start3A_665 = tpu.memref_slice %arg16[%add3A_286] : memref<100352xf32, #tpu.memory_space<vmem_shared>> -> memref<64xf32, #tpu.memory_space<vmem_shared>>
      tpu.enqueue_dma source(%arg14 : memref<64xf32, #tpu.memory_space<vmem>>) target(%dma_start3A_665 : memref<64xf32, #tpu.memory_space<vmem_shared>>) target_semaphore(%run_scoped3A : memref<!tpu.dma_semaphore, #tpu.memory_space<semaphore_mem>>)
      %dma_wait3A = tpu.memref_slice %arg16[%add3A_286] : memref<100352xf32, #tpu.memory_space<vmem_shared>> -> memref<64xf32, #tpu.memory_space<vmem_shared>>
      %dma_wait3A_666 = tpu.memref_slice %arg16[%add3A_286] : memref<100352xf32, #tpu.memory_space<vmem_shared>> -> memref<64xf32, #tpu.memory_space<vmem_shared>>
      tpu.wait_dma2 semaphore(%run_scoped3A : memref<!tpu.dma_semaphore, #tpu.memory_space<semaphore_mem>>) src(%arg14 : memref<64xf32, #tpu.memory_space<vmem>>) dst(%dma_wait3A_666 : memref<64xf32, #tpu.memory_space<vmem_shared>>)
      tpu.yield
    }) : () -> ()
    %mul3A_287 = arith.constant 6272 : i32
    %mul3A_288 = arith.muli %arg1, %mul3A_287 : i32
    %add3A_289 = arith.constant 512 : i32
    %add3A_290 = arith.addi %mul3A_288, %add3A_289 : i32
    "tpu.region"() ({
      %run_scoped3A = tpu.sem_alloc : memref<!tpu.dma_semaphore, #tpu.memory_space<semaphore_mem>>
      %dma_start3A = tpu.memref_slice %arg16[%add3A_290] : memref<100352xf32, #tpu.memory_space<vmem_shared>> -> memref<64xf32, #tpu.memory_space<vmem_shared>>
      %dma_start3A_665 = tpu.memref_slice %arg16[%add3A_290] : memref<100352xf32, #tpu.memory_space<vmem_shared>> -> memref<64xf32, #tpu.memory_space<vmem_shared>>
      tpu.enqueue_dma source(%arg14 : memref<64xf32, #tpu.memory_space<vmem>>) target(%dma_start3A_665 : memref<64xf32, #tpu.memory_space<vmem_shared>>) target_semaphore(%run_scoped3A : memref<!tpu.dma_semaphore, #tpu.memory_space<semaphore_mem>>)
      %dma_wait3A = tpu.memref_slice %arg16[%add3A_290] : memref<100352xf32, #tpu.memory_space<vmem_shared>> -> memref<64xf32, #tpu.memory_space<vmem_shared>>
      %dma_wait3A_666 = tpu.memref_slice %arg16[%add3A_290] : memref<100352xf32, #tpu.memory_space<vmem_shared>> -> memref<64xf32, #tpu.memory_space<vmem_shared>>
      tpu.wait_dma2 semaphore(%run_scoped3A : memref<!tpu.dma_semaphore, #tpu.memory_space<semaphore_mem>>) src(%arg14 : memref<64xf32, #tpu.memory_space<vmem>>) dst(%dma_wait3A_666 : memref<64xf32, #tpu.memory_space<vmem_shared>>)
      tpu.yield
    }) : () -> ()
    %mul3A_291 = arith.constant 6272 : i32
    %mul3A_292 = arith.muli %arg1, %mul3A_291 : i32
    %add3A_293 = arith.constant 576 : i32
    %add3A_294 = arith.addi %mul3A_292, %add3A_293 : i32
    "tpu.region"() ({
      %run_scoped3A = tpu.sem_alloc : memref<!tpu.dma_semaphore, #tpu.memory_space<semaphore_mem>>
      %dma_start3A = tpu.memref_slice %arg16[%add3A_294] : memref<100352xf32, #tpu.memory_space<vmem_shared>> -> memref<64xf32, #tpu.memory_space<vmem_shared>>
      %dma_start3A_665 = tpu.memref_slice %arg16[%add3A_294] : memref<100352xf32, #tpu.memory_space<vmem_shared>> -> memref<64xf32, #tpu.memory_space<vmem_shared>>
      tpu.enqueue_dma source(%arg14 : memref<64xf32, #tpu.memory_space<vmem>>) target(%dma_start3A_665 : memref<64xf32, #tpu.memory_space<vmem_shared>>) target_semaphore(%run_scoped3A : memref<!tpu.dma_semaphore, #tpu.memory_space<semaphore_mem>>)
      %dma_wait3A = tpu.memref_slice %arg16[%add3A_294] : memref<100352xf32, #tpu.memory_space<vmem_shared>> -> memref<64xf32, #tpu.memory_space<vmem_shared>>
      %dma_wait3A_666 = tpu.memref_slice %arg16[%add3A_294] : memref<100352xf32, #tpu.memory_space<vmem_shared>> -> memref<64xf32, #tpu.memory_space<vmem_shared>>
      tpu.wait_dma2 semaphore(%run_scoped3A : memref<!tpu.dma_semaphore, #tpu.memory_space<semaphore_mem>>) src(%arg14 : memref<64xf32, #tpu.memory_space<vmem>>) dst(%dma_wait3A_666 : memref<64xf32, #tpu.memory_space<vmem_shared>>)
      tpu.yield
    }) : () -> ()
    %mul3A_295 = arith.constant 6272 : i32
    %mul3A_296 = arith.muli %arg1, %mul3A_295 : i32
    %add3A_297 = arith.constant 640 : i32
    %add3A_298 = arith.addi %mul3A_296, %add3A_297 : i32
    "tpu.region"() ({
      %run_scoped3A = tpu.sem_alloc : memref<!tpu.dma_semaphore, #tpu.memory_space<semaphore_mem>>
      %dma_start3A = tpu.memref_slice %arg16[%add3A_298] : memref<100352xf32, #tpu.memory_space<vmem_shared>> -> memref<64xf32, #tpu.memory_space<vmem_shared>>
      %dma_start3A_665 = tpu.memref_slice %arg16[%add3A_298] : memref<100352xf32, #tpu.memory_space<vmem_shared>> -> memref<64xf32, #tpu.memory_space<vmem_shared>>
      tpu.enqueue_dma source(%arg14 : memref<64xf32, #tpu.memory_space<vmem>>) target(%dma_start3A_665 : memref<64xf32, #tpu.memory_space<vmem_shared>>) target_semaphore(%run_scoped3A : memref<!tpu.dma_semaphore, #tpu.memory_space<semaphore_mem>>)
      %dma_wait3A = tpu.memref_slice %arg16[%add3A_298] : memref<100352xf32, #tpu.memory_space<vmem_shared>> -> memref<64xf32, #tpu.memory_space<vmem_shared>>
      %dma_wait3A_666 = tpu.memref_slice %arg16[%add3A_298] : memref<100352xf32, #tpu.memory_space<vmem_shared>> -> memref<64xf32, #tpu.memory_space<vmem_shared>>
      tpu.wait_dma2 semaphore(%run_scoped3A : memref<!tpu.dma_semaphore, #tpu.memory_space<semaphore_mem>>) src(%arg14 : memref<64xf32, #tpu.memory_space<vmem>>) dst(%dma_wait3A_666 : memref<64xf32, #tpu.memory_space<vmem_shared>>)
      tpu.yield
    }) : () -> ()
    %mul3A_299 = arith.constant 6272 : i32
    %mul3A_300 = arith.muli %arg1, %mul3A_299 : i32
    %add3A_301 = arith.constant 704 : i32
    %add3A_302 = arith.addi %mul3A_300, %add3A_301 : i32
    "tpu.region"() ({
      %run_scoped3A = tpu.sem_alloc : memref<!tpu.dma_semaphore, #tpu.memory_space<semaphore_mem>>
      %dma_start3A = tpu.memref_slice %arg16[%add3A_302] : memref<100352xf32, #tpu.memory_space<vmem_shared>> -> memref<64xf32, #tpu.memory_space<vmem_shared>>
      %dma_start3A_665 = tpu.memref_slice %arg16[%add3A_302] : memref<100352xf32, #tpu.memory_space<vmem_shared>> -> memref<64xf32, #tpu.memory_space<vmem_shared>>
      tpu.enqueue_dma source(%arg14 : memref<64xf32, #tpu.memory_space<vmem>>) target(%dma_start3A_665 : memref<64xf32, #tpu.memory_space<vmem_shared>>) target_semaphore(%run_scoped3A : memref<!tpu.dma_semaphore, #tpu.memory_space<semaphore_mem>>)
      %dma_wait3A = tpu.memref_slice %arg16[%add3A_302] : memref<100352xf32, #tpu.memory_space<vmem_shared>> -> memref<64xf32, #tpu.memory_space<vmem_shared>>
      %dma_wait3A_666 = tpu.memref_slice %arg16[%add3A_302] : memref<100352xf32, #tpu.memory_space<vmem_shared>> -> memref<64xf32, #tpu.memory_space<vmem_shared>>
      tpu.wait_dma2 semaphore(%run_scoped3A : memref<!tpu.dma_semaphore, #tpu.memory_space<semaphore_mem>>) src(%arg14 : memref<64xf32, #tpu.memory_space<vmem>>) dst(%dma_wait3A_666 : memref<64xf32, #tpu.memory_space<vmem_shared>>)
      tpu.yield
    }) : () -> ()
    %mul3A_303 = arith.constant 6272 : i32
    %mul3A_304 = arith.muli %arg1, %mul3A_303 : i32
    %add3A_305 = arith.constant 768 : i32
    %add3A_306 = arith.addi %mul3A_304, %add3A_305 : i32
    "tpu.region"() ({
      %run_scoped3A = tpu.sem_alloc : memref<!tpu.dma_semaphore, #tpu.memory_space<semaphore_mem>>
      %dma_start3A = tpu.memref_slice %arg16[%add3A_306] : memref<100352xf32, #tpu.memory_space<vmem_shared>> -> memref<64xf32, #tpu.memory_space<vmem_shared>>
      %dma_start3A_665 = tpu.memref_slice %arg16[%add3A_306] : memref<100352xf32, #tpu.memory_space<vmem_shared>> -> memref<64xf32, #tpu.memory_space<vmem_shared>>
      tpu.enqueue_dma source(%arg14 : memref<64xf32, #tpu.memory_space<vmem>>) target(%dma_start3A_665 : memref<64xf32, #tpu.memory_space<vmem_shared>>) target_semaphore(%run_scoped3A : memref<!tpu.dma_semaphore, #tpu.memory_space<semaphore_mem>>)
      %dma_wait3A = tpu.memref_slice %arg16[%add3A_306] : memref<100352xf32, #tpu.memory_space<vmem_shared>> -> memref<64xf32, #tpu.memory_space<vmem_shared>>
      %dma_wait3A_666 = tpu.memref_slice %arg16[%add3A_306] : memref<100352xf32, #tpu.memory_space<vmem_shared>> -> memref<64xf32, #tpu.memory_space<vmem_shared>>
      tpu.wait_dma2 semaphore(%run_scoped3A : memref<!tpu.dma_semaphore, #tpu.memory_space<semaphore_mem>>) src(%arg14 : memref<64xf32, #tpu.memory_space<vmem>>) dst(%dma_wait3A_666 : memref<64xf32, #tpu.memory_space<vmem_shared>>)
      tpu.yield
    }) : () -> ()
    %mul3A_307 = arith.constant 6272 : i32
    %mul3A_308 = arith.muli %arg1, %mul3A_307 : i32
    %add3A_309 = arith.constant 832 : i32
    %add3A_310 = arith.addi %mul3A_308, %add3A_309 : i32
    "tpu.region"() ({
      %run_scoped3A = tpu.sem_alloc : memref<!tpu.dma_semaphore, #tpu.memory_space<semaphore_mem>>
      %dma_start3A = tpu.memref_slice %arg16[%add3A_310] : memref<100352xf32, #tpu.memory_space<vmem_shared>> -> memref<64xf32, #tpu.memory_space<vmem_shared>>
      %dma_start3A_665 = tpu.memref_slice %arg16[%add3A_310] : memref<100352xf32, #tpu.memory_space<vmem_shared>> -> memref<64xf32, #tpu.memory_space<vmem_shared>>
      tpu.enqueue_dma source(%arg14 : memref<64xf32, #tpu.memory_space<vmem>>) target(%dma_start3A_665 : memref<64xf32, #tpu.memory_space<vmem_shared>>) target_semaphore(%run_scoped3A : memref<!tpu.dma_semaphore, #tpu.memory_space<semaphore_mem>>)
      %dma_wait3A = tpu.memref_slice %arg16[%add3A_310] : memref<100352xf32, #tpu.memory_space<vmem_shared>> -> memref<64xf32, #tpu.memory_space<vmem_shared>>
      %dma_wait3A_666 = tpu.memref_slice %arg16[%add3A_310] : memref<100352xf32, #tpu.memory_space<vmem_shared>> -> memref<64xf32, #tpu.memory_space<vmem_shared>>
      tpu.wait_dma2 semaphore(%run_scoped3A : memref<!tpu.dma_semaphore, #tpu.memory_space<semaphore_mem>>) src(%arg14 : memref<64xf32, #tpu.memory_space<vmem>>) dst(%dma_wait3A_666 : memref<64xf32, #tpu.memory_space<vmem_shared>>)
      tpu.yield
    }) : () -> ()
    %mul3A_311 = arith.constant 6272 : i32
    %mul3A_312 = arith.muli %arg1, %mul3A_311 : i32
    %add3A_313 = arith.constant 896 : i32
    %add3A_314 = arith.addi %mul3A_312, %add3A_313 : i32
    "tpu.region"() ({
      %run_scoped3A = tpu.sem_alloc : memref<!tpu.dma_semaphore, #tpu.memory_space<semaphore_mem>>
      %dma_start3A = tpu.memref_slice %arg16[%add3A_314] : memref<100352xf32, #tpu.memory_space<vmem_shared>> -> memref<64xf32, #tpu.memory_space<vmem_shared>>
      %dma_start3A_665 = tpu.memref_slice %arg16[%add3A_314] : memref<100352xf32, #tpu.memory_space<vmem_shared>> -> memref<64xf32, #tpu.memory_space<vmem_shared>>
      tpu.enqueue_dma source(%arg14 : memref<64xf32, #tpu.memory_space<vmem>>) target(%dma_start3A_665 : memref<64xf32, #tpu.memory_space<vmem_shared>>) target_semaphore(%run_scoped3A : memref<!tpu.dma_semaphore, #tpu.memory_space<semaphore_mem>>)
      %dma_wait3A = tpu.memref_slice %arg16[%add3A_314] : memref<100352xf32, #tpu.memory_space<vmem_shared>> -> memref<64xf32, #tpu.memory_space<vmem_shared>>
      %dma_wait3A_666 = tpu.memref_slice %arg16[%add3A_314] : memref<100352xf32, #tpu.memory_space<vmem_shared>> -> memref<64xf32, #tpu.memory_space<vmem_shared>>
      tpu.wait_dma2 semaphore(%run_scoped3A : memref<!tpu.dma_semaphore, #tpu.memory_space<semaphore_mem>>) src(%arg14 : memref<64xf32, #tpu.memory_space<vmem>>) dst(%dma_wait3A_666 : memref<64xf32, #tpu.memory_space<vmem_shared>>)
      tpu.yield
    }) : () -> ()
    %mul3A_315 = arith.constant 6272 : i32
    %mul3A_316 = arith.muli %arg1, %mul3A_315 : i32
    %add3A_317 = arith.constant 960 : i32
    %add3A_318 = arith.addi %mul3A_316, %add3A_317 : i32
    "tpu.region"() ({
      %run_scoped3A = tpu.sem_alloc : memref<!tpu.dma_semaphore, #tpu.memory_space<semaphore_mem>>
      %dma_start3A = tpu.memref_slice %arg16[%add3A_318] : memref<100352xf32, #tpu.memory_space<vmem_shared>> -> memref<64xf32, #tpu.memory_space<vmem_shared>>
      %dma_start3A_665 = tpu.memref_slice %arg16[%add3A_318] : memref<100352xf32, #tpu.memory_space<vmem_shared>> -> memref<64xf32, #tpu.memory_space<vmem_shared>>
      tpu.enqueue_dma source(%arg14 : memref<64xf32, #tpu.memory_space<vmem>>) target(%dma_start3A_665 : memref<64xf32, #tpu.memory_space<vmem_shared>>) target_semaphore(%run_scoped3A : memref<!tpu.dma_semaphore, #tpu.memory_space<semaphore_mem>>)
      %dma_wait3A = tpu.memref_slice %arg16[%add3A_318] : memref<100352xf32, #tpu.memory_space<vmem_shared>> -> memref<64xf32, #tpu.memory_space<vmem_shared>>
      %dma_wait3A_666 = tpu.memref_slice %arg16[%add3A_318] : memref<100352xf32, #tpu.memory_space<vmem_shared>> -> memref<64xf32, #tpu.memory_space<vmem_shared>>
      tpu.wait_dma2 semaphore(%run_scoped3A : memref<!tpu.dma_semaphore, #tpu.memory_space<semaphore_mem>>) src(%arg14 : memref<64xf32, #tpu.memory_space<vmem>>) dst(%dma_wait3A_666 : memref<64xf32, #tpu.memory_space<vmem_shared>>)
      tpu.yield
    }) : () -> ()
    %mul3A_319 = arith.constant 6272 : i32
    %mul3A_320 = arith.muli %arg1, %mul3A_319 : i32
    %add3A_321 = arith.constant 1024 : i32
    %add3A_322 = arith.addi %mul3A_320, %add3A_321 : i32
    "tpu.region"() ({
      %run_scoped3A = tpu.sem_alloc : memref<!tpu.dma_semaphore, #tpu.memory_space<semaphore_mem>>
      %dma_start3A = tpu.memref_slice %arg16[%add3A_322] : memref<100352xf32, #tpu.memory_space<vmem_shared>> -> memref<64xf32, #tpu.memory_space<vmem_shared>>
      %dma_start3A_665 = tpu.memref_slice %arg16[%add3A_322] : memref<100352xf32, #tpu.memory_space<vmem_shared>> -> memref<64xf32, #tpu.memory_space<vmem_shared>>
      tpu.enqueue_dma source(%arg14 : memref<64xf32, #tpu.memory_space<vmem>>) target(%dma_start3A_665 : memref<64xf32, #tpu.memory_space<vmem_shared>>) target_semaphore(%run_scoped3A : memref<!tpu.dma_semaphore, #tpu.memory_space<semaphore_mem>>)
      %dma_wait3A = tpu.memref_slice %arg16[%add3A_322] : memref<100352xf32, #tpu.memory_space<vmem_shared>> -> memref<64xf32, #tpu.memory_space<vmem_shared>>
      %dma_wait3A_666 = tpu.memref_slice %arg16[%add3A_322] : memref<100352xf32, #tpu.memory_space<vmem_shared>> -> memref<64xf32, #tpu.memory_space<vmem_shared>>
      tpu.wait_dma2 semaphore(%run_scoped3A : memref<!tpu.dma_semaphore, #tpu.memory_space<semaphore_mem>>) src(%arg14 : memref<64xf32, #tpu.memory_space<vmem>>) dst(%dma_wait3A_666 : memref<64xf32, #tpu.memory_space<vmem_shared>>)
      tpu.yield
    }) : () -> ()
    %mul3A_323 = arith.constant 6272 : i32
    %mul3A_324 = arith.muli %arg1, %mul3A_323 : i32
    %add3A_325 = arith.constant 1088 : i32
    %add3A_326 = arith.addi %mul3A_324, %add3A_325 : i32
    "tpu.region"() ({
      %run_scoped3A = tpu.sem_alloc : memref<!tpu.dma_semaphore, #tpu.memory_space<semaphore_mem>>
      %dma_start3A = tpu.memref_slice %arg16[%add3A_326] : memref<100352xf32, #tpu.memory_space<vmem_shared>> -> memref<64xf32, #tpu.memory_space<vmem_shared>>
      %dma_start3A_665 = tpu.memref_slice %arg16[%add3A_326] : memref<100352xf32, #tpu.memory_space<vmem_shared>> -> memref<64xf32, #tpu.memory_space<vmem_shared>>
      tpu.enqueue_dma source(%arg14 : memref<64xf32, #tpu.memory_space<vmem>>) target(%dma_start3A_665 : memref<64xf32, #tpu.memory_space<vmem_shared>>) target_semaphore(%run_scoped3A : memref<!tpu.dma_semaphore, #tpu.memory_space<semaphore_mem>>)
      %dma_wait3A = tpu.memref_slice %arg16[%add3A_326] : memref<100352xf32, #tpu.memory_space<vmem_shared>> -> memref<64xf32, #tpu.memory_space<vmem_shared>>
      %dma_wait3A_666 = tpu.memref_slice %arg16[%add3A_326] : memref<100352xf32, #tpu.memory_space<vmem_shared>> -> memref<64xf32, #tpu.memory_space<vmem_shared>>
      tpu.wait_dma2 semaphore(%run_scoped3A : memref<!tpu.dma_semaphore, #tpu.memory_space<semaphore_mem>>) src(%arg14 : memref<64xf32, #tpu.memory_space<vmem>>) dst(%dma_wait3A_666 : memref<64xf32, #tpu.memory_space<vmem_shared>>)
      tpu.yield
    }) : () -> ()
    %mul3A_327 = arith.constant 6272 : i32
    %mul3A_328 = arith.muli %arg1, %mul3A_327 : i32
    %add3A_329 = arith.constant 1152 : i32
    %add3A_330 = arith.addi %mul3A_328, %add3A_329 : i32
    "tpu.region"() ({
      %run_scoped3A = tpu.sem_alloc : memref<!tpu.dma_semaphore, #tpu.memory_space<semaphore_mem>>
      %dma_start3A = tpu.memref_slice %arg16[%add3A_330] : memref<100352xf32, #tpu.memory_space<vmem_shared>> -> memref<64xf32, #tpu.memory_space<vmem_shared>>
      %dma_start3A_665 = tpu.memref_slice %arg16[%add3A_330] : memref<100352xf32, #tpu.memory_space<vmem_shared>> -> memref<64xf32, #tpu.memory_space<vmem_shared>>
      tpu.enqueue_dma source(%arg14 : memref<64xf32, #tpu.memory_space<vmem>>) target(%dma_start3A_665 : memref<64xf32, #tpu.memory_space<vmem_shared>>) target_semaphore(%run_scoped3A : memref<!tpu.dma_semaphore, #tpu.memory_space<semaphore_mem>>)
      %dma_wait3A = tpu.memref_slice %arg16[%add3A_330] : memref<100352xf32, #tpu.memory_space<vmem_shared>> -> memref<64xf32, #tpu.memory_space<vmem_shared>>
      %dma_wait3A_666 = tpu.memref_slice %arg16[%add3A_330] : memref<100352xf32, #tpu.memory_space<vmem_shared>> -> memref<64xf32, #tpu.memory_space<vmem_shared>>
      tpu.wait_dma2 semaphore(%run_scoped3A : memref<!tpu.dma_semaphore, #tpu.memory_space<semaphore_mem>>) src(%arg14 : memref<64xf32, #tpu.memory_space<vmem>>) dst(%dma_wait3A_666 : memref<64xf32, #tpu.memory_space<vmem_shared>>)
      tpu.yield
    }) : () -> ()
    %mul3A_331 = arith.constant 6272 : i32
    %mul3A_332 = arith.muli %arg1, %mul3A_331 : i32
    %add3A_333 = arith.constant 1216 : i32
    %add3A_334 = arith.addi %mul3A_332, %add3A_333 : i32
    "tpu.region"() ({
      %run_scoped3A = tpu.sem_alloc : memref<!tpu.dma_semaphore, #tpu.memory_space<semaphore_mem>>
      %dma_start3A = tpu.memref_slice %arg16[%add3A_334] : memref<100352xf32, #tpu.memory_space<vmem_shared>> -> memref<64xf32, #tpu.memory_space<vmem_shared>>
      %dma_start3A_665 = tpu.memref_slice %arg16[%add3A_334] : memref<100352xf32, #tpu.memory_space<vmem_shared>> -> memref<64xf32, #tpu.memory_space<vmem_shared>>
      tpu.enqueue_dma source(%arg14 : memref<64xf32, #tpu.memory_space<vmem>>) target(%dma_start3A_665 : memref<64xf32, #tpu.memory_space<vmem_shared>>) target_semaphore(%run_scoped3A : memref<!tpu.dma_semaphore, #tpu.memory_space<semaphore_mem>>)
      %dma_wait3A = tpu.memref_slice %arg16[%add3A_334] : memref<100352xf32, #tpu.memory_space<vmem_shared>> -> memref<64xf32, #tpu.memory_space<vmem_shared>>
      %dma_wait3A_666 = tpu.memref_slice %arg16[%add3A_334] : memref<100352xf32, #tpu.memory_space<vmem_shared>> -> memref<64xf32, #tpu.memory_space<vmem_shared>>
      tpu.wait_dma2 semaphore(%run_scoped3A : memref<!tpu.dma_semaphore, #tpu.memory_space<semaphore_mem>>) src(%arg14 : memref<64xf32, #tpu.memory_space<vmem>>) dst(%dma_wait3A_666 : memref<64xf32, #tpu.memory_space<vmem_shared>>)
      tpu.yield
    }) : () -> ()
    %mul3A_335 = arith.constant 6272 : i32
    %mul3A_336 = arith.muli %arg1, %mul3A_335 : i32
    %add3A_337 = arith.constant 1280 : i32
    %add3A_338 = arith.addi %mul3A_336, %add3A_337 : i32
    "tpu.region"() ({
      %run_scoped3A = tpu.sem_alloc : memref<!tpu.dma_semaphore, #tpu.memory_space<semaphore_mem>>
      %dma_start3A = tpu.memref_slice %arg16[%add3A_338] : memref<100352xf32, #tpu.memory_space<vmem_shared>> -> memref<64xf32, #tpu.memory_space<vmem_shared>>
      %dma_start3A_665 = tpu.memref_slice %arg16[%add3A_338] : memref<100352xf32, #tpu.memory_space<vmem_shared>> -> memref<64xf32, #tpu.memory_space<vmem_shared>>
      tpu.enqueue_dma source(%arg14 : memref<64xf32, #tpu.memory_space<vmem>>) target(%dma_start3A_665 : memref<64xf32, #tpu.memory_space<vmem_shared>>) target_semaphore(%run_scoped3A : memref<!tpu.dma_semaphore, #tpu.memory_space<semaphore_mem>>)
      %dma_wait3A = tpu.memref_slice %arg16[%add3A_338] : memref<100352xf32, #tpu.memory_space<vmem_shared>> -> memref<64xf32, #tpu.memory_space<vmem_shared>>
      %dma_wait3A_666 = tpu.memref_slice %arg16[%add3A_338] : memref<100352xf32, #tpu.memory_space<vmem_shared>> -> memref<64xf32, #tpu.memory_space<vmem_shared>>
      tpu.wait_dma2 semaphore(%run_scoped3A : memref<!tpu.dma_semaphore, #tpu.memory_space<semaphore_mem>>) src(%arg14 : memref<64xf32, #tpu.memory_space<vmem>>) dst(%dma_wait3A_666 : memref<64xf32, #tpu.memory_space<vmem_shared>>)
      tpu.yield
    }) : () -> ()
    %mul3A_339 = arith.constant 6272 : i32
    %mul3A_340 = arith.muli %arg1, %mul3A_339 : i32
    %add3A_341 = arith.constant 1344 : i32
    %add3A_342 = arith.addi %mul3A_340, %add3A_341 : i32
    "tpu.region"() ({
      %run_scoped3A = tpu.sem_alloc : memref<!tpu.dma_semaphore, #tpu.memory_space<semaphore_mem>>
      %dma_start3A = tpu.memref_slice %arg16[%add3A_342] : memref<100352xf32, #tpu.memory_space<vmem_shared>> -> memref<64xf32, #tpu.memory_space<vmem_shared>>
      %dma_start3A_665 = tpu.memref_slice %arg16[%add3A_342] : memref<100352xf32, #tpu.memory_space<vmem_shared>> -> memref<64xf32, #tpu.memory_space<vmem_shared>>
      tpu.enqueue_dma source(%arg14 : memref<64xf32, #tpu.memory_space<vmem>>) target(%dma_start3A_665 : memref<64xf32, #tpu.memory_space<vmem_shared>>) target_semaphore(%run_scoped3A : memref<!tpu.dma_semaphore, #tpu.memory_space<semaphore_mem>>)
      %dma_wait3A = tpu.memref_slice %arg16[%add3A_342] : memref<100352xf32, #tpu.memory_space<vmem_shared>> -> memref<64xf32, #tpu.memory_space<vmem_shared>>
      %dma_wait3A_666 = tpu.memref_slice %arg16[%add3A_342] : memref<100352xf32, #tpu.memory_space<vmem_shared>> -> memref<64xf32, #tpu.memory_space<vmem_shared>>
      tpu.wait_dma2 semaphore(%run_scoped3A : memref<!tpu.dma_semaphore, #tpu.memory_space<semaphore_mem>>) src(%arg14 : memref<64xf32, #tpu.memory_space<vmem>>) dst(%dma_wait3A_666 : memref<64xf32, #tpu.memory_space<vmem_shared>>)
      tpu.yield
    }) : () -> ()
    %mul3A_343 = arith.constant 6272 : i32
    %mul3A_344 = arith.muli %arg1, %mul3A_343 : i32
    %add3A_345 = arith.constant 1408 : i32
    %add3A_346 = arith.addi %mul3A_344, %add3A_345 : i32
    "tpu.region"() ({
      %run_scoped3A = tpu.sem_alloc : memref<!tpu.dma_semaphore, #tpu.memory_space<semaphore_mem>>
      %dma_start3A = tpu.memref_slice %arg16[%add3A_346] : memref<100352xf32, #tpu.memory_space<vmem_shared>> -> memref<64xf32, #tpu.memory_space<vmem_shared>>
      %dma_start3A_665 = tpu.memref_slice %arg16[%add3A_346] : memref<100352xf32, #tpu.memory_space<vmem_shared>> -> memref<64xf32, #tpu.memory_space<vmem_shared>>
      tpu.enqueue_dma source(%arg14 : memref<64xf32, #tpu.memory_space<vmem>>) target(%dma_start3A_665 : memref<64xf32, #tpu.memory_space<vmem_shared>>) target_semaphore(%run_scoped3A : memref<!tpu.dma_semaphore, #tpu.memory_space<semaphore_mem>>)
      %dma_wait3A = tpu.memref_slice %arg16[%add3A_346] : memref<100352xf32, #tpu.memory_space<vmem_shared>> -> memref<64xf32, #tpu.memory_space<vmem_shared>>
      %dma_wait3A_666 = tpu.memref_slice %arg16[%add3A_346] : memref<100352xf32, #tpu.memory_space<vmem_shared>> -> memref<64xf32, #tpu.memory_space<vmem_shared>>
      tpu.wait_dma2 semaphore(%run_scoped3A : memref<!tpu.dma_semaphore, #tpu.memory_space<semaphore_mem>>) src(%arg14 : memref<64xf32, #tpu.memory_space<vmem>>) dst(%dma_wait3A_666 : memref<64xf32, #tpu.memory_space<vmem_shared>>)
      tpu.yield
    }) : () -> ()
    %mul3A_347 = arith.constant 6272 : i32
    %mul3A_348 = arith.muli %arg1, %mul3A_347 : i32
    %add3A_349 = arith.constant 1472 : i32
    %add3A_350 = arith.addi %mul3A_348, %add3A_349 : i32
    "tpu.region"() ({
      %run_scoped3A = tpu.sem_alloc : memref<!tpu.dma_semaphore, #tpu.memory_space<semaphore_mem>>
      %dma_start3A = tpu.memref_slice %arg16[%add3A_350] : memref<100352xf32, #tpu.memory_space<vmem_shared>> -> memref<64xf32, #tpu.memory_space<vmem_shared>>
      %dma_start3A_665 = tpu.memref_slice %arg16[%add3A_350] : memref<100352xf32, #tpu.memory_space<vmem_shared>> -> memref<64xf32, #tpu.memory_space<vmem_shared>>
      tpu.enqueue_dma source(%arg14 : memref<64xf32, #tpu.memory_space<vmem>>) target(%dma_start3A_665 : memref<64xf32, #tpu.memory_space<vmem_shared>>) target_semaphore(%run_scoped3A : memref<!tpu.dma_semaphore, #tpu.memory_space<semaphore_mem>>)
      %dma_wait3A = tpu.memref_slice %arg16[%add3A_350] : memref<100352xf32, #tpu.memory_space<vmem_shared>> -> memref<64xf32, #tpu.memory_space<vmem_shared>>
      %dma_wait3A_666 = tpu.memref_slice %arg16[%add3A_350] : memref<100352xf32, #tpu.memory_space<vmem_shared>> -> memref<64xf32, #tpu.memory_space<vmem_shared>>
      tpu.wait_dma2 semaphore(%run_scoped3A : memref<!tpu.dma_semaphore, #tpu.memory_space<semaphore_mem>>) src(%arg14 : memref<64xf32, #tpu.memory_space<vmem>>) dst(%dma_wait3A_666 : memref<64xf32, #tpu.memory_space<vmem_shared>>)
      tpu.yield
    }) : () -> ()
    %mul3A_351 = arith.constant 6272 : i32
    %mul3A_352 = arith.muli %arg1, %mul3A_351 : i32
    %add3A_353 = arith.constant 1536 : i32
    %add3A_354 = arith.addi %mul3A_352, %add3A_353 : i32
    "tpu.region"() ({
      %run_scoped3A = tpu.sem_alloc : memref<!tpu.dma_semaphore, #tpu.memory_space<semaphore_mem>>
      %dma_start3A = tpu.memref_slice %arg16[%add3A_354] : memref<100352xf32, #tpu.memory_space<vmem_shared>> -> memref<64xf32, #tpu.memory_space<vmem_shared>>
      %dma_start3A_665 = tpu.memref_slice %arg16[%add3A_354] : memref<100352xf32, #tpu.memory_space<vmem_shared>> -> memref<64xf32, #tpu.memory_space<vmem_shared>>
      tpu.enqueue_dma source(%arg14 : memref<64xf32, #tpu.memory_space<vmem>>) target(%dma_start3A_665 : memref<64xf32, #tpu.memory_space<vmem_shared>>) target_semaphore(%run_scoped3A : memref<!tpu.dma_semaphore, #tpu.memory_space<semaphore_mem>>)
      %dma_wait3A = tpu.memref_slice %arg16[%add3A_354] : memref<100352xf32, #tpu.memory_space<vmem_shared>> -> memref<64xf32, #tpu.memory_space<vmem_shared>>
      %dma_wait3A_666 = tpu.memref_slice %arg16[%add3A_354] : memref<100352xf32, #tpu.memory_space<vmem_shared>> -> memref<64xf32, #tpu.memory_space<vmem_shared>>
      tpu.wait_dma2 semaphore(%run_scoped3A : memref<!tpu.dma_semaphore, #tpu.memory_space<semaphore_mem>>) src(%arg14 : memref<64xf32, #tpu.memory_space<vmem>>) dst(%dma_wait3A_666 : memref<64xf32, #tpu.memory_space<vmem_shared>>)
      tpu.yield
    }) : () -> ()
    %mul3A_355 = arith.constant 6272 : i32
    %mul3A_356 = arith.muli %arg1, %mul3A_355 : i32
    %add3A_357 = arith.constant 1600 : i32
    %add3A_358 = arith.addi %mul3A_356, %add3A_357 : i32
    "tpu.region"() ({
      %run_scoped3A = tpu.sem_alloc : memref<!tpu.dma_semaphore, #tpu.memory_space<semaphore_mem>>
      %dma_start3A = tpu.memref_slice %arg16[%add3A_358] : memref<100352xf32, #tpu.memory_space<vmem_shared>> -> memref<64xf32, #tpu.memory_space<vmem_shared>>
      %dma_start3A_665 = tpu.memref_slice %arg16[%add3A_358] : memref<100352xf32, #tpu.memory_space<vmem_shared>> -> memref<64xf32, #tpu.memory_space<vmem_shared>>
      tpu.enqueue_dma source(%arg14 : memref<64xf32, #tpu.memory_space<vmem>>) target(%dma_start3A_665 : memref<64xf32, #tpu.memory_space<vmem_shared>>) target_semaphore(%run_scoped3A : memref<!tpu.dma_semaphore, #tpu.memory_space<semaphore_mem>>)
      %dma_wait3A = tpu.memref_slice %arg16[%add3A_358] : memref<100352xf32, #tpu.memory_space<vmem_shared>> -> memref<64xf32, #tpu.memory_space<vmem_shared>>
      %dma_wait3A_666 = tpu.memref_slice %arg16[%add3A_358] : memref<100352xf32, #tpu.memory_space<vmem_shared>> -> memref<64xf32, #tpu.memory_space<vmem_shared>>
      tpu.wait_dma2 semaphore(%run_scoped3A : memref<!tpu.dma_semaphore, #tpu.memory_space<semaphore_mem>>) src(%arg14 : memref<64xf32, #tpu.memory_space<vmem>>) dst(%dma_wait3A_666 : memref<64xf32, #tpu.memory_space<vmem_shared>>)
      tpu.yield
    }) : () -> ()
    %mul3A_359 = arith.constant 6272 : i32
    %mul3A_360 = arith.muli %arg1, %mul3A_359 : i32
    %add3A_361 = arith.constant 1664 : i32
    %add3A_362 = arith.addi %mul3A_360, %add3A_361 : i32
    "tpu.region"() ({
      %run_scoped3A = tpu.sem_alloc : memref<!tpu.dma_semaphore, #tpu.memory_space<semaphore_mem>>
      %dma_start3A = tpu.memref_slice %arg16[%add3A_362] : memref<100352xf32, #tpu.memory_space<vmem_shared>> -> memref<64xf32, #tpu.memory_space<vmem_shared>>
      %dma_start3A_665 = tpu.memref_slice %arg16[%add3A_362] : memref<100352xf32, #tpu.memory_space<vmem_shared>> -> memref<64xf32, #tpu.memory_space<vmem_shared>>
      tpu.enqueue_dma source(%arg14 : memref<64xf32, #tpu.memory_space<vmem>>) target(%dma_start3A_665 : memref<64xf32, #tpu.memory_space<vmem_shared>>) target_semaphore(%run_scoped3A : memref<!tpu.dma_semaphore, #tpu.memory_space<semaphore_mem>>)
      %dma_wait3A = tpu.memref_slice %arg16[%add3A_362] : memref<100352xf32, #tpu.memory_space<vmem_shared>> -> memref<64xf32, #tpu.memory_space<vmem_shared>>
      %dma_wait3A_666 = tpu.memref_slice %arg16[%add3A_362] : memref<100352xf32, #tpu.memory_space<vmem_shared>> -> memref<64xf32, #tpu.memory_space<vmem_shared>>
      tpu.wait_dma2 semaphore(%run_scoped3A : memref<!tpu.dma_semaphore, #tpu.memory_space<semaphore_mem>>) src(%arg14 : memref<64xf32, #tpu.memory_space<vmem>>) dst(%dma_wait3A_666 : memref<64xf32, #tpu.memory_space<vmem_shared>>)
      tpu.yield
    }) : () -> ()
    %mul3A_363 = arith.constant 6272 : i32
    %mul3A_364 = arith.muli %arg1, %mul3A_363 : i32
    %add3A_365 = arith.constant 1728 : i32
    %add3A_366 = arith.addi %mul3A_364, %add3A_365 : i32
    "tpu.region"() ({
      %run_scoped3A = tpu.sem_alloc : memref<!tpu.dma_semaphore, #tpu.memory_space<semaphore_mem>>
      %dma_start3A = tpu.memref_slice %arg16[%add3A_366] : memref<100352xf32, #tpu.memory_space<vmem_shared>> -> memref<64xf32, #tpu.memory_space<vmem_shared>>
      %dma_start3A_665 = tpu.memref_slice %arg16[%add3A_366] : memref<100352xf32, #tpu.memory_space<vmem_shared>> -> memref<64xf32, #tpu.memory_space<vmem_shared>>
      tpu.enqueue_dma source(%arg14 : memref<64xf32, #tpu.memory_space<vmem>>) target(%dma_start3A_665 : memref<64xf32, #tpu.memory_space<vmem_shared>>) target_semaphore(%run_scoped3A : memref<!tpu.dma_semaphore, #tpu.memory_space<semaphore_mem>>)
      %dma_wait3A = tpu.memref_slice %arg16[%add3A_366] : memref<100352xf32, #tpu.memory_space<vmem_shared>> -> memref<64xf32, #tpu.memory_space<vmem_shared>>
      %dma_wait3A_666 = tpu.memref_slice %arg16[%add3A_366] : memref<100352xf32, #tpu.memory_space<vmem_shared>> -> memref<64xf32, #tpu.memory_space<vmem_shared>>
      tpu.wait_dma2 semaphore(%run_scoped3A : memref<!tpu.dma_semaphore, #tpu.memory_space<semaphore_mem>>) src(%arg14 : memref<64xf32, #tpu.memory_space<vmem>>) dst(%dma_wait3A_666 : memref<64xf32, #tpu.memory_space<vmem_shared>>)
      tpu.yield
    }) : () -> ()
    %mul3A_367 = arith.constant 6272 : i32
    %mul3A_368 = arith.muli %arg1, %mul3A_367 : i32
    %add3A_369 = arith.constant 1792 : i32
    %add3A_370 = arith.addi %mul3A_368, %add3A_369 : i32
    "tpu.region"() ({
      %run_scoped3A = tpu.sem_alloc : memref<!tpu.dma_semaphore, #tpu.memory_space<semaphore_mem>>
      %dma_start3A = tpu.memref_slice %arg16[%add3A_370] : memref<100352xf32, #tpu.memory_space<vmem_shared>> -> memref<64xf32, #tpu.memory_space<vmem_shared>>
      %dma_start3A_665 = tpu.memref_slice %arg16[%add3A_370] : memref<100352xf32, #tpu.memory_space<vmem_shared>> -> memref<64xf32, #tpu.memory_space<vmem_shared>>
      tpu.enqueue_dma source(%arg14 : memref<64xf32, #tpu.memory_space<vmem>>) target(%dma_start3A_665 : memref<64xf32, #tpu.memory_space<vmem_shared>>) target_semaphore(%run_scoped3A : memref<!tpu.dma_semaphore, #tpu.memory_space<semaphore_mem>>)
      %dma_wait3A = tpu.memref_slice %arg16[%add3A_370] : memref<100352xf32, #tpu.memory_space<vmem_shared>> -> memref<64xf32, #tpu.memory_space<vmem_shared>>
      %dma_wait3A_666 = tpu.memref_slice %arg16[%add3A_370] : memref<100352xf32, #tpu.memory_space<vmem_shared>> -> memref<64xf32, #tpu.memory_space<vmem_shared>>
      tpu.wait_dma2 semaphore(%run_scoped3A : memref<!tpu.dma_semaphore, #tpu.memory_space<semaphore_mem>>) src(%arg14 : memref<64xf32, #tpu.memory_space<vmem>>) dst(%dma_wait3A_666 : memref<64xf32, #tpu.memory_space<vmem_shared>>)
      tpu.yield
    }) : () -> ()
    %mul3A_371 = arith.constant 6272 : i32
    %mul3A_372 = arith.muli %arg1, %mul3A_371 : i32
    %add3A_373 = arith.constant 1856 : i32
    %add3A_374 = arith.addi %mul3A_372, %add3A_373 : i32
    "tpu.region"() ({
      %run_scoped3A = tpu.sem_alloc : memref<!tpu.dma_semaphore, #tpu.memory_space<semaphore_mem>>
      %dma_start3A = tpu.memref_slice %arg16[%add3A_374] : memref<100352xf32, #tpu.memory_space<vmem_shared>> -> memref<64xf32, #tpu.memory_space<vmem_shared>>
      %dma_start3A_665 = tpu.memref_slice %arg16[%add3A_374] : memref<100352xf32, #tpu.memory_space<vmem_shared>> -> memref<64xf32, #tpu.memory_space<vmem_shared>>
      tpu.enqueue_dma source(%arg14 : memref<64xf32, #tpu.memory_space<vmem>>) target(%dma_start3A_665 : memref<64xf32, #tpu.memory_space<vmem_shared>>) target_semaphore(%run_scoped3A : memref<!tpu.dma_semaphore, #tpu.memory_space<semaphore_mem>>)
      %dma_wait3A = tpu.memref_slice %arg16[%add3A_374] : memref<100352xf32, #tpu.memory_space<vmem_shared>> -> memref<64xf32, #tpu.memory_space<vmem_shared>>
      %dma_wait3A_666 = tpu.memref_slice %arg16[%add3A_374] : memref<100352xf32, #tpu.memory_space<vmem_shared>> -> memref<64xf32, #tpu.memory_space<vmem_shared>>
      tpu.wait_dma2 semaphore(%run_scoped3A : memref<!tpu.dma_semaphore, #tpu.memory_space<semaphore_mem>>) src(%arg14 : memref<64xf32, #tpu.memory_space<vmem>>) dst(%dma_wait3A_666 : memref<64xf32, #tpu.memory_space<vmem_shared>>)
      tpu.yield
    }) : () -> ()
    %mul3A_375 = arith.constant 6272 : i32
    %mul3A_376 = arith.muli %arg1, %mul3A_375 : i32
    %add3A_377 = arith.constant 1920 : i32
    %add3A_378 = arith.addi %mul3A_376, %add3A_377 : i32
    "tpu.region"() ({
      %run_scoped3A = tpu.sem_alloc : memref<!tpu.dma_semaphore, #tpu.memory_space<semaphore_mem>>
      %dma_start3A = tpu.memref_slice %arg16[%add3A_378] : memref<100352xf32, #tpu.memory_space<vmem_shared>> -> memref<64xf32, #tpu.memory_space<vmem_shared>>
      %dma_start3A_665 = tpu.memref_slice %arg16[%add3A_378] : memref<100352xf32, #tpu.memory_space<vmem_shared>> -> memref<64xf32, #tpu.memory_space<vmem_shared>>
      tpu.enqueue_dma source(%arg14 : memref<64xf32, #tpu.memory_space<vmem>>) target(%dma_start3A_665 : memref<64xf32, #tpu.memory_space<vmem_shared>>) target_semaphore(%run_scoped3A : memref<!tpu.dma_semaphore, #tpu.memory_space<semaphore_mem>>)
      %dma_wait3A = tpu.memref_slice %arg16[%add3A_378] : memref<100352xf32, #tpu.memory_space<vmem_shared>> -> memref<64xf32, #tpu.memory_space<vmem_shared>>
      %dma_wait3A_666 = tpu.memref_slice %arg16[%add3A_378] : memref<100352xf32, #tpu.memory_space<vmem_shared>> -> memref<64xf32, #tpu.memory_space<vmem_shared>>
      tpu.wait_dma2 semaphore(%run_scoped3A : memref<!tpu.dma_semaphore, #tpu.memory_space<semaphore_mem>>) src(%arg14 : memref<64xf32, #tpu.memory_space<vmem>>) dst(%dma_wait3A_666 : memref<64xf32, #tpu.memory_space<vmem_shared>>)
      tpu.yield
    }) : () -> ()
    %mul3A_379 = arith.constant 6272 : i32
    %mul3A_380 = arith.muli %arg1, %mul3A_379 : i32
    %add3A_381 = arith.constant 1984 : i32
    %add3A_382 = arith.addi %mul3A_380, %add3A_381 : i32
    "tpu.region"() ({
      %run_scoped3A = tpu.sem_alloc : memref<!tpu.dma_semaphore, #tpu.memory_space<semaphore_mem>>
      %dma_start3A = tpu.memref_slice %arg16[%add3A_382] : memref<100352xf32, #tpu.memory_space<vmem_shared>> -> memref<64xf32, #tpu.memory_space<vmem_shared>>
      %dma_start3A_665 = tpu.memref_slice %arg16[%add3A_382] : memref<100352xf32, #tpu.memory_space<vmem_shared>> -> memref<64xf32, #tpu.memory_space<vmem_shared>>
      tpu.enqueue_dma source(%arg14 : memref<64xf32, #tpu.memory_space<vmem>>) target(%dma_start3A_665 : memref<64xf32, #tpu.memory_space<vmem_shared>>) target_semaphore(%run_scoped3A : memref<!tpu.dma_semaphore, #tpu.memory_space<semaphore_mem>>)
      %dma_wait3A = tpu.memref_slice %arg16[%add3A_382] : memref<100352xf32, #tpu.memory_space<vmem_shared>> -> memref<64xf32, #tpu.memory_space<vmem_shared>>
      %dma_wait3A_666 = tpu.memref_slice %arg16[%add3A_382] : memref<100352xf32, #tpu.memory_space<vmem_shared>> -> memref<64xf32, #tpu.memory_space<vmem_shared>>
      tpu.wait_dma2 semaphore(%run_scoped3A : memref<!tpu.dma_semaphore, #tpu.memory_space<semaphore_mem>>) src(%arg14 : memref<64xf32, #tpu.memory_space<vmem>>) dst(%dma_wait3A_666 : memref<64xf32, #tpu.memory_space<vmem_shared>>)
      tpu.yield
    }) : () -> ()
    %mul3A_383 = arith.constant 6272 : i32
    %mul3A_384 = arith.muli %arg1, %mul3A_383 : i32
    %add3A_385 = arith.constant 2048 : i32
    %add3A_386 = arith.addi %mul3A_384, %add3A_385 : i32
    "tpu.region"() ({
      %run_scoped3A = tpu.sem_alloc : memref<!tpu.dma_semaphore, #tpu.memory_space<semaphore_mem>>
      %dma_start3A = tpu.memref_slice %arg16[%add3A_386] : memref<100352xf32, #tpu.memory_space<vmem_shared>> -> memref<64xf32, #tpu.memory_space<vmem_shared>>
      %dma_start3A_665 = tpu.memref_slice %arg16[%add3A_386] : memref<100352xf32, #tpu.memory_space<vmem_shared>> -> memref<64xf32, #tpu.memory_space<vmem_shared>>
      tpu.enqueue_dma source(%arg14 : memref<64xf32, #tpu.memory_space<vmem>>) target(%dma_start3A_665 : memref<64xf32, #tpu.memory_space<vmem_shared>>) target_semaphore(%run_scoped3A : memref<!tpu.dma_semaphore, #tpu.memory_space<semaphore_mem>>)
      %dma_wait3A = tpu.memref_slice %arg16[%add3A_386] : memref<100352xf32, #tpu.memory_space<vmem_shared>> -> memref<64xf32, #tpu.memory_space<vmem_shared>>
      %dma_wait3A_666 = tpu.memref_slice %arg16[%add3A_386] : memref<100352xf32, #tpu.memory_space<vmem_shared>> -> memref<64xf32, #tpu.memory_space<vmem_shared>>
      tpu.wait_dma2 semaphore(%run_scoped3A : memref<!tpu.dma_semaphore, #tpu.memory_space<semaphore_mem>>) src(%arg14 : memref<64xf32, #tpu.memory_space<vmem>>) dst(%dma_wait3A_666 : memref<64xf32, #tpu.memory_space<vmem_shared>>)
      tpu.yield
    }) : () -> ()
    %mul3A_387 = arith.constant 6272 : i32
    %mul3A_388 = arith.muli %arg1, %mul3A_387 : i32
    %add3A_389 = arith.constant 2112 : i32
    %add3A_390 = arith.addi %mul3A_388, %add3A_389 : i32
    "tpu.region"() ({
      %run_scoped3A = tpu.sem_alloc : memref<!tpu.dma_semaphore, #tpu.memory_space<semaphore_mem>>
      %dma_start3A = tpu.memref_slice %arg16[%add3A_390] : memref<100352xf32, #tpu.memory_space<vmem_shared>> -> memref<64xf32, #tpu.memory_space<vmem_shared>>
      %dma_start3A_665 = tpu.memref_slice %arg16[%add3A_390] : memref<100352xf32, #tpu.memory_space<vmem_shared>> -> memref<64xf32, #tpu.memory_space<vmem_shared>>
      tpu.enqueue_dma source(%arg14 : memref<64xf32, #tpu.memory_space<vmem>>) target(%dma_start3A_665 : memref<64xf32, #tpu.memory_space<vmem_shared>>) target_semaphore(%run_scoped3A : memref<!tpu.dma_semaphore, #tpu.memory_space<semaphore_mem>>)
      %dma_wait3A = tpu.memref_slice %arg16[%add3A_390] : memref<100352xf32, #tpu.memory_space<vmem_shared>> -> memref<64xf32, #tpu.memory_space<vmem_shared>>
      %dma_wait3A_666 = tpu.memref_slice %arg16[%add3A_390] : memref<100352xf32, #tpu.memory_space<vmem_shared>> -> memref<64xf32, #tpu.memory_space<vmem_shared>>
      tpu.wait_dma2 semaphore(%run_scoped3A : memref<!tpu.dma_semaphore, #tpu.memory_space<semaphore_mem>>) src(%arg14 : memref<64xf32, #tpu.memory_space<vmem>>) dst(%dma_wait3A_666 : memref<64xf32, #tpu.memory_space<vmem_shared>>)
      tpu.yield
    }) : () -> ()
    %mul3A_391 = arith.constant 6272 : i32
    %mul3A_392 = arith.muli %arg1, %mul3A_391 : i32
    %add3A_393 = arith.constant 2176 : i32
    %add3A_394 = arith.addi %mul3A_392, %add3A_393 : i32
    "tpu.region"() ({
      %run_scoped3A = tpu.sem_alloc : memref<!tpu.dma_semaphore, #tpu.memory_space<semaphore_mem>>
      %dma_start3A = tpu.memref_slice %arg16[%add3A_394] : memref<100352xf32, #tpu.memory_space<vmem_shared>> -> memref<64xf32, #tpu.memory_space<vmem_shared>>
      %dma_start3A_665 = tpu.memref_slice %arg16[%add3A_394] : memref<100352xf32, #tpu.memory_space<vmem_shared>> -> memref<64xf32, #tpu.memory_space<vmem_shared>>
      tpu.enqueue_dma source(%arg14 : memref<64xf32, #tpu.memory_space<vmem>>) target(%dma_start3A_665 : memref<64xf32, #tpu.memory_space<vmem_shared>>) target_semaphore(%run_scoped3A : memref<!tpu.dma_semaphore, #tpu.memory_space<semaphore_mem>>)
      %dma_wait3A = tpu.memref_slice %arg16[%add3A_394] : memref<100352xf32, #tpu.memory_space<vmem_shared>> -> memref<64xf32, #tpu.memory_space<vmem_shared>>
      %dma_wait3A_666 = tpu.memref_slice %arg16[%add3A_394] : memref<100352xf32, #tpu.memory_space<vmem_shared>> -> memref<64xf32, #tpu.memory_space<vmem_shared>>
      tpu.wait_dma2 semaphore(%run_scoped3A : memref<!tpu.dma_semaphore, #tpu.memory_space<semaphore_mem>>) src(%arg14 : memref<64xf32, #tpu.memory_space<vmem>>) dst(%dma_wait3A_666 : memref<64xf32, #tpu.memory_space<vmem_shared>>)
      tpu.yield
    }) : () -> ()
    %mul3A_395 = arith.constant 6272 : i32
    %mul3A_396 = arith.muli %arg1, %mul3A_395 : i32
    %add3A_397 = arith.constant 2240 : i32
    %add3A_398 = arith.addi %mul3A_396, %add3A_397 : i32
    "tpu.region"() ({
      %run_scoped3A = tpu.sem_alloc : memref<!tpu.dma_semaphore, #tpu.memory_space<semaphore_mem>>
      %dma_start3A = tpu.memref_slice %arg16[%add3A_398] : memref<100352xf32, #tpu.memory_space<vmem_shared>> -> memref<64xf32, #tpu.memory_space<vmem_shared>>
      %dma_start3A_665 = tpu.memref_slice %arg16[%add3A_398] : memref<100352xf32, #tpu.memory_space<vmem_shared>> -> memref<64xf32, #tpu.memory_space<vmem_shared>>
      tpu.enqueue_dma source(%arg14 : memref<64xf32, #tpu.memory_space<vmem>>) target(%dma_start3A_665 : memref<64xf32, #tpu.memory_space<vmem_shared>>) target_semaphore(%run_scoped3A : memref<!tpu.dma_semaphore, #tpu.memory_space<semaphore_mem>>)
      %dma_wait3A = tpu.memref_slice %arg16[%add3A_398] : memref<100352xf32, #tpu.memory_space<vmem_shared>> -> memref<64xf32, #tpu.memory_space<vmem_shared>>
      %dma_wait3A_666 = tpu.memref_slice %arg16[%add3A_398] : memref<100352xf32, #tpu.memory_space<vmem_shared>> -> memref<64xf32, #tpu.memory_space<vmem_shared>>
      tpu.wait_dma2 semaphore(%run_scoped3A : memref<!tpu.dma_semaphore, #tpu.memory_space<semaphore_mem>>) src(%arg14 : memref<64xf32, #tpu.memory_space<vmem>>) dst(%dma_wait3A_666 : memref<64xf32, #tpu.memory_space<vmem_shared>>)
      tpu.yield
    }) : () -> ()
    %mul3A_399 = arith.constant 6272 : i32
    %mul3A_400 = arith.muli %arg1, %mul3A_399 : i32
    %add3A_401 = arith.constant 2304 : i32
    %add3A_402 = arith.addi %mul3A_400, %add3A_401 : i32
    "tpu.region"() ({
      %run_scoped3A = tpu.sem_alloc : memref<!tpu.dma_semaphore, #tpu.memory_space<semaphore_mem>>
      %dma_start3A = tpu.memref_slice %arg16[%add3A_402] : memref<100352xf32, #tpu.memory_space<vmem_shared>> -> memref<64xf32, #tpu.memory_space<vmem_shared>>
      %dma_start3A_665 = tpu.memref_slice %arg16[%add3A_402] : memref<100352xf32, #tpu.memory_space<vmem_shared>> -> memref<64xf32, #tpu.memory_space<vmem_shared>>
      tpu.enqueue_dma source(%arg14 : memref<64xf32, #tpu.memory_space<vmem>>) target(%dma_start3A_665 : memref<64xf32, #tpu.memory_space<vmem_shared>>) target_semaphore(%run_scoped3A : memref<!tpu.dma_semaphore, #tpu.memory_space<semaphore_mem>>)
      %dma_wait3A = tpu.memref_slice %arg16[%add3A_402] : memref<100352xf32, #tpu.memory_space<vmem_shared>> -> memref<64xf32, #tpu.memory_space<vmem_shared>>
      %dma_wait3A_666 = tpu.memref_slice %arg16[%add3A_402] : memref<100352xf32, #tpu.memory_space<vmem_shared>> -> memref<64xf32, #tpu.memory_space<vmem_shared>>
      tpu.wait_dma2 semaphore(%run_scoped3A : memref<!tpu.dma_semaphore, #tpu.memory_space<semaphore_mem>>) src(%arg14 : memref<64xf32, #tpu.memory_space<vmem>>) dst(%dma_wait3A_666 : memref<64xf32, #tpu.memory_space<vmem_shared>>)
      tpu.yield
    }) : () -> ()
    %mul3A_403 = arith.constant 6272 : i32
    %mul3A_404 = arith.muli %arg1, %mul3A_403 : i32
    %add3A_405 = arith.constant 2368 : i32
    %add3A_406 = arith.addi %mul3A_404, %add3A_405 : i32
    "tpu.region"() ({
      %run_scoped3A = tpu.sem_alloc : memref<!tpu.dma_semaphore, #tpu.memory_space<semaphore_mem>>
      %dma_start3A = tpu.memref_slice %arg16[%add3A_406] : memref<100352xf32, #tpu.memory_space<vmem_shared>> -> memref<64xf32, #tpu.memory_space<vmem_shared>>
      %dma_start3A_665 = tpu.memref_slice %arg16[%add3A_406] : memref<100352xf32, #tpu.memory_space<vmem_shared>> -> memref<64xf32, #tpu.memory_space<vmem_shared>>
      tpu.enqueue_dma source(%arg14 : memref<64xf32, #tpu.memory_space<vmem>>) target(%dma_start3A_665 : memref<64xf32, #tpu.memory_space<vmem_shared>>) target_semaphore(%run_scoped3A : memref<!tpu.dma_semaphore, #tpu.memory_space<semaphore_mem>>)
      %dma_wait3A = tpu.memref_slice %arg16[%add3A_406] : memref<100352xf32, #tpu.memory_space<vmem_shared>> -> memref<64xf32, #tpu.memory_space<vmem_shared>>
      %dma_wait3A_666 = tpu.memref_slice %arg16[%add3A_406] : memref<100352xf32, #tpu.memory_space<vmem_shared>> -> memref<64xf32, #tpu.memory_space<vmem_shared>>
      tpu.wait_dma2 semaphore(%run_scoped3A : memref<!tpu.dma_semaphore, #tpu.memory_space<semaphore_mem>>) src(%arg14 : memref<64xf32, #tpu.memory_space<vmem>>) dst(%dma_wait3A_666 : memref<64xf32, #tpu.memory_space<vmem_shared>>)
      tpu.yield
    }) : () -> ()
    %mul3A_407 = arith.constant 6272 : i32
    %mul3A_408 = arith.muli %arg1, %mul3A_407 : i32
    %add3A_409 = arith.constant 2432 : i32
    %add3A_410 = arith.addi %mul3A_408, %add3A_409 : i32
    "tpu.region"() ({
      %run_scoped3A = tpu.sem_alloc : memref<!tpu.dma_semaphore, #tpu.memory_space<semaphore_mem>>
      %dma_start3A = tpu.memref_slice %arg16[%add3A_410] : memref<100352xf32, #tpu.memory_space<vmem_shared>> -> memref<64xf32, #tpu.memory_space<vmem_shared>>
      %dma_start3A_665 = tpu.memref_slice %arg16[%add3A_410] : memref<100352xf32, #tpu.memory_space<vmem_shared>> -> memref<64xf32, #tpu.memory_space<vmem_shared>>
      tpu.enqueue_dma source(%arg14 : memref<64xf32, #tpu.memory_space<vmem>>) target(%dma_start3A_665 : memref<64xf32, #tpu.memory_space<vmem_shared>>) target_semaphore(%run_scoped3A : memref<!tpu.dma_semaphore, #tpu.memory_space<semaphore_mem>>)
      %dma_wait3A = tpu.memref_slice %arg16[%add3A_410] : memref<100352xf32, #tpu.memory_space<vmem_shared>> -> memref<64xf32, #tpu.memory_space<vmem_shared>>
      %dma_wait3A_666 = tpu.memref_slice %arg16[%add3A_410] : memref<100352xf32, #tpu.memory_space<vmem_shared>> -> memref<64xf32, #tpu.memory_space<vmem_shared>>
      tpu.wait_dma2 semaphore(%run_scoped3A : memref<!tpu.dma_semaphore, #tpu.memory_space<semaphore_mem>>) src(%arg14 : memref<64xf32, #tpu.memory_space<vmem>>) dst(%dma_wait3A_666 : memref<64xf32, #tpu.memory_space<vmem_shared>>)
      tpu.yield
    }) : () -> ()
    %mul3A_411 = arith.constant 6272 : i32
    %mul3A_412 = arith.muli %arg1, %mul3A_411 : i32
    %add3A_413 = arith.constant 2496 : i32
    %add3A_414 = arith.addi %mul3A_412, %add3A_413 : i32
    "tpu.region"() ({
      %run_scoped3A = tpu.sem_alloc : memref<!tpu.dma_semaphore, #tpu.memory_space<semaphore_mem>>
      %dma_start3A = tpu.memref_slice %arg16[%add3A_414] : memref<100352xf32, #tpu.memory_space<vmem_shared>> -> memref<64xf32, #tpu.memory_space<vmem_shared>>
      %dma_start3A_665 = tpu.memref_slice %arg16[%add3A_414] : memref<100352xf32, #tpu.memory_space<vmem_shared>> -> memref<64xf32, #tpu.memory_space<vmem_shared>>
      tpu.enqueue_dma source(%arg14 : memref<64xf32, #tpu.memory_space<vmem>>) target(%dma_start3A_665 : memref<64xf32, #tpu.memory_space<vmem_shared>>) target_semaphore(%run_scoped3A : memref<!tpu.dma_semaphore, #tpu.memory_space<semaphore_mem>>)
      %dma_wait3A = tpu.memref_slice %arg16[%add3A_414] : memref<100352xf32, #tpu.memory_space<vmem_shared>> -> memref<64xf32, #tpu.memory_space<vmem_shared>>
      %dma_wait3A_666 = tpu.memref_slice %arg16[%add3A_414] : memref<100352xf32, #tpu.memory_space<vmem_shared>> -> memref<64xf32, #tpu.memory_space<vmem_shared>>
      tpu.wait_dma2 semaphore(%run_scoped3A : memref<!tpu.dma_semaphore, #tpu.memory_space<semaphore_mem>>) src(%arg14 : memref<64xf32, #tpu.memory_space<vmem>>) dst(%dma_wait3A_666 : memref<64xf32, #tpu.memory_space<vmem_shared>>)
      tpu.yield
    }) : () -> ()
    %mul3A_415 = arith.constant 6272 : i32
    %mul3A_416 = arith.muli %arg1, %mul3A_415 : i32
    %add3A_417 = arith.constant 2560 : i32
    %add3A_418 = arith.addi %mul3A_416, %add3A_417 : i32
    "tpu.region"() ({
      %run_scoped3A = tpu.sem_alloc : memref<!tpu.dma_semaphore, #tpu.memory_space<semaphore_mem>>
      %dma_start3A = tpu.memref_slice %arg16[%add3A_418] : memref<100352xf32, #tpu.memory_space<vmem_shared>> -> memref<64xf32, #tpu.memory_space<vmem_shared>>
      %dma_start3A_665 = tpu.memref_slice %arg16[%add3A_418] : memref<100352xf32, #tpu.memory_space<vmem_shared>> -> memref<64xf32, #tpu.memory_space<vmem_shared>>
      tpu.enqueue_dma source(%arg14 : memref<64xf32, #tpu.memory_space<vmem>>) target(%dma_start3A_665 : memref<64xf32, #tpu.memory_space<vmem_shared>>) target_semaphore(%run_scoped3A : memref<!tpu.dma_semaphore, #tpu.memory_space<semaphore_mem>>)
      %dma_wait3A = tpu.memref_slice %arg16[%add3A_418] : memref<100352xf32, #tpu.memory_space<vmem_shared>> -> memref<64xf32, #tpu.memory_space<vmem_shared>>
      %dma_wait3A_666 = tpu.memref_slice %arg16[%add3A_418] : memref<100352xf32, #tpu.memory_space<vmem_shared>> -> memref<64xf32, #tpu.memory_space<vmem_shared>>
      tpu.wait_dma2 semaphore(%run_scoped3A : memref<!tpu.dma_semaphore, #tpu.memory_space<semaphore_mem>>) src(%arg14 : memref<64xf32, #tpu.memory_space<vmem>>) dst(%dma_wait3A_666 : memref<64xf32, #tpu.memory_space<vmem_shared>>)
      tpu.yield
    }) : () -> ()
    %mul3A_419 = arith.constant 6272 : i32
    %mul3A_420 = arith.muli %arg1, %mul3A_419 : i32
    %add3A_421 = arith.constant 2624 : i32
    %add3A_422 = arith.addi %mul3A_420, %add3A_421 : i32
    "tpu.region"() ({
      %run_scoped3A = tpu.sem_alloc : memref<!tpu.dma_semaphore, #tpu.memory_space<semaphore_mem>>
      %dma_start3A = tpu.memref_slice %arg16[%add3A_422] : memref<100352xf32, #tpu.memory_space<vmem_shared>> -> memref<64xf32, #tpu.memory_space<vmem_shared>>
      %dma_start3A_665 = tpu.memref_slice %arg16[%add3A_422] : memref<100352xf32, #tpu.memory_space<vmem_shared>> -> memref<64xf32, #tpu.memory_space<vmem_shared>>
      tpu.enqueue_dma source(%arg14 : memref<64xf32, #tpu.memory_space<vmem>>) target(%dma_start3A_665 : memref<64xf32, #tpu.memory_space<vmem_shared>>) target_semaphore(%run_scoped3A : memref<!tpu.dma_semaphore, #tpu.memory_space<semaphore_mem>>)
      %dma_wait3A = tpu.memref_slice %arg16[%add3A_422] : memref<100352xf32, #tpu.memory_space<vmem_shared>> -> memref<64xf32, #tpu.memory_space<vmem_shared>>
      %dma_wait3A_666 = tpu.memref_slice %arg16[%add3A_422] : memref<100352xf32, #tpu.memory_space<vmem_shared>> -> memref<64xf32, #tpu.memory_space<vmem_shared>>
      tpu.wait_dma2 semaphore(%run_scoped3A : memref<!tpu.dma_semaphore, #tpu.memory_space<semaphore_mem>>) src(%arg14 : memref<64xf32, #tpu.memory_space<vmem>>) dst(%dma_wait3A_666 : memref<64xf32, #tpu.memory_space<vmem_shared>>)
      tpu.yield
    }) : () -> ()
    %mul3A_423 = arith.constant 6272 : i32
    %mul3A_424 = arith.muli %arg1, %mul3A_423 : i32
    %add3A_425 = arith.constant 2688 : i32
    %add3A_426 = arith.addi %mul3A_424, %add3A_425 : i32
    "tpu.region"() ({
      %run_scoped3A = tpu.sem_alloc : memref<!tpu.dma_semaphore, #tpu.memory_space<semaphore_mem>>
      %dma_start3A = tpu.memref_slice %arg16[%add3A_426] : memref<100352xf32, #tpu.memory_space<vmem_shared>> -> memref<64xf32, #tpu.memory_space<vmem_shared>>
      %dma_start3A_665 = tpu.memref_slice %arg16[%add3A_426] : memref<100352xf32, #tpu.memory_space<vmem_shared>> -> memref<64xf32, #tpu.memory_space<vmem_shared>>
      tpu.enqueue_dma source(%arg14 : memref<64xf32, #tpu.memory_space<vmem>>) target(%dma_start3A_665 : memref<64xf32, #tpu.memory_space<vmem_shared>>) target_semaphore(%run_scoped3A : memref<!tpu.dma_semaphore, #tpu.memory_space<semaphore_mem>>)
      %dma_wait3A = tpu.memref_slice %arg16[%add3A_426] : memref<100352xf32, #tpu.memory_space<vmem_shared>> -> memref<64xf32, #tpu.memory_space<vmem_shared>>
      %dma_wait3A_666 = tpu.memref_slice %arg16[%add3A_426] : memref<100352xf32, #tpu.memory_space<vmem_shared>> -> memref<64xf32, #tpu.memory_space<vmem_shared>>
      tpu.wait_dma2 semaphore(%run_scoped3A : memref<!tpu.dma_semaphore, #tpu.memory_space<semaphore_mem>>) src(%arg14 : memref<64xf32, #tpu.memory_space<vmem>>) dst(%dma_wait3A_666 : memref<64xf32, #tpu.memory_space<vmem_shared>>)
      tpu.yield
    }) : () -> ()
    %mul3A_427 = arith.constant 6272 : i32
    %mul3A_428 = arith.muli %arg1, %mul3A_427 : i32
    %add3A_429 = arith.constant 2752 : i32
    %add3A_430 = arith.addi %mul3A_428, %add3A_429 : i32
    "tpu.region"() ({
      %run_scoped3A = tpu.sem_alloc : memref<!tpu.dma_semaphore, #tpu.memory_space<semaphore_mem>>
      %dma_start3A = tpu.memref_slice %arg16[%add3A_430] : memref<100352xf32, #tpu.memory_space<vmem_shared>> -> memref<64xf32, #tpu.memory_space<vmem_shared>>
      %dma_start3A_665 = tpu.memref_slice %arg16[%add3A_430] : memref<100352xf32, #tpu.memory_space<vmem_shared>> -> memref<64xf32, #tpu.memory_space<vmem_shared>>
      tpu.enqueue_dma source(%arg14 : memref<64xf32, #tpu.memory_space<vmem>>) target(%dma_start3A_665 : memref<64xf32, #tpu.memory_space<vmem_shared>>) target_semaphore(%run_scoped3A : memref<!tpu.dma_semaphore, #tpu.memory_space<semaphore_mem>>)
      %dma_wait3A = tpu.memref_slice %arg16[%add3A_430] : memref<100352xf32, #tpu.memory_space<vmem_shared>> -> memref<64xf32, #tpu.memory_space<vmem_shared>>
      %dma_wait3A_666 = tpu.memref_slice %arg16[%add3A_430] : memref<100352xf32, #tpu.memory_space<vmem_shared>> -> memref<64xf32, #tpu.memory_space<vmem_shared>>
      tpu.wait_dma2 semaphore(%run_scoped3A : memref<!tpu.dma_semaphore, #tpu.memory_space<semaphore_mem>>) src(%arg14 : memref<64xf32, #tpu.memory_space<vmem>>) dst(%dma_wait3A_666 : memref<64xf32, #tpu.memory_space<vmem_shared>>)
      tpu.yield
    }) : () -> ()
    %mul3A_431 = arith.constant 6272 : i32
    %mul3A_432 = arith.muli %arg1, %mul3A_431 : i32
    %add3A_433 = arith.constant 2816 : i32
    %add3A_434 = arith.addi %mul3A_432, %add3A_433 : i32
    "tpu.region"() ({
      %run_scoped3A = tpu.sem_alloc : memref<!tpu.dma_semaphore, #tpu.memory_space<semaphore_mem>>
      %dma_start3A = tpu.memref_slice %arg16[%add3A_434] : memref<100352xf32, #tpu.memory_space<vmem_shared>> -> memref<64xf32, #tpu.memory_space<vmem_shared>>
      %dma_start3A_665 = tpu.memref_slice %arg16[%add3A_434] : memref<100352xf32, #tpu.memory_space<vmem_shared>> -> memref<64xf32, #tpu.memory_space<vmem_shared>>
      tpu.enqueue_dma source(%arg14 : memref<64xf32, #tpu.memory_space<vmem>>) target(%dma_start3A_665 : memref<64xf32, #tpu.memory_space<vmem_shared>>) target_semaphore(%run_scoped3A : memref<!tpu.dma_semaphore, #tpu.memory_space<semaphore_mem>>)
      %dma_wait3A = tpu.memref_slice %arg16[%add3A_434] : memref<100352xf32, #tpu.memory_space<vmem_shared>> -> memref<64xf32, #tpu.memory_space<vmem_shared>>
      %dma_wait3A_666 = tpu.memref_slice %arg16[%add3A_434] : memref<100352xf32, #tpu.memory_space<vmem_shared>> -> memref<64xf32, #tpu.memory_space<vmem_shared>>
      tpu.wait_dma2 semaphore(%run_scoped3A : memref<!tpu.dma_semaphore, #tpu.memory_space<semaphore_mem>>) src(%arg14 : memref<64xf32, #tpu.memory_space<vmem>>) dst(%dma_wait3A_666 : memref<64xf32, #tpu.memory_space<vmem_shared>>)
      tpu.yield
    }) : () -> ()
    %mul3A_435 = arith.constant 6272 : i32
    %mul3A_436 = arith.muli %arg1, %mul3A_435 : i32
    %add3A_437 = arith.constant 2880 : i32
    %add3A_438 = arith.addi %mul3A_436, %add3A_437 : i32
    "tpu.region"() ({
      %run_scoped3A = tpu.sem_alloc : memref<!tpu.dma_semaphore, #tpu.memory_space<semaphore_mem>>
      %dma_start3A = tpu.memref_slice %arg16[%add3A_438] : memref<100352xf32, #tpu.memory_space<vmem_shared>> -> memref<64xf32, #tpu.memory_space<vmem_shared>>
      %dma_start3A_665 = tpu.memref_slice %arg16[%add3A_438] : memref<100352xf32, #tpu.memory_space<vmem_shared>> -> memref<64xf32, #tpu.memory_space<vmem_shared>>
      tpu.enqueue_dma source(%arg14 : memref<64xf32, #tpu.memory_space<vmem>>) target(%dma_start3A_665 : memref<64xf32, #tpu.memory_space<vmem_shared>>) target_semaphore(%run_scoped3A : memref<!tpu.dma_semaphore, #tpu.memory_space<semaphore_mem>>)
      %dma_wait3A = tpu.memref_slice %arg16[%add3A_438] : memref<100352xf32, #tpu.memory_space<vmem_shared>> -> memref<64xf32, #tpu.memory_space<vmem_shared>>
      %dma_wait3A_666 = tpu.memref_slice %arg16[%add3A_438] : memref<100352xf32, #tpu.memory_space<vmem_shared>> -> memref<64xf32, #tpu.memory_space<vmem_shared>>
      tpu.wait_dma2 semaphore(%run_scoped3A : memref<!tpu.dma_semaphore, #tpu.memory_space<semaphore_mem>>) src(%arg14 : memref<64xf32, #tpu.memory_space<vmem>>) dst(%dma_wait3A_666 : memref<64xf32, #tpu.memory_space<vmem_shared>>)
      tpu.yield
    }) : () -> ()
    %mul3A_439 = arith.constant 6272 : i32
    %mul3A_440 = arith.muli %arg1, %mul3A_439 : i32
    %add3A_441 = arith.constant 2944 : i32
    %add3A_442 = arith.addi %mul3A_440, %add3A_441 : i32
    "tpu.region"() ({
      %run_scoped3A = tpu.sem_alloc : memref<!tpu.dma_semaphore, #tpu.memory_space<semaphore_mem>>
      %dma_start3A = tpu.memref_slice %arg16[%add3A_442] : memref<100352xf32, #tpu.memory_space<vmem_shared>> -> memref<64xf32, #tpu.memory_space<vmem_shared>>
      %dma_start3A_665 = tpu.memref_slice %arg16[%add3A_442] : memref<100352xf32, #tpu.memory_space<vmem_shared>> -> memref<64xf32, #tpu.memory_space<vmem_shared>>
      tpu.enqueue_dma source(%arg14 : memref<64xf32, #tpu.memory_space<vmem>>) target(%dma_start3A_665 : memref<64xf32, #tpu.memory_space<vmem_shared>>) target_semaphore(%run_scoped3A : memref<!tpu.dma_semaphore, #tpu.memory_space<semaphore_mem>>)
      %dma_wait3A = tpu.memref_slice %arg16[%add3A_442] : memref<100352xf32, #tpu.memory_space<vmem_shared>> -> memref<64xf32, #tpu.memory_space<vmem_shared>>
      %dma_wait3A_666 = tpu.memref_slice %arg16[%add3A_442] : memref<100352xf32, #tpu.memory_space<vmem_shared>> -> memref<64xf32, #tpu.memory_space<vmem_shared>>
      tpu.wait_dma2 semaphore(%run_scoped3A : memref<!tpu.dma_semaphore, #tpu.memory_space<semaphore_mem>>) src(%arg14 : memref<64xf32, #tpu.memory_space<vmem>>) dst(%dma_wait3A_666 : memref<64xf32, #tpu.memory_space<vmem_shared>>)
      tpu.yield
    }) : () -> ()
    %mul3A_443 = arith.constant 6272 : i32
    %mul3A_444 = arith.muli %arg1, %mul3A_443 : i32
    %add3A_445 = arith.constant 3008 : i32
    %add3A_446 = arith.addi %mul3A_444, %add3A_445 : i32
    "tpu.region"() ({
      %run_scoped3A = tpu.sem_alloc : memref<!tpu.dma_semaphore, #tpu.memory_space<semaphore_mem>>
      %dma_start3A = tpu.memref_slice %arg16[%add3A_446] : memref<100352xf32, #tpu.memory_space<vmem_shared>> -> memref<64xf32, #tpu.memory_space<vmem_shared>>
      %dma_start3A_665 = tpu.memref_slice %arg16[%add3A_446] : memref<100352xf32, #tpu.memory_space<vmem_shared>> -> memref<64xf32, #tpu.memory_space<vmem_shared>>
      tpu.enqueue_dma source(%arg14 : memref<64xf32, #tpu.memory_space<vmem>>) target(%dma_start3A_665 : memref<64xf32, #tpu.memory_space<vmem_shared>>) target_semaphore(%run_scoped3A : memref<!tpu.dma_semaphore, #tpu.memory_space<semaphore_mem>>)
      %dma_wait3A = tpu.memref_slice %arg16[%add3A_446] : memref<100352xf32, #tpu.memory_space<vmem_shared>> -> memref<64xf32, #tpu.memory_space<vmem_shared>>
      %dma_wait3A_666 = tpu.memref_slice %arg16[%add3A_446] : memref<100352xf32, #tpu.memory_space<vmem_shared>> -> memref<64xf32, #tpu.memory_space<vmem_shared>>
      tpu.wait_dma2 semaphore(%run_scoped3A : memref<!tpu.dma_semaphore, #tpu.memory_space<semaphore_mem>>) src(%arg14 : memref<64xf32, #tpu.memory_space<vmem>>) dst(%dma_wait3A_666 : memref<64xf32, #tpu.memory_space<vmem_shared>>)
      tpu.yield
    }) : () -> ()
    %mul3A_447 = arith.constant 6272 : i32
    %mul3A_448 = arith.muli %arg1, %mul3A_447 : i32
    %add3A_449 = arith.constant 3072 : i32
    %add3A_450 = arith.addi %mul3A_448, %add3A_449 : i32
    "tpu.region"() ({
      %run_scoped3A = tpu.sem_alloc : memref<!tpu.dma_semaphore, #tpu.memory_space<semaphore_mem>>
      %dma_start3A = tpu.memref_slice %arg16[%add3A_450] : memref<100352xf32, #tpu.memory_space<vmem_shared>> -> memref<64xf32, #tpu.memory_space<vmem_shared>>
      %dma_start3A_665 = tpu.memref_slice %arg16[%add3A_450] : memref<100352xf32, #tpu.memory_space<vmem_shared>> -> memref<64xf32, #tpu.memory_space<vmem_shared>>
      tpu.enqueue_dma source(%arg14 : memref<64xf32, #tpu.memory_space<vmem>>) target(%dma_start3A_665 : memref<64xf32, #tpu.memory_space<vmem_shared>>) target_semaphore(%run_scoped3A : memref<!tpu.dma_semaphore, #tpu.memory_space<semaphore_mem>>)
      %dma_wait3A = tpu.memref_slice %arg16[%add3A_450] : memref<100352xf32, #tpu.memory_space<vmem_shared>> -> memref<64xf32, #tpu.memory_space<vmem_shared>>
      %dma_wait3A_666 = tpu.memref_slice %arg16[%add3A_450] : memref<100352xf32, #tpu.memory_space<vmem_shared>> -> memref<64xf32, #tpu.memory_space<vmem_shared>>
      tpu.wait_dma2 semaphore(%run_scoped3A : memref<!tpu.dma_semaphore, #tpu.memory_space<semaphore_mem>>) src(%arg14 : memref<64xf32, #tpu.memory_space<vmem>>) dst(%dma_wait3A_666 : memref<64xf32, #tpu.memory_space<vmem_shared>>)
      tpu.yield
    }) : () -> ()
    %mul3A_451 = arith.constant 6272 : i32
    %mul3A_452 = arith.muli %arg1, %mul3A_451 : i32
    %add3A_453 = arith.constant 3136 : i32
    %add3A_454 = arith.addi %mul3A_452, %add3A_453 : i32
    "tpu.region"() ({
      %run_scoped3A = tpu.sem_alloc : memref<!tpu.dma_semaphore, #tpu.memory_space<semaphore_mem>>
      %dma_start3A = tpu.memref_slice %arg16[%add3A_454] : memref<100352xf32, #tpu.memory_space<vmem_shared>> -> memref<64xf32, #tpu.memory_space<vmem_shared>>
      %dma_start3A_665 = tpu.memref_slice %arg16[%add3A_454] : memref<100352xf32, #tpu.memory_space<vmem_shared>> -> memref<64xf32, #tpu.memory_space<vmem_shared>>
      tpu.enqueue_dma source(%arg14 : memref<64xf32, #tpu.memory_space<vmem>>) target(%dma_start3A_665 : memref<64xf32, #tpu.memory_space<vmem_shared>>) target_semaphore(%run_scoped3A : memref<!tpu.dma_semaphore, #tpu.memory_space<semaphore_mem>>)
      %dma_wait3A = tpu.memref_slice %arg16[%add3A_454] : memref<100352xf32, #tpu.memory_space<vmem_shared>> -> memref<64xf32, #tpu.memory_space<vmem_shared>>
      %dma_wait3A_666 = tpu.memref_slice %arg16[%add3A_454] : memref<100352xf32, #tpu.memory_space<vmem_shared>> -> memref<64xf32, #tpu.memory_space<vmem_shared>>
      tpu.wait_dma2 semaphore(%run_scoped3A : memref<!tpu.dma_semaphore, #tpu.memory_space<semaphore_mem>>) src(%arg14 : memref<64xf32, #tpu.memory_space<vmem>>) dst(%dma_wait3A_666 : memref<64xf32, #tpu.memory_space<vmem_shared>>)
      tpu.yield
    }) : () -> ()
    %mul3A_455 = arith.constant 6272 : i32
    %mul3A_456 = arith.muli %arg1, %mul3A_455 : i32
    %add3A_457 = arith.constant 3200 : i32
    %add3A_458 = arith.addi %mul3A_456, %add3A_457 : i32
    "tpu.region"() ({
      %run_scoped3A = tpu.sem_alloc : memref<!tpu.dma_semaphore, #tpu.memory_space<semaphore_mem>>
      %dma_start3A = tpu.memref_slice %arg16[%add3A_458] : memref<100352xf32, #tpu.memory_space<vmem_shared>> -> memref<64xf32, #tpu.memory_space<vmem_shared>>
      %dma_start3A_665 = tpu.memref_slice %arg16[%add3A_458] : memref<100352xf32, #tpu.memory_space<vmem_shared>> -> memref<64xf32, #tpu.memory_space<vmem_shared>>
      tpu.enqueue_dma source(%arg14 : memref<64xf32, #tpu.memory_space<vmem>>) target(%dma_start3A_665 : memref<64xf32, #tpu.memory_space<vmem_shared>>) target_semaphore(%run_scoped3A : memref<!tpu.dma_semaphore, #tpu.memory_space<semaphore_mem>>)
      %dma_wait3A = tpu.memref_slice %arg16[%add3A_458] : memref<100352xf32, #tpu.memory_space<vmem_shared>> -> memref<64xf32, #tpu.memory_space<vmem_shared>>
      %dma_wait3A_666 = tpu.memref_slice %arg16[%add3A_458] : memref<100352xf32, #tpu.memory_space<vmem_shared>> -> memref<64xf32, #tpu.memory_space<vmem_shared>>
      tpu.wait_dma2 semaphore(%run_scoped3A : memref<!tpu.dma_semaphore, #tpu.memory_space<semaphore_mem>>) src(%arg14 : memref<64xf32, #tpu.memory_space<vmem>>) dst(%dma_wait3A_666 : memref<64xf32, #tpu.memory_space<vmem_shared>>)
      tpu.yield
    }) : () -> ()
    %mul3A_459 = arith.constant 6272 : i32
    %mul3A_460 = arith.muli %arg1, %mul3A_459 : i32
    %add3A_461 = arith.constant 3264 : i32
    %add3A_462 = arith.addi %mul3A_460, %add3A_461 : i32
    "tpu.region"() ({
      %run_scoped3A = tpu.sem_alloc : memref<!tpu.dma_semaphore, #tpu.memory_space<semaphore_mem>>
      %dma_start3A = tpu.memref_slice %arg16[%add3A_462] : memref<100352xf32, #tpu.memory_space<vmem_shared>> -> memref<64xf32, #tpu.memory_space<vmem_shared>>
      %dma_start3A_665 = tpu.memref_slice %arg16[%add3A_462] : memref<100352xf32, #tpu.memory_space<vmem_shared>> -> memref<64xf32, #tpu.memory_space<vmem_shared>>
      tpu.enqueue_dma source(%arg14 : memref<64xf32, #tpu.memory_space<vmem>>) target(%dma_start3A_665 : memref<64xf32, #tpu.memory_space<vmem_shared>>) target_semaphore(%run_scoped3A : memref<!tpu.dma_semaphore, #tpu.memory_space<semaphore_mem>>)
      %dma_wait3A = tpu.memref_slice %arg16[%add3A_462] : memref<100352xf32, #tpu.memory_space<vmem_shared>> -> memref<64xf32, #tpu.memory_space<vmem_shared>>
      %dma_wait3A_666 = tpu.memref_slice %arg16[%add3A_462] : memref<100352xf32, #tpu.memory_space<vmem_shared>> -> memref<64xf32, #tpu.memory_space<vmem_shared>>
      tpu.wait_dma2 semaphore(%run_scoped3A : memref<!tpu.dma_semaphore, #tpu.memory_space<semaphore_mem>>) src(%arg14 : memref<64xf32, #tpu.memory_space<vmem>>) dst(%dma_wait3A_666 : memref<64xf32, #tpu.memory_space<vmem_shared>>)
      tpu.yield
    }) : () -> ()
    %mul3A_463 = arith.constant 6272 : i32
    %mul3A_464 = arith.muli %arg1, %mul3A_463 : i32
    %add3A_465 = arith.constant 3328 : i32
    %add3A_466 = arith.addi %mul3A_464, %add3A_465 : i32
    "tpu.region"() ({
      %run_scoped3A = tpu.sem_alloc : memref<!tpu.dma_semaphore, #tpu.memory_space<semaphore_mem>>
      %dma_start3A = tpu.memref_slice %arg16[%add3A_466] : memref<100352xf32, #tpu.memory_space<vmem_shared>> -> memref<64xf32, #tpu.memory_space<vmem_shared>>
      %dma_start3A_665 = tpu.memref_slice %arg16[%add3A_466] : memref<100352xf32, #tpu.memory_space<vmem_shared>> -> memref<64xf32, #tpu.memory_space<vmem_shared>>
      tpu.enqueue_dma source(%arg14 : memref<64xf32, #tpu.memory_space<vmem>>) target(%dma_start3A_665 : memref<64xf32, #tpu.memory_space<vmem_shared>>) target_semaphore(%run_scoped3A : memref<!tpu.dma_semaphore, #tpu.memory_space<semaphore_mem>>)
      %dma_wait3A = tpu.memref_slice %arg16[%add3A_466] : memref<100352xf32, #tpu.memory_space<vmem_shared>> -> memref<64xf32, #tpu.memory_space<vmem_shared>>
      %dma_wait3A_666 = tpu.memref_slice %arg16[%add3A_466] : memref<100352xf32, #tpu.memory_space<vmem_shared>> -> memref<64xf32, #tpu.memory_space<vmem_shared>>
      tpu.wait_dma2 semaphore(%run_scoped3A : memref<!tpu.dma_semaphore, #tpu.memory_space<semaphore_mem>>) src(%arg14 : memref<64xf32, #tpu.memory_space<vmem>>) dst(%dma_wait3A_666 : memref<64xf32, #tpu.memory_space<vmem_shared>>)
      tpu.yield
    }) : () -> ()
    %mul3A_467 = arith.constant 6272 : i32
    %mul3A_468 = arith.muli %arg1, %mul3A_467 : i32
    %add3A_469 = arith.constant 3392 : i32
    %add3A_470 = arith.addi %mul3A_468, %add3A_469 : i32
    "tpu.region"() ({
      %run_scoped3A = tpu.sem_alloc : memref<!tpu.dma_semaphore, #tpu.memory_space<semaphore_mem>>
      %dma_start3A = tpu.memref_slice %arg16[%add3A_470] : memref<100352xf32, #tpu.memory_space<vmem_shared>> -> memref<64xf32, #tpu.memory_space<vmem_shared>>
      %dma_start3A_665 = tpu.memref_slice %arg16[%add3A_470] : memref<100352xf32, #tpu.memory_space<vmem_shared>> -> memref<64xf32, #tpu.memory_space<vmem_shared>>
      tpu.enqueue_dma source(%arg14 : memref<64xf32, #tpu.memory_space<vmem>>) target(%dma_start3A_665 : memref<64xf32, #tpu.memory_space<vmem_shared>>) target_semaphore(%run_scoped3A : memref<!tpu.dma_semaphore, #tpu.memory_space<semaphore_mem>>)
      %dma_wait3A = tpu.memref_slice %arg16[%add3A_470] : memref<100352xf32, #tpu.memory_space<vmem_shared>> -> memref<64xf32, #tpu.memory_space<vmem_shared>>
      %dma_wait3A_666 = tpu.memref_slice %arg16[%add3A_470] : memref<100352xf32, #tpu.memory_space<vmem_shared>> -> memref<64xf32, #tpu.memory_space<vmem_shared>>
      tpu.wait_dma2 semaphore(%run_scoped3A : memref<!tpu.dma_semaphore, #tpu.memory_space<semaphore_mem>>) src(%arg14 : memref<64xf32, #tpu.memory_space<vmem>>) dst(%dma_wait3A_666 : memref<64xf32, #tpu.memory_space<vmem_shared>>)
      tpu.yield
    }) : () -> ()
    %mul3A_471 = arith.constant 6272 : i32
    %mul3A_472 = arith.muli %arg1, %mul3A_471 : i32
    %add3A_473 = arith.constant 3456 : i32
    %add3A_474 = arith.addi %mul3A_472, %add3A_473 : i32
    "tpu.region"() ({
      %run_scoped3A = tpu.sem_alloc : memref<!tpu.dma_semaphore, #tpu.memory_space<semaphore_mem>>
      %dma_start3A = tpu.memref_slice %arg16[%add3A_474] : memref<100352xf32, #tpu.memory_space<vmem_shared>> -> memref<64xf32, #tpu.memory_space<vmem_shared>>
      %dma_start3A_665 = tpu.memref_slice %arg16[%add3A_474] : memref<100352xf32, #tpu.memory_space<vmem_shared>> -> memref<64xf32, #tpu.memory_space<vmem_shared>>
      tpu.enqueue_dma source(%arg14 : memref<64xf32, #tpu.memory_space<vmem>>) target(%dma_start3A_665 : memref<64xf32, #tpu.memory_space<vmem_shared>>) target_semaphore(%run_scoped3A : memref<!tpu.dma_semaphore, #tpu.memory_space<semaphore_mem>>)
      %dma_wait3A = tpu.memref_slice %arg16[%add3A_474] : memref<100352xf32, #tpu.memory_space<vmem_shared>> -> memref<64xf32, #tpu.memory_space<vmem_shared>>
      %dma_wait3A_666 = tpu.memref_slice %arg16[%add3A_474] : memref<100352xf32, #tpu.memory_space<vmem_shared>> -> memref<64xf32, #tpu.memory_space<vmem_shared>>
      tpu.wait_dma2 semaphore(%run_scoped3A : memref<!tpu.dma_semaphore, #tpu.memory_space<semaphore_mem>>) src(%arg14 : memref<64xf32, #tpu.memory_space<vmem>>) dst(%dma_wait3A_666 : memref<64xf32, #tpu.memory_space<vmem_shared>>)
      tpu.yield
    }) : () -> ()
    %mul3A_475 = arith.constant 6272 : i32
    %mul3A_476 = arith.muli %arg1, %mul3A_475 : i32
    %add3A_477 = arith.constant 3520 : i32
    %add3A_478 = arith.addi %mul3A_476, %add3A_477 : i32
    "tpu.region"() ({
      %run_scoped3A = tpu.sem_alloc : memref<!tpu.dma_semaphore, #tpu.memory_space<semaphore_mem>>
      %dma_start3A = tpu.memref_slice %arg16[%add3A_478] : memref<100352xf32, #tpu.memory_space<vmem_shared>> -> memref<64xf32, #tpu.memory_space<vmem_shared>>
      %dma_start3A_665 = tpu.memref_slice %arg16[%add3A_478] : memref<100352xf32, #tpu.memory_space<vmem_shared>> -> memref<64xf32, #tpu.memory_space<vmem_shared>>
      tpu.enqueue_dma source(%arg14 : memref<64xf32, #tpu.memory_space<vmem>>) target(%dma_start3A_665 : memref<64xf32, #tpu.memory_space<vmem_shared>>) target_semaphore(%run_scoped3A : memref<!tpu.dma_semaphore, #tpu.memory_space<semaphore_mem>>)
      %dma_wait3A = tpu.memref_slice %arg16[%add3A_478] : memref<100352xf32, #tpu.memory_space<vmem_shared>> -> memref<64xf32, #tpu.memory_space<vmem_shared>>
      %dma_wait3A_666 = tpu.memref_slice %arg16[%add3A_478] : memref<100352xf32, #tpu.memory_space<vmem_shared>> -> memref<64xf32, #tpu.memory_space<vmem_shared>>
      tpu.wait_dma2 semaphore(%run_scoped3A : memref<!tpu.dma_semaphore, #tpu.memory_space<semaphore_mem>>) src(%arg14 : memref<64xf32, #tpu.memory_space<vmem>>) dst(%dma_wait3A_666 : memref<64xf32, #tpu.memory_space<vmem_shared>>)
      tpu.yield
    }) : () -> ()
    %mul3A_479 = arith.constant 6272 : i32
    %mul3A_480 = arith.muli %arg1, %mul3A_479 : i32
    %add3A_481 = arith.constant 3584 : i32
    %add3A_482 = arith.addi %mul3A_480, %add3A_481 : i32
    "tpu.region"() ({
      %run_scoped3A = tpu.sem_alloc : memref<!tpu.dma_semaphore, #tpu.memory_space<semaphore_mem>>
      %dma_start3A = tpu.memref_slice %arg16[%add3A_482] : memref<100352xf32, #tpu.memory_space<vmem_shared>> -> memref<64xf32, #tpu.memory_space<vmem_shared>>
      %dma_start3A_665 = tpu.memref_slice %arg16[%add3A_482] : memref<100352xf32, #tpu.memory_space<vmem_shared>> -> memref<64xf32, #tpu.memory_space<vmem_shared>>
      tpu.enqueue_dma source(%arg14 : memref<64xf32, #tpu.memory_space<vmem>>) target(%dma_start3A_665 : memref<64xf32, #tpu.memory_space<vmem_shared>>) target_semaphore(%run_scoped3A : memref<!tpu.dma_semaphore, #tpu.memory_space<semaphore_mem>>)
      %dma_wait3A = tpu.memref_slice %arg16[%add3A_482] : memref<100352xf32, #tpu.memory_space<vmem_shared>> -> memref<64xf32, #tpu.memory_space<vmem_shared>>
      %dma_wait3A_666 = tpu.memref_slice %arg16[%add3A_482] : memref<100352xf32, #tpu.memory_space<vmem_shared>> -> memref<64xf32, #tpu.memory_space<vmem_shared>>
      tpu.wait_dma2 semaphore(%run_scoped3A : memref<!tpu.dma_semaphore, #tpu.memory_space<semaphore_mem>>) src(%arg14 : memref<64xf32, #tpu.memory_space<vmem>>) dst(%dma_wait3A_666 : memref<64xf32, #tpu.memory_space<vmem_shared>>)
      tpu.yield
    }) : () -> ()
    %mul3A_483 = arith.constant 6272 : i32
    %mul3A_484 = arith.muli %arg1, %mul3A_483 : i32
    %add3A_485 = arith.constant 3648 : i32
    %add3A_486 = arith.addi %mul3A_484, %add3A_485 : i32
    "tpu.region"() ({
      %run_scoped3A = tpu.sem_alloc : memref<!tpu.dma_semaphore, #tpu.memory_space<semaphore_mem>>
      %dma_start3A = tpu.memref_slice %arg16[%add3A_486] : memref<100352xf32, #tpu.memory_space<vmem_shared>> -> memref<64xf32, #tpu.memory_space<vmem_shared>>
      %dma_start3A_665 = tpu.memref_slice %arg16[%add3A_486] : memref<100352xf32, #tpu.memory_space<vmem_shared>> -> memref<64xf32, #tpu.memory_space<vmem_shared>>
      tpu.enqueue_dma source(%arg14 : memref<64xf32, #tpu.memory_space<vmem>>) target(%dma_start3A_665 : memref<64xf32, #tpu.memory_space<vmem_shared>>) target_semaphore(%run_scoped3A : memref<!tpu.dma_semaphore, #tpu.memory_space<semaphore_mem>>)
      %dma_wait3A = tpu.memref_slice %arg16[%add3A_486] : memref<100352xf32, #tpu.memory_space<vmem_shared>> -> memref<64xf32, #tpu.memory_space<vmem_shared>>
      %dma_wait3A_666 = tpu.memref_slice %arg16[%add3A_486] : memref<100352xf32, #tpu.memory_space<vmem_shared>> -> memref<64xf32, #tpu.memory_space<vmem_shared>>
      tpu.wait_dma2 semaphore(%run_scoped3A : memref<!tpu.dma_semaphore, #tpu.memory_space<semaphore_mem>>) src(%arg14 : memref<64xf32, #tpu.memory_space<vmem>>) dst(%dma_wait3A_666 : memref<64xf32, #tpu.memory_space<vmem_shared>>)
      tpu.yield
    }) : () -> ()
    %mul3A_487 = arith.constant 6272 : i32
    %mul3A_488 = arith.muli %arg1, %mul3A_487 : i32
    %add3A_489 = arith.constant 3712 : i32
    %add3A_490 = arith.addi %mul3A_488, %add3A_489 : i32
    "tpu.region"() ({
      %run_scoped3A = tpu.sem_alloc : memref<!tpu.dma_semaphore, #tpu.memory_space<semaphore_mem>>
      %dma_start3A = tpu.memref_slice %arg16[%add3A_490] : memref<100352xf32, #tpu.memory_space<vmem_shared>> -> memref<64xf32, #tpu.memory_space<vmem_shared>>
      %dma_start3A_665 = tpu.memref_slice %arg16[%add3A_490] : memref<100352xf32, #tpu.memory_space<vmem_shared>> -> memref<64xf32, #tpu.memory_space<vmem_shared>>
      tpu.enqueue_dma source(%arg14 : memref<64xf32, #tpu.memory_space<vmem>>) target(%dma_start3A_665 : memref<64xf32, #tpu.memory_space<vmem_shared>>) target_semaphore(%run_scoped3A : memref<!tpu.dma_semaphore, #tpu.memory_space<semaphore_mem>>)
      %dma_wait3A = tpu.memref_slice %arg16[%add3A_490] : memref<100352xf32, #tpu.memory_space<vmem_shared>> -> memref<64xf32, #tpu.memory_space<vmem_shared>>
      %dma_wait3A_666 = tpu.memref_slice %arg16[%add3A_490] : memref<100352xf32, #tpu.memory_space<vmem_shared>> -> memref<64xf32, #tpu.memory_space<vmem_shared>>
      tpu.wait_dma2 semaphore(%run_scoped3A : memref<!tpu.dma_semaphore, #tpu.memory_space<semaphore_mem>>) src(%arg14 : memref<64xf32, #tpu.memory_space<vmem>>) dst(%dma_wait3A_666 : memref<64xf32, #tpu.memory_space<vmem_shared>>)
      tpu.yield
    }) : () -> ()
    %mul3A_491 = arith.constant 6272 : i32
    %mul3A_492 = arith.muli %arg1, %mul3A_491 : i32
    %add3A_493 = arith.constant 3776 : i32
    %add3A_494 = arith.addi %mul3A_492, %add3A_493 : i32
    "tpu.region"() ({
      %run_scoped3A = tpu.sem_alloc : memref<!tpu.dma_semaphore, #tpu.memory_space<semaphore_mem>>
      %dma_start3A = tpu.memref_slice %arg16[%add3A_494] : memref<100352xf32, #tpu.memory_space<vmem_shared>> -> memref<64xf32, #tpu.memory_space<vmem_shared>>
      %dma_start3A_665 = tpu.memref_slice %arg16[%add3A_494] : memref<100352xf32, #tpu.memory_space<vmem_shared>> -> memref<64xf32, #tpu.memory_space<vmem_shared>>
      tpu.enqueue_dma source(%arg14 : memref<64xf32, #tpu.memory_space<vmem>>) target(%dma_start3A_665 : memref<64xf32, #tpu.memory_space<vmem_shared>>) target_semaphore(%run_scoped3A : memref<!tpu.dma_semaphore, #tpu.memory_space<semaphore_mem>>)
      %dma_wait3A = tpu.memref_slice %arg16[%add3A_494] : memref<100352xf32, #tpu.memory_space<vmem_shared>> -> memref<64xf32, #tpu.memory_space<vmem_shared>>
      %dma_wait3A_666 = tpu.memref_slice %arg16[%add3A_494] : memref<100352xf32, #tpu.memory_space<vmem_shared>> -> memref<64xf32, #tpu.memory_space<vmem_shared>>
      tpu.wait_dma2 semaphore(%run_scoped3A : memref<!tpu.dma_semaphore, #tpu.memory_space<semaphore_mem>>) src(%arg14 : memref<64xf32, #tpu.memory_space<vmem>>) dst(%dma_wait3A_666 : memref<64xf32, #tpu.memory_space<vmem_shared>>)
      tpu.yield
    }) : () -> ()
    %mul3A_495 = arith.constant 6272 : i32
    %mul3A_496 = arith.muli %arg1, %mul3A_495 : i32
    %add3A_497 = arith.constant 3840 : i32
    %add3A_498 = arith.addi %mul3A_496, %add3A_497 : i32
    "tpu.region"() ({
      %run_scoped3A = tpu.sem_alloc : memref<!tpu.dma_semaphore, #tpu.memory_space<semaphore_mem>>
      %dma_start3A = tpu.memref_slice %arg16[%add3A_498] : memref<100352xf32, #tpu.memory_space<vmem_shared>> -> memref<64xf32, #tpu.memory_space<vmem_shared>>
      %dma_start3A_665 = tpu.memref_slice %arg16[%add3A_498] : memref<100352xf32, #tpu.memory_space<vmem_shared>> -> memref<64xf32, #tpu.memory_space<vmem_shared>>
      tpu.enqueue_dma source(%arg14 : memref<64xf32, #tpu.memory_space<vmem>>) target(%dma_start3A_665 : memref<64xf32, #tpu.memory_space<vmem_shared>>) target_semaphore(%run_scoped3A : memref<!tpu.dma_semaphore, #tpu.memory_space<semaphore_mem>>)
      %dma_wait3A = tpu.memref_slice %arg16[%add3A_498] : memref<100352xf32, #tpu.memory_space<vmem_shared>> -> memref<64xf32, #tpu.memory_space<vmem_shared>>
      %dma_wait3A_666 = tpu.memref_slice %arg16[%add3A_498] : memref<100352xf32, #tpu.memory_space<vmem_shared>> -> memref<64xf32, #tpu.memory_space<vmem_shared>>
      tpu.wait_dma2 semaphore(%run_scoped3A : memref<!tpu.dma_semaphore, #tpu.memory_space<semaphore_mem>>) src(%arg14 : memref<64xf32, #tpu.memory_space<vmem>>) dst(%dma_wait3A_666 : memref<64xf32, #tpu.memory_space<vmem_shared>>)
      tpu.yield
    }) : () -> ()
    %mul3A_499 = arith.constant 6272 : i32
    %mul3A_500 = arith.muli %arg1, %mul3A_499 : i32
    %add3A_501 = arith.constant 3904 : i32
    %add3A_502 = arith.addi %mul3A_500, %add3A_501 : i32
    "tpu.region"() ({
      %run_scoped3A = tpu.sem_alloc : memref<!tpu.dma_semaphore, #tpu.memory_space<semaphore_mem>>
      %dma_start3A = tpu.memref_slice %arg16[%add3A_502] : memref<100352xf32, #tpu.memory_space<vmem_shared>> -> memref<64xf32, #tpu.memory_space<vmem_shared>>
      %dma_start3A_665 = tpu.memref_slice %arg16[%add3A_502] : memref<100352xf32, #tpu.memory_space<vmem_shared>> -> memref<64xf32, #tpu.memory_space<vmem_shared>>
      tpu.enqueue_dma source(%arg14 : memref<64xf32, #tpu.memory_space<vmem>>) target(%dma_start3A_665 : memref<64xf32, #tpu.memory_space<vmem_shared>>) target_semaphore(%run_scoped3A : memref<!tpu.dma_semaphore, #tpu.memory_space<semaphore_mem>>)
      %dma_wait3A = tpu.memref_slice %arg16[%add3A_502] : memref<100352xf32, #tpu.memory_space<vmem_shared>> -> memref<64xf32, #tpu.memory_space<vmem_shared>>
      %dma_wait3A_666 = tpu.memref_slice %arg16[%add3A_502] : memref<100352xf32, #tpu.memory_space<vmem_shared>> -> memref<64xf32, #tpu.memory_space<vmem_shared>>
      tpu.wait_dma2 semaphore(%run_scoped3A : memref<!tpu.dma_semaphore, #tpu.memory_space<semaphore_mem>>) src(%arg14 : memref<64xf32, #tpu.memory_space<vmem>>) dst(%dma_wait3A_666 : memref<64xf32, #tpu.memory_space<vmem_shared>>)
      tpu.yield
    }) : () -> ()
    %mul3A_503 = arith.constant 6272 : i32
    %mul3A_504 = arith.muli %arg1, %mul3A_503 : i32
    %add3A_505 = arith.constant 3968 : i32
    %add3A_506 = arith.addi %mul3A_504, %add3A_505 : i32
    "tpu.region"() ({
      %run_scoped3A = tpu.sem_alloc : memref<!tpu.dma_semaphore, #tpu.memory_space<semaphore_mem>>
      %dma_start3A = tpu.memref_slice %arg16[%add3A_506] : memref<100352xf32, #tpu.memory_space<vmem_shared>> -> memref<64xf32, #tpu.memory_space<vmem_shared>>
      %dma_start3A_665 = tpu.memref_slice %arg16[%add3A_506] : memref<100352xf32, #tpu.memory_space<vmem_shared>> -> memref<64xf32, #tpu.memory_space<vmem_shared>>
      tpu.enqueue_dma source(%arg14 : memref<64xf32, #tpu.memory_space<vmem>>) target(%dma_start3A_665 : memref<64xf32, #tpu.memory_space<vmem_shared>>) target_semaphore(%run_scoped3A : memref<!tpu.dma_semaphore, #tpu.memory_space<semaphore_mem>>)
      %dma_wait3A = tpu.memref_slice %arg16[%add3A_506] : memref<100352xf32, #tpu.memory_space<vmem_shared>> -> memref<64xf32, #tpu.memory_space<vmem_shared>>
      %dma_wait3A_666 = tpu.memref_slice %arg16[%add3A_506] : memref<100352xf32, #tpu.memory_space<vmem_shared>> -> memref<64xf32, #tpu.memory_space<vmem_shared>>
      tpu.wait_dma2 semaphore(%run_scoped3A : memref<!tpu.dma_semaphore, #tpu.memory_space<semaphore_mem>>) src(%arg14 : memref<64xf32, #tpu.memory_space<vmem>>) dst(%dma_wait3A_666 : memref<64xf32, #tpu.memory_space<vmem_shared>>)
      tpu.yield
    }) : () -> ()
    %mul3A_507 = arith.constant 6272 : i32
    %mul3A_508 = arith.muli %arg1, %mul3A_507 : i32
    %add3A_509 = arith.constant 4032 : i32
    %add3A_510 = arith.addi %mul3A_508, %add3A_509 : i32
    "tpu.region"() ({
      %run_scoped3A = tpu.sem_alloc : memref<!tpu.dma_semaphore, #tpu.memory_space<semaphore_mem>>
      %dma_start3A = tpu.memref_slice %arg16[%add3A_510] : memref<100352xf32, #tpu.memory_space<vmem_shared>> -> memref<64xf32, #tpu.memory_space<vmem_shared>>
      %dma_start3A_665 = tpu.memref_slice %arg16[%add3A_510] : memref<100352xf32, #tpu.memory_space<vmem_shared>> -> memref<64xf32, #tpu.memory_space<vmem_shared>>
      tpu.enqueue_dma source(%arg14 : memref<64xf32, #tpu.memory_space<vmem>>) target(%dma_start3A_665 : memref<64xf32, #tpu.memory_space<vmem_shared>>) target_semaphore(%run_scoped3A : memref<!tpu.dma_semaphore, #tpu.memory_space<semaphore_mem>>)
      %dma_wait3A = tpu.memref_slice %arg16[%add3A_510] : memref<100352xf32, #tpu.memory_space<vmem_shared>> -> memref<64xf32, #tpu.memory_space<vmem_shared>>
      %dma_wait3A_666 = tpu.memref_slice %arg16[%add3A_510] : memref<100352xf32, #tpu.memory_space<vmem_shared>> -> memref<64xf32, #tpu.memory_space<vmem_shared>>
      tpu.wait_dma2 semaphore(%run_scoped3A : memref<!tpu.dma_semaphore, #tpu.memory_space<semaphore_mem>>) src(%arg14 : memref<64xf32, #tpu.memory_space<vmem>>) dst(%dma_wait3A_666 : memref<64xf32, #tpu.memory_space<vmem_shared>>)
      tpu.yield
    }) : () -> ()
    %mul3A_511 = arith.constant 6272 : i32
    %mul3A_512 = arith.muli %arg1, %mul3A_511 : i32
    %add3A_513 = arith.constant 4096 : i32
    %add3A_514 = arith.addi %mul3A_512, %add3A_513 : i32
    "tpu.region"() ({
      %run_scoped3A = tpu.sem_alloc : memref<!tpu.dma_semaphore, #tpu.memory_space<semaphore_mem>>
      %dma_start3A = tpu.memref_slice %arg16[%add3A_514] : memref<100352xf32, #tpu.memory_space<vmem_shared>> -> memref<64xf32, #tpu.memory_space<vmem_shared>>
      %dma_start3A_665 = tpu.memref_slice %arg16[%add3A_514] : memref<100352xf32, #tpu.memory_space<vmem_shared>> -> memref<64xf32, #tpu.memory_space<vmem_shared>>
      tpu.enqueue_dma source(%arg14 : memref<64xf32, #tpu.memory_space<vmem>>) target(%dma_start3A_665 : memref<64xf32, #tpu.memory_space<vmem_shared>>) target_semaphore(%run_scoped3A : memref<!tpu.dma_semaphore, #tpu.memory_space<semaphore_mem>>)
      %dma_wait3A = tpu.memref_slice %arg16[%add3A_514] : memref<100352xf32, #tpu.memory_space<vmem_shared>> -> memref<64xf32, #tpu.memory_space<vmem_shared>>
      %dma_wait3A_666 = tpu.memref_slice %arg16[%add3A_514] : memref<100352xf32, #tpu.memory_space<vmem_shared>> -> memref<64xf32, #tpu.memory_space<vmem_shared>>
      tpu.wait_dma2 semaphore(%run_scoped3A : memref<!tpu.dma_semaphore, #tpu.memory_space<semaphore_mem>>) src(%arg14 : memref<64xf32, #tpu.memory_space<vmem>>) dst(%dma_wait3A_666 : memref<64xf32, #tpu.memory_space<vmem_shared>>)
      tpu.yield
    }) : () -> ()
    %mul3A_515 = arith.constant 6272 : i32
    %mul3A_516 = arith.muli %arg1, %mul3A_515 : i32
    %add3A_517 = arith.constant 4160 : i32
    %add3A_518 = arith.addi %mul3A_516, %add3A_517 : i32
    "tpu.region"() ({
      %run_scoped3A = tpu.sem_alloc : memref<!tpu.dma_semaphore, #tpu.memory_space<semaphore_mem>>
      %dma_start3A = tpu.memref_slice %arg16[%add3A_518] : memref<100352xf32, #tpu.memory_space<vmem_shared>> -> memref<64xf32, #tpu.memory_space<vmem_shared>>
      %dma_start3A_665 = tpu.memref_slice %arg16[%add3A_518] : memref<100352xf32, #tpu.memory_space<vmem_shared>> -> memref<64xf32, #tpu.memory_space<vmem_shared>>
      tpu.enqueue_dma source(%arg14 : memref<64xf32, #tpu.memory_space<vmem>>) target(%dma_start3A_665 : memref<64xf32, #tpu.memory_space<vmem_shared>>) target_semaphore(%run_scoped3A : memref<!tpu.dma_semaphore, #tpu.memory_space<semaphore_mem>>)
      %dma_wait3A = tpu.memref_slice %arg16[%add3A_518] : memref<100352xf32, #tpu.memory_space<vmem_shared>> -> memref<64xf32, #tpu.memory_space<vmem_shared>>
      %dma_wait3A_666 = tpu.memref_slice %arg16[%add3A_518] : memref<100352xf32, #tpu.memory_space<vmem_shared>> -> memref<64xf32, #tpu.memory_space<vmem_shared>>
      tpu.wait_dma2 semaphore(%run_scoped3A : memref<!tpu.dma_semaphore, #tpu.memory_space<semaphore_mem>>) src(%arg14 : memref<64xf32, #tpu.memory_space<vmem>>) dst(%dma_wait3A_666 : memref<64xf32, #tpu.memory_space<vmem_shared>>)
      tpu.yield
    }) : () -> ()
    %mul3A_519 = arith.constant 6272 : i32
    %mul3A_520 = arith.muli %arg1, %mul3A_519 : i32
    %add3A_521 = arith.constant 4224 : i32
    %add3A_522 = arith.addi %mul3A_520, %add3A_521 : i32
    "tpu.region"() ({
      %run_scoped3A = tpu.sem_alloc : memref<!tpu.dma_semaphore, #tpu.memory_space<semaphore_mem>>
      %dma_start3A = tpu.memref_slice %arg16[%add3A_522] : memref<100352xf32, #tpu.memory_space<vmem_shared>> -> memref<64xf32, #tpu.memory_space<vmem_shared>>
      %dma_start3A_665 = tpu.memref_slice %arg16[%add3A_522] : memref<100352xf32, #tpu.memory_space<vmem_shared>> -> memref<64xf32, #tpu.memory_space<vmem_shared>>
      tpu.enqueue_dma source(%arg14 : memref<64xf32, #tpu.memory_space<vmem>>) target(%dma_start3A_665 : memref<64xf32, #tpu.memory_space<vmem_shared>>) target_semaphore(%run_scoped3A : memref<!tpu.dma_semaphore, #tpu.memory_space<semaphore_mem>>)
      %dma_wait3A = tpu.memref_slice %arg16[%add3A_522] : memref<100352xf32, #tpu.memory_space<vmem_shared>> -> memref<64xf32, #tpu.memory_space<vmem_shared>>
      %dma_wait3A_666 = tpu.memref_slice %arg16[%add3A_522] : memref<100352xf32, #tpu.memory_space<vmem_shared>> -> memref<64xf32, #tpu.memory_space<vmem_shared>>
      tpu.wait_dma2 semaphore(%run_scoped3A : memref<!tpu.dma_semaphore, #tpu.memory_space<semaphore_mem>>) src(%arg14 : memref<64xf32, #tpu.memory_space<vmem>>) dst(%dma_wait3A_666 : memref<64xf32, #tpu.memory_space<vmem_shared>>)
      tpu.yield
    }) : () -> ()
    %mul3A_523 = arith.constant 6272 : i32
    %mul3A_524 = arith.muli %arg1, %mul3A_523 : i32
    %add3A_525 = arith.constant 4288 : i32
    %add3A_526 = arith.addi %mul3A_524, %add3A_525 : i32
    "tpu.region"() ({
      %run_scoped3A = tpu.sem_alloc : memref<!tpu.dma_semaphore, #tpu.memory_space<semaphore_mem>>
      %dma_start3A = tpu.memref_slice %arg16[%add3A_526] : memref<100352xf32, #tpu.memory_space<vmem_shared>> -> memref<64xf32, #tpu.memory_space<vmem_shared>>
      %dma_start3A_665 = tpu.memref_slice %arg16[%add3A_526] : memref<100352xf32, #tpu.memory_space<vmem_shared>> -> memref<64xf32, #tpu.memory_space<vmem_shared>>
      tpu.enqueue_dma source(%arg14 : memref<64xf32, #tpu.memory_space<vmem>>) target(%dma_start3A_665 : memref<64xf32, #tpu.memory_space<vmem_shared>>) target_semaphore(%run_scoped3A : memref<!tpu.dma_semaphore, #tpu.memory_space<semaphore_mem>>)
      %dma_wait3A = tpu.memref_slice %arg16[%add3A_526] : memref<100352xf32, #tpu.memory_space<vmem_shared>> -> memref<64xf32, #tpu.memory_space<vmem_shared>>
      %dma_wait3A_666 = tpu.memref_slice %arg16[%add3A_526] : memref<100352xf32, #tpu.memory_space<vmem_shared>> -> memref<64xf32, #tpu.memory_space<vmem_shared>>
      tpu.wait_dma2 semaphore(%run_scoped3A : memref<!tpu.dma_semaphore, #tpu.memory_space<semaphore_mem>>) src(%arg14 : memref<64xf32, #tpu.memory_space<vmem>>) dst(%dma_wait3A_666 : memref<64xf32, #tpu.memory_space<vmem_shared>>)
      tpu.yield
    }) : () -> ()
    %mul3A_527 = arith.constant 6272 : i32
    %mul3A_528 = arith.muli %arg1, %mul3A_527 : i32
    %add3A_529 = arith.constant 4352 : i32
    %add3A_530 = arith.addi %mul3A_528, %add3A_529 : i32
    "tpu.region"() ({
      %run_scoped3A = tpu.sem_alloc : memref<!tpu.dma_semaphore, #tpu.memory_space<semaphore_mem>>
      %dma_start3A = tpu.memref_slice %arg16[%add3A_530] : memref<100352xf32, #tpu.memory_space<vmem_shared>> -> memref<64xf32, #tpu.memory_space<vmem_shared>>
      %dma_start3A_665 = tpu.memref_slice %arg16[%add3A_530] : memref<100352xf32, #tpu.memory_space<vmem_shared>> -> memref<64xf32, #tpu.memory_space<vmem_shared>>
      tpu.enqueue_dma source(%arg14 : memref<64xf32, #tpu.memory_space<vmem>>) target(%dma_start3A_665 : memref<64xf32, #tpu.memory_space<vmem_shared>>) target_semaphore(%run_scoped3A : memref<!tpu.dma_semaphore, #tpu.memory_space<semaphore_mem>>)
      %dma_wait3A = tpu.memref_slice %arg16[%add3A_530] : memref<100352xf32, #tpu.memory_space<vmem_shared>> -> memref<64xf32, #tpu.memory_space<vmem_shared>>
      %dma_wait3A_666 = tpu.memref_slice %arg16[%add3A_530] : memref<100352xf32, #tpu.memory_space<vmem_shared>> -> memref<64xf32, #tpu.memory_space<vmem_shared>>
      tpu.wait_dma2 semaphore(%run_scoped3A : memref<!tpu.dma_semaphore, #tpu.memory_space<semaphore_mem>>) src(%arg14 : memref<64xf32, #tpu.memory_space<vmem>>) dst(%dma_wait3A_666 : memref<64xf32, #tpu.memory_space<vmem_shared>>)
      tpu.yield
    }) : () -> ()
    %mul3A_531 = arith.constant 6272 : i32
    %mul3A_532 = arith.muli %arg1, %mul3A_531 : i32
    %add3A_533 = arith.constant 4416 : i32
    %add3A_534 = arith.addi %mul3A_532, %add3A_533 : i32
    "tpu.region"() ({
      %run_scoped3A = tpu.sem_alloc : memref<!tpu.dma_semaphore, #tpu.memory_space<semaphore_mem>>
      %dma_start3A = tpu.memref_slice %arg16[%add3A_534] : memref<100352xf32, #tpu.memory_space<vmem_shared>> -> memref<64xf32, #tpu.memory_space<vmem_shared>>
      %dma_start3A_665 = tpu.memref_slice %arg16[%add3A_534] : memref<100352xf32, #tpu.memory_space<vmem_shared>> -> memref<64xf32, #tpu.memory_space<vmem_shared>>
      tpu.enqueue_dma source(%arg14 : memref<64xf32, #tpu.memory_space<vmem>>) target(%dma_start3A_665 : memref<64xf32, #tpu.memory_space<vmem_shared>>) target_semaphore(%run_scoped3A : memref<!tpu.dma_semaphore, #tpu.memory_space<semaphore_mem>>)
      %dma_wait3A = tpu.memref_slice %arg16[%add3A_534] : memref<100352xf32, #tpu.memory_space<vmem_shared>> -> memref<64xf32, #tpu.memory_space<vmem_shared>>
      %dma_wait3A_666 = tpu.memref_slice %arg16[%add3A_534] : memref<100352xf32, #tpu.memory_space<vmem_shared>> -> memref<64xf32, #tpu.memory_space<vmem_shared>>
      tpu.wait_dma2 semaphore(%run_scoped3A : memref<!tpu.dma_semaphore, #tpu.memory_space<semaphore_mem>>) src(%arg14 : memref<64xf32, #tpu.memory_space<vmem>>) dst(%dma_wait3A_666 : memref<64xf32, #tpu.memory_space<vmem_shared>>)
      tpu.yield
    }) : () -> ()
    %mul3A_535 = arith.constant 6272 : i32
    %mul3A_536 = arith.muli %arg1, %mul3A_535 : i32
    %add3A_537 = arith.constant 4480 : i32
    %add3A_538 = arith.addi %mul3A_536, %add3A_537 : i32
    "tpu.region"() ({
      %run_scoped3A = tpu.sem_alloc : memref<!tpu.dma_semaphore, #tpu.memory_space<semaphore_mem>>
      %dma_start3A = tpu.memref_slice %arg16[%add3A_538] : memref<100352xf32, #tpu.memory_space<vmem_shared>> -> memref<64xf32, #tpu.memory_space<vmem_shared>>
      %dma_start3A_665 = tpu.memref_slice %arg16[%add3A_538] : memref<100352xf32, #tpu.memory_space<vmem_shared>> -> memref<64xf32, #tpu.memory_space<vmem_shared>>
      tpu.enqueue_dma source(%arg14 : memref<64xf32, #tpu.memory_space<vmem>>) target(%dma_start3A_665 : memref<64xf32, #tpu.memory_space<vmem_shared>>) target_semaphore(%run_scoped3A : memref<!tpu.dma_semaphore, #tpu.memory_space<semaphore_mem>>)
      %dma_wait3A = tpu.memref_slice %arg16[%add3A_538] : memref<100352xf32, #tpu.memory_space<vmem_shared>> -> memref<64xf32, #tpu.memory_space<vmem_shared>>
      %dma_wait3A_666 = tpu.memref_slice %arg16[%add3A_538] : memref<100352xf32, #tpu.memory_space<vmem_shared>> -> memref<64xf32, #tpu.memory_space<vmem_shared>>
      tpu.wait_dma2 semaphore(%run_scoped3A : memref<!tpu.dma_semaphore, #tpu.memory_space<semaphore_mem>>) src(%arg14 : memref<64xf32, #tpu.memory_space<vmem>>) dst(%dma_wait3A_666 : memref<64xf32, #tpu.memory_space<vmem_shared>>)
      tpu.yield
    }) : () -> ()
    %mul3A_539 = arith.constant 6272 : i32
    %mul3A_540 = arith.muli %arg1, %mul3A_539 : i32
    %add3A_541 = arith.constant 4544 : i32
    %add3A_542 = arith.addi %mul3A_540, %add3A_541 : i32
    "tpu.region"() ({
      %run_scoped3A = tpu.sem_alloc : memref<!tpu.dma_semaphore, #tpu.memory_space<semaphore_mem>>
      %dma_start3A = tpu.memref_slice %arg16[%add3A_542] : memref<100352xf32, #tpu.memory_space<vmem_shared>> -> memref<64xf32, #tpu.memory_space<vmem_shared>>
      %dma_start3A_665 = tpu.memref_slice %arg16[%add3A_542] : memref<100352xf32, #tpu.memory_space<vmem_shared>> -> memref<64xf32, #tpu.memory_space<vmem_shared>>
      tpu.enqueue_dma source(%arg14 : memref<64xf32, #tpu.memory_space<vmem>>) target(%dma_start3A_665 : memref<64xf32, #tpu.memory_space<vmem_shared>>) target_semaphore(%run_scoped3A : memref<!tpu.dma_semaphore, #tpu.memory_space<semaphore_mem>>)
      %dma_wait3A = tpu.memref_slice %arg16[%add3A_542] : memref<100352xf32, #tpu.memory_space<vmem_shared>> -> memref<64xf32, #tpu.memory_space<vmem_shared>>
      %dma_wait3A_666 = tpu.memref_slice %arg16[%add3A_542] : memref<100352xf32, #tpu.memory_space<vmem_shared>> -> memref<64xf32, #tpu.memory_space<vmem_shared>>
      tpu.wait_dma2 semaphore(%run_scoped3A : memref<!tpu.dma_semaphore, #tpu.memory_space<semaphore_mem>>) src(%arg14 : memref<64xf32, #tpu.memory_space<vmem>>) dst(%dma_wait3A_666 : memref<64xf32, #tpu.memory_space<vmem_shared>>)
      tpu.yield
    }) : () -> ()
    %mul3A_543 = arith.constant 6272 : i32
    %mul3A_544 = arith.muli %arg1, %mul3A_543 : i32
    %add3A_545 = arith.constant 4608 : i32
    %add3A_546 = arith.addi %mul3A_544, %add3A_545 : i32
    "tpu.region"() ({
      %run_scoped3A = tpu.sem_alloc : memref<!tpu.dma_semaphore, #tpu.memory_space<semaphore_mem>>
      %dma_start3A = tpu.memref_slice %arg16[%add3A_546] : memref<100352xf32, #tpu.memory_space<vmem_shared>> -> memref<64xf32, #tpu.memory_space<vmem_shared>>
      %dma_start3A_665 = tpu.memref_slice %arg16[%add3A_546] : memref<100352xf32, #tpu.memory_space<vmem_shared>> -> memref<64xf32, #tpu.memory_space<vmem_shared>>
      tpu.enqueue_dma source(%arg14 : memref<64xf32, #tpu.memory_space<vmem>>) target(%dma_start3A_665 : memref<64xf32, #tpu.memory_space<vmem_shared>>) target_semaphore(%run_scoped3A : memref<!tpu.dma_semaphore, #tpu.memory_space<semaphore_mem>>)
      %dma_wait3A = tpu.memref_slice %arg16[%add3A_546] : memref<100352xf32, #tpu.memory_space<vmem_shared>> -> memref<64xf32, #tpu.memory_space<vmem_shared>>
      %dma_wait3A_666 = tpu.memref_slice %arg16[%add3A_546] : memref<100352xf32, #tpu.memory_space<vmem_shared>> -> memref<64xf32, #tpu.memory_space<vmem_shared>>
      tpu.wait_dma2 semaphore(%run_scoped3A : memref<!tpu.dma_semaphore, #tpu.memory_space<semaphore_mem>>) src(%arg14 : memref<64xf32, #tpu.memory_space<vmem>>) dst(%dma_wait3A_666 : memref<64xf32, #tpu.memory_space<vmem_shared>>)
      tpu.yield
    }) : () -> ()
    %mul3A_547 = arith.constant 6272 : i32
    %mul3A_548 = arith.muli %arg1, %mul3A_547 : i32
    %add3A_549 = arith.constant 4672 : i32
    %add3A_550 = arith.addi %mul3A_548, %add3A_549 : i32
    "tpu.region"() ({
      %run_scoped3A = tpu.sem_alloc : memref<!tpu.dma_semaphore, #tpu.memory_space<semaphore_mem>>
      %dma_start3A = tpu.memref_slice %arg16[%add3A_550] : memref<100352xf32, #tpu.memory_space<vmem_shared>> -> memref<64xf32, #tpu.memory_space<vmem_shared>>
      %dma_start3A_665 = tpu.memref_slice %arg16[%add3A_550] : memref<100352xf32, #tpu.memory_space<vmem_shared>> -> memref<64xf32, #tpu.memory_space<vmem_shared>>
      tpu.enqueue_dma source(%arg14 : memref<64xf32, #tpu.memory_space<vmem>>) target(%dma_start3A_665 : memref<64xf32, #tpu.memory_space<vmem_shared>>) target_semaphore(%run_scoped3A : memref<!tpu.dma_semaphore, #tpu.memory_space<semaphore_mem>>)
      %dma_wait3A = tpu.memref_slice %arg16[%add3A_550] : memref<100352xf32, #tpu.memory_space<vmem_shared>> -> memref<64xf32, #tpu.memory_space<vmem_shared>>
      %dma_wait3A_666 = tpu.memref_slice %arg16[%add3A_550] : memref<100352xf32, #tpu.memory_space<vmem_shared>> -> memref<64xf32, #tpu.memory_space<vmem_shared>>
      tpu.wait_dma2 semaphore(%run_scoped3A : memref<!tpu.dma_semaphore, #tpu.memory_space<semaphore_mem>>) src(%arg14 : memref<64xf32, #tpu.memory_space<vmem>>) dst(%dma_wait3A_666 : memref<64xf32, #tpu.memory_space<vmem_shared>>)
      tpu.yield
    }) : () -> ()
    %mul3A_551 = arith.constant 6272 : i32
    %mul3A_552 = arith.muli %arg1, %mul3A_551 : i32
    %add3A_553 = arith.constant 4736 : i32
    %add3A_554 = arith.addi %mul3A_552, %add3A_553 : i32
    "tpu.region"() ({
      %run_scoped3A = tpu.sem_alloc : memref<!tpu.dma_semaphore, #tpu.memory_space<semaphore_mem>>
      %dma_start3A = tpu.memref_slice %arg16[%add3A_554] : memref<100352xf32, #tpu.memory_space<vmem_shared>> -> memref<64xf32, #tpu.memory_space<vmem_shared>>
      %dma_start3A_665 = tpu.memref_slice %arg16[%add3A_554] : memref<100352xf32, #tpu.memory_space<vmem_shared>> -> memref<64xf32, #tpu.memory_space<vmem_shared>>
      tpu.enqueue_dma source(%arg14 : memref<64xf32, #tpu.memory_space<vmem>>) target(%dma_start3A_665 : memref<64xf32, #tpu.memory_space<vmem_shared>>) target_semaphore(%run_scoped3A : memref<!tpu.dma_semaphore, #tpu.memory_space<semaphore_mem>>)
      %dma_wait3A = tpu.memref_slice %arg16[%add3A_554] : memref<100352xf32, #tpu.memory_space<vmem_shared>> -> memref<64xf32, #tpu.memory_space<vmem_shared>>
      %dma_wait3A_666 = tpu.memref_slice %arg16[%add3A_554] : memref<100352xf32, #tpu.memory_space<vmem_shared>> -> memref<64xf32, #tpu.memory_space<vmem_shared>>
      tpu.wait_dma2 semaphore(%run_scoped3A : memref<!tpu.dma_semaphore, #tpu.memory_space<semaphore_mem>>) src(%arg14 : memref<64xf32, #tpu.memory_space<vmem>>) dst(%dma_wait3A_666 : memref<64xf32, #tpu.memory_space<vmem_shared>>)
      tpu.yield
    }) : () -> ()
    %mul3A_555 = arith.constant 6272 : i32
    %mul3A_556 = arith.muli %arg1, %mul3A_555 : i32
    %add3A_557 = arith.constant 4800 : i32
    %add3A_558 = arith.addi %mul3A_556, %add3A_557 : i32
    "tpu.region"() ({
      %run_scoped3A = tpu.sem_alloc : memref<!tpu.dma_semaphore, #tpu.memory_space<semaphore_mem>>
      %dma_start3A = tpu.memref_slice %arg16[%add3A_558] : memref<100352xf32, #tpu.memory_space<vmem_shared>> -> memref<64xf32, #tpu.memory_space<vmem_shared>>
      %dma_start3A_665 = tpu.memref_slice %arg16[%add3A_558] : memref<100352xf32, #tpu.memory_space<vmem_shared>> -> memref<64xf32, #tpu.memory_space<vmem_shared>>
      tpu.enqueue_dma source(%arg14 : memref<64xf32, #tpu.memory_space<vmem>>) target(%dma_start3A_665 : memref<64xf32, #tpu.memory_space<vmem_shared>>) target_semaphore(%run_scoped3A : memref<!tpu.dma_semaphore, #tpu.memory_space<semaphore_mem>>)
      %dma_wait3A = tpu.memref_slice %arg16[%add3A_558] : memref<100352xf32, #tpu.memory_space<vmem_shared>> -> memref<64xf32, #tpu.memory_space<vmem_shared>>
      %dma_wait3A_666 = tpu.memref_slice %arg16[%add3A_558] : memref<100352xf32, #tpu.memory_space<vmem_shared>> -> memref<64xf32, #tpu.memory_space<vmem_shared>>
      tpu.wait_dma2 semaphore(%run_scoped3A : memref<!tpu.dma_semaphore, #tpu.memory_space<semaphore_mem>>) src(%arg14 : memref<64xf32, #tpu.memory_space<vmem>>) dst(%dma_wait3A_666 : memref<64xf32, #tpu.memory_space<vmem_shared>>)
      tpu.yield
    }) : () -> ()
    %mul3A_559 = arith.constant 6272 : i32
    %mul3A_560 = arith.muli %arg1, %mul3A_559 : i32
    %add3A_561 = arith.constant 4864 : i32
    %add3A_562 = arith.addi %mul3A_560, %add3A_561 : i32
    "tpu.region"() ({
      %run_scoped3A = tpu.sem_alloc : memref<!tpu.dma_semaphore, #tpu.memory_space<semaphore_mem>>
      %dma_start3A = tpu.memref_slice %arg16[%add3A_562] : memref<100352xf32, #tpu.memory_space<vmem_shared>> -> memref<64xf32, #tpu.memory_space<vmem_shared>>
      %dma_start3A_665 = tpu.memref_slice %arg16[%add3A_562] : memref<100352xf32, #tpu.memory_space<vmem_shared>> -> memref<64xf32, #tpu.memory_space<vmem_shared>>
      tpu.enqueue_dma source(%arg14 : memref<64xf32, #tpu.memory_space<vmem>>) target(%dma_start3A_665 : memref<64xf32, #tpu.memory_space<vmem_shared>>) target_semaphore(%run_scoped3A : memref<!tpu.dma_semaphore, #tpu.memory_space<semaphore_mem>>)
      %dma_wait3A = tpu.memref_slice %arg16[%add3A_562] : memref<100352xf32, #tpu.memory_space<vmem_shared>> -> memref<64xf32, #tpu.memory_space<vmem_shared>>
      %dma_wait3A_666 = tpu.memref_slice %arg16[%add3A_562] : memref<100352xf32, #tpu.memory_space<vmem_shared>> -> memref<64xf32, #tpu.memory_space<vmem_shared>>
      tpu.wait_dma2 semaphore(%run_scoped3A : memref<!tpu.dma_semaphore, #tpu.memory_space<semaphore_mem>>) src(%arg14 : memref<64xf32, #tpu.memory_space<vmem>>) dst(%dma_wait3A_666 : memref<64xf32, #tpu.memory_space<vmem_shared>>)
      tpu.yield
    }) : () -> ()
    %mul3A_563 = arith.constant 6272 : i32
    %mul3A_564 = arith.muli %arg1, %mul3A_563 : i32
    %add3A_565 = arith.constant 4928 : i32
    %add3A_566 = arith.addi %mul3A_564, %add3A_565 : i32
    "tpu.region"() ({
      %run_scoped3A = tpu.sem_alloc : memref<!tpu.dma_semaphore, #tpu.memory_space<semaphore_mem>>
      %dma_start3A = tpu.memref_slice %arg16[%add3A_566] : memref<100352xf32, #tpu.memory_space<vmem_shared>> -> memref<64xf32, #tpu.memory_space<vmem_shared>>
      %dma_start3A_665 = tpu.memref_slice %arg16[%add3A_566] : memref<100352xf32, #tpu.memory_space<vmem_shared>> -> memref<64xf32, #tpu.memory_space<vmem_shared>>
      tpu.enqueue_dma source(%arg14 : memref<64xf32, #tpu.memory_space<vmem>>) target(%dma_start3A_665 : memref<64xf32, #tpu.memory_space<vmem_shared>>) target_semaphore(%run_scoped3A : memref<!tpu.dma_semaphore, #tpu.memory_space<semaphore_mem>>)
      %dma_wait3A = tpu.memref_slice %arg16[%add3A_566] : memref<100352xf32, #tpu.memory_space<vmem_shared>> -> memref<64xf32, #tpu.memory_space<vmem_shared>>
      %dma_wait3A_666 = tpu.memref_slice %arg16[%add3A_566] : memref<100352xf32, #tpu.memory_space<vmem_shared>> -> memref<64xf32, #tpu.memory_space<vmem_shared>>
      tpu.wait_dma2 semaphore(%run_scoped3A : memref<!tpu.dma_semaphore, #tpu.memory_space<semaphore_mem>>) src(%arg14 : memref<64xf32, #tpu.memory_space<vmem>>) dst(%dma_wait3A_666 : memref<64xf32, #tpu.memory_space<vmem_shared>>)
      tpu.yield
    }) : () -> ()
    %mul3A_567 = arith.constant 6272 : i32
    %mul3A_568 = arith.muli %arg1, %mul3A_567 : i32
    %add3A_569 = arith.constant 4992 : i32
    %add3A_570 = arith.addi %mul3A_568, %add3A_569 : i32
    "tpu.region"() ({
      %run_scoped3A = tpu.sem_alloc : memref<!tpu.dma_semaphore, #tpu.memory_space<semaphore_mem>>
      %dma_start3A = tpu.memref_slice %arg16[%add3A_570] : memref<100352xf32, #tpu.memory_space<vmem_shared>> -> memref<64xf32, #tpu.memory_space<vmem_shared>>
      %dma_start3A_665 = tpu.memref_slice %arg16[%add3A_570] : memref<100352xf32, #tpu.memory_space<vmem_shared>> -> memref<64xf32, #tpu.memory_space<vmem_shared>>
      tpu.enqueue_dma source(%arg14 : memref<64xf32, #tpu.memory_space<vmem>>) target(%dma_start3A_665 : memref<64xf32, #tpu.memory_space<vmem_shared>>) target_semaphore(%run_scoped3A : memref<!tpu.dma_semaphore, #tpu.memory_space<semaphore_mem>>)
      %dma_wait3A = tpu.memref_slice %arg16[%add3A_570] : memref<100352xf32, #tpu.memory_space<vmem_shared>> -> memref<64xf32, #tpu.memory_space<vmem_shared>>
      %dma_wait3A_666 = tpu.memref_slice %arg16[%add3A_570] : memref<100352xf32, #tpu.memory_space<vmem_shared>> -> memref<64xf32, #tpu.memory_space<vmem_shared>>
      tpu.wait_dma2 semaphore(%run_scoped3A : memref<!tpu.dma_semaphore, #tpu.memory_space<semaphore_mem>>) src(%arg14 : memref<64xf32, #tpu.memory_space<vmem>>) dst(%dma_wait3A_666 : memref<64xf32, #tpu.memory_space<vmem_shared>>)
      tpu.yield
    }) : () -> ()
    %mul3A_571 = arith.constant 6272 : i32
    %mul3A_572 = arith.muli %arg1, %mul3A_571 : i32
    %add3A_573 = arith.constant 5056 : i32
    %add3A_574 = arith.addi %mul3A_572, %add3A_573 : i32
    "tpu.region"() ({
      %run_scoped3A = tpu.sem_alloc : memref<!tpu.dma_semaphore, #tpu.memory_space<semaphore_mem>>
      %dma_start3A = tpu.memref_slice %arg16[%add3A_574] : memref<100352xf32, #tpu.memory_space<vmem_shared>> -> memref<64xf32, #tpu.memory_space<vmem_shared>>
      %dma_start3A_665 = tpu.memref_slice %arg16[%add3A_574] : memref<100352xf32, #tpu.memory_space<vmem_shared>> -> memref<64xf32, #tpu.memory_space<vmem_shared>>
      tpu.enqueue_dma source(%arg14 : memref<64xf32, #tpu.memory_space<vmem>>) target(%dma_start3A_665 : memref<64xf32, #tpu.memory_space<vmem_shared>>) target_semaphore(%run_scoped3A : memref<!tpu.dma_semaphore, #tpu.memory_space<semaphore_mem>>)
      %dma_wait3A = tpu.memref_slice %arg16[%add3A_574] : memref<100352xf32, #tpu.memory_space<vmem_shared>> -> memref<64xf32, #tpu.memory_space<vmem_shared>>
      %dma_wait3A_666 = tpu.memref_slice %arg16[%add3A_574] : memref<100352xf32, #tpu.memory_space<vmem_shared>> -> memref<64xf32, #tpu.memory_space<vmem_shared>>
      tpu.wait_dma2 semaphore(%run_scoped3A : memref<!tpu.dma_semaphore, #tpu.memory_space<semaphore_mem>>) src(%arg14 : memref<64xf32, #tpu.memory_space<vmem>>) dst(%dma_wait3A_666 : memref<64xf32, #tpu.memory_space<vmem_shared>>)
      tpu.yield
    }) : () -> ()
    %mul3A_575 = arith.constant 6272 : i32
    %mul3A_576 = arith.muli %arg1, %mul3A_575 : i32
    %add3A_577 = arith.constant 5120 : i32
    %add3A_578 = arith.addi %mul3A_576, %add3A_577 : i32
    "tpu.region"() ({
      %run_scoped3A = tpu.sem_alloc : memref<!tpu.dma_semaphore, #tpu.memory_space<semaphore_mem>>
      %dma_start3A = tpu.memref_slice %arg16[%add3A_578] : memref<100352xf32, #tpu.memory_space<vmem_shared>> -> memref<64xf32, #tpu.memory_space<vmem_shared>>
      %dma_start3A_665 = tpu.memref_slice %arg16[%add3A_578] : memref<100352xf32, #tpu.memory_space<vmem_shared>> -> memref<64xf32, #tpu.memory_space<vmem_shared>>
      tpu.enqueue_dma source(%arg14 : memref<64xf32, #tpu.memory_space<vmem>>) target(%dma_start3A_665 : memref<64xf32, #tpu.memory_space<vmem_shared>>) target_semaphore(%run_scoped3A : memref<!tpu.dma_semaphore, #tpu.memory_space<semaphore_mem>>)
      %dma_wait3A = tpu.memref_slice %arg16[%add3A_578] : memref<100352xf32, #tpu.memory_space<vmem_shared>> -> memref<64xf32, #tpu.memory_space<vmem_shared>>
      %dma_wait3A_666 = tpu.memref_slice %arg16[%add3A_578] : memref<100352xf32, #tpu.memory_space<vmem_shared>> -> memref<64xf32, #tpu.memory_space<vmem_shared>>
      tpu.wait_dma2 semaphore(%run_scoped3A : memref<!tpu.dma_semaphore, #tpu.memory_space<semaphore_mem>>) src(%arg14 : memref<64xf32, #tpu.memory_space<vmem>>) dst(%dma_wait3A_666 : memref<64xf32, #tpu.memory_space<vmem_shared>>)
      tpu.yield
    }) : () -> ()
    %mul3A_579 = arith.constant 6272 : i32
    %mul3A_580 = arith.muli %arg1, %mul3A_579 : i32
    %add3A_581 = arith.constant 5184 : i32
    %add3A_582 = arith.addi %mul3A_580, %add3A_581 : i32
    "tpu.region"() ({
      %run_scoped3A = tpu.sem_alloc : memref<!tpu.dma_semaphore, #tpu.memory_space<semaphore_mem>>
      %dma_start3A = tpu.memref_slice %arg16[%add3A_582] : memref<100352xf32, #tpu.memory_space<vmem_shared>> -> memref<64xf32, #tpu.memory_space<vmem_shared>>
      %dma_start3A_665 = tpu.memref_slice %arg16[%add3A_582] : memref<100352xf32, #tpu.memory_space<vmem_shared>> -> memref<64xf32, #tpu.memory_space<vmem_shared>>
      tpu.enqueue_dma source(%arg14 : memref<64xf32, #tpu.memory_space<vmem>>) target(%dma_start3A_665 : memref<64xf32, #tpu.memory_space<vmem_shared>>) target_semaphore(%run_scoped3A : memref<!tpu.dma_semaphore, #tpu.memory_space<semaphore_mem>>)
      %dma_wait3A = tpu.memref_slice %arg16[%add3A_582] : memref<100352xf32, #tpu.memory_space<vmem_shared>> -> memref<64xf32, #tpu.memory_space<vmem_shared>>
      %dma_wait3A_666 = tpu.memref_slice %arg16[%add3A_582] : memref<100352xf32, #tpu.memory_space<vmem_shared>> -> memref<64xf32, #tpu.memory_space<vmem_shared>>
      tpu.wait_dma2 semaphore(%run_scoped3A : memref<!tpu.dma_semaphore, #tpu.memory_space<semaphore_mem>>) src(%arg14 : memref<64xf32, #tpu.memory_space<vmem>>) dst(%dma_wait3A_666 : memref<64xf32, #tpu.memory_space<vmem_shared>>)
      tpu.yield
    }) : () -> ()
    %mul3A_583 = arith.constant 6272 : i32
    %mul3A_584 = arith.muli %arg1, %mul3A_583 : i32
    %add3A_585 = arith.constant 5248 : i32
    %add3A_586 = arith.addi %mul3A_584, %add3A_585 : i32
    "tpu.region"() ({
      %run_scoped3A = tpu.sem_alloc : memref<!tpu.dma_semaphore, #tpu.memory_space<semaphore_mem>>
      %dma_start3A = tpu.memref_slice %arg16[%add3A_586] : memref<100352xf32, #tpu.memory_space<vmem_shared>> -> memref<64xf32, #tpu.memory_space<vmem_shared>>
      %dma_start3A_665 = tpu.memref_slice %arg16[%add3A_586] : memref<100352xf32, #tpu.memory_space<vmem_shared>> -> memref<64xf32, #tpu.memory_space<vmem_shared>>
      tpu.enqueue_dma source(%arg14 : memref<64xf32, #tpu.memory_space<vmem>>) target(%dma_start3A_665 : memref<64xf32, #tpu.memory_space<vmem_shared>>) target_semaphore(%run_scoped3A : memref<!tpu.dma_semaphore, #tpu.memory_space<semaphore_mem>>)
      %dma_wait3A = tpu.memref_slice %arg16[%add3A_586] : memref<100352xf32, #tpu.memory_space<vmem_shared>> -> memref<64xf32, #tpu.memory_space<vmem_shared>>
      %dma_wait3A_666 = tpu.memref_slice %arg16[%add3A_586] : memref<100352xf32, #tpu.memory_space<vmem_shared>> -> memref<64xf32, #tpu.memory_space<vmem_shared>>
      tpu.wait_dma2 semaphore(%run_scoped3A : memref<!tpu.dma_semaphore, #tpu.memory_space<semaphore_mem>>) src(%arg14 : memref<64xf32, #tpu.memory_space<vmem>>) dst(%dma_wait3A_666 : memref<64xf32, #tpu.memory_space<vmem_shared>>)
      tpu.yield
    }) : () -> ()
    %mul3A_587 = arith.constant 6272 : i32
    %mul3A_588 = arith.muli %arg1, %mul3A_587 : i32
    %add3A_589 = arith.constant 5312 : i32
    %add3A_590 = arith.addi %mul3A_588, %add3A_589 : i32
    "tpu.region"() ({
      %run_scoped3A = tpu.sem_alloc : memref<!tpu.dma_semaphore, #tpu.memory_space<semaphore_mem>>
      %dma_start3A = tpu.memref_slice %arg16[%add3A_590] : memref<100352xf32, #tpu.memory_space<vmem_shared>> -> memref<64xf32, #tpu.memory_space<vmem_shared>>
      %dma_start3A_665 = tpu.memref_slice %arg16[%add3A_590] : memref<100352xf32, #tpu.memory_space<vmem_shared>> -> memref<64xf32, #tpu.memory_space<vmem_shared>>
      tpu.enqueue_dma source(%arg14 : memref<64xf32, #tpu.memory_space<vmem>>) target(%dma_start3A_665 : memref<64xf32, #tpu.memory_space<vmem_shared>>) target_semaphore(%run_scoped3A : memref<!tpu.dma_semaphore, #tpu.memory_space<semaphore_mem>>)
      %dma_wait3A = tpu.memref_slice %arg16[%add3A_590] : memref<100352xf32, #tpu.memory_space<vmem_shared>> -> memref<64xf32, #tpu.memory_space<vmem_shared>>
      %dma_wait3A_666 = tpu.memref_slice %arg16[%add3A_590] : memref<100352xf32, #tpu.memory_space<vmem_shared>> -> memref<64xf32, #tpu.memory_space<vmem_shared>>
      tpu.wait_dma2 semaphore(%run_scoped3A : memref<!tpu.dma_semaphore, #tpu.memory_space<semaphore_mem>>) src(%arg14 : memref<64xf32, #tpu.memory_space<vmem>>) dst(%dma_wait3A_666 : memref<64xf32, #tpu.memory_space<vmem_shared>>)
      tpu.yield
    }) : () -> ()
    %mul3A_591 = arith.constant 6272 : i32
    %mul3A_592 = arith.muli %arg1, %mul3A_591 : i32
    %add3A_593 = arith.constant 5376 : i32
    %add3A_594 = arith.addi %mul3A_592, %add3A_593 : i32
    "tpu.region"() ({
      %run_scoped3A = tpu.sem_alloc : memref<!tpu.dma_semaphore, #tpu.memory_space<semaphore_mem>>
      %dma_start3A = tpu.memref_slice %arg16[%add3A_594] : memref<100352xf32, #tpu.memory_space<vmem_shared>> -> memref<64xf32, #tpu.memory_space<vmem_shared>>
      %dma_start3A_665 = tpu.memref_slice %arg16[%add3A_594] : memref<100352xf32, #tpu.memory_space<vmem_shared>> -> memref<64xf32, #tpu.memory_space<vmem_shared>>
      tpu.enqueue_dma source(%arg14 : memref<64xf32, #tpu.memory_space<vmem>>) target(%dma_start3A_665 : memref<64xf32, #tpu.memory_space<vmem_shared>>) target_semaphore(%run_scoped3A : memref<!tpu.dma_semaphore, #tpu.memory_space<semaphore_mem>>)
      %dma_wait3A = tpu.memref_slice %arg16[%add3A_594] : memref<100352xf32, #tpu.memory_space<vmem_shared>> -> memref<64xf32, #tpu.memory_space<vmem_shared>>
      %dma_wait3A_666 = tpu.memref_slice %arg16[%add3A_594] : memref<100352xf32, #tpu.memory_space<vmem_shared>> -> memref<64xf32, #tpu.memory_space<vmem_shared>>
      tpu.wait_dma2 semaphore(%run_scoped3A : memref<!tpu.dma_semaphore, #tpu.memory_space<semaphore_mem>>) src(%arg14 : memref<64xf32, #tpu.memory_space<vmem>>) dst(%dma_wait3A_666 : memref<64xf32, #tpu.memory_space<vmem_shared>>)
      tpu.yield
    }) : () -> ()
    %mul3A_595 = arith.constant 6272 : i32
    %mul3A_596 = arith.muli %arg1, %mul3A_595 : i32
    %add3A_597 = arith.constant 5440 : i32
    %add3A_598 = arith.addi %mul3A_596, %add3A_597 : i32
    "tpu.region"() ({
      %run_scoped3A = tpu.sem_alloc : memref<!tpu.dma_semaphore, #tpu.memory_space<semaphore_mem>>
      %dma_start3A = tpu.memref_slice %arg16[%add3A_598] : memref<100352xf32, #tpu.memory_space<vmem_shared>> -> memref<64xf32, #tpu.memory_space<vmem_shared>>
      %dma_start3A_665 = tpu.memref_slice %arg16[%add3A_598] : memref<100352xf32, #tpu.memory_space<vmem_shared>> -> memref<64xf32, #tpu.memory_space<vmem_shared>>
      tpu.enqueue_dma source(%arg14 : memref<64xf32, #tpu.memory_space<vmem>>) target(%dma_start3A_665 : memref<64xf32, #tpu.memory_space<vmem_shared>>) target_semaphore(%run_scoped3A : memref<!tpu.dma_semaphore, #tpu.memory_space<semaphore_mem>>)
      %dma_wait3A = tpu.memref_slice %arg16[%add3A_598] : memref<100352xf32, #tpu.memory_space<vmem_shared>> -> memref<64xf32, #tpu.memory_space<vmem_shared>>
      %dma_wait3A_666 = tpu.memref_slice %arg16[%add3A_598] : memref<100352xf32, #tpu.memory_space<vmem_shared>> -> memref<64xf32, #tpu.memory_space<vmem_shared>>
      tpu.wait_dma2 semaphore(%run_scoped3A : memref<!tpu.dma_semaphore, #tpu.memory_space<semaphore_mem>>) src(%arg14 : memref<64xf32, #tpu.memory_space<vmem>>) dst(%dma_wait3A_666 : memref<64xf32, #tpu.memory_space<vmem_shared>>)
      tpu.yield
    }) : () -> ()
    %mul3A_599 = arith.constant 6272 : i32
    %mul3A_600 = arith.muli %arg1, %mul3A_599 : i32
    %add3A_601 = arith.constant 5504 : i32
    %add3A_602 = arith.addi %mul3A_600, %add3A_601 : i32
    "tpu.region"() ({
      %run_scoped3A = tpu.sem_alloc : memref<!tpu.dma_semaphore, #tpu.memory_space<semaphore_mem>>
      %dma_start3A = tpu.memref_slice %arg16[%add3A_602] : memref<100352xf32, #tpu.memory_space<vmem_shared>> -> memref<64xf32, #tpu.memory_space<vmem_shared>>
      %dma_start3A_665 = tpu.memref_slice %arg16[%add3A_602] : memref<100352xf32, #tpu.memory_space<vmem_shared>> -> memref<64xf32, #tpu.memory_space<vmem_shared>>
      tpu.enqueue_dma source(%arg14 : memref<64xf32, #tpu.memory_space<vmem>>) target(%dma_start3A_665 : memref<64xf32, #tpu.memory_space<vmem_shared>>) target_semaphore(%run_scoped3A : memref<!tpu.dma_semaphore, #tpu.memory_space<semaphore_mem>>)
      %dma_wait3A = tpu.memref_slice %arg16[%add3A_602] : memref<100352xf32, #tpu.memory_space<vmem_shared>> -> memref<64xf32, #tpu.memory_space<vmem_shared>>
      %dma_wait3A_666 = tpu.memref_slice %arg16[%add3A_602] : memref<100352xf32, #tpu.memory_space<vmem_shared>> -> memref<64xf32, #tpu.memory_space<vmem_shared>>
      tpu.wait_dma2 semaphore(%run_scoped3A : memref<!tpu.dma_semaphore, #tpu.memory_space<semaphore_mem>>) src(%arg14 : memref<64xf32, #tpu.memory_space<vmem>>) dst(%dma_wait3A_666 : memref<64xf32, #tpu.memory_space<vmem_shared>>)
      tpu.yield
    }) : () -> ()
    %mul3A_603 = arith.constant 6272 : i32
    %mul3A_604 = arith.muli %arg1, %mul3A_603 : i32
    %add3A_605 = arith.constant 5568 : i32
    %add3A_606 = arith.addi %mul3A_604, %add3A_605 : i32
    "tpu.region"() ({
      %run_scoped3A = tpu.sem_alloc : memref<!tpu.dma_semaphore, #tpu.memory_space<semaphore_mem>>
      %dma_start3A = tpu.memref_slice %arg16[%add3A_606] : memref<100352xf32, #tpu.memory_space<vmem_shared>> -> memref<64xf32, #tpu.memory_space<vmem_shared>>
      %dma_start3A_665 = tpu.memref_slice %arg16[%add3A_606] : memref<100352xf32, #tpu.memory_space<vmem_shared>> -> memref<64xf32, #tpu.memory_space<vmem_shared>>
      tpu.enqueue_dma source(%arg14 : memref<64xf32, #tpu.memory_space<vmem>>) target(%dma_start3A_665 : memref<64xf32, #tpu.memory_space<vmem_shared>>) target_semaphore(%run_scoped3A : memref<!tpu.dma_semaphore, #tpu.memory_space<semaphore_mem>>)
      %dma_wait3A = tpu.memref_slice %arg16[%add3A_606] : memref<100352xf32, #tpu.memory_space<vmem_shared>> -> memref<64xf32, #tpu.memory_space<vmem_shared>>
      %dma_wait3A_666 = tpu.memref_slice %arg16[%add3A_606] : memref<100352xf32, #tpu.memory_space<vmem_shared>> -> memref<64xf32, #tpu.memory_space<vmem_shared>>
      tpu.wait_dma2 semaphore(%run_scoped3A : memref<!tpu.dma_semaphore, #tpu.memory_space<semaphore_mem>>) src(%arg14 : memref<64xf32, #tpu.memory_space<vmem>>) dst(%dma_wait3A_666 : memref<64xf32, #tpu.memory_space<vmem_shared>>)
      tpu.yield
    }) : () -> ()
    %mul3A_607 = arith.constant 6272 : i32
    %mul3A_608 = arith.muli %arg1, %mul3A_607 : i32
    %add3A_609 = arith.constant 5632 : i32
    %add3A_610 = arith.addi %mul3A_608, %add3A_609 : i32
    "tpu.region"() ({
      %run_scoped3A = tpu.sem_alloc : memref<!tpu.dma_semaphore, #tpu.memory_space<semaphore_mem>>
      %dma_start3A = tpu.memref_slice %arg16[%add3A_610] : memref<100352xf32, #tpu.memory_space<vmem_shared>> -> memref<64xf32, #tpu.memory_space<vmem_shared>>
      %dma_start3A_665 = tpu.memref_slice %arg16[%add3A_610] : memref<100352xf32, #tpu.memory_space<vmem_shared>> -> memref<64xf32, #tpu.memory_space<vmem_shared>>
      tpu.enqueue_dma source(%arg14 : memref<64xf32, #tpu.memory_space<vmem>>) target(%dma_start3A_665 : memref<64xf32, #tpu.memory_space<vmem_shared>>) target_semaphore(%run_scoped3A : memref<!tpu.dma_semaphore, #tpu.memory_space<semaphore_mem>>)
      %dma_wait3A = tpu.memref_slice %arg16[%add3A_610] : memref<100352xf32, #tpu.memory_space<vmem_shared>> -> memref<64xf32, #tpu.memory_space<vmem_shared>>
      %dma_wait3A_666 = tpu.memref_slice %arg16[%add3A_610] : memref<100352xf32, #tpu.memory_space<vmem_shared>> -> memref<64xf32, #tpu.memory_space<vmem_shared>>
      tpu.wait_dma2 semaphore(%run_scoped3A : memref<!tpu.dma_semaphore, #tpu.memory_space<semaphore_mem>>) src(%arg14 : memref<64xf32, #tpu.memory_space<vmem>>) dst(%dma_wait3A_666 : memref<64xf32, #tpu.memory_space<vmem_shared>>)
      tpu.yield
    }) : () -> ()
    %mul3A_611 = arith.constant 6272 : i32
    %mul3A_612 = arith.muli %arg1, %mul3A_611 : i32
    %add3A_613 = arith.constant 5696 : i32
    %add3A_614 = arith.addi %mul3A_612, %add3A_613 : i32
    "tpu.region"() ({
      %run_scoped3A = tpu.sem_alloc : memref<!tpu.dma_semaphore, #tpu.memory_space<semaphore_mem>>
      %dma_start3A = tpu.memref_slice %arg16[%add3A_614] : memref<100352xf32, #tpu.memory_space<vmem_shared>> -> memref<64xf32, #tpu.memory_space<vmem_shared>>
      %dma_start3A_665 = tpu.memref_slice %arg16[%add3A_614] : memref<100352xf32, #tpu.memory_space<vmem_shared>> -> memref<64xf32, #tpu.memory_space<vmem_shared>>
      tpu.enqueue_dma source(%arg14 : memref<64xf32, #tpu.memory_space<vmem>>) target(%dma_start3A_665 : memref<64xf32, #tpu.memory_space<vmem_shared>>) target_semaphore(%run_scoped3A : memref<!tpu.dma_semaphore, #tpu.memory_space<semaphore_mem>>)
      %dma_wait3A = tpu.memref_slice %arg16[%add3A_614] : memref<100352xf32, #tpu.memory_space<vmem_shared>> -> memref<64xf32, #tpu.memory_space<vmem_shared>>
      %dma_wait3A_666 = tpu.memref_slice %arg16[%add3A_614] : memref<100352xf32, #tpu.memory_space<vmem_shared>> -> memref<64xf32, #tpu.memory_space<vmem_shared>>
      tpu.wait_dma2 semaphore(%run_scoped3A : memref<!tpu.dma_semaphore, #tpu.memory_space<semaphore_mem>>) src(%arg14 : memref<64xf32, #tpu.memory_space<vmem>>) dst(%dma_wait3A_666 : memref<64xf32, #tpu.memory_space<vmem_shared>>)
      tpu.yield
    }) : () -> ()
    %mul3A_615 = arith.constant 6272 : i32
    %mul3A_616 = arith.muli %arg1, %mul3A_615 : i32
    %add3A_617 = arith.constant 5760 : i32
    %add3A_618 = arith.addi %mul3A_616, %add3A_617 : i32
    "tpu.region"() ({
      %run_scoped3A = tpu.sem_alloc : memref<!tpu.dma_semaphore, #tpu.memory_space<semaphore_mem>>
      %dma_start3A = tpu.memref_slice %arg16[%add3A_618] : memref<100352xf32, #tpu.memory_space<vmem_shared>> -> memref<64xf32, #tpu.memory_space<vmem_shared>>
      %dma_start3A_665 = tpu.memref_slice %arg16[%add3A_618] : memref<100352xf32, #tpu.memory_space<vmem_shared>> -> memref<64xf32, #tpu.memory_space<vmem_shared>>
      tpu.enqueue_dma source(%arg14 : memref<64xf32, #tpu.memory_space<vmem>>) target(%dma_start3A_665 : memref<64xf32, #tpu.memory_space<vmem_shared>>) target_semaphore(%run_scoped3A : memref<!tpu.dma_semaphore, #tpu.memory_space<semaphore_mem>>)
      %dma_wait3A = tpu.memref_slice %arg16[%add3A_618] : memref<100352xf32, #tpu.memory_space<vmem_shared>> -> memref<64xf32, #tpu.memory_space<vmem_shared>>
      %dma_wait3A_666 = tpu.memref_slice %arg16[%add3A_618] : memref<100352xf32, #tpu.memory_space<vmem_shared>> -> memref<64xf32, #tpu.memory_space<vmem_shared>>
      tpu.wait_dma2 semaphore(%run_scoped3A : memref<!tpu.dma_semaphore, #tpu.memory_space<semaphore_mem>>) src(%arg14 : memref<64xf32, #tpu.memory_space<vmem>>) dst(%dma_wait3A_666 : memref<64xf32, #tpu.memory_space<vmem_shared>>)
      tpu.yield
    }) : () -> ()
    %mul3A_619 = arith.constant 6272 : i32
    %mul3A_620 = arith.muli %arg1, %mul3A_619 : i32
    %add3A_621 = arith.constant 5824 : i32
    %add3A_622 = arith.addi %mul3A_620, %add3A_621 : i32
    "tpu.region"() ({
      %run_scoped3A = tpu.sem_alloc : memref<!tpu.dma_semaphore, #tpu.memory_space<semaphore_mem>>
      %dma_start3A = tpu.memref_slice %arg16[%add3A_622] : memref<100352xf32, #tpu.memory_space<vmem_shared>> -> memref<64xf32, #tpu.memory_space<vmem_shared>>
      %dma_start3A_665 = tpu.memref_slice %arg16[%add3A_622] : memref<100352xf32, #tpu.memory_space<vmem_shared>> -> memref<64xf32, #tpu.memory_space<vmem_shared>>
      tpu.enqueue_dma source(%arg14 : memref<64xf32, #tpu.memory_space<vmem>>) target(%dma_start3A_665 : memref<64xf32, #tpu.memory_space<vmem_shared>>) target_semaphore(%run_scoped3A : memref<!tpu.dma_semaphore, #tpu.memory_space<semaphore_mem>>)
      %dma_wait3A = tpu.memref_slice %arg16[%add3A_622] : memref<100352xf32, #tpu.memory_space<vmem_shared>> -> memref<64xf32, #tpu.memory_space<vmem_shared>>
      %dma_wait3A_666 = tpu.memref_slice %arg16[%add3A_622] : memref<100352xf32, #tpu.memory_space<vmem_shared>> -> memref<64xf32, #tpu.memory_space<vmem_shared>>
      tpu.wait_dma2 semaphore(%run_scoped3A : memref<!tpu.dma_semaphore, #tpu.memory_space<semaphore_mem>>) src(%arg14 : memref<64xf32, #tpu.memory_space<vmem>>) dst(%dma_wait3A_666 : memref<64xf32, #tpu.memory_space<vmem_shared>>)
      tpu.yield
    }) : () -> ()
    %mul3A_623 = arith.constant 6272 : i32
    %mul3A_624 = arith.muli %arg1, %mul3A_623 : i32
    %add3A_625 = arith.constant 5888 : i32
    %add3A_626 = arith.addi %mul3A_624, %add3A_625 : i32
    "tpu.region"() ({
      %run_scoped3A = tpu.sem_alloc : memref<!tpu.dma_semaphore, #tpu.memory_space<semaphore_mem>>
      %dma_start3A = tpu.memref_slice %arg16[%add3A_626] : memref<100352xf32, #tpu.memory_space<vmem_shared>> -> memref<64xf32, #tpu.memory_space<vmem_shared>>
      %dma_start3A_665 = tpu.memref_slice %arg16[%add3A_626] : memref<100352xf32, #tpu.memory_space<vmem_shared>> -> memref<64xf32, #tpu.memory_space<vmem_shared>>
      tpu.enqueue_dma source(%arg14 : memref<64xf32, #tpu.memory_space<vmem>>) target(%dma_start3A_665 : memref<64xf32, #tpu.memory_space<vmem_shared>>) target_semaphore(%run_scoped3A : memref<!tpu.dma_semaphore, #tpu.memory_space<semaphore_mem>>)
      %dma_wait3A = tpu.memref_slice %arg16[%add3A_626] : memref<100352xf32, #tpu.memory_space<vmem_shared>> -> memref<64xf32, #tpu.memory_space<vmem_shared>>
      %dma_wait3A_666 = tpu.memref_slice %arg16[%add3A_626] : memref<100352xf32, #tpu.memory_space<vmem_shared>> -> memref<64xf32, #tpu.memory_space<vmem_shared>>
      tpu.wait_dma2 semaphore(%run_scoped3A : memref<!tpu.dma_semaphore, #tpu.memory_space<semaphore_mem>>) src(%arg14 : memref<64xf32, #tpu.memory_space<vmem>>) dst(%dma_wait3A_666 : memref<64xf32, #tpu.memory_space<vmem_shared>>)
      tpu.yield
    }) : () -> ()
    %mul3A_627 = arith.constant 6272 : i32
    %mul3A_628 = arith.muli %arg1, %mul3A_627 : i32
    %add3A_629 = arith.constant 5952 : i32
    %add3A_630 = arith.addi %mul3A_628, %add3A_629 : i32
    "tpu.region"() ({
      %run_scoped3A = tpu.sem_alloc : memref<!tpu.dma_semaphore, #tpu.memory_space<semaphore_mem>>
      %dma_start3A = tpu.memref_slice %arg16[%add3A_630] : memref<100352xf32, #tpu.memory_space<vmem_shared>> -> memref<64xf32, #tpu.memory_space<vmem_shared>>
      %dma_start3A_665 = tpu.memref_slice %arg16[%add3A_630] : memref<100352xf32, #tpu.memory_space<vmem_shared>> -> memref<64xf32, #tpu.memory_space<vmem_shared>>
      tpu.enqueue_dma source(%arg14 : memref<64xf32, #tpu.memory_space<vmem>>) target(%dma_start3A_665 : memref<64xf32, #tpu.memory_space<vmem_shared>>) target_semaphore(%run_scoped3A : memref<!tpu.dma_semaphore, #tpu.memory_space<semaphore_mem>>)
      %dma_wait3A = tpu.memref_slice %arg16[%add3A_630] : memref<100352xf32, #tpu.memory_space<vmem_shared>> -> memref<64xf32, #tpu.memory_space<vmem_shared>>
      %dma_wait3A_666 = tpu.memref_slice %arg16[%add3A_630] : memref<100352xf32, #tpu.memory_space<vmem_shared>> -> memref<64xf32, #tpu.memory_space<vmem_shared>>
      tpu.wait_dma2 semaphore(%run_scoped3A : memref<!tpu.dma_semaphore, #tpu.memory_space<semaphore_mem>>) src(%arg14 : memref<64xf32, #tpu.memory_space<vmem>>) dst(%dma_wait3A_666 : memref<64xf32, #tpu.memory_space<vmem_shared>>)
      tpu.yield
    }) : () -> ()
    %mul3A_631 = arith.constant 6272 : i32
    %mul3A_632 = arith.muli %arg1, %mul3A_631 : i32
    %add3A_633 = arith.constant 6016 : i32
    %add3A_634 = arith.addi %mul3A_632, %add3A_633 : i32
    "tpu.region"() ({
      %run_scoped3A = tpu.sem_alloc : memref<!tpu.dma_semaphore, #tpu.memory_space<semaphore_mem>>
      %dma_start3A = tpu.memref_slice %arg16[%add3A_634] : memref<100352xf32, #tpu.memory_space<vmem_shared>> -> memref<64xf32, #tpu.memory_space<vmem_shared>>
      %dma_start3A_665 = tpu.memref_slice %arg16[%add3A_634] : memref<100352xf32, #tpu.memory_space<vmem_shared>> -> memref<64xf32, #tpu.memory_space<vmem_shared>>
      tpu.enqueue_dma source(%arg14 : memref<64xf32, #tpu.memory_space<vmem>>) target(%dma_start3A_665 : memref<64xf32, #tpu.memory_space<vmem_shared>>) target_semaphore(%run_scoped3A : memref<!tpu.dma_semaphore, #tpu.memory_space<semaphore_mem>>)
      %dma_wait3A = tpu.memref_slice %arg16[%add3A_634] : memref<100352xf32, #tpu.memory_space<vmem_shared>> -> memref<64xf32, #tpu.memory_space<vmem_shared>>
      %dma_wait3A_666 = tpu.memref_slice %arg16[%add3A_634] : memref<100352xf32, #tpu.memory_space<vmem_shared>> -> memref<64xf32, #tpu.memory_space<vmem_shared>>
      tpu.wait_dma2 semaphore(%run_scoped3A : memref<!tpu.dma_semaphore, #tpu.memory_space<semaphore_mem>>) src(%arg14 : memref<64xf32, #tpu.memory_space<vmem>>) dst(%dma_wait3A_666 : memref<64xf32, #tpu.memory_space<vmem_shared>>)
      tpu.yield
    }) : () -> ()
    %mul3A_635 = arith.constant 6272 : i32
    %mul3A_636 = arith.muli %arg1, %mul3A_635 : i32
    %add3A_637 = arith.constant 6080 : i32
    %add3A_638 = arith.addi %mul3A_636, %add3A_637 : i32
    "tpu.region"() ({
      %run_scoped3A = tpu.sem_alloc : memref<!tpu.dma_semaphore, #tpu.memory_space<semaphore_mem>>
      %dma_start3A = tpu.memref_slice %arg16[%add3A_638] : memref<100352xf32, #tpu.memory_space<vmem_shared>> -> memref<64xf32, #tpu.memory_space<vmem_shared>>
      %dma_start3A_665 = tpu.memref_slice %arg16[%add3A_638] : memref<100352xf32, #tpu.memory_space<vmem_shared>> -> memref<64xf32, #tpu.memory_space<vmem_shared>>
      tpu.enqueue_dma source(%arg14 : memref<64xf32, #tpu.memory_space<vmem>>) target(%dma_start3A_665 : memref<64xf32, #tpu.memory_space<vmem_shared>>) target_semaphore(%run_scoped3A : memref<!tpu.dma_semaphore, #tpu.memory_space<semaphore_mem>>)
      %dma_wait3A = tpu.memref_slice %arg16[%add3A_638] : memref<100352xf32, #tpu.memory_space<vmem_shared>> -> memref<64xf32, #tpu.memory_space<vmem_shared>>
      %dma_wait3A_666 = tpu.memref_slice %arg16[%add3A_638] : memref<100352xf32, #tpu.memory_space<vmem_shared>> -> memref<64xf32, #tpu.memory_space<vmem_shared>>
      tpu.wait_dma2 semaphore(%run_scoped3A : memref<!tpu.dma_semaphore, #tpu.memory_space<semaphore_mem>>) src(%arg14 : memref<64xf32, #tpu.memory_space<vmem>>) dst(%dma_wait3A_666 : memref<64xf32, #tpu.memory_space<vmem_shared>>)
      tpu.yield
    }) : () -> ()
    %mul3A_639 = arith.constant 6272 : i32
    %mul3A_640 = arith.muli %arg1, %mul3A_639 : i32
    %add3A_641 = arith.constant 6144 : i32
    %add3A_642 = arith.addi %mul3A_640, %add3A_641 : i32
    "tpu.region"() ({
      %run_scoped3A = tpu.sem_alloc : memref<!tpu.dma_semaphore, #tpu.memory_space<semaphore_mem>>
      %dma_start3A = tpu.memref_slice %arg16[%add3A_642] : memref<100352xf32, #tpu.memory_space<vmem_shared>> -> memref<64xf32, #tpu.memory_space<vmem_shared>>
      %dma_start3A_665 = tpu.memref_slice %arg16[%add3A_642] : memref<100352xf32, #tpu.memory_space<vmem_shared>> -> memref<64xf32, #tpu.memory_space<vmem_shared>>
      tpu.enqueue_dma source(%arg14 : memref<64xf32, #tpu.memory_space<vmem>>) target(%dma_start3A_665 : memref<64xf32, #tpu.memory_space<vmem_shared>>) target_semaphore(%run_scoped3A : memref<!tpu.dma_semaphore, #tpu.memory_space<semaphore_mem>>)
      %dma_wait3A = tpu.memref_slice %arg16[%add3A_642] : memref<100352xf32, #tpu.memory_space<vmem_shared>> -> memref<64xf32, #tpu.memory_space<vmem_shared>>
      %dma_wait3A_666 = tpu.memref_slice %arg16[%add3A_642] : memref<100352xf32, #tpu.memory_space<vmem_shared>> -> memref<64xf32, #tpu.memory_space<vmem_shared>>
      tpu.wait_dma2 semaphore(%run_scoped3A : memref<!tpu.dma_semaphore, #tpu.memory_space<semaphore_mem>>) src(%arg14 : memref<64xf32, #tpu.memory_space<vmem>>) dst(%dma_wait3A_666 : memref<64xf32, #tpu.memory_space<vmem_shared>>)
      tpu.yield
    }) : () -> ()
    %mul3A_643 = arith.constant 6272 : i32
    %mul3A_644 = arith.muli %arg1, %mul3A_643 : i32
    %add3A_645 = arith.constant 6208 : i32
    %add3A_646 = arith.addi %mul3A_644, %add3A_645 : i32
    "tpu.region"() ({
      %run_scoped3A = tpu.sem_alloc : memref<!tpu.dma_semaphore, #tpu.memory_space<semaphore_mem>>
      %dma_start3A = tpu.memref_slice %arg16[%add3A_646] : memref<100352xf32, #tpu.memory_space<vmem_shared>> -> memref<64xf32, #tpu.memory_space<vmem_shared>>
      %dma_start3A_665 = tpu.memref_slice %arg16[%add3A_646] : memref<100352xf32, #tpu.memory_space<vmem_shared>> -> memref<64xf32, #tpu.memory_space<vmem_shared>>
      tpu.enqueue_dma source(%arg14 : memref<64xf32, #tpu.memory_space<vmem>>) target(%dma_start3A_665 : memref<64xf32, #tpu.memory_space<vmem_shared>>) target_semaphore(%run_scoped3A : memref<!tpu.dma_semaphore, #tpu.memory_space<semaphore_mem>>)
      %dma_wait3A = tpu.memref_slice %arg16[%add3A_646] : memref<100352xf32, #tpu.memory_space<vmem_shared>> -> memref<64xf32, #tpu.memory_space<vmem_shared>>
      %dma_wait3A_666 = tpu.memref_slice %arg16[%add3A_646] : memref<100352xf32, #tpu.memory_space<vmem_shared>> -> memref<64xf32, #tpu.memory_space<vmem_shared>>
      tpu.wait_dma2 semaphore(%run_scoped3A : memref<!tpu.dma_semaphore, #tpu.memory_space<semaphore_mem>>) src(%arg14 : memref<64xf32, #tpu.memory_space<vmem>>) dst(%dma_wait3A_666 : memref<64xf32, #tpu.memory_space<vmem_shared>>)
      tpu.yield
    }) : () -> ()
    %barrier3A = arith.constant 0 : index
    tpu.barrier barrier_id(%barrier3A)
    %lt3A = arith.constant 6250 : i32
    %lt3A_647 = arith.cmpi slt, %arg1, %lt3A : i32
    %convert_element_type3A = arith.extui %lt3A_647 : i1 to i32
    %cond3A = arith.constant 0 : i32
    %cond3A_648 = arith.cmpi ne, %convert_element_type3A, %cond3A : i32
    scf.if %cond3A_648 {
      %mul3A_665 = arith.constant 2 : i32
      %mul3A_666 = arith.muli %arg1, %mul3A_665 : i32
      %dma_start3A = arith.constant 0 : i32
      %dma_start3A_667 = tpu.memref_slice %arg3[%mul3A_666, %dma_start3A] : memref<12500x128xi32, #tpu.memory_space<hbm>> -> memref<2x128xi32, #tpu.memory_space<hbm>>
      %dma_start3A_668 = arith.constant 0 : i32
      %dma_start3A_669 = tpu.memref_slice %arg3[%mul3A_666, %dma_start3A_668] : memref<12500x128xi32, #tpu.memory_space<hbm>> -> memref<2x128xi32, #tpu.memory_space<hbm>>
      tpu.enqueue_dma source(%dma_start3A_669 : memref<2x128xi32, #tpu.memory_space<hbm>>) target(%arg6 : memref<2x128xi32, #tpu.memory_space<vmem>>) target_semaphore(%arg17 : memref<!tpu.dma_semaphore, #tpu.memory_space<semaphore_mem>>)
      %dma_start3A_670 = arith.constant 0 : i32
      %dma_start3A_671 = arith.constant 0 : i32
      %dma_start3A_672 = tpu.memref_slice %arg2[%arg1, %dma_start3A_670, %dma_start3A_671] : memref<6250x256x32xf32, #tpu.memory_space<hbm>> -> memref<1x256x32xf32, #tpu.memory_space<hbm>>
      %dma_start3A_673 = tpu.memref_squeeze %dma_start3A_672 : memref<1x256x32xf32, #tpu.memory_space<hbm>> -> memref<256x32xf32, #tpu.memory_space<hbm>>
      %dma_start3A_674 = arith.constant 0 : i32
      %dma_start3A_675 = arith.constant 0 : i32
      %dma_start3A_676 = tpu.memref_slice %arg2[%arg1, %dma_start3A_674, %dma_start3A_675] : memref<6250x256x32xf32, #tpu.memory_space<hbm>> -> memref<1x256x32xf32, #tpu.memory_space<hbm>>
      %dma_start3A_677 = tpu.memref_squeeze %dma_start3A_676 : memref<1x256x32xf32, #tpu.memory_space<hbm>> -> memref<256x32xf32, #tpu.memory_space<hbm>>
      tpu.enqueue_dma source(%dma_start3A_677 : memref<256x32xf32, #tpu.memory_space<hbm>>) target(%arg10 : memref<256x32xf32, #tpu.memory_space<vmem>>) target_semaphore(%arg17 : memref<!tpu.dma_semaphore, #tpu.memory_space<semaphore_mem>>)
    } else {
    }
    %scan3A_649 = arith.constant 0 : i32
    %scan3A_650 = arith.constant 0 : i32
    %scan3A_651 = arith.constant 196 : i32
    %scan3A_652 = arith.addi %scan3A_650, %scan3A_651 : i32
    %scan3A_653 = arith.constant 1 : i32
    %scan3A_654 = scf.for %scan3A_665 = %scan3A_650 to %scan3A_652 step %scan3A_653 iter_args(%scan3A_666 = %scan3A_649) -> (i32)  : i32 {
      %mul3A_667 = arith.constant 2 : i32
      %mul3A_668 = arith.muli %mul3A_667, %scan3A_665 : i32
      %add3A_669 = arith.constant 0 : i32
      %add3A_670 = arith.addi %mul3A_668, %add3A_669 : i32
      %mul3A_671 = arith.constant 16 : i32
      %mul3A_672 = arith.muli %add3A_670, %mul3A_671 : i32
      %add3A_673 = arith.addi %arg1, %mul3A_672 : i32
      %lt3A_674 = arith.constant 6250 : i32
      %lt3A_675 = arith.cmpi slt, %add3A_673, %lt3A_674 : i32
      %convert_element_type3A_676 = arith.extui %lt3A_675 : i1 to i32
      %cond3A_677 = arith.constant 0 : i32
      %cond3A_678 = arith.cmpi ne, %convert_element_type3A_676, %cond3A_677 : i32
      scf.if %cond3A_678 {
        %dma_wait3A = arith.constant 0 : i32
        %dma_wait3A_735 = arith.constant 0 : i32
        %dma_wait3A_736 = tpu.memref_slice %arg3[%dma_wait3A, %dma_wait3A_735] : memref<12500x128xi32, #tpu.memory_space<hbm>> -> memref<2x128xi32, #tpu.memory_space<hbm>>
        %dma_wait3A_737 = arith.constant 0 : i32
        %dma_wait3A_738 = arith.constant 0 : i32
        %dma_wait3A_739 = tpu.memref_slice %arg3[%dma_wait3A_737, %dma_wait3A_738] : memref<12500x128xi32, #tpu.memory_space<hbm>> -> memref<2x128xi32, #tpu.memory_space<hbm>>
        tpu.wait_dma2 semaphore(%arg17 : memref<!tpu.dma_semaphore, #tpu.memory_space<semaphore_mem>>) src(%dma_wait3A_739 : memref<2x128xi32, #tpu.memory_space<hbm>>) dst(%arg6 : memref<2x128xi32, #tpu.memory_space<vmem>>)
        %dma_wait3A_740 = arith.constant 0 : i32
        %dma_wait3A_741 = arith.constant 0 : i32
        %dma_wait3A_742 = arith.constant 0 : i32
        %dma_wait3A_743 = tpu.memref_slice %arg2[%dma_wait3A_740, %dma_wait3A_741, %dma_wait3A_742] : memref<6250x256x32xf32, #tpu.memory_space<hbm>> -> memref<1x256x32xf32, #tpu.memory_space<hbm>>
        %dma_wait3A_744 = tpu.memref_squeeze %dma_wait3A_743 : memref<1x256x32xf32, #tpu.memory_space<hbm>> -> memref<256x32xf32, #tpu.memory_space<hbm>>
        %dma_wait3A_745 = arith.constant 0 : i32
        %dma_wait3A_746 = arith.constant 0 : i32
        %dma_wait3A_747 = tpu.memref_slice %arg2[%dma_wait3A_740, %dma_wait3A_745, %dma_wait3A_746] : memref<6250x256x32xf32, #tpu.memory_space<hbm>> -> memref<1x256x32xf32, #tpu.memory_space<hbm>>
        %dma_wait3A_748 = tpu.memref_squeeze %dma_wait3A_747 : memref<1x256x32xf32, #tpu.memory_space<hbm>> -> memref<256x32xf32, #tpu.memory_space<hbm>>
        tpu.wait_dma2 semaphore(%arg17 : memref<!tpu.dma_semaphore, #tpu.memory_space<semaphore_mem>>) src(%dma_wait3A_748 : memref<256x32xf32, #tpu.memory_space<hbm>>) dst(%arg10 : memref<256x32xf32, #tpu.memory_space<vmem>>)
        %get3A = arith.constant 0 : i32
        %get3A_749 = arith.index_cast %get3A : i32 to index
        %get3A_750 = arith.constant 0 : index
        %get3A_751 = tpu.vector_load %arg6[%get3A_749, %get3A_750] {strides = array<i32>} : memref<2x128xi32, #tpu.memory_space<vmem>>, vector<1x16xi32>,
        %get3A_752 = vector.shape_cast %get3A_751 : vector<1x16xi32> to vector<16xi32>
        %sub3A_753 = vector.broadcast %mul3A_0 : i32 to vector<16xi32>
        %sub3A_754 = arith.subi %get3A_752, %sub3A_753 : vector<16xi32>
        %ge3A_755 = arith.constant 0 : i32
        %ge3A_756 = vector.broadcast %ge3A_755 : i32 to vector<16xi32>
        %ge3A_757 = arith.cmpi sge, %sub3A_754, %ge3A_756 : vector<16xi32>
        %lt3A_758 = arith.constant 50000 : i32
        %lt3A_759 = vector.broadcast %lt3A_758 : i32 to vector<16xi32>
        %lt3A_760 = arith.cmpi slt, %sub3A_754, %lt3A_759 : vector<16xi32>
        %and3A_761 = arith.andi %ge3A_757, %lt3A_760 : vector<16xi1>
        %jit3A = arith.constant 50000 : i32
        %broadcast_in_dim3A_762 = vector.broadcast %jit3A : i32 to vector<16xi32>
        %select_n3A = arith.select %and3A_761, %sub3A_754, %broadcast_in_dim3A_762 : vector<16xi1>, vector<16xi32>
        %swap3A_763 = arith.constant 0 : i32
        %swap3A_764 = arith.index_cast %swap3A_763 : i32 to index
        %swap3A_765 = arith.constant 0 : index
        %swap3A_766 = tpu.vector_load %arg8[%swap3A_764, %swap3A_765] {strides = array<i32>} : memref<2x128xi32, #tpu.memory_space<vmem>>, vector<1x16xi32>,
        %swap3A_767 = vector.shape_cast %swap3A_766 : vector<1x16xi32> to vector<16xi32>
        %swap3A_768 = vector.shape_cast %select_n3A : vector<16xi32> to vector<1x16xi32>
        tpu.vector_store %arg8[%swap3A_764, %swap3A_765], %swap3A_768 {strides = array<i32>} : memref<2x128xi32, #tpu.memory_space<vmem>>, vector<1x16xi32>,
        %get3A_769 = arith.constant 0 : i32
        %get3A_770 = arith.index_cast %get3A_769 : i32 to index
        %get3A_771 = arith.constant 16 : index
        %get3A_772 = tpu.vector_load %arg6[%get3A_770, %get3A_771] {strides = array<i32>} : memref<2x128xi32, #tpu.memory_space<vmem>>, vector<1x16xi32>,
        %get3A_773 = vector.shape_cast %get3A_772 : vector<1x16xi32> to vector<16xi32>
        %sub3A_774 = vector.broadcast %mul3A_0 : i32 to vector<16xi32>
        %sub3A_775 = arith.subi %get3A_773, %sub3A_774 : vector<16xi32>
        %ge3A_776 = arith.constant 0 : i32
        %ge3A_777 = vector.broadcast %ge3A_776 : i32 to vector<16xi32>
        %ge3A_778 = arith.cmpi sge, %sub3A_775, %ge3A_777 : vector<16xi32>
        %lt3A_779 = arith.constant 50000 : i32
        %lt3A_780 = vector.broadcast %lt3A_779 : i32 to vector<16xi32>
        %lt3A_781 = arith.cmpi slt, %sub3A_775, %lt3A_780 : vector<16xi32>
        %and3A_782 = arith.andi %ge3A_778, %lt3A_781 : vector<16xi1>
        %jit3A_783 = arith.constant 50000 : i32
        %broadcast_in_dim3A_784 = vector.broadcast %jit3A_783 : i32 to vector<16xi32>
        %select_n3A_785 = arith.select %and3A_782, %sub3A_775, %broadcast_in_dim3A_784 : vector<16xi1>, vector<16xi32>
        %swap3A_786 = arith.constant 0 : i32
        %swap3A_787 = arith.index_cast %swap3A_786 : i32 to index
        %swap3A_788 = arith.constant 16 : index
        %swap3A_789 = tpu.vector_load %arg8[%swap3A_787, %swap3A_788] {strides = array<i32>} : memref<2x128xi32, #tpu.memory_space<vmem>>, vector<1x16xi32>,
        %swap3A_790 = vector.shape_cast %swap3A_789 : vector<1x16xi32> to vector<16xi32>
        %swap3A_791 = vector.shape_cast %select_n3A_785 : vector<16xi32> to vector<1x16xi32>
        tpu.vector_store %arg8[%swap3A_787, %swap3A_788], %swap3A_791 {strides = array<i32>} : memref<2x128xi32, #tpu.memory_space<vmem>>, vector<1x16xi32>,
        %get3A_792 = arith.constant 0 : i32
        %get3A_793 = arith.index_cast %get3A_792 : i32 to index
        %get3A_794 = arith.constant 32 : index
        %get3A_795 = tpu.vector_load %arg6[%get3A_793, %get3A_794] {strides = array<i32>} : memref<2x128xi32, #tpu.memory_space<vmem>>, vector<1x16xi32>,
        %get3A_796 = vector.shape_cast %get3A_795 : vector<1x16xi32> to vector<16xi32>
        %sub3A_797 = vector.broadcast %mul3A_0 : i32 to vector<16xi32>
        %sub3A_798 = arith.subi %get3A_796, %sub3A_797 : vector<16xi32>
        %ge3A_799 = arith.constant 0 : i32
        %ge3A_800 = vector.broadcast %ge3A_799 : i32 to vector<16xi32>
        %ge3A_801 = arith.cmpi sge, %sub3A_798, %ge3A_800 : vector<16xi32>
        %lt3A_802 = arith.constant 50000 : i32
        %lt3A_803 = vector.broadcast %lt3A_802 : i32 to vector<16xi32>
        %lt3A_804 = arith.cmpi slt, %sub3A_798, %lt3A_803 : vector<16xi32>
        %and3A_805 = arith.andi %ge3A_801, %lt3A_804 : vector<16xi1>
        %jit3A_806 = arith.constant 50000 : i32
        %broadcast_in_dim3A_807 = vector.broadcast %jit3A_806 : i32 to vector<16xi32>
        %select_n3A_808 = arith.select %and3A_805, %sub3A_798, %broadcast_in_dim3A_807 : vector<16xi1>, vector<16xi32>
        %swap3A_809 = arith.constant 0 : i32
        %swap3A_810 = arith.index_cast %swap3A_809 : i32 to index
        %swap3A_811 = arith.constant 32 : index
        %swap3A_812 = tpu.vector_load %arg8[%swap3A_810, %swap3A_811] {strides = array<i32>} : memref<2x128xi32, #tpu.memory_space<vmem>>, vector<1x16xi32>,
        %swap3A_813 = vector.shape_cast %swap3A_812 : vector<1x16xi32> to vector<16xi32>
        %swap3A_814 = vector.shape_cast %select_n3A_808 : vector<16xi32> to vector<1x16xi32>
        tpu.vector_store %arg8[%swap3A_810, %swap3A_811], %swap3A_814 {strides = array<i32>} : memref<2x128xi32, #tpu.memory_space<vmem>>, vector<1x16xi32>,
        %get3A_815 = arith.constant 0 : i32
        %get3A_816 = arith.index_cast %get3A_815 : i32 to index
        %get3A_817 = arith.constant 48 : index
        %get3A_818 = tpu.vector_load %arg6[%get3A_816, %get3A_817] {strides = array<i32>} : memref<2x128xi32, #tpu.memory_space<vmem>>, vector<1x16xi32>,
        %get3A_819 = vector.shape_cast %get3A_818 : vector<1x16xi32> to vector<16xi32>
        %sub3A_820 = vector.broadcast %mul3A_0 : i32 to vector<16xi32>
        %sub3A_821 = arith.subi %get3A_819, %sub3A_820 : vector<16xi32>
        %ge3A_822 = arith.constant 0 : i32
        %ge3A_823 = vector.broadcast %ge3A_822 : i32 to vector<16xi32>
        %ge3A_824 = arith.cmpi sge, %sub3A_821, %ge3A_823 : vector<16xi32>
        %lt3A_825 = arith.constant 50000 : i32
        %lt3A_826 = vector.broadcast %lt3A_825 : i32 to vector<16xi32>
        %lt3A_827 = arith.cmpi slt, %sub3A_821, %lt3A_826 : vector<16xi32>
        %and3A_828 = arith.andi %ge3A_824, %lt3A_827 : vector<16xi1>
        %jit3A_829 = arith.constant 50000 : i32
        %broadcast_in_dim3A_830 = vector.broadcast %jit3A_829 : i32 to vector<16xi32>
        %select_n3A_831 = arith.select %and3A_828, %sub3A_821, %broadcast_in_dim3A_830 : vector<16xi1>, vector<16xi32>
        %swap3A_832 = arith.constant 0 : i32
        %swap3A_833 = arith.index_cast %swap3A_832 : i32 to index
        %swap3A_834 = arith.constant 48 : index
        %swap3A_835 = tpu.vector_load %arg8[%swap3A_833, %swap3A_834] {strides = array<i32>} : memref<2x128xi32, #tpu.memory_space<vmem>>, vector<1x16xi32>,
        %swap3A_836 = vector.shape_cast %swap3A_835 : vector<1x16xi32> to vector<16xi32>
        %swap3A_837 = vector.shape_cast %select_n3A_831 : vector<16xi32> to vector<1x16xi32>
        tpu.vector_store %arg8[%swap3A_833, %swap3A_834], %swap3A_837 {strides = array<i32>} : memref<2x128xi32, #tpu.memory_space<vmem>>, vector<1x16xi32>,
        %get3A_838 = arith.constant 0 : i32
        %get3A_839 = arith.index_cast %get3A_838 : i32 to index
        %get3A_840 = arith.constant 64 : index
        %get3A_841 = tpu.vector_load %arg6[%get3A_839, %get3A_840] {strides = array<i32>} : memref<2x128xi32, #tpu.memory_space<vmem>>, vector<1x16xi32>,
        %get3A_842 = vector.shape_cast %get3A_841 : vector<1x16xi32> to vector<16xi32>
        %sub3A_843 = vector.broadcast %mul3A_0 : i32 to vector<16xi32>
        %sub3A_844 = arith.subi %get3A_842, %sub3A_843 : vector<16xi32>
        %ge3A_845 = arith.constant 0 : i32
        %ge3A_846 = vector.broadcast %ge3A_845 : i32 to vector<16xi32>
        %ge3A_847 = arith.cmpi sge, %sub3A_844, %ge3A_846 : vector<16xi32>
        %lt3A_848 = arith.constant 50000 : i32
        %lt3A_849 = vector.broadcast %lt3A_848 : i32 to vector<16xi32>
        %lt3A_850 = arith.cmpi slt, %sub3A_844, %lt3A_849 : vector<16xi32>
        %and3A_851 = arith.andi %ge3A_847, %lt3A_850 : vector<16xi1>
        %jit3A_852 = arith.constant 50000 : i32
        %broadcast_in_dim3A_853 = vector.broadcast %jit3A_852 : i32 to vector<16xi32>
        %select_n3A_854 = arith.select %and3A_851, %sub3A_844, %broadcast_in_dim3A_853 : vector<16xi1>, vector<16xi32>
        %swap3A_855 = arith.constant 0 : i32
        %swap3A_856 = arith.index_cast %swap3A_855 : i32 to index
        %swap3A_857 = arith.constant 64 : index
        %swap3A_858 = tpu.vector_load %arg8[%swap3A_856, %swap3A_857] {strides = array<i32>} : memref<2x128xi32, #tpu.memory_space<vmem>>, vector<1x16xi32>,
        %swap3A_859 = vector.shape_cast %swap3A_858 : vector<1x16xi32> to vector<16xi32>
        %swap3A_860 = vector.shape_cast %select_n3A_854 : vector<16xi32> to vector<1x16xi32>
        tpu.vector_store %arg8[%swap3A_856, %swap3A_857], %swap3A_860 {strides = array<i32>} : memref<2x128xi32, #tpu.memory_space<vmem>>, vector<1x16xi32>,
        %get3A_861 = arith.constant 0 : i32
        %get3A_862 = arith.index_cast %get3A_861 : i32 to index
        %get3A_863 = arith.constant 80 : index
        %get3A_864 = tpu.vector_load %arg6[%get3A_862, %get3A_863] {strides = array<i32>} : memref<2x128xi32, #tpu.memory_space<vmem>>, vector<1x16xi32>,
        %get3A_865 = vector.shape_cast %get3A_864 : vector<1x16xi32> to vector<16xi32>
        %sub3A_866 = vector.broadcast %mul3A_0 : i32 to vector<16xi32>
        %sub3A_867 = arith.subi %get3A_865, %sub3A_866 : vector<16xi32>
        %ge3A_868 = arith.constant 0 : i32
        %ge3A_869 = vector.broadcast %ge3A_868 : i32 to vector<16xi32>
        %ge3A_870 = arith.cmpi sge, %sub3A_867, %ge3A_869 : vector<16xi32>
        %lt3A_871 = arith.constant 50000 : i32
        %lt3A_872 = vector.broadcast %lt3A_871 : i32 to vector<16xi32>
        %lt3A_873 = arith.cmpi slt, %sub3A_867, %lt3A_872 : vector<16xi32>
        %and3A_874 = arith.andi %ge3A_870, %lt3A_873 : vector<16xi1>
        %jit3A_875 = arith.constant 50000 : i32
        %broadcast_in_dim3A_876 = vector.broadcast %jit3A_875 : i32 to vector<16xi32>
        %select_n3A_877 = arith.select %and3A_874, %sub3A_867, %broadcast_in_dim3A_876 : vector<16xi1>, vector<16xi32>
        %swap3A_878 = arith.constant 0 : i32
        %swap3A_879 = arith.index_cast %swap3A_878 : i32 to index
        %swap3A_880 = arith.constant 80 : index
        %swap3A_881 = tpu.vector_load %arg8[%swap3A_879, %swap3A_880] {strides = array<i32>} : memref<2x128xi32, #tpu.memory_space<vmem>>, vector<1x16xi32>,
        %swap3A_882 = vector.shape_cast %swap3A_881 : vector<1x16xi32> to vector<16xi32>
        %swap3A_883 = vector.shape_cast %select_n3A_877 : vector<16xi32> to vector<1x16xi32>
        tpu.vector_store %arg8[%swap3A_879, %swap3A_880], %swap3A_883 {strides = array<i32>} : memref<2x128xi32, #tpu.memory_space<vmem>>, vector<1x16xi32>,
        %get3A_884 = arith.constant 0 : i32
        %get3A_885 = arith.index_cast %get3A_884 : i32 to index
        %get3A_886 = arith.constant 96 : index
        %get3A_887 = tpu.vector_load %arg6[%get3A_885, %get3A_886] {strides = array<i32>} : memref<2x128xi32, #tpu.memory_space<vmem>>, vector<1x16xi32>,
        %get3A_888 = vector.shape_cast %get3A_887 : vector<1x16xi32> to vector<16xi32>
        %sub3A_889 = vector.broadcast %mul3A_0 : i32 to vector<16xi32>
        %sub3A_890 = arith.subi %get3A_888, %sub3A_889 : vector<16xi32>
        %ge3A_891 = arith.constant 0 : i32
        %ge3A_892 = vector.broadcast %ge3A_891 : i32 to vector<16xi32>
        %ge3A_893 = arith.cmpi sge, %sub3A_890, %ge3A_892 : vector<16xi32>
        %lt3A_894 = arith.constant 50000 : i32
        %lt3A_895 = vector.broadcast %lt3A_894 : i32 to vector<16xi32>
        %lt3A_896 = arith.cmpi slt, %sub3A_890, %lt3A_895 : vector<16xi32>
        %and3A_897 = arith.andi %ge3A_893, %lt3A_896 : vector<16xi1>
        %jit3A_898 = arith.constant 50000 : i32
        %broadcast_in_dim3A_899 = vector.broadcast %jit3A_898 : i32 to vector<16xi32>
        %select_n3A_900 = arith.select %and3A_897, %sub3A_890, %broadcast_in_dim3A_899 : vector<16xi1>, vector<16xi32>
        %swap3A_901 = arith.constant 0 : i32
        %swap3A_902 = arith.index_cast %swap3A_901 : i32 to index
        %swap3A_903 = arith.constant 96 : index
        %swap3A_904 = tpu.vector_load %arg8[%swap3A_902, %swap3A_903] {strides = array<i32>} : memref<2x128xi32, #tpu.memory_space<vmem>>, vector<1x16xi32>,
        %swap3A_905 = vector.shape_cast %swap3A_904 : vector<1x16xi32> to vector<16xi32>
        %swap3A_906 = vector.shape_cast %select_n3A_900 : vector<16xi32> to vector<1x16xi32>
        tpu.vector_store %arg8[%swap3A_902, %swap3A_903], %swap3A_906 {strides = array<i32>} : memref<2x128xi32, #tpu.memory_space<vmem>>, vector<1x16xi32>,
        %get3A_907 = arith.constant 0 : i32
        %get3A_908 = arith.index_cast %get3A_907 : i32 to index
        %get3A_909 = arith.constant 112 : index
        %get3A_910 = tpu.vector_load %arg6[%get3A_908, %get3A_909] {strides = array<i32>} : memref<2x128xi32, #tpu.memory_space<vmem>>, vector<1x16xi32>,
        %get3A_911 = vector.shape_cast %get3A_910 : vector<1x16xi32> to vector<16xi32>
        %sub3A_912 = vector.broadcast %mul3A_0 : i32 to vector<16xi32>
        %sub3A_913 = arith.subi %get3A_911, %sub3A_912 : vector<16xi32>
        %ge3A_914 = arith.constant 0 : i32
        %ge3A_915 = vector.broadcast %ge3A_914 : i32 to vector<16xi32>
        %ge3A_916 = arith.cmpi sge, %sub3A_913, %ge3A_915 : vector<16xi32>
        %lt3A_917 = arith.constant 50000 : i32
        %lt3A_918 = vector.broadcast %lt3A_917 : i32 to vector<16xi32>
        %lt3A_919 = arith.cmpi slt, %sub3A_913, %lt3A_918 : vector<16xi32>
        %and3A_920 = arith.andi %ge3A_916, %lt3A_919 : vector<16xi1>
        %jit3A_921 = arith.constant 50000 : i32
        %broadcast_in_dim3A_922 = vector.broadcast %jit3A_921 : i32 to vector<16xi32>
        %select_n3A_923 = arith.select %and3A_920, %sub3A_913, %broadcast_in_dim3A_922 : vector<16xi1>, vector<16xi32>
        %swap3A_924 = arith.constant 0 : i32
        %swap3A_925 = arith.index_cast %swap3A_924 : i32 to index
        %swap3A_926 = arith.constant 112 : index
        %swap3A_927 = tpu.vector_load %arg8[%swap3A_925, %swap3A_926] {strides = array<i32>} : memref<2x128xi32, #tpu.memory_space<vmem>>, vector<1x16xi32>,
        %swap3A_928 = vector.shape_cast %swap3A_927 : vector<1x16xi32> to vector<16xi32>
        %swap3A_929 = vector.shape_cast %select_n3A_923 : vector<16xi32> to vector<1x16xi32>
        tpu.vector_store %arg8[%swap3A_925, %swap3A_926], %swap3A_929 {strides = array<i32>} : memref<2x128xi32, #tpu.memory_space<vmem>>, vector<1x16xi32>,
        %get3A_930 = arith.constant 1 : i32
        %get3A_931 = arith.index_cast %get3A_930 : i32 to index
        %get3A_932 = arith.constant 0 : index
        %get3A_933 = tpu.vector_load %arg6[%get3A_931, %get3A_932] {strides = array<i32>} : memref<2x128xi32, #tpu.memory_space<vmem>>, vector<1x16xi32>,
        %get3A_934 = vector.shape_cast %get3A_933 : vector<1x16xi32> to vector<16xi32>
        %sub3A_935 = vector.broadcast %mul3A_0 : i32 to vector<16xi32>
        %sub3A_936 = arith.subi %get3A_934, %sub3A_935 : vector<16xi32>
        %ge3A_937 = arith.constant 0 : i32
        %ge3A_938 = vector.broadcast %ge3A_937 : i32 to vector<16xi32>
        %ge3A_939 = arith.cmpi sge, %sub3A_936, %ge3A_938 : vector<16xi32>
        %lt3A_940 = arith.constant 50000 : i32
        %lt3A_941 = vector.broadcast %lt3A_940 : i32 to vector<16xi32>
        %lt3A_942 = arith.cmpi slt, %sub3A_936, %lt3A_941 : vector<16xi32>
        %and3A_943 = arith.andi %ge3A_939, %lt3A_942 : vector<16xi1>
        %jit3A_944 = arith.constant 50000 : i32
        %broadcast_in_dim3A_945 = vector.broadcast %jit3A_944 : i32 to vector<16xi32>
        %select_n3A_946 = arith.select %and3A_943, %sub3A_936, %broadcast_in_dim3A_945 : vector<16xi1>, vector<16xi32>
        %swap3A_947 = arith.constant 1 : i32
        %swap3A_948 = arith.index_cast %swap3A_947 : i32 to index
        %swap3A_949 = arith.constant 0 : index
        %swap3A_950 = tpu.vector_load %arg8[%swap3A_948, %swap3A_949] {strides = array<i32>} : memref<2x128xi32, #tpu.memory_space<vmem>>, vector<1x16xi32>,
        %swap3A_951 = vector.shape_cast %swap3A_950 : vector<1x16xi32> to vector<16xi32>
        %swap3A_952 = vector.shape_cast %select_n3A_946 : vector<16xi32> to vector<1x16xi32>
        tpu.vector_store %arg8[%swap3A_948, %swap3A_949], %swap3A_952 {strides = array<i32>} : memref<2x128xi32, #tpu.memory_space<vmem>>, vector<1x16xi32>,
        %get3A_953 = arith.constant 1 : i32
        %get3A_954 = arith.index_cast %get3A_953 : i32 to index
        %get3A_955 = arith.constant 16 : index
        %get3A_956 = tpu.vector_load %arg6[%get3A_954, %get3A_955] {strides = array<i32>} : memref<2x128xi32, #tpu.memory_space<vmem>>, vector<1x16xi32>,
        %get3A_957 = vector.shape_cast %get3A_956 : vector<1x16xi32> to vector<16xi32>
        %sub3A_958 = vector.broadcast %mul3A_0 : i32 to vector<16xi32>
        %sub3A_959 = arith.subi %get3A_957, %sub3A_958 : vector<16xi32>
        %ge3A_960 = arith.constant 0 : i32
        %ge3A_961 = vector.broadcast %ge3A_960 : i32 to vector<16xi32>
        %ge3A_962 = arith.cmpi sge, %sub3A_959, %ge3A_961 : vector<16xi32>
        %lt3A_963 = arith.constant 50000 : i32
        %lt3A_964 = vector.broadcast %lt3A_963 : i32 to vector<16xi32>
        %lt3A_965 = arith.cmpi slt, %sub3A_959, %lt3A_964 : vector<16xi32>
        %and3A_966 = arith.andi %ge3A_962, %lt3A_965 : vector<16xi1>
        %jit3A_967 = arith.constant 50000 : i32
        %broadcast_in_dim3A_968 = vector.broadcast %jit3A_967 : i32 to vector<16xi32>
        %select_n3A_969 = arith.select %and3A_966, %sub3A_959, %broadcast_in_dim3A_968 : vector<16xi1>, vector<16xi32>
        %swap3A_970 = arith.constant 1 : i32
        %swap3A_971 = arith.index_cast %swap3A_970 : i32 to index
        %swap3A_972 = arith.constant 16 : index
        %swap3A_973 = tpu.vector_load %arg8[%swap3A_971, %swap3A_972] {strides = array<i32>} : memref<2x128xi32, #tpu.memory_space<vmem>>, vector<1x16xi32>,
        %swap3A_974 = vector.shape_cast %swap3A_973 : vector<1x16xi32> to vector<16xi32>
        %swap3A_975 = vector.shape_cast %select_n3A_969 : vector<16xi32> to vector<1x16xi32>
        tpu.vector_store %arg8[%swap3A_971, %swap3A_972], %swap3A_975 {strides = array<i32>} : memref<2x128xi32, #tpu.memory_space<vmem>>, vector<1x16xi32>,
        %get3A_976 = arith.constant 1 : i32
        %get3A_977 = arith.index_cast %get3A_976 : i32 to index
        %get3A_978 = arith.constant 32 : index
        %get3A_979 = tpu.vector_load %arg6[%get3A_977, %get3A_978] {strides = array<i32>} : memref<2x128xi32, #tpu.memory_space<vmem>>, vector<1x16xi32>,
        %get3A_980 = vector.shape_cast %get3A_979 : vector<1x16xi32> to vector<16xi32>
        %sub3A_981 = vector.broadcast %mul3A_0 : i32 to vector<16xi32>
        %sub3A_982 = arith.subi %get3A_980, %sub3A_981 : vector<16xi32>
        %ge3A_983 = arith.constant 0 : i32
        %ge3A_984 = vector.broadcast %ge3A_983 : i32 to vector<16xi32>
        %ge3A_985 = arith.cmpi sge, %sub3A_982, %ge3A_984 : vector<16xi32>
        %lt3A_986 = arith.constant 50000 : i32
        %lt3A_987 = vector.broadcast %lt3A_986 : i32 to vector<16xi32>
        %lt3A_988 = arith.cmpi slt, %sub3A_982, %lt3A_987 : vector<16xi32>
        %and3A_989 = arith.andi %ge3A_985, %lt3A_988 : vector<16xi1>
        %jit3A_990 = arith.constant 50000 : i32
        %broadcast_in_dim3A_991 = vector.broadcast %jit3A_990 : i32 to vector<16xi32>
        %select_n3A_992 = arith.select %and3A_989, %sub3A_982, %broadcast_in_dim3A_991 : vector<16xi1>, vector<16xi32>
        %swap3A_993 = arith.constant 1 : i32
        %swap3A_994 = arith.index_cast %swap3A_993 : i32 to index
        %swap3A_995 = arith.constant 32 : index
        %swap3A_996 = tpu.vector_load %arg8[%swap3A_994, %swap3A_995] {strides = array<i32>} : memref<2x128xi32, #tpu.memory_space<vmem>>, vector<1x16xi32>,
        %swap3A_997 = vector.shape_cast %swap3A_996 : vector<1x16xi32> to vector<16xi32>
        %swap3A_998 = vector.shape_cast %select_n3A_992 : vector<16xi32> to vector<1x16xi32>
        tpu.vector_store %arg8[%swap3A_994, %swap3A_995], %swap3A_998 {strides = array<i32>} : memref<2x128xi32, #tpu.memory_space<vmem>>, vector<1x16xi32>,
        %get3A_999 = arith.constant 1 : i32
        %get3A_1000 = arith.index_cast %get3A_999 : i32 to index
        %get3A_1001 = arith.constant 48 : index
        %get3A_1002 = tpu.vector_load %arg6[%get3A_1000, %get3A_1001] {strides = array<i32>} : memref<2x128xi32, #tpu.memory_space<vmem>>, vector<1x16xi32>,
        %get3A_1003 = vector.shape_cast %get3A_1002 : vector<1x16xi32> to vector<16xi32>
        %sub3A_1004 = vector.broadcast %mul3A_0 : i32 to vector<16xi32>
        %sub3A_1005 = arith.subi %get3A_1003, %sub3A_1004 : vector<16xi32>
        %ge3A_1006 = arith.constant 0 : i32
        %ge3A_1007 = vector.broadcast %ge3A_1006 : i32 to vector<16xi32>
        %ge3A_1008 = arith.cmpi sge, %sub3A_1005, %ge3A_1007 : vector<16xi32>
        %lt3A_1009 = arith.constant 50000 : i32
        %lt3A_1010 = vector.broadcast %lt3A_1009 : i32 to vector<16xi32>
        %lt3A_1011 = arith.cmpi slt, %sub3A_1005, %lt3A_1010 : vector<16xi32>
        %and3A_1012 = arith.andi %ge3A_1008, %lt3A_1011 : vector<16xi1>
        %jit3A_1013 = arith.constant 50000 : i32
        %broadcast_in_dim3A_1014 = vector.broadcast %jit3A_1013 : i32 to vector<16xi32>
        %select_n3A_1015 = arith.select %and3A_1012, %sub3A_1005, %broadcast_in_dim3A_1014 : vector<16xi1>, vector<16xi32>
        %swap3A_1016 = arith.constant 1 : i32
        %swap3A_1017 = arith.index_cast %swap3A_1016 : i32 to index
        %swap3A_1018 = arith.constant 48 : index
        %swap3A_1019 = tpu.vector_load %arg8[%swap3A_1017, %swap3A_1018] {strides = array<i32>} : memref<2x128xi32, #tpu.memory_space<vmem>>, vector<1x16xi32>,
        %swap3A_1020 = vector.shape_cast %swap3A_1019 : vector<1x16xi32> to vector<16xi32>
        %swap3A_1021 = vector.shape_cast %select_n3A_1015 : vector<16xi32> to vector<1x16xi32>
        tpu.vector_store %arg8[%swap3A_1017, %swap3A_1018], %swap3A_1021 {strides = array<i32>} : memref<2x128xi32, #tpu.memory_space<vmem>>, vector<1x16xi32>,
        %get3A_1022 = arith.constant 1 : i32
        %get3A_1023 = arith.index_cast %get3A_1022 : i32 to index
        %get3A_1024 = arith.constant 64 : index
        %get3A_1025 = tpu.vector_load %arg6[%get3A_1023, %get3A_1024] {strides = array<i32>} : memref<2x128xi32, #tpu.memory_space<vmem>>, vector<1x16xi32>,
        %get3A_1026 = vector.shape_cast %get3A_1025 : vector<1x16xi32> to vector<16xi32>
        %sub3A_1027 = vector.broadcast %mul3A_0 : i32 to vector<16xi32>
        %sub3A_1028 = arith.subi %get3A_1026, %sub3A_1027 : vector<16xi32>
        %ge3A_1029 = arith.constant 0 : i32
        %ge3A_1030 = vector.broadcast %ge3A_1029 : i32 to vector<16xi32>
        %ge3A_1031 = arith.cmpi sge, %sub3A_1028, %ge3A_1030 : vector<16xi32>
        %lt3A_1032 = arith.constant 50000 : i32
        %lt3A_1033 = vector.broadcast %lt3A_1032 : i32 to vector<16xi32>
        %lt3A_1034 = arith.cmpi slt, %sub3A_1028, %lt3A_1033 : vector<16xi32>
        %and3A_1035 = arith.andi %ge3A_1031, %lt3A_1034 : vector<16xi1>
        %jit3A_1036 = arith.constant 50000 : i32
        %broadcast_in_dim3A_1037 = vector.broadcast %jit3A_1036 : i32 to vector<16xi32>
        %select_n3A_1038 = arith.select %and3A_1035, %sub3A_1028, %broadcast_in_dim3A_1037 : vector<16xi1>, vector<16xi32>
        %swap3A_1039 = arith.constant 1 : i32
        %swap3A_1040 = arith.index_cast %swap3A_1039 : i32 to index
        %swap3A_1041 = arith.constant 64 : index
        %swap3A_1042 = tpu.vector_load %arg8[%swap3A_1040, %swap3A_1041] {strides = array<i32>} : memref<2x128xi32, #tpu.memory_space<vmem>>, vector<1x16xi32>,
        %swap3A_1043 = vector.shape_cast %swap3A_1042 : vector<1x16xi32> to vector<16xi32>
        %swap3A_1044 = vector.shape_cast %select_n3A_1038 : vector<16xi32> to vector<1x16xi32>
        tpu.vector_store %arg8[%swap3A_1040, %swap3A_1041], %swap3A_1044 {strides = array<i32>} : memref<2x128xi32, #tpu.memory_space<vmem>>, vector<1x16xi32>,
        %get3A_1045 = arith.constant 1 : i32
        %get3A_1046 = arith.index_cast %get3A_1045 : i32 to index
        %get3A_1047 = arith.constant 80 : index
        %get3A_1048 = tpu.vector_load %arg6[%get3A_1046, %get3A_1047] {strides = array<i32>} : memref<2x128xi32, #tpu.memory_space<vmem>>, vector<1x16xi32>,
        %get3A_1049 = vector.shape_cast %get3A_1048 : vector<1x16xi32> to vector<16xi32>
        %sub3A_1050 = vector.broadcast %mul3A_0 : i32 to vector<16xi32>
        %sub3A_1051 = arith.subi %get3A_1049, %sub3A_1050 : vector<16xi32>
        %ge3A_1052 = arith.constant 0 : i32
        %ge3A_1053 = vector.broadcast %ge3A_1052 : i32 to vector<16xi32>
        %ge3A_1054 = arith.cmpi sge, %sub3A_1051, %ge3A_1053 : vector<16xi32>
        %lt3A_1055 = arith.constant 50000 : i32
        %lt3A_1056 = vector.broadcast %lt3A_1055 : i32 to vector<16xi32>
        %lt3A_1057 = arith.cmpi slt, %sub3A_1051, %lt3A_1056 : vector<16xi32>
        %and3A_1058 = arith.andi %ge3A_1054, %lt3A_1057 : vector<16xi1>
        %jit3A_1059 = arith.constant 50000 : i32
        %broadcast_in_dim3A_1060 = vector.broadcast %jit3A_1059 : i32 to vector<16xi32>
        %select_n3A_1061 = arith.select %and3A_1058, %sub3A_1051, %broadcast_in_dim3A_1060 : vector<16xi1>, vector<16xi32>
        %swap3A_1062 = arith.constant 1 : i32
        %swap3A_1063 = arith.index_cast %swap3A_1062 : i32 to index
        %swap3A_1064 = arith.constant 80 : index
        %swap3A_1065 = tpu.vector_load %arg8[%swap3A_1063, %swap3A_1064] {strides = array<i32>} : memref<2x128xi32, #tpu.memory_space<vmem>>, vector<1x16xi32>,
        %swap3A_1066 = vector.shape_cast %swap3A_1065 : vector<1x16xi32> to vector<16xi32>
        %swap3A_1067 = vector.shape_cast %select_n3A_1061 : vector<16xi32> to vector<1x16xi32>
        tpu.vector_store %arg8[%swap3A_1063, %swap3A_1064], %swap3A_1067 {strides = array<i32>} : memref<2x128xi32, #tpu.memory_space<vmem>>, vector<1x16xi32>,
        %get3A_1068 = arith.constant 1 : i32
        %get3A_1069 = arith.index_cast %get3A_1068 : i32 to index
        %get3A_1070 = arith.constant 96 : index
        %get3A_1071 = tpu.vector_load %arg6[%get3A_1069, %get3A_1070] {strides = array<i32>} : memref<2x128xi32, #tpu.memory_space<vmem>>, vector<1x16xi32>,
        %get3A_1072 = vector.shape_cast %get3A_1071 : vector<1x16xi32> to vector<16xi32>
        %sub3A_1073 = vector.broadcast %mul3A_0 : i32 to vector<16xi32>
        %sub3A_1074 = arith.subi %get3A_1072, %sub3A_1073 : vector<16xi32>
        %ge3A_1075 = arith.constant 0 : i32
        %ge3A_1076 = vector.broadcast %ge3A_1075 : i32 to vector<16xi32>
        %ge3A_1077 = arith.cmpi sge, %sub3A_1074, %ge3A_1076 : vector<16xi32>
        %lt3A_1078 = arith.constant 50000 : i32
        %lt3A_1079 = vector.broadcast %lt3A_1078 : i32 to vector<16xi32>
        %lt3A_1080 = arith.cmpi slt, %sub3A_1074, %lt3A_1079 : vector<16xi32>
        %and3A_1081 = arith.andi %ge3A_1077, %lt3A_1080 : vector<16xi1>
        %jit3A_1082 = arith.constant 50000 : i32
        %broadcast_in_dim3A_1083 = vector.broadcast %jit3A_1082 : i32 to vector<16xi32>
        %select_n3A_1084 = arith.select %and3A_1081, %sub3A_1074, %broadcast_in_dim3A_1083 : vector<16xi1>, vector<16xi32>
        %swap3A_1085 = arith.constant 1 : i32
        %swap3A_1086 = arith.index_cast %swap3A_1085 : i32 to index
        %swap3A_1087 = arith.constant 96 : index
        %swap3A_1088 = tpu.vector_load %arg8[%swap3A_1086, %swap3A_1087] {strides = array<i32>} : memref<2x128xi32, #tpu.memory_space<vmem>>, vector<1x16xi32>,
        %swap3A_1089 = vector.shape_cast %swap3A_1088 : vector<1x16xi32> to vector<16xi32>
        %swap3A_1090 = vector.shape_cast %select_n3A_1084 : vector<16xi32> to vector<1x16xi32>
        tpu.vector_store %arg8[%swap3A_1086, %swap3A_1087], %swap3A_1090 {strides = array<i32>} : memref<2x128xi32, #tpu.memory_space<vmem>>, vector<1x16xi32>,
        %get3A_1091 = arith.constant 1 : i32
        %get3A_1092 = arith.index_cast %get3A_1091 : i32 to index
        %get3A_1093 = arith.constant 112 : index
        %get3A_1094 = tpu.vector_load %arg6[%get3A_1092, %get3A_1093] {strides = array<i32>} : memref<2x128xi32, #tpu.memory_space<vmem>>, vector<1x16xi32>,
        %get3A_1095 = vector.shape_cast %get3A_1094 : vector<1x16xi32> to vector<16xi32>
        %sub3A_1096 = vector.broadcast %mul3A_0 : i32 to vector<16xi32>
        %sub3A_1097 = arith.subi %get3A_1095, %sub3A_1096 : vector<16xi32>
        %ge3A_1098 = arith.constant 0 : i32
        %ge3A_1099 = vector.broadcast %ge3A_1098 : i32 to vector<16xi32>
        %ge3A_1100 = arith.cmpi sge, %sub3A_1097, %ge3A_1099 : vector<16xi32>
        %lt3A_1101 = arith.constant 50000 : i32
        %lt3A_1102 = vector.broadcast %lt3A_1101 : i32 to vector<16xi32>
        %lt3A_1103 = arith.cmpi slt, %sub3A_1097, %lt3A_1102 : vector<16xi32>
        %and3A_1104 = arith.andi %ge3A_1100, %lt3A_1103 : vector<16xi1>
        %jit3A_1105 = arith.constant 50000 : i32
        %broadcast_in_dim3A_1106 = vector.broadcast %jit3A_1105 : i32 to vector<16xi32>
        %select_n3A_1107 = arith.select %and3A_1104, %sub3A_1097, %broadcast_in_dim3A_1106 : vector<16xi1>, vector<16xi32>
        %swap3A_1108 = arith.constant 1 : i32
        %swap3A_1109 = arith.index_cast %swap3A_1108 : i32 to index
        %swap3A_1110 = arith.constant 112 : index
        %swap3A_1111 = tpu.vector_load %arg8[%swap3A_1109, %swap3A_1110] {strides = array<i32>} : memref<2x128xi32, #tpu.memory_space<vmem>>, vector<1x16xi32>,
        %swap3A_1112 = vector.shape_cast %swap3A_1111 : vector<1x16xi32> to vector<16xi32>
        %swap3A_1113 = vector.shape_cast %select_n3A_1107 : vector<16xi32> to vector<1x16xi32>
        tpu.vector_store %arg8[%swap3A_1109, %swap3A_1110], %swap3A_1113 {strides = array<i32>} : memref<2x128xi32, #tpu.memory_space<vmem>>, vector<1x16xi32>,
        %dma_start3A = arith.constant 0 : i32
        %dma_start3A_1114 = arith.constant 0 : i32
        %dma_start3A_1115 = arith.constant 0 : i32
        %dma_start3A_1116 = tpu.memref_slice %arg10[%dma_start3A_1114, %dma_start3A_1115] : memref<256x32xf32, #tpu.memory_space<vmem>> -> memref<128x32xf32, #tpu.memory_space<vmem>>
        %dma_start3A_1117 = arith.constant 0 : i32
        %dma_start3A_1118 = tpu.memref_slice %arg8[%dma_start3A, %dma_start3A_1117] : memref<2x128xi32, #tpu.memory_space<vmem>> -> memref<1x128xi32, #tpu.memory_space<vmem>>
        %dma_start3A_1119 = tpu.memref_squeeze %dma_start3A_1118 : memref<1x128xi32, #tpu.memory_space<vmem>> -> memref<128xi32, #tpu.memory_space<vmem>>
        %dma_start3A_1120 = arith.constant 0 : i32
        %dma_start3A_1121 = arith.constant 0 : i32
        %dma_start3A_1122 = tpu.memref_slice %arg15[%dma_start3A_1120, %dma_start3A_1121] : memref<50176x32xf32, #tpu.memory_space<vmem_shared>> -> memref<50176x32xf32, #tpu.memory_space<vmem_shared>>
        tpu.enqueue_indirect_dma source(%dma_start3A_1116 : memref<128x32xf32, #tpu.memory_space<vmem>>) target(%dma_start3A_1122 : memref<50176x32xf32, #tpu.memory_space<vmem_shared>>) offsets(%dma_start3A_1119 : memref<128xi32, #tpu.memory_space<vmem>>) semaphore(%arg19 : memref<!tpu.dma_semaphore, #tpu.memory_space<semaphore_mem>>) {add = true}
        %dma_start3A_1123 = arith.constant 0 : i32
        %dma_start3A_1124 = arith.constant 0 : i32
        %dma_start3A_1125 = tpu.memref_slice %arg6[%dma_start3A_1123, %dma_start3A_1124] : memref<2x128xi32, #tpu.memory_space<vmem>> -> memref<1x128xi32, #tpu.memory_space<vmem>>
        %dma_start3A_1126 = tpu.memref_squeeze %dma_start3A_1125 : memref<1x128xi32, #tpu.memory_space<vmem>> -> memref<128xi32, #tpu.memory_space<vmem>>
        %dma_start3A_1127 = arith.constant 0 : i32
        %dma_start3A_1128 = tpu.memref_slice %arg16[%dma_start3A_1127] : memref<100352xf32, #tpu.memory_space<vmem_shared>> -> memref<100352xf32, #tpu.memory_space<vmem_shared>>
        tpu.enqueue_indirect_dma source(%arg12 : memref<128xf32, #tpu.memory_space<vmem>>) target(%dma_start3A_1128 : memref<100352xf32, #tpu.memory_space<vmem_shared>>) offsets(%dma_start3A_1126 : memref<128xi32, #tpu.memory_space<vmem>>) semaphore(%arg19 : memref<!tpu.dma_semaphore, #tpu.memory_space<semaphore_mem>>) {add = true}
        %dma_start3A_1129 = arith.constant 1 : i32
        %dma_start3A_1130 = arith.constant 128 : i32
        %dma_start3A_1131 = arith.constant 0 : i32
        %dma_start3A_1132 = tpu.memref_slice %arg10[%dma_start3A_1130, %dma_start3A_1131] : memref<256x32xf32, #tpu.memory_space<vmem>> -> memref<128x32xf32, #tpu.memory_space<vmem>>
        %dma_start3A_1133 = arith.constant 0 : i32
        %dma_start3A_1134 = tpu.memref_slice %arg8[%dma_start3A_1129, %dma_start3A_1133] : memref<2x128xi32, #tpu.memory_space<vmem>> -> memref<1x128xi32, #tpu.memory_space<vmem>>
        %dma_start3A_1135 = tpu.memref_squeeze %dma_start3A_1134 : memref<1x128xi32, #tpu.memory_space<vmem>> -> memref<128xi32, #tpu.memory_space<vmem>>
        %dma_start3A_1136 = arith.constant 0 : i32
        %dma_start3A_1137 = arith.constant 0 : i32
        %dma_start3A_1138 = tpu.memref_slice %arg15[%dma_start3A_1136, %dma_start3A_1137] : memref<50176x32xf32, #tpu.memory_space<vmem_shared>> -> memref<50176x32xf32, #tpu.memory_space<vmem_shared>>
        tpu.enqueue_indirect_dma source(%dma_start3A_1132 : memref<128x32xf32, #tpu.memory_space<vmem>>) target(%dma_start3A_1138 : memref<50176x32xf32, #tpu.memory_space<vmem_shared>>) offsets(%dma_start3A_1135 : memref<128xi32, #tpu.memory_space<vmem>>) semaphore(%arg19 : memref<!tpu.dma_semaphore, #tpu.memory_space<semaphore_mem>>) {add = true}
        %dma_start3A_1139 = arith.constant 1 : i32
        %dma_start3A_1140 = arith.constant 0 : i32
        %dma_start3A_1141 = tpu.memref_slice %arg6[%dma_start3A_1139, %dma_start3A_1140] : memref<2x128xi32, #tpu.memory_space<vmem>> -> memref<1x128xi32, #tpu.memory_space<vmem>>
        %dma_start3A_1142 = tpu.memref_squeeze %dma_start3A_1141 : memref<1x128xi32, #tpu.memory_space<vmem>> -> memref<128xi32, #tpu.memory_space<vmem>>
        %dma_start3A_1143 = arith.constant 0 : i32
        %dma_start3A_1144 = tpu.memref_slice %arg16[%dma_start3A_1143] : memref<100352xf32, #tpu.memory_space<vmem_shared>> -> memref<100352xf32, #tpu.memory_space<vmem_shared>>
        tpu.enqueue_indirect_dma source(%arg12 : memref<128xf32, #tpu.memory_space<vmem>>) target(%dma_start3A_1144 : memref<100352xf32, #tpu.memory_space<vmem_shared>>) offsets(%dma_start3A_1142 : memref<128xi32, #tpu.memory_space<vmem>>) semaphore(%arg19 : memref<!tpu.dma_semaphore, #tpu.memory_space<semaphore_mem>>) {add = true}
      } else {
      }
      %sub3A = arith.constant 1 : i32
      %sub3A_679 = arith.subi %add3A_670, %sub3A : i32
      %mul3A_680 = arith.constant 16 : i32
      %mul3A_681 = arith.muli %sub3A_679, %mul3A_680 : i32
      %add3A_682 = arith.addi %arg1, %mul3A_681 : i32
      %ge3A = arith.constant 1 : i32
      %ge3A_683 = arith.cmpi sge, %add3A_670, %ge3A : i32
      %lt3A_684 = arith.constant 6250 : i32
      %lt3A_685 = arith.cmpi slt, %add3A_682, %lt3A_684 : i32
      %and3A = arith.andi %ge3A_683, %lt3A_685 : i1
      %convert_element_type3A_686 = arith.extui %and3A : i1 to i32
      %cond3A_687 = arith.constant 0 : i32
      %cond3A_688 = arith.cmpi ne, %convert_element_type3A_686, %cond3A_687 : i32
      scf.if %cond3A_688 {
        %dma_wait3A = arith.constant 0 : i32
        %dma_wait3A_735 = arith.constant 0 : i32
        %dma_wait3A_736 = arith.constant 0 : i32
        %dma_wait3A_737 = tpu.memref_slice %arg11[%dma_wait3A_735, %dma_wait3A_736] : memref<256x32xf32, #tpu.memory_space<vmem>> -> memref<128x32xf32, #tpu.memory_space<vmem>>
        %dma_wait3A_738 = arith.constant 0 : i32
        %dma_wait3A_739 = tpu.memref_slice %arg9[%dma_wait3A, %dma_wait3A_738] : memref<2x128xi32, #tpu.memory_space<vmem>> -> memref<1x128xi32, #tpu.memory_space<vmem>>
        %dma_wait3A_740 = tpu.memref_squeeze %dma_wait3A_739 : memref<1x128xi32, #tpu.memory_space<vmem>> -> memref<128xi32, #tpu.memory_space<vmem>>
        %dma_wait3A_741 = arith.constant 0 : i32
        %dma_wait3A_742 = arith.constant 0 : i32
        %dma_wait3A_743 = tpu.memref_slice %arg15[%dma_wait3A_741, %dma_wait3A_742] : memref<50176x32xf32, #tpu.memory_space<vmem_shared>> -> memref<50176x32xf32, #tpu.memory_space<vmem_shared>>
        tpu.wait_indirect_dma semaphore(%arg20 : memref<!tpu.dma_semaphore, #tpu.memory_space<semaphore_mem>>) src(%dma_wait3A_737 : memref<128x32xf32, #tpu.memory_space<vmem>>) dst(%dma_wait3A_743 : memref<50176x32xf32, #tpu.memory_space<vmem_shared>>)
        %dma_wait3A_744 = arith.constant 0 : i32
        %dma_wait3A_745 = arith.constant 0 : i32
        %dma_wait3A_746 = tpu.memref_slice %arg7[%dma_wait3A_744, %dma_wait3A_745] : memref<2x128xi32, #tpu.memory_space<vmem>> -> memref<1x128xi32, #tpu.memory_space<vmem>>
        %dma_wait3A_747 = tpu.memref_squeeze %dma_wait3A_746 : memref<1x128xi32, #tpu.memory_space<vmem>> -> memref<128xi32, #tpu.memory_space<vmem>>
        %dma_wait3A_748 = arith.constant 0 : i32
        %dma_wait3A_749 = tpu.memref_slice %arg16[%dma_wait3A_748] : memref<100352xf32, #tpu.memory_space<vmem_shared>> -> memref<100352xf32, #tpu.memory_space<vmem_shared>>
        tpu.wait_indirect_dma semaphore(%arg20 : memref<!tpu.dma_semaphore, #tpu.memory_space<semaphore_mem>>) src(%arg12 : memref<128xf32, #tpu.memory_space<vmem>>) dst(%dma_wait3A_749 : memref<100352xf32, #tpu.memory_space<vmem_shared>>)
        %dma_wait3A_750 = arith.constant 1 : i32
        %dma_wait3A_751 = arith.constant 128 : i32
        %dma_wait3A_752 = arith.constant 0 : i32
        %dma_wait3A_753 = tpu.memref_slice %arg11[%dma_wait3A_751, %dma_wait3A_752] : memref<256x32xf32, #tpu.memory_space<vmem>> -> memref<128x32xf32, #tpu.memory_space<vmem>>
        %dma_wait3A_754 = arith.constant 0 : i32
        %dma_wait3A_755 = tpu.memref_slice %arg9[%dma_wait3A_750, %dma_wait3A_754] : memref<2x128xi32, #tpu.memory_space<vmem>> -> memref<1x128xi32, #tpu.memory_space<vmem>>
        %dma_wait3A_756 = tpu.memref_squeeze %dma_wait3A_755 : memref<1x128xi32, #tpu.memory_space<vmem>> -> memref<128xi32, #tpu.memory_space<vmem>>
        %dma_wait3A_757 = arith.constant 0 : i32
        %dma_wait3A_758 = arith.constant 0 : i32
        %dma_wait3A_759 = tpu.memref_slice %arg15[%dma_wait3A_757, %dma_wait3A_758] : memref<50176x32xf32, #tpu.memory_space<vmem_shared>> -> memref<50176x32xf32, #tpu.memory_space<vmem_shared>>
        tpu.wait_indirect_dma semaphore(%arg20 : memref<!tpu.dma_semaphore, #tpu.memory_space<semaphore_mem>>) src(%dma_wait3A_753 : memref<128x32xf32, #tpu.memory_space<vmem>>) dst(%dma_wait3A_759 : memref<50176x32xf32, #tpu.memory_space<vmem_shared>>)
        %dma_wait3A_760 = arith.constant 1 : i32
        %dma_wait3A_761 = arith.constant 0 : i32
        %dma_wait3A_762 = tpu.memref_slice %arg7[%dma_wait3A_760, %dma_wait3A_761] : memref<2x128xi32, #tpu.memory_space<vmem>> -> memref<1x128xi32, #tpu.memory_space<vmem>>
        %dma_wait3A_763 = tpu.memref_squeeze %dma_wait3A_762 : memref<1x128xi32, #tpu.memory_space<vmem>> -> memref<128xi32, #tpu.memory_space<vmem>>
        %dma_wait3A_764 = arith.constant 0 : i32
        %dma_wait3A_765 = tpu.memref_slice %arg16[%dma_wait3A_764] : memref<100352xf32, #tpu.memory_space<vmem_shared>> -> memref<100352xf32, #tpu.memory_space<vmem_shared>>
        tpu.wait_indirect_dma semaphore(%arg20 : memref<!tpu.dma_semaphore, #tpu.memory_space<semaphore_mem>>) src(%arg12 : memref<128xf32, #tpu.memory_space<vmem>>) dst(%dma_wait3A_765 : memref<100352xf32, #tpu.memory_space<vmem_shared>>)
      } else {
      }
      %add3A_689 = arith.constant 1 : i32
      %add3A_690 = arith.addi %add3A_670, %add3A_689 : i32
      %mul3A_691 = arith.constant 16 : i32
      %mul3A_692 = arith.muli %add3A_690, %mul3A_691 : i32
      %add3A_693 = arith.addi %arg1, %mul3A_692 : i32
      %lt3A_694 = arith.constant 6250 : i32
      %lt3A_695 = arith.cmpi slt, %add3A_693, %lt3A_694 : i32
      %convert_element_type3A_696 = arith.extui %lt3A_695 : i1 to i32
      %cond3A_697 = arith.constant 0 : i32
      %cond3A_698 = arith.cmpi ne, %convert_element_type3A_696, %cond3A_697 : i32
      scf.if %cond3A_698 {
        %mul3A_735 = arith.constant 2 : i32
        %mul3A_736 = arith.muli %add3A_693, %mul3A_735 : i32
        %dma_start3A = arith.constant 0 : i32
        %dma_start3A_737 = tpu.memref_slice %arg3[%mul3A_736, %dma_start3A] : memref<12500x128xi32, #tpu.memory_space<hbm>> -> memref<2x128xi32, #tpu.memory_space<hbm>>
        %dma_start3A_738 = arith.constant 0 : i32
        %dma_start3A_739 = tpu.memref_slice %arg3[%mul3A_736, %dma_start3A_738] : memref<12500x128xi32, #tpu.memory_space<hbm>> -> memref<2x128xi32, #tpu.memory_space<hbm>>
        tpu.enqueue_dma source(%dma_start3A_739 : memref<2x128xi32, #tpu.memory_space<hbm>>) target(%arg7 : memref<2x128xi32, #tpu.memory_space<vmem>>) target_semaphore(%arg18 : memref<!tpu.dma_semaphore, #tpu.memory_space<semaphore_mem>>)
        %dma_start3A_740 = arith.constant 0 : i32
        %dma_start3A_741 = arith.constant 0 : i32
        %dma_start3A_742 = tpu.memref_slice %arg2[%add3A_693, %dma_start3A_740, %dma_start3A_741] : memref<6250x256x32xf32, #tpu.memory_space<hbm>> -> memref<1x256x32xf32, #tpu.memory_space<hbm>>
        %dma_start3A_743 = tpu.memref_squeeze %dma_start3A_742 : memref<1x256x32xf32, #tpu.memory_space<hbm>> -> memref<256x32xf32, #tpu.memory_space<hbm>>
        %dma_start3A_744 = arith.constant 0 : i32
        %dma_start3A_745 = arith.constant 0 : i32
        %dma_start3A_746 = tpu.memref_slice %arg2[%add3A_693, %dma_start3A_744, %dma_start3A_745] : memref<6250x256x32xf32, #tpu.memory_space<hbm>> -> memref<1x256x32xf32, #tpu.memory_space<hbm>>
        %dma_start3A_747 = tpu.memref_squeeze %dma_start3A_746 : memref<1x256x32xf32, #tpu.memory_space<hbm>> -> memref<256x32xf32, #tpu.memory_space<hbm>>
        tpu.enqueue_dma source(%dma_start3A_747 : memref<256x32xf32, #tpu.memory_space<hbm>>) target(%arg11 : memref<256x32xf32, #tpu.memory_space<vmem>>) target_semaphore(%arg18 : memref<!tpu.dma_semaphore, #tpu.memory_space<semaphore_mem>>)
      } else {
      }
      %mul3A_699 = arith.constant 2 : i32
      %mul3A_700 = arith.muli %mul3A_699, %scan3A_665 : i32
      %add3A_701 = arith.constant 1 : i32
      %add3A_702 = arith.addi %mul3A_700, %add3A_701 : i32
      %mul3A_703 = arith.constant 16 : i32
      %mul3A_704 = arith.muli %add3A_702, %mul3A_703 : i32
      %add3A_705 = arith.addi %arg1, %mul3A_704 : i32
      %lt3A_706 = arith.constant 6250 : i32
      %lt3A_707 = arith.cmpi slt, %add3A_705, %lt3A_706 : i32
      %convert_element_type3A_708 = arith.extui %lt3A_707 : i1 to i32
      %cond3A_709 = arith.constant 0 : i32
      %cond3A_710 = arith.cmpi ne, %convert_element_type3A_708, %cond3A_709 : i32
      scf.if %cond3A_710 {
        %dma_wait3A = arith.constant 0 : i32
        %dma_wait3A_735 = arith.constant 0 : i32
        %dma_wait3A_736 = tpu.memref_slice %arg3[%dma_wait3A, %dma_wait3A_735] : memref<12500x128xi32, #tpu.memory_space<hbm>> -> memref<2x128xi32, #tpu.memory_space<hbm>>
        %dma_wait3A_737 = arith.constant 0 : i32
        %dma_wait3A_738 = arith.constant 0 : i32
        %dma_wait3A_739 = tpu.memref_slice %arg3[%dma_wait3A_737, %dma_wait3A_738] : memref<12500x128xi32, #tpu.memory_space<hbm>> -> memref<2x128xi32, #tpu.memory_space<hbm>>
        tpu.wait_dma2 semaphore(%arg18 : memref<!tpu.dma_semaphore, #tpu.memory_space<semaphore_mem>>) src(%dma_wait3A_739 : memref<2x128xi32, #tpu.memory_space<hbm>>) dst(%arg7 : memref<2x128xi32, #tpu.memory_space<vmem>>)
        %dma_wait3A_740 = arith.constant 0 : i32
        %dma_wait3A_741 = arith.constant 0 : i32
        %dma_wait3A_742 = arith.constant 0 : i32
        %dma_wait3A_743 = tpu.memref_slice %arg2[%dma_wait3A_740, %dma_wait3A_741, %dma_wait3A_742] : memref<6250x256x32xf32, #tpu.memory_space<hbm>> -> memref<1x256x32xf32, #tpu.memory_space<hbm>>
        %dma_wait3A_744 = tpu.memref_squeeze %dma_wait3A_743 : memref<1x256x32xf32, #tpu.memory_space<hbm>> -> memref<256x32xf32, #tpu.memory_space<hbm>>
        %dma_wait3A_745 = arith.constant 0 : i32
        %dma_wait3A_746 = arith.constant 0 : i32
        %dma_wait3A_747 = tpu.memref_slice %arg2[%dma_wait3A_740, %dma_wait3A_745, %dma_wait3A_746] : memref<6250x256x32xf32, #tpu.memory_space<hbm>> -> memref<1x256x32xf32, #tpu.memory_space<hbm>>
        %dma_wait3A_748 = tpu.memref_squeeze %dma_wait3A_747 : memref<1x256x32xf32, #tpu.memory_space<hbm>> -> memref<256x32xf32, #tpu.memory_space<hbm>>
        tpu.wait_dma2 semaphore(%arg18 : memref<!tpu.dma_semaphore, #tpu.memory_space<semaphore_mem>>) src(%dma_wait3A_748 : memref<256x32xf32, #tpu.memory_space<hbm>>) dst(%arg11 : memref<256x32xf32, #tpu.memory_space<vmem>>)
        %get3A = arith.constant 0 : i32
        %get3A_749 = arith.index_cast %get3A : i32 to index
        %get3A_750 = arith.constant 0 : index
        %get3A_751 = tpu.vector_load %arg7[%get3A_749, %get3A_750] {strides = array<i32>} : memref<2x128xi32, #tpu.memory_space<vmem>>, vector<1x16xi32>,
        %get3A_752 = vector.shape_cast %get3A_751 : vector<1x16xi32> to vector<16xi32>
        %sub3A_753 = vector.broadcast %mul3A_0 : i32 to vector<16xi32>
        %sub3A_754 = arith.subi %get3A_752, %sub3A_753 : vector<16xi32>
        %ge3A_755 = arith.constant 0 : i32
        %ge3A_756 = vector.broadcast %ge3A_755 : i32 to vector<16xi32>
        %ge3A_757 = arith.cmpi sge, %sub3A_754, %ge3A_756 : vector<16xi32>
        %lt3A_758 = arith.constant 50000 : i32
        %lt3A_759 = vector.broadcast %lt3A_758 : i32 to vector<16xi32>
        %lt3A_760 = arith.cmpi slt, %sub3A_754, %lt3A_759 : vector<16xi32>
        %and3A_761 = arith.andi %ge3A_757, %lt3A_760 : vector<16xi1>
        %jit3A = arith.constant 50000 : i32
        %broadcast_in_dim3A_762 = vector.broadcast %jit3A : i32 to vector<16xi32>
        %select_n3A = arith.select %and3A_761, %sub3A_754, %broadcast_in_dim3A_762 : vector<16xi1>, vector<16xi32>
        %swap3A_763 = arith.constant 0 : i32
        %swap3A_764 = arith.index_cast %swap3A_763 : i32 to index
        %swap3A_765 = arith.constant 0 : index
        %swap3A_766 = tpu.vector_load %arg9[%swap3A_764, %swap3A_765] {strides = array<i32>} : memref<2x128xi32, #tpu.memory_space<vmem>>, vector<1x16xi32>,
        %swap3A_767 = vector.shape_cast %swap3A_766 : vector<1x16xi32> to vector<16xi32>
        %swap3A_768 = vector.shape_cast %select_n3A : vector<16xi32> to vector<1x16xi32>
        tpu.vector_store %arg9[%swap3A_764, %swap3A_765], %swap3A_768 {strides = array<i32>} : memref<2x128xi32, #tpu.memory_space<vmem>>, vector<1x16xi32>,
        %get3A_769 = arith.constant 0 : i32
        %get3A_770 = arith.index_cast %get3A_769 : i32 to index
        %get3A_771 = arith.constant 16 : index
        %get3A_772 = tpu.vector_load %arg7[%get3A_770, %get3A_771] {strides = array<i32>} : memref<2x128xi32, #tpu.memory_space<vmem>>, vector<1x16xi32>,
        %get3A_773 = vector.shape_cast %get3A_772 : vector<1x16xi32> to vector<16xi32>
        %sub3A_774 = vector.broadcast %mul3A_0 : i32 to vector<16xi32>
        %sub3A_775 = arith.subi %get3A_773, %sub3A_774 : vector<16xi32>
        %ge3A_776 = arith.constant 0 : i32
        %ge3A_777 = vector.broadcast %ge3A_776 : i32 to vector<16xi32>
        %ge3A_778 = arith.cmpi sge, %sub3A_775, %ge3A_777 : vector<16xi32>
        %lt3A_779 = arith.constant 50000 : i32
        %lt3A_780 = vector.broadcast %lt3A_779 : i32 to vector<16xi32>
        %lt3A_781 = arith.cmpi slt, %sub3A_775, %lt3A_780 : vector<16xi32>
        %and3A_782 = arith.andi %ge3A_778, %lt3A_781 : vector<16xi1>
        %jit3A_783 = arith.constant 50000 : i32
        %broadcast_in_dim3A_784 = vector.broadcast %jit3A_783 : i32 to vector<16xi32>
        %select_n3A_785 = arith.select %and3A_782, %sub3A_775, %broadcast_in_dim3A_784 : vector<16xi1>, vector<16xi32>
        %swap3A_786 = arith.constant 0 : i32
        %swap3A_787 = arith.index_cast %swap3A_786 : i32 to index
        %swap3A_788 = arith.constant 16 : index
        %swap3A_789 = tpu.vector_load %arg9[%swap3A_787, %swap3A_788] {strides = array<i32>} : memref<2x128xi32, #tpu.memory_space<vmem>>, vector<1x16xi32>,
        %swap3A_790 = vector.shape_cast %swap3A_789 : vector<1x16xi32> to vector<16xi32>
        %swap3A_791 = vector.shape_cast %select_n3A_785 : vector<16xi32> to vector<1x16xi32>
        tpu.vector_store %arg9[%swap3A_787, %swap3A_788], %swap3A_791 {strides = array<i32>} : memref<2x128xi32, #tpu.memory_space<vmem>>, vector<1x16xi32>,
        %get3A_792 = arith.constant 0 : i32
        %get3A_793 = arith.index_cast %get3A_792 : i32 to index
        %get3A_794 = arith.constant 32 : index
        %get3A_795 = tpu.vector_load %arg7[%get3A_793, %get3A_794] {strides = array<i32>} : memref<2x128xi32, #tpu.memory_space<vmem>>, vector<1x16xi32>,
        %get3A_796 = vector.shape_cast %get3A_795 : vector<1x16xi32> to vector<16xi32>
        %sub3A_797 = vector.broadcast %mul3A_0 : i32 to vector<16xi32>
        %sub3A_798 = arith.subi %get3A_796, %sub3A_797 : vector<16xi32>
        %ge3A_799 = arith.constant 0 : i32
        %ge3A_800 = vector.broadcast %ge3A_799 : i32 to vector<16xi32>
        %ge3A_801 = arith.cmpi sge, %sub3A_798, %ge3A_800 : vector<16xi32>
        %lt3A_802 = arith.constant 50000 : i32
        %lt3A_803 = vector.broadcast %lt3A_802 : i32 to vector<16xi32>
        %lt3A_804 = arith.cmpi slt, %sub3A_798, %lt3A_803 : vector<16xi32>
        %and3A_805 = arith.andi %ge3A_801, %lt3A_804 : vector<16xi1>
        %jit3A_806 = arith.constant 50000 : i32
        %broadcast_in_dim3A_807 = vector.broadcast %jit3A_806 : i32 to vector<16xi32>
        %select_n3A_808 = arith.select %and3A_805, %sub3A_798, %broadcast_in_dim3A_807 : vector<16xi1>, vector<16xi32>
        %swap3A_809 = arith.constant 0 : i32
        %swap3A_810 = arith.index_cast %swap3A_809 : i32 to index
        %swap3A_811 = arith.constant 32 : index
        %swap3A_812 = tpu.vector_load %arg9[%swap3A_810, %swap3A_811] {strides = array<i32>} : memref<2x128xi32, #tpu.memory_space<vmem>>, vector<1x16xi32>,
        %swap3A_813 = vector.shape_cast %swap3A_812 : vector<1x16xi32> to vector<16xi32>
        %swap3A_814 = vector.shape_cast %select_n3A_808 : vector<16xi32> to vector<1x16xi32>
        tpu.vector_store %arg9[%swap3A_810, %swap3A_811], %swap3A_814 {strides = array<i32>} : memref<2x128xi32, #tpu.memory_space<vmem>>, vector<1x16xi32>,
        %get3A_815 = arith.constant 0 : i32
        %get3A_816 = arith.index_cast %get3A_815 : i32 to index
        %get3A_817 = arith.constant 48 : index
        %get3A_818 = tpu.vector_load %arg7[%get3A_816, %get3A_817] {strides = array<i32>} : memref<2x128xi32, #tpu.memory_space<vmem>>, vector<1x16xi32>,
        %get3A_819 = vector.shape_cast %get3A_818 : vector<1x16xi32> to vector<16xi32>
        %sub3A_820 = vector.broadcast %mul3A_0 : i32 to vector<16xi32>
        %sub3A_821 = arith.subi %get3A_819, %sub3A_820 : vector<16xi32>
        %ge3A_822 = arith.constant 0 : i32
        %ge3A_823 = vector.broadcast %ge3A_822 : i32 to vector<16xi32>
        %ge3A_824 = arith.cmpi sge, %sub3A_821, %ge3A_823 : vector<16xi32>
        %lt3A_825 = arith.constant 50000 : i32
        %lt3A_826 = vector.broadcast %lt3A_825 : i32 to vector<16xi32>
        %lt3A_827 = arith.cmpi slt, %sub3A_821, %lt3A_826 : vector<16xi32>
        %and3A_828 = arith.andi %ge3A_824, %lt3A_827 : vector<16xi1>
        %jit3A_829 = arith.constant 50000 : i32
        %broadcast_in_dim3A_830 = vector.broadcast %jit3A_829 : i32 to vector<16xi32>
        %select_n3A_831 = arith.select %and3A_828, %sub3A_821, %broadcast_in_dim3A_830 : vector<16xi1>, vector<16xi32>
        %swap3A_832 = arith.constant 0 : i32
        %swap3A_833 = arith.index_cast %swap3A_832 : i32 to index
        %swap3A_834 = arith.constant 48 : index
        %swap3A_835 = tpu.vector_load %arg9[%swap3A_833, %swap3A_834] {strides = array<i32>} : memref<2x128xi32, #tpu.memory_space<vmem>>, vector<1x16xi32>,
        %swap3A_836 = vector.shape_cast %swap3A_835 : vector<1x16xi32> to vector<16xi32>
        %swap3A_837 = vector.shape_cast %select_n3A_831 : vector<16xi32> to vector<1x16xi32>
        tpu.vector_store %arg9[%swap3A_833, %swap3A_834], %swap3A_837 {strides = array<i32>} : memref<2x128xi32, #tpu.memory_space<vmem>>, vector<1x16xi32>,
        %get3A_838 = arith.constant 0 : i32
        %get3A_839 = arith.index_cast %get3A_838 : i32 to index
        %get3A_840 = arith.constant 64 : index
        %get3A_841 = tpu.vector_load %arg7[%get3A_839, %get3A_840] {strides = array<i32>} : memref<2x128xi32, #tpu.memory_space<vmem>>, vector<1x16xi32>,
        %get3A_842 = vector.shape_cast %get3A_841 : vector<1x16xi32> to vector<16xi32>
        %sub3A_843 = vector.broadcast %mul3A_0 : i32 to vector<16xi32>
        %sub3A_844 = arith.subi %get3A_842, %sub3A_843 : vector<16xi32>
        %ge3A_845 = arith.constant 0 : i32
        %ge3A_846 = vector.broadcast %ge3A_845 : i32 to vector<16xi32>
        %ge3A_847 = arith.cmpi sge, %sub3A_844, %ge3A_846 : vector<16xi32>
        %lt3A_848 = arith.constant 50000 : i32
        %lt3A_849 = vector.broadcast %lt3A_848 : i32 to vector<16xi32>
        %lt3A_850 = arith.cmpi slt, %sub3A_844, %lt3A_849 : vector<16xi32>
        %and3A_851 = arith.andi %ge3A_847, %lt3A_850 : vector<16xi1>
        %jit3A_852 = arith.constant 50000 : i32
        %broadcast_in_dim3A_853 = vector.broadcast %jit3A_852 : i32 to vector<16xi32>
        %select_n3A_854 = arith.select %and3A_851, %sub3A_844, %broadcast_in_dim3A_853 : vector<16xi1>, vector<16xi32>
        %swap3A_855 = arith.constant 0 : i32
        %swap3A_856 = arith.index_cast %swap3A_855 : i32 to index
        %swap3A_857 = arith.constant 64 : index
        %swap3A_858 = tpu.vector_load %arg9[%swap3A_856, %swap3A_857] {strides = array<i32>} : memref<2x128xi32, #tpu.memory_space<vmem>>, vector<1x16xi32>,
        %swap3A_859 = vector.shape_cast %swap3A_858 : vector<1x16xi32> to vector<16xi32>
        %swap3A_860 = vector.shape_cast %select_n3A_854 : vector<16xi32> to vector<1x16xi32>
        tpu.vector_store %arg9[%swap3A_856, %swap3A_857], %swap3A_860 {strides = array<i32>} : memref<2x128xi32, #tpu.memory_space<vmem>>, vector<1x16xi32>,
        %get3A_861 = arith.constant 0 : i32
        %get3A_862 = arith.index_cast %get3A_861 : i32 to index
        %get3A_863 = arith.constant 80 : index
        %get3A_864 = tpu.vector_load %arg7[%get3A_862, %get3A_863] {strides = array<i32>} : memref<2x128xi32, #tpu.memory_space<vmem>>, vector<1x16xi32>,
        %get3A_865 = vector.shape_cast %get3A_864 : vector<1x16xi32> to vector<16xi32>
        %sub3A_866 = vector.broadcast %mul3A_0 : i32 to vector<16xi32>
        %sub3A_867 = arith.subi %get3A_865, %sub3A_866 : vector<16xi32>
        %ge3A_868 = arith.constant 0 : i32
        %ge3A_869 = vector.broadcast %ge3A_868 : i32 to vector<16xi32>
        %ge3A_870 = arith.cmpi sge, %sub3A_867, %ge3A_869 : vector<16xi32>
        %lt3A_871 = arith.constant 50000 : i32
        %lt3A_872 = vector.broadcast %lt3A_871 : i32 to vector<16xi32>
        %lt3A_873 = arith.cmpi slt, %sub3A_867, %lt3A_872 : vector<16xi32>
        %and3A_874 = arith.andi %ge3A_870, %lt3A_873 : vector<16xi1>
        %jit3A_875 = arith.constant 50000 : i32
        %broadcast_in_dim3A_876 = vector.broadcast %jit3A_875 : i32 to vector<16xi32>
        %select_n3A_877 = arith.select %and3A_874, %sub3A_867, %broadcast_in_dim3A_876 : vector<16xi1>, vector<16xi32>
        %swap3A_878 = arith.constant 0 : i32
        %swap3A_879 = arith.index_cast %swap3A_878 : i32 to index
        %swap3A_880 = arith.constant 80 : index
        %swap3A_881 = tpu.vector_load %arg9[%swap3A_879, %swap3A_880] {strides = array<i32>} : memref<2x128xi32, #tpu.memory_space<vmem>>, vector<1x16xi32>,
        %swap3A_882 = vector.shape_cast %swap3A_881 : vector<1x16xi32> to vector<16xi32>
        %swap3A_883 = vector.shape_cast %select_n3A_877 : vector<16xi32> to vector<1x16xi32>
        tpu.vector_store %arg9[%swap3A_879, %swap3A_880], %swap3A_883 {strides = array<i32>} : memref<2x128xi32, #tpu.memory_space<vmem>>, vector<1x16xi32>,
        %get3A_884 = arith.constant 0 : i32
        %get3A_885 = arith.index_cast %get3A_884 : i32 to index
        %get3A_886 = arith.constant 96 : index
        %get3A_887 = tpu.vector_load %arg7[%get3A_885, %get3A_886] {strides = array<i32>} : memref<2x128xi32, #tpu.memory_space<vmem>>, vector<1x16xi32>,
        %get3A_888 = vector.shape_cast %get3A_887 : vector<1x16xi32> to vector<16xi32>
        %sub3A_889 = vector.broadcast %mul3A_0 : i32 to vector<16xi32>
        %sub3A_890 = arith.subi %get3A_888, %sub3A_889 : vector<16xi32>
        %ge3A_891 = arith.constant 0 : i32
        %ge3A_892 = vector.broadcast %ge3A_891 : i32 to vector<16xi32>
        %ge3A_893 = arith.cmpi sge, %sub3A_890, %ge3A_892 : vector<16xi32>
        %lt3A_894 = arith.constant 50000 : i32
        %lt3A_895 = vector.broadcast %lt3A_894 : i32 to vector<16xi32>
        %lt3A_896 = arith.cmpi slt, %sub3A_890, %lt3A_895 : vector<16xi32>
        %and3A_897 = arith.andi %ge3A_893, %lt3A_896 : vector<16xi1>
        %jit3A_898 = arith.constant 50000 : i32
        %broadcast_in_dim3A_899 = vector.broadcast %jit3A_898 : i32 to vector<16xi32>
        %select_n3A_900 = arith.select %and3A_897, %sub3A_890, %broadcast_in_dim3A_899 : vector<16xi1>, vector<16xi32>
        %swap3A_901 = arith.constant 0 : i32
        %swap3A_902 = arith.index_cast %swap3A_901 : i32 to index
        %swap3A_903 = arith.constant 96 : index
        %swap3A_904 = tpu.vector_load %arg9[%swap3A_902, %swap3A_903] {strides = array<i32>} : memref<2x128xi32, #tpu.memory_space<vmem>>, vector<1x16xi32>,
        %swap3A_905 = vector.shape_cast %swap3A_904 : vector<1x16xi32> to vector<16xi32>
        %swap3A_906 = vector.shape_cast %select_n3A_900 : vector<16xi32> to vector<1x16xi32>
        tpu.vector_store %arg9[%swap3A_902, %swap3A_903], %swap3A_906 {strides = array<i32>} : memref<2x128xi32, #tpu.memory_space<vmem>>, vector<1x16xi32>,
        %get3A_907 = arith.constant 0 : i32
        %get3A_908 = arith.index_cast %get3A_907 : i32 to index
        %get3A_909 = arith.constant 112 : index
        %get3A_910 = tpu.vector_load %arg7[%get3A_908, %get3A_909] {strides = array<i32>} : memref<2x128xi32, #tpu.memory_space<vmem>>, vector<1x16xi32>,
        %get3A_911 = vector.shape_cast %get3A_910 : vector<1x16xi32> to vector<16xi32>
        %sub3A_912 = vector.broadcast %mul3A_0 : i32 to vector<16xi32>
        %sub3A_913 = arith.subi %get3A_911, %sub3A_912 : vector<16xi32>
        %ge3A_914 = arith.constant 0 : i32
        %ge3A_915 = vector.broadcast %ge3A_914 : i32 to vector<16xi32>
        %ge3A_916 = arith.cmpi sge, %sub3A_913, %ge3A_915 : vector<16xi32>
        %lt3A_917 = arith.constant 50000 : i32
        %lt3A_918 = vector.broadcast %lt3A_917 : i32 to vector<16xi32>
        %lt3A_919 = arith.cmpi slt, %sub3A_913, %lt3A_918 : vector<16xi32>
        %and3A_920 = arith.andi %ge3A_916, %lt3A_919 : vector<16xi1>
        %jit3A_921 = arith.constant 50000 : i32
        %broadcast_in_dim3A_922 = vector.broadcast %jit3A_921 : i32 to vector<16xi32>
        %select_n3A_923 = arith.select %and3A_920, %sub3A_913, %broadcast_in_dim3A_922 : vector<16xi1>, vector<16xi32>
        %swap3A_924 = arith.constant 0 : i32
        %swap3A_925 = arith.index_cast %swap3A_924 : i32 to index
        %swap3A_926 = arith.constant 112 : index
        %swap3A_927 = tpu.vector_load %arg9[%swap3A_925, %swap3A_926] {strides = array<i32>} : memref<2x128xi32, #tpu.memory_space<vmem>>, vector<1x16xi32>,
        %swap3A_928 = vector.shape_cast %swap3A_927 : vector<1x16xi32> to vector<16xi32>
        %swap3A_929 = vector.shape_cast %select_n3A_923 : vector<16xi32> to vector<1x16xi32>
        tpu.vector_store %arg9[%swap3A_925, %swap3A_926], %swap3A_929 {strides = array<i32>} : memref<2x128xi32, #tpu.memory_space<vmem>>, vector<1x16xi32>,
        %get3A_930 = arith.constant 1 : i32
        %get3A_931 = arith.index_cast %get3A_930 : i32 to index
        %get3A_932 = arith.constant 0 : index
        %get3A_933 = tpu.vector_load %arg7[%get3A_931, %get3A_932] {strides = array<i32>} : memref<2x128xi32, #tpu.memory_space<vmem>>, vector<1x16xi32>,
        %get3A_934 = vector.shape_cast %get3A_933 : vector<1x16xi32> to vector<16xi32>
        %sub3A_935 = vector.broadcast %mul3A_0 : i32 to vector<16xi32>
        %sub3A_936 = arith.subi %get3A_934, %sub3A_935 : vector<16xi32>
        %ge3A_937 = arith.constant 0 : i32
        %ge3A_938 = vector.broadcast %ge3A_937 : i32 to vector<16xi32>
        %ge3A_939 = arith.cmpi sge, %sub3A_936, %ge3A_938 : vector<16xi32>
        %lt3A_940 = arith.constant 50000 : i32
        %lt3A_941 = vector.broadcast %lt3A_940 : i32 to vector<16xi32>
        %lt3A_942 = arith.cmpi slt, %sub3A_936, %lt3A_941 : vector<16xi32>
        %and3A_943 = arith.andi %ge3A_939, %lt3A_942 : vector<16xi1>
        %jit3A_944 = arith.constant 50000 : i32
        %broadcast_in_dim3A_945 = vector.broadcast %jit3A_944 : i32 to vector<16xi32>
        %select_n3A_946 = arith.select %and3A_943, %sub3A_936, %broadcast_in_dim3A_945 : vector<16xi1>, vector<16xi32>
        %swap3A_947 = arith.constant 1 : i32
        %swap3A_948 = arith.index_cast %swap3A_947 : i32 to index
        %swap3A_949 = arith.constant 0 : index
        %swap3A_950 = tpu.vector_load %arg9[%swap3A_948, %swap3A_949] {strides = array<i32>} : memref<2x128xi32, #tpu.memory_space<vmem>>, vector<1x16xi32>,
        %swap3A_951 = vector.shape_cast %swap3A_950 : vector<1x16xi32> to vector<16xi32>
        %swap3A_952 = vector.shape_cast %select_n3A_946 : vector<16xi32> to vector<1x16xi32>
        tpu.vector_store %arg9[%swap3A_948, %swap3A_949], %swap3A_952 {strides = array<i32>} : memref<2x128xi32, #tpu.memory_space<vmem>>, vector<1x16xi32>,
        %get3A_953 = arith.constant 1 : i32
        %get3A_954 = arith.index_cast %get3A_953 : i32 to index
        %get3A_955 = arith.constant 16 : index
        %get3A_956 = tpu.vector_load %arg7[%get3A_954, %get3A_955] {strides = array<i32>} : memref<2x128xi32, #tpu.memory_space<vmem>>, vector<1x16xi32>,
        %get3A_957 = vector.shape_cast %get3A_956 : vector<1x16xi32> to vector<16xi32>
        %sub3A_958 = vector.broadcast %mul3A_0 : i32 to vector<16xi32>
        %sub3A_959 = arith.subi %get3A_957, %sub3A_958 : vector<16xi32>
        %ge3A_960 = arith.constant 0 : i32
        %ge3A_961 = vector.broadcast %ge3A_960 : i32 to vector<16xi32>
        %ge3A_962 = arith.cmpi sge, %sub3A_959, %ge3A_961 : vector<16xi32>
        %lt3A_963 = arith.constant 50000 : i32
        %lt3A_964 = vector.broadcast %lt3A_963 : i32 to vector<16xi32>
        %lt3A_965 = arith.cmpi slt, %sub3A_959, %lt3A_964 : vector<16xi32>
        %and3A_966 = arith.andi %ge3A_962, %lt3A_965 : vector<16xi1>
        %jit3A_967 = arith.constant 50000 : i32
        %broadcast_in_dim3A_968 = vector.broadcast %jit3A_967 : i32 to vector<16xi32>
        %select_n3A_969 = arith.select %and3A_966, %sub3A_959, %broadcast_in_dim3A_968 : vector<16xi1>, vector<16xi32>
        %swap3A_970 = arith.constant 1 : i32
        %swap3A_971 = arith.index_cast %swap3A_970 : i32 to index
        %swap3A_972 = arith.constant 16 : index
        %swap3A_973 = tpu.vector_load %arg9[%swap3A_971, %swap3A_972] {strides = array<i32>} : memref<2x128xi32, #tpu.memory_space<vmem>>, vector<1x16xi32>,
        %swap3A_974 = vector.shape_cast %swap3A_973 : vector<1x16xi32> to vector<16xi32>
        %swap3A_975 = vector.shape_cast %select_n3A_969 : vector<16xi32> to vector<1x16xi32>
        tpu.vector_store %arg9[%swap3A_971, %swap3A_972], %swap3A_975 {strides = array<i32>} : memref<2x128xi32, #tpu.memory_space<vmem>>, vector<1x16xi32>,
        %get3A_976 = arith.constant 1 : i32
        %get3A_977 = arith.index_cast %get3A_976 : i32 to index
        %get3A_978 = arith.constant 32 : index
        %get3A_979 = tpu.vector_load %arg7[%get3A_977, %get3A_978] {strides = array<i32>} : memref<2x128xi32, #tpu.memory_space<vmem>>, vector<1x16xi32>,
        %get3A_980 = vector.shape_cast %get3A_979 : vector<1x16xi32> to vector<16xi32>
        %sub3A_981 = vector.broadcast %mul3A_0 : i32 to vector<16xi32>
        %sub3A_982 = arith.subi %get3A_980, %sub3A_981 : vector<16xi32>
        %ge3A_983 = arith.constant 0 : i32
        %ge3A_984 = vector.broadcast %ge3A_983 : i32 to vector<16xi32>
        %ge3A_985 = arith.cmpi sge, %sub3A_982, %ge3A_984 : vector<16xi32>
        %lt3A_986 = arith.constant 50000 : i32
        %lt3A_987 = vector.broadcast %lt3A_986 : i32 to vector<16xi32>
        %lt3A_988 = arith.cmpi slt, %sub3A_982, %lt3A_987 : vector<16xi32>
        %and3A_989 = arith.andi %ge3A_985, %lt3A_988 : vector<16xi1>
        %jit3A_990 = arith.constant 50000 : i32
        %broadcast_in_dim3A_991 = vector.broadcast %jit3A_990 : i32 to vector<16xi32>
        %select_n3A_992 = arith.select %and3A_989, %sub3A_982, %broadcast_in_dim3A_991 : vector<16xi1>, vector<16xi32>
        %swap3A_993 = arith.constant 1 : i32
        %swap3A_994 = arith.index_cast %swap3A_993 : i32 to index
        %swap3A_995 = arith.constant 32 : index
        %swap3A_996 = tpu.vector_load %arg9[%swap3A_994, %swap3A_995] {strides = array<i32>} : memref<2x128xi32, #tpu.memory_space<vmem>>, vector<1x16xi32>,
        %swap3A_997 = vector.shape_cast %swap3A_996 : vector<1x16xi32> to vector<16xi32>
        %swap3A_998 = vector.shape_cast %select_n3A_992 : vector<16xi32> to vector<1x16xi32>
        tpu.vector_store %arg9[%swap3A_994, %swap3A_995], %swap3A_998 {strides = array<i32>} : memref<2x128xi32, #tpu.memory_space<vmem>>, vector<1x16xi32>,
        %get3A_999 = arith.constant 1 : i32
        %get3A_1000 = arith.index_cast %get3A_999 : i32 to index
        %get3A_1001 = arith.constant 48 : index
        %get3A_1002 = tpu.vector_load %arg7[%get3A_1000, %get3A_1001] {strides = array<i32>} : memref<2x128xi32, #tpu.memory_space<vmem>>, vector<1x16xi32>,
        %get3A_1003 = vector.shape_cast %get3A_1002 : vector<1x16xi32> to vector<16xi32>
        %sub3A_1004 = vector.broadcast %mul3A_0 : i32 to vector<16xi32>
        %sub3A_1005 = arith.subi %get3A_1003, %sub3A_1004 : vector<16xi32>
        %ge3A_1006 = arith.constant 0 : i32
        %ge3A_1007 = vector.broadcast %ge3A_1006 : i32 to vector<16xi32>
        %ge3A_1008 = arith.cmpi sge, %sub3A_1005, %ge3A_1007 : vector<16xi32>
        %lt3A_1009 = arith.constant 50000 : i32
        %lt3A_1010 = vector.broadcast %lt3A_1009 : i32 to vector<16xi32>
        %lt3A_1011 = arith.cmpi slt, %sub3A_1005, %lt3A_1010 : vector<16xi32>
        %and3A_1012 = arith.andi %ge3A_1008, %lt3A_1011 : vector<16xi1>
        %jit3A_1013 = arith.constant 50000 : i32
        %broadcast_in_dim3A_1014 = vector.broadcast %jit3A_1013 : i32 to vector<16xi32>
        %select_n3A_1015 = arith.select %and3A_1012, %sub3A_1005, %broadcast_in_dim3A_1014 : vector<16xi1>, vector<16xi32>
        %swap3A_1016 = arith.constant 1 : i32
        %swap3A_1017 = arith.index_cast %swap3A_1016 : i32 to index
        %swap3A_1018 = arith.constant 48 : index
        %swap3A_1019 = tpu.vector_load %arg9[%swap3A_1017, %swap3A_1018] {strides = array<i32>} : memref<2x128xi32, #tpu.memory_space<vmem>>, vector<1x16xi32>,
        %swap3A_1020 = vector.shape_cast %swap3A_1019 : vector<1x16xi32> to vector<16xi32>
        %swap3A_1021 = vector.shape_cast %select_n3A_1015 : vector<16xi32> to vector<1x16xi32>
        tpu.vector_store %arg9[%swap3A_1017, %swap3A_1018], %swap3A_1021 {strides = array<i32>} : memref<2x128xi32, #tpu.memory_space<vmem>>, vector<1x16xi32>,
        %get3A_1022 = arith.constant 1 : i32
        %get3A_1023 = arith.index_cast %get3A_1022 : i32 to index
        %get3A_1024 = arith.constant 64 : index
        %get3A_1025 = tpu.vector_load %arg7[%get3A_1023, %get3A_1024] {strides = array<i32>} : memref<2x128xi32, #tpu.memory_space<vmem>>, vector<1x16xi32>,
        %get3A_1026 = vector.shape_cast %get3A_1025 : vector<1x16xi32> to vector<16xi32>
        %sub3A_1027 = vector.broadcast %mul3A_0 : i32 to vector<16xi32>
        %sub3A_1028 = arith.subi %get3A_1026, %sub3A_1027 : vector<16xi32>
        %ge3A_1029 = arith.constant 0 : i32
        %ge3A_1030 = vector.broadcast %ge3A_1029 : i32 to vector<16xi32>
        %ge3A_1031 = arith.cmpi sge, %sub3A_1028, %ge3A_1030 : vector<16xi32>
        %lt3A_1032 = arith.constant 50000 : i32
        %lt3A_1033 = vector.broadcast %lt3A_1032 : i32 to vector<16xi32>
        %lt3A_1034 = arith.cmpi slt, %sub3A_1028, %lt3A_1033 : vector<16xi32>
        %and3A_1035 = arith.andi %ge3A_1031, %lt3A_1034 : vector<16xi1>
        %jit3A_1036 = arith.constant 50000 : i32
        %broadcast_in_dim3A_1037 = vector.broadcast %jit3A_1036 : i32 to vector<16xi32>
        %select_n3A_1038 = arith.select %and3A_1035, %sub3A_1028, %broadcast_in_dim3A_1037 : vector<16xi1>, vector<16xi32>
        %swap3A_1039 = arith.constant 1 : i32
        %swap3A_1040 = arith.index_cast %swap3A_1039 : i32 to index
        %swap3A_1041 = arith.constant 64 : index
        %swap3A_1042 = tpu.vector_load %arg9[%swap3A_1040, %swap3A_1041] {strides = array<i32>} : memref<2x128xi32, #tpu.memory_space<vmem>>, vector<1x16xi32>,
        %swap3A_1043 = vector.shape_cast %swap3A_1042 : vector<1x16xi32> to vector<16xi32>
        %swap3A_1044 = vector.shape_cast %select_n3A_1038 : vector<16xi32> to vector<1x16xi32>
        tpu.vector_store %arg9[%swap3A_1040, %swap3A_1041], %swap3A_1044 {strides = array<i32>} : memref<2x128xi32, #tpu.memory_space<vmem>>, vector<1x16xi32>,
        %get3A_1045 = arith.constant 1 : i32
        %get3A_1046 = arith.index_cast %get3A_1045 : i32 to index
        %get3A_1047 = arith.constant 80 : index
        %get3A_1048 = tpu.vector_load %arg7[%get3A_1046, %get3A_1047] {strides = array<i32>} : memref<2x128xi32, #tpu.memory_space<vmem>>, vector<1x16xi32>,
        %get3A_1049 = vector.shape_cast %get3A_1048 : vector<1x16xi32> to vector<16xi32>
        %sub3A_1050 = vector.broadcast %mul3A_0 : i32 to vector<16xi32>
        %sub3A_1051 = arith.subi %get3A_1049, %sub3A_1050 : vector<16xi32>
        %ge3A_1052 = arith.constant 0 : i32
        %ge3A_1053 = vector.broadcast %ge3A_1052 : i32 to vector<16xi32>
        %ge3A_1054 = arith.cmpi sge, %sub3A_1051, %ge3A_1053 : vector<16xi32>
        %lt3A_1055 = arith.constant 50000 : i32
        %lt3A_1056 = vector.broadcast %lt3A_1055 : i32 to vector<16xi32>
        %lt3A_1057 = arith.cmpi slt, %sub3A_1051, %lt3A_1056 : vector<16xi32>
        %and3A_1058 = arith.andi %ge3A_1054, %lt3A_1057 : vector<16xi1>
        %jit3A_1059 = arith.constant 50000 : i32
        %broadcast_in_dim3A_1060 = vector.broadcast %jit3A_1059 : i32 to vector<16xi32>
        %select_n3A_1061 = arith.select %and3A_1058, %sub3A_1051, %broadcast_in_dim3A_1060 : vector<16xi1>, vector<16xi32>
        %swap3A_1062 = arith.constant 1 : i32
        %swap3A_1063 = arith.index_cast %swap3A_1062 : i32 to index
        %swap3A_1064 = arith.constant 80 : index
        %swap3A_1065 = tpu.vector_load %arg9[%swap3A_1063, %swap3A_1064] {strides = array<i32>} : memref<2x128xi32, #tpu.memory_space<vmem>>, vector<1x16xi32>,
        %swap3A_1066 = vector.shape_cast %swap3A_1065 : vector<1x16xi32> to vector<16xi32>
        %swap3A_1067 = vector.shape_cast %select_n3A_1061 : vector<16xi32> to vector<1x16xi32>
        tpu.vector_store %arg9[%swap3A_1063, %swap3A_1064], %swap3A_1067 {strides = array<i32>} : memref<2x128xi32, #tpu.memory_space<vmem>>, vector<1x16xi32>,
        %get3A_1068 = arith.constant 1 : i32
        %get3A_1069 = arith.index_cast %get3A_1068 : i32 to index
        %get3A_1070 = arith.constant 96 : index
        %get3A_1071 = tpu.vector_load %arg7[%get3A_1069, %get3A_1070] {strides = array<i32>} : memref<2x128xi32, #tpu.memory_space<vmem>>, vector<1x16xi32>,
        %get3A_1072 = vector.shape_cast %get3A_1071 : vector<1x16xi32> to vector<16xi32>
        %sub3A_1073 = vector.broadcast %mul3A_0 : i32 to vector<16xi32>
        %sub3A_1074 = arith.subi %get3A_1072, %sub3A_1073 : vector<16xi32>
        %ge3A_1075 = arith.constant 0 : i32
        %ge3A_1076 = vector.broadcast %ge3A_1075 : i32 to vector<16xi32>
        %ge3A_1077 = arith.cmpi sge, %sub3A_1074, %ge3A_1076 : vector<16xi32>
        %lt3A_1078 = arith.constant 50000 : i32
        %lt3A_1079 = vector.broadcast %lt3A_1078 : i32 to vector<16xi32>
        %lt3A_1080 = arith.cmpi slt, %sub3A_1074, %lt3A_1079 : vector<16xi32>
        %and3A_1081 = arith.andi %ge3A_1077, %lt3A_1080 : vector<16xi1>
        %jit3A_1082 = arith.constant 50000 : i32
        %broadcast_in_dim3A_1083 = vector.broadcast %jit3A_1082 : i32 to vector<16xi32>
        %select_n3A_1084 = arith.select %and3A_1081, %sub3A_1074, %broadcast_in_dim3A_1083 : vector<16xi1>, vector<16xi32>
        %swap3A_1085 = arith.constant 1 : i32
        %swap3A_1086 = arith.index_cast %swap3A_1085 : i32 to index
        %swap3A_1087 = arith.constant 96 : index
        %swap3A_1088 = tpu.vector_load %arg9[%swap3A_1086, %swap3A_1087] {strides = array<i32>} : memref<2x128xi32, #tpu.memory_space<vmem>>, vector<1x16xi32>,
        %swap3A_1089 = vector.shape_cast %swap3A_1088 : vector<1x16xi32> to vector<16xi32>
        %swap3A_1090 = vector.shape_cast %select_n3A_1084 : vector<16xi32> to vector<1x16xi32>
        tpu.vector_store %arg9[%swap3A_1086, %swap3A_1087], %swap3A_1090 {strides = array<i32>} : memref<2x128xi32, #tpu.memory_space<vmem>>, vector<1x16xi32>,
        %get3A_1091 = arith.constant 1 : i32
        %get3A_1092 = arith.index_cast %get3A_1091 : i32 to index
        %get3A_1093 = arith.constant 112 : index
        %get3A_1094 = tpu.vector_load %arg7[%get3A_1092, %get3A_1093] {strides = array<i32>} : memref<2x128xi32, #tpu.memory_space<vmem>>, vector<1x16xi32>,
        %get3A_1095 = vector.shape_cast %get3A_1094 : vector<1x16xi32> to vector<16xi32>
        %sub3A_1096 = vector.broadcast %mul3A_0 : i32 to vector<16xi32>
        %sub3A_1097 = arith.subi %get3A_1095, %sub3A_1096 : vector<16xi32>
        %ge3A_1098 = arith.constant 0 : i32
        %ge3A_1099 = vector.broadcast %ge3A_1098 : i32 to vector<16xi32>
        %ge3A_1100 = arith.cmpi sge, %sub3A_1097, %ge3A_1099 : vector<16xi32>
        %lt3A_1101 = arith.constant 50000 : i32
        %lt3A_1102 = vector.broadcast %lt3A_1101 : i32 to vector<16xi32>
        %lt3A_1103 = arith.cmpi slt, %sub3A_1097, %lt3A_1102 : vector<16xi32>
        %and3A_1104 = arith.andi %ge3A_1100, %lt3A_1103 : vector<16xi1>
        %jit3A_1105 = arith.constant 50000 : i32
        %broadcast_in_dim3A_1106 = vector.broadcast %jit3A_1105 : i32 to vector<16xi32>
        %select_n3A_1107 = arith.select %and3A_1104, %sub3A_1097, %broadcast_in_dim3A_1106 : vector<16xi1>, vector<16xi32>
        %swap3A_1108 = arith.constant 1 : i32
        %swap3A_1109 = arith.index_cast %swap3A_1108 : i32 to index
        %swap3A_1110 = arith.constant 112 : index
        %swap3A_1111 = tpu.vector_load %arg9[%swap3A_1109, %swap3A_1110] {strides = array<i32>} : memref<2x128xi32, #tpu.memory_space<vmem>>, vector<1x16xi32>,
        %swap3A_1112 = vector.shape_cast %swap3A_1111 : vector<1x16xi32> to vector<16xi32>
        %swap3A_1113 = vector.shape_cast %select_n3A_1107 : vector<16xi32> to vector<1x16xi32>
        tpu.vector_store %arg9[%swap3A_1109, %swap3A_1110], %swap3A_1113 {strides = array<i32>} : memref<2x128xi32, #tpu.memory_space<vmem>>, vector<1x16xi32>,
        %dma_start3A = arith.constant 0 : i32
        %dma_start3A_1114 = arith.constant 0 : i32
        %dma_start3A_1115 = arith.constant 0 : i32
        %dma_start3A_1116 = tpu.memref_slice %arg11[%dma_start3A_1114, %dma_start3A_1115] : memref<256x32xf32, #tpu.memory_space<vmem>> -> memref<128x32xf32, #tpu.memory_space<vmem>>
        %dma_start3A_1117 = arith.constant 0 : i32
        %dma_start3A_1118 = tpu.memref_slice %arg9[%dma_start3A, %dma_start3A_1117] : memref<2x128xi32, #tpu.memory_space<vmem>> -> memref<1x128xi32, #tpu.memory_space<vmem>>
        %dma_start3A_1119 = tpu.memref_squeeze %dma_start3A_1118 : memref<1x128xi32, #tpu.memory_space<vmem>> -> memref<128xi32, #tpu.memory_space<vmem>>
        %dma_start3A_1120 = arith.constant 0 : i32
        %dma_start3A_1121 = arith.constant 0 : i32
        %dma_start3A_1122 = tpu.memref_slice %arg15[%dma_start3A_1120, %dma_start3A_1121] : memref<50176x32xf32, #tpu.memory_space<vmem_shared>> -> memref<50176x32xf32, #tpu.memory_space<vmem_shared>>
        tpu.enqueue_indirect_dma source(%dma_start3A_1116 : memref<128x32xf32, #tpu.memory_space<vmem>>) target(%dma_start3A_1122 : memref<50176x32xf32, #tpu.memory_space<vmem_shared>>) offsets(%dma_start3A_1119 : memref<128xi32, #tpu.memory_space<vmem>>) semaphore(%arg20 : memref<!tpu.dma_semaphore, #tpu.memory_space<semaphore_mem>>) {add = true}
        %dma_start3A_1123 = arith.constant 0 : i32
        %dma_start3A_1124 = arith.constant 0 : i32
        %dma_start3A_1125 = tpu.memref_slice %arg7[%dma_start3A_1123, %dma_start3A_1124] : memref<2x128xi32, #tpu.memory_space<vmem>> -> memref<1x128xi32, #tpu.memory_space<vmem>>
        %dma_start3A_1126 = tpu.memref_squeeze %dma_start3A_1125 : memref<1x128xi32, #tpu.memory_space<vmem>> -> memref<128xi32, #tpu.memory_space<vmem>>
        %dma_start3A_1127 = arith.constant 0 : i32
        %dma_start3A_1128 = tpu.memref_slice %arg16[%dma_start3A_1127] : memref<100352xf32, #tpu.memory_space<vmem_shared>> -> memref<100352xf32, #tpu.memory_space<vmem_shared>>
        tpu.enqueue_indirect_dma source(%arg12 : memref<128xf32, #tpu.memory_space<vmem>>) target(%dma_start3A_1128 : memref<100352xf32, #tpu.memory_space<vmem_shared>>) offsets(%dma_start3A_1126 : memref<128xi32, #tpu.memory_space<vmem>>) semaphore(%arg20 : memref<!tpu.dma_semaphore, #tpu.memory_space<semaphore_mem>>) {add = true}
        %dma_start3A_1129 = arith.constant 1 : i32
        %dma_start3A_1130 = arith.constant 128 : i32
        %dma_start3A_1131 = arith.constant 0 : i32
        %dma_start3A_1132 = tpu.memref_slice %arg11[%dma_start3A_1130, %dma_start3A_1131] : memref<256x32xf32, #tpu.memory_space<vmem>> -> memref<128x32xf32, #tpu.memory_space<vmem>>
        %dma_start3A_1133 = arith.constant 0 : i32
        %dma_start3A_1134 = tpu.memref_slice %arg9[%dma_start3A_1129, %dma_start3A_1133] : memref<2x128xi32, #tpu.memory_space<vmem>> -> memref<1x128xi32, #tpu.memory_space<vmem>>
        %dma_start3A_1135 = tpu.memref_squeeze %dma_start3A_1134 : memref<1x128xi32, #tpu.memory_space<vmem>> -> memref<128xi32, #tpu.memory_space<vmem>>
        %dma_start3A_1136 = arith.constant 0 : i32
        %dma_start3A_1137 = arith.constant 0 : i32
        %dma_start3A_1138 = tpu.memref_slice %arg15[%dma_start3A_1136, %dma_start3A_1137] : memref<50176x32xf32, #tpu.memory_space<vmem_shared>> -> memref<50176x32xf32, #tpu.memory_space<vmem_shared>>
        tpu.enqueue_indirect_dma source(%dma_start3A_1132 : memref<128x32xf32, #tpu.memory_space<vmem>>) target(%dma_start3A_1138 : memref<50176x32xf32, #tpu.memory_space<vmem_shared>>) offsets(%dma_start3A_1135 : memref<128xi32, #tpu.memory_space<vmem>>) semaphore(%arg20 : memref<!tpu.dma_semaphore, #tpu.memory_space<semaphore_mem>>) {add = true}
        %dma_start3A_1139 = arith.constant 1 : i32
        %dma_start3A_1140 = arith.constant 0 : i32
        %dma_start3A_1141 = tpu.memref_slice %arg7[%dma_start3A_1139, %dma_start3A_1140] : memref<2x128xi32, #tpu.memory_space<vmem>> -> memref<1x128xi32, #tpu.memory_space<vmem>>
        %dma_start3A_1142 = tpu.memref_squeeze %dma_start3A_1141 : memref<1x128xi32, #tpu.memory_space<vmem>> -> memref<128xi32, #tpu.memory_space<vmem>>
        %dma_start3A_1143 = arith.constant 0 : i32
        %dma_start3A_1144 = tpu.memref_slice %arg16[%dma_start3A_1143] : memref<100352xf32, #tpu.memory_space<vmem_shared>> -> memref<100352xf32, #tpu.memory_space<vmem_shared>>
        tpu.enqueue_indirect_dma source(%arg12 : memref<128xf32, #tpu.memory_space<vmem>>) target(%dma_start3A_1144 : memref<100352xf32, #tpu.memory_space<vmem_shared>>) offsets(%dma_start3A_1142 : memref<128xi32, #tpu.memory_space<vmem>>) semaphore(%arg20 : memref<!tpu.dma_semaphore, #tpu.memory_space<semaphore_mem>>) {add = true}
      } else {
      }
      %sub3A_711 = arith.constant 1 : i32
      %sub3A_712 = arith.subi %add3A_702, %sub3A_711 : i32
      %mul3A_713 = arith.constant 16 : i32
      %mul3A_714 = arith.muli %sub3A_712, %mul3A_713 : i32
      %add3A_715 = arith.addi %arg1, %mul3A_714 : i32
      %ge3A_716 = arith.constant 1 : i32
      %ge3A_717 = arith.cmpi sge, %add3A_702, %ge3A_716 : i32
      %lt3A_718 = arith.constant 6250 : i32
      %lt3A_719 = arith.cmpi slt, %add3A_715, %lt3A_718 : i32
      %and3A_720 = arith.andi %ge3A_717, %lt3A_719 : i1
      %convert_element_type3A_721 = arith.extui %and3A_720 : i1 to i32
      %cond3A_722 = arith.constant 0 : i32
      %cond3A_723 = arith.cmpi ne, %convert_element_type3A_721, %cond3A_722 : i32
      scf.if %cond3A_723 {
        %dma_wait3A = arith.constant 0 : i32
        %dma_wait3A_735 = arith.constant 0 : i32
        %dma_wait3A_736 = arith.constant 0 : i32
        %dma_wait3A_737 = tpu.memref_slice %arg10[%dma_wait3A_735, %dma_wait3A_736] : memref<256x32xf32, #tpu.memory_space<vmem>> -> memref<128x32xf32, #tpu.memory_space<vmem>>
        %dma_wait3A_738 = arith.constant 0 : i32
        %dma_wait3A_739 = tpu.memref_slice %arg8[%dma_wait3A, %dma_wait3A_738] : memref<2x128xi32, #tpu.memory_space<vmem>> -> memref<1x128xi32, #tpu.memory_space<vmem>>
        %dma_wait3A_740 = tpu.memref_squeeze %dma_wait3A_739 : memref<1x128xi32, #tpu.memory_space<vmem>> -> memref<128xi32, #tpu.memory_space<vmem>>
        %dma_wait3A_741 = arith.constant 0 : i32
        %dma_wait3A_742 = arith.constant 0 : i32
        %dma_wait3A_743 = tpu.memref_slice %arg15[%dma_wait3A_741, %dma_wait3A_742] : memref<50176x32xf32, #tpu.memory_space<vmem_shared>> -> memref<50176x32xf32, #tpu.memory_space<vmem_shared>>
        tpu.wait_indirect_dma semaphore(%arg19 : memref<!tpu.dma_semaphore, #tpu.memory_space<semaphore_mem>>) src(%dma_wait3A_737 : memref<128x32xf32, #tpu.memory_space<vmem>>) dst(%dma_wait3A_743 : memref<50176x32xf32, #tpu.memory_space<vmem_shared>>)
        %dma_wait3A_744 = arith.constant 0 : i32
        %dma_wait3A_745 = arith.constant 0 : i32
        %dma_wait3A_746 = tpu.memref_slice %arg6[%dma_wait3A_744, %dma_wait3A_745] : memref<2x128xi32, #tpu.memory_space<vmem>> -> memref<1x128xi32, #tpu.memory_space<vmem>>
        %dma_wait3A_747 = tpu.memref_squeeze %dma_wait3A_746 : memref<1x128xi32, #tpu.memory_space<vmem>> -> memref<128xi32, #tpu.memory_space<vmem>>
        %dma_wait3A_748 = arith.constant 0 : i32
        %dma_wait3A_749 = tpu.memref_slice %arg16[%dma_wait3A_748] : memref<100352xf32, #tpu.memory_space<vmem_shared>> -> memref<100352xf32, #tpu.memory_space<vmem_shared>>
        tpu.wait_indirect_dma semaphore(%arg19 : memref<!tpu.dma_semaphore, #tpu.memory_space<semaphore_mem>>) src(%arg12 : memref<128xf32, #tpu.memory_space<vmem>>) dst(%dma_wait3A_749 : memref<100352xf32, #tpu.memory_space<vmem_shared>>)
        %dma_wait3A_750 = arith.constant 1 : i32
        %dma_wait3A_751 = arith.constant 128 : i32
        %dma_wait3A_752 = arith.constant 0 : i32
        %dma_wait3A_753 = tpu.memref_slice %arg10[%dma_wait3A_751, %dma_wait3A_752] : memref<256x32xf32, #tpu.memory_space<vmem>> -> memref<128x32xf32, #tpu.memory_space<vmem>>
        %dma_wait3A_754 = arith.constant 0 : i32
        %dma_wait3A_755 = tpu.memref_slice %arg8[%dma_wait3A_750, %dma_wait3A_754] : memref<2x128xi32, #tpu.memory_space<vmem>> -> memref<1x128xi32, #tpu.memory_space<vmem>>
        %dma_wait3A_756 = tpu.memref_squeeze %dma_wait3A_755 : memref<1x128xi32, #tpu.memory_space<vmem>> -> memref<128xi32, #tpu.memory_space<vmem>>
        %dma_wait3A_757 = arith.constant 0 : i32
        %dma_wait3A_758 = arith.constant 0 : i32
        %dma_wait3A_759 = tpu.memref_slice %arg15[%dma_wait3A_757, %dma_wait3A_758] : memref<50176x32xf32, #tpu.memory_space<vmem_shared>> -> memref<50176x32xf32, #tpu.memory_space<vmem_shared>>
        tpu.wait_indirect_dma semaphore(%arg19 : memref<!tpu.dma_semaphore, #tpu.memory_space<semaphore_mem>>) src(%dma_wait3A_753 : memref<128x32xf32, #tpu.memory_space<vmem>>) dst(%dma_wait3A_759 : memref<50176x32xf32, #tpu.memory_space<vmem_shared>>)
        %dma_wait3A_760 = arith.constant 1 : i32
        %dma_wait3A_761 = arith.constant 0 : i32
        %dma_wait3A_762 = tpu.memref_slice %arg6[%dma_wait3A_760, %dma_wait3A_761] : memref<2x128xi32, #tpu.memory_space<vmem>> -> memref<1x128xi32, #tpu.memory_space<vmem>>
        %dma_wait3A_763 = tpu.memref_squeeze %dma_wait3A_762 : memref<1x128xi32, #tpu.memory_space<vmem>> -> memref<128xi32, #tpu.memory_space<vmem>>
        %dma_wait3A_764 = arith.constant 0 : i32
        %dma_wait3A_765 = tpu.memref_slice %arg16[%dma_wait3A_764] : memref<100352xf32, #tpu.memory_space<vmem_shared>> -> memref<100352xf32, #tpu.memory_space<vmem_shared>>
        tpu.wait_indirect_dma semaphore(%arg19 : memref<!tpu.dma_semaphore, #tpu.memory_space<semaphore_mem>>) src(%arg12 : memref<128xf32, #tpu.memory_space<vmem>>) dst(%dma_wait3A_765 : memref<100352xf32, #tpu.memory_space<vmem_shared>>)
      } else {
      }
      %add3A_724 = arith.constant 1 : i32
      %add3A_725 = arith.addi %add3A_702, %add3A_724 : i32
      %mul3A_726 = arith.constant 16 : i32
      %mul3A_727 = arith.muli %add3A_725, %mul3A_726 : i32
      %add3A_728 = arith.addi %arg1, %mul3A_727 : i32
      %lt3A_729 = arith.constant 6250 : i32
      %lt3A_730 = arith.cmpi slt, %add3A_728, %lt3A_729 : i32
      %convert_element_type3A_731 = arith.extui %lt3A_730 : i1 to i32
      %cond3A_732 = arith.constant 0 : i32
      %cond3A_733 = arith.cmpi ne, %convert_element_type3A_731, %cond3A_732 : i32
      scf.if %cond3A_733 {
        %mul3A_735 = arith.constant 2 : i32
        %mul3A_736 = arith.muli %add3A_728, %mul3A_735 : i32
        %dma_start3A = arith.constant 0 : i32
        %dma_start3A_737 = tpu.memref_slice %arg3[%mul3A_736, %dma_start3A] : memref<12500x128xi32, #tpu.memory_space<hbm>> -> memref<2x128xi32, #tpu.memory_space<hbm>>
        %dma_start3A_738 = arith.constant 0 : i32
        %dma_start3A_739 = tpu.memref_slice %arg3[%mul3A_736, %dma_start3A_738] : memref<12500x128xi32, #tpu.memory_space<hbm>> -> memref<2x128xi32, #tpu.memory_space<hbm>>
        tpu.enqueue_dma source(%dma_start3A_739 : memref<2x128xi32, #tpu.memory_space<hbm>>) target(%arg6 : memref<2x128xi32, #tpu.memory_space<vmem>>) target_semaphore(%arg17 : memref<!tpu.dma_semaphore, #tpu.memory_space<semaphore_mem>>)
        %dma_start3A_740 = arith.constant 0 : i32
        %dma_start3A_741 = arith.constant 0 : i32
        %dma_start3A_742 = tpu.memref_slice %arg2[%add3A_728, %dma_start3A_740, %dma_start3A_741] : memref<6250x256x32xf32, #tpu.memory_space<hbm>> -> memref<1x256x32xf32, #tpu.memory_space<hbm>>
        %dma_start3A_743 = tpu.memref_squeeze %dma_start3A_742 : memref<1x256x32xf32, #tpu.memory_space<hbm>> -> memref<256x32xf32, #tpu.memory_space<hbm>>
        %dma_start3A_744 = arith.constant 0 : i32
        %dma_start3A_745 = arith.constant 0 : i32
        %dma_start3A_746 = tpu.memref_slice %arg2[%add3A_728, %dma_start3A_744, %dma_start3A_745] : memref<6250x256x32xf32, #tpu.memory_space<hbm>> -> memref<1x256x32xf32, #tpu.memory_space<hbm>>
        %dma_start3A_747 = tpu.memref_squeeze %dma_start3A_746 : memref<1x256x32xf32, #tpu.memory_space<hbm>> -> memref<256x32xf32, #tpu.memory_space<hbm>>
        tpu.enqueue_dma source(%dma_start3A_747 : memref<256x32xf32, #tpu.memory_space<hbm>>) target(%arg10 : memref<256x32xf32, #tpu.memory_space<vmem>>) target_semaphore(%arg17 : memref<!tpu.dma_semaphore, #tpu.memory_space<semaphore_mem>>)
      } else {
      }
      %scan3A_734 = arith.constant 0 : i32
      scf.yield %scan3A_734 : i32
    }
    %scan3A_655 = arith.constant 196 : i32
    %barrier3A_656 = arith.constant 0 : index
    tpu.barrier barrier_id(%barrier3A_656)
    %mul3A_657 = arith.constant 3136 : i32
    %mul3A_658 = arith.muli %arg1, %mul3A_657 : i32
    %mul3A_659 = arith.constant 3136 : i32
    %mul3A_660 = arith.muli %arg1, %mul3A_659 : i32
    "tpu.region"() ({
      %run_scoped3A = tpu.sem_alloc : memref<!tpu.dma_semaphore, #tpu.memory_space<semaphore_mem>>
      %dma_start3A = arith.constant 0 : i32
      %dma_start3A_665 = arith.constant 0 : i32
      %dma_start3A_666 = tpu.memref_slice %arg4[%arg0, %dma_start3A, %dma_start3A_665] : memref<2x50176x32xf32, #tpu.memory_space<hbm>> -> memref<1x50176x32xf32, #tpu.memory_space<hbm>>
      %dma_start3A_667 = tpu.memref_squeeze %dma_start3A_666 : memref<1x50176x32xf32, #tpu.memory_space<hbm>> -> memref<50176x32xf32, #tpu.memory_space<hbm>>
      %dma_start3A_668 = arith.constant 0 : i32
      %dma_start3A_669 = tpu.memref_slice %dma_start3A_667[%mul3A_660, %dma_start3A_668] : memref<50176x32xf32, #tpu.memory_space<hbm>> -> memref<3136x32xf32, #tpu.memory_space<hbm>>
      %dma_start3A_670 = arith.constant 0 : i32
      %dma_start3A_671 = tpu.memref_slice %arg15[%mul3A_658, %dma_start3A_670] : memref<50176x32xf32, #tpu.memory_space<vmem_shared>> -> memref<3136x32xf32, #tpu.memory_space<vmem_shared>>
      tpu.enqueue_dma source(%dma_start3A_671 : memref<3136x32xf32, #tpu.memory_space<vmem_shared>>) target(%dma_start3A_669 : memref<3136x32xf32, #tpu.memory_space<hbm>>) target_semaphore(%run_scoped3A : memref<!tpu.dma_semaphore, #tpu.memory_space<semaphore_mem>>)
      %dma_wait3A = arith.constant 0 : i32
      %dma_wait3A_672 = arith.constant 0 : i32
      %dma_wait3A_673 = tpu.memref_slice %arg4[%arg0, %dma_wait3A, %dma_wait3A_672] : memref<2x50176x32xf32, #tpu.memory_space<hbm>> -> memref<1x50176x32xf32, #tpu.memory_space<hbm>>
      %dma_wait3A_674 = tpu.memref_squeeze %dma_wait3A_673 : memref<1x50176x32xf32, #tpu.memory_space<hbm>> -> memref<50176x32xf32, #tpu.memory_space<hbm>>
      %dma_wait3A_675 = arith.constant 0 : i32
      %dma_wait3A_676 = tpu.memref_slice %dma_wait3A_674[%mul3A_660, %dma_wait3A_675] : memref<50176x32xf32, #tpu.memory_space<hbm>> -> memref<3136x32xf32, #tpu.memory_space<hbm>>
      %dma_wait3A_677 = arith.constant 0 : i32
      %dma_wait3A_678 = tpu.memref_slice %arg15[%mul3A_658, %dma_wait3A_677] : memref<50176x32xf32, #tpu.memory_space<vmem_shared>> -> memref<3136x32xf32, #tpu.memory_space<vmem_shared>>
      tpu.wait_dma2 semaphore(%run_scoped3A : memref<!tpu.dma_semaphore, #tpu.memory_space<semaphore_mem>>) src(%dma_wait3A_678 : memref<3136x32xf32, #tpu.memory_space<vmem_shared>>) dst(%dma_wait3A_676 : memref<3136x32xf32, #tpu.memory_space<hbm>>)
      tpu.yield
    }) : () -> ()
    %mul3A_661 = arith.constant 6272 : i32
    %mul3A_662 = arith.muli %arg1, %mul3A_661 : i32
    %mul3A_663 = arith.constant 6272 : i32
    %mul3A_664 = arith.muli %arg1, %mul3A_663 : i32
    "tpu.region"() ({
      %run_scoped3A = tpu.sem_alloc : memref<!tpu.dma_semaphore, #tpu.memory_space<semaphore_mem>>
      %dma_start3A = arith.constant 0 : i32
      %dma_start3A_665 = tpu.memref_slice %arg5[%arg0, %dma_start3A] : memref<2x100352xf32, #tpu.memory_space<hbm>> -> memref<1x100352xf32, #tpu.memory_space<hbm>>
      %dma_start3A_666 = tpu.memref_squeeze %dma_start3A_665 : memref<1x100352xf32, #tpu.memory_space<hbm>> -> memref<100352xf32, #tpu.memory_space<hbm>>
      %dma_start3A_667 = tpu.memref_slice %dma_start3A_666[%mul3A_664] : memref<100352xf32, #tpu.memory_space<hbm>> -> memref<6272xf32, #tpu.memory_space<hbm>>
      %dma_start3A_668 = tpu.memref_slice %arg16[%mul3A_662] : memref<100352xf32, #tpu.memory_space<vmem_shared>> -> memref<6272xf32, #tpu.memory_space<vmem_shared>>
      tpu.enqueue_dma source(%dma_start3A_668 : memref<6272xf32, #tpu.memory_space<vmem_shared>>) target(%dma_start3A_667 : memref<6272xf32, #tpu.memory_space<hbm>>) target_semaphore(%run_scoped3A : memref<!tpu.dma_semaphore, #tpu.memory_space<semaphore_mem>>)
      %dma_wait3A = arith.constant 0 : i32
      %dma_wait3A_669 = tpu.memref_slice %arg5[%arg0, %dma_wait3A] : memref<2x100352xf32, #tpu.memory_space<hbm>> -> memref<1x100352xf32, #tpu.memory_space<hbm>>
      %dma_wait3A_670 = tpu.memref_squeeze %dma_wait3A_669 : memref<1x100352xf32, #tpu.memory_space<hbm>> -> memref<100352xf32, #tpu.memory_space<hbm>>
      %dma_wait3A_671 = tpu.memref_slice %dma_wait3A_670[%mul3A_664] : memref<100352xf32, #tpu.memory_space<hbm>> -> memref<6272xf32, #tpu.memory_space<hbm>>
      %dma_wait3A_672 = tpu.memref_slice %arg16[%mul3A_662] : memref<100352xf32, #tpu.memory_space<vmem_shared>> -> memref<6272xf32, #tpu.memory_space<vmem_shared>>
      tpu.wait_dma2 semaphore(%run_scoped3A : memref<!tpu.dma_semaphore, #tpu.memory_space<semaphore_mem>>) src(%dma_wait3A_672 : memref<6272xf32, #tpu.memory_space<vmem_shared>>) dst(%dma_wait3A_671 : memref<6272xf32, #tpu.memory_space<hbm>>)
      tpu.yield
    }) : () -> ()
    return
  }
}

#map = affine_map<(d0, d1) -> (0, 0)>
#map1 = affine_map<(d0, d1) -> (0, 0, 0)>
module attributes {stable_mosaic.version = 14 : i64} {
  func.func @gk(%arg0: i32, %arg1: i32, %arg2: memref<100000x32xf32, #tpu.memory_space<hbm>>, %arg3: memref<12500x128xi32, #tpu.memory_space<hbm>>, %arg4: memref<12500x128xi32, #tpu.memory_space<hbm>>, %arg5: memref<3125x512x32xf32, #tpu.memory_space<hbm>>, %arg6: memref<3125x512x32xf32, #tpu.memory_space<hbm>>, %arg7: memref<4x128xi32, #tpu.memory_space<vmem>>, %arg8: memref<4x128xi32, #tpu.memory_space<vmem>>, %arg9: memref<512x32xf32, #tpu.memory_space<vmem>>, %arg10: memref<512x32xf32, #tpu.memory_space<vmem>>, %arg11: memref<!tpu.dma_semaphore, #tpu.memory_space<semaphore_mem>>) attributes {dimension_semantics = [#tpu.dimension_semantics<core_parallel>, #tpu.dimension_semantics<subcore_parallel>], iteration_bounds = array<i64: 2, 16>, scalar_prefetch = 0 : i64, scratch_operands = 5 : i64, tpu.core_type = #tpu.core_type<sc_vector_subcore>, window_params = [{transform_indices = #map}, {transform_indices = #map}, {transform_indices = #map}, {transform_indices = #map1}, {transform_indices = #map1}]} {
    %mul3A = arith.constant 2 : i32
    %mul3A_0 = arith.muli %arg1, %mul3A : i32
    %add3A = arith.addi %mul3A_0, %arg0 : i32
    %scan3A = arith.constant 0 : i32
    %scan3A_1 = arith.constant 0 : i32
    %scan3A_2 = arith.constant 98 : i32
    %scan3A_3 = arith.addi %scan3A_1, %scan3A_2 : i32
    %scan3A_4 = arith.constant 1 : i32
    %scan3A_5 = scf.for %scan3A_7 = %scan3A_1 to %scan3A_3 step %scan3A_4 iter_args(%scan3A_8 = %scan3A) -> (i32)  : i32 {
      %mul3A_9 = arith.constant 32 : i32
      %mul3A_10 = arith.muli %scan3A_7, %mul3A_9 : i32
      %add3A_11 = arith.addi %add3A, %mul3A_10 : i32
      %lt3A = arith.constant 3125 : i32
      %lt3A_12 = arith.cmpi slt, %add3A_11, %lt3A : i32
      %convert_element_type3A = arith.extui %lt3A_12 : i1 to i32
      %cond3A = arith.constant 0 : i32
      %cond3A_13 = arith.cmpi ne, %convert_element_type3A, %cond3A : i32
      scf.if %cond3A_13 {
        %mul3A_15 = arith.constant 4 : i32
        %mul3A_16 = arith.muli %add3A_11, %mul3A_15 : i32
        "tpu.region"() ({
          %run_scoped3A = tpu.sem_alloc : memref<!tpu.dma_semaphore, #tpu.memory_space<semaphore_mem>>
          %dma_start3A_177 = arith.constant 0 : i32
          %dma_start3A_178 = tpu.memref_slice %arg3[%mul3A_16, %dma_start3A_177] : memref<12500x128xi32, #tpu.memory_space<hbm>> -> memref<4x128xi32, #tpu.memory_space<hbm>>
          %dma_start3A_179 = arith.constant 0 : i32
          %dma_start3A_180 = tpu.memref_slice %arg3[%mul3A_16, %dma_start3A_179] : memref<12500x128xi32, #tpu.memory_space<hbm>> -> memref<4x128xi32, #tpu.memory_space<hbm>>
          tpu.enqueue_dma source(%dma_start3A_180 : memref<4x128xi32, #tpu.memory_space<hbm>>) target(%arg7 : memref<4x128xi32, #tpu.memory_space<vmem>>) target_semaphore(%run_scoped3A : memref<!tpu.dma_semaphore, #tpu.memory_space<semaphore_mem>>)
          %dma_wait3A_181 = arith.constant 0 : i32
          %dma_wait3A_182 = tpu.memref_slice %arg3[%mul3A_16, %dma_wait3A_181] : memref<12500x128xi32, #tpu.memory_space<hbm>> -> memref<4x128xi32, #tpu.memory_space<hbm>>
          %dma_wait3A_183 = arith.constant 0 : i32
          %dma_wait3A_184 = tpu.memref_slice %arg3[%mul3A_16, %dma_wait3A_183] : memref<12500x128xi32, #tpu.memory_space<hbm>> -> memref<4x128xi32, #tpu.memory_space<hbm>>
          tpu.wait_dma2 semaphore(%run_scoped3A : memref<!tpu.dma_semaphore, #tpu.memory_space<semaphore_mem>>) src(%dma_wait3A_184 : memref<4x128xi32, #tpu.memory_space<hbm>>) dst(%arg7 : memref<4x128xi32, #tpu.memory_space<vmem>>)
          tpu.yield
        }) : () -> ()
        %mul3A_17 = arith.constant 4 : i32
        %mul3A_18 = arith.muli %add3A_11, %mul3A_17 : i32
        "tpu.region"() ({
          %run_scoped3A = tpu.sem_alloc : memref<!tpu.dma_semaphore, #tpu.memory_space<semaphore_mem>>
          %dma_start3A_177 = arith.constant 0 : i32
          %dma_start3A_178 = tpu.memref_slice %arg4[%mul3A_18, %dma_start3A_177] : memref<12500x128xi32, #tpu.memory_space<hbm>> -> memref<4x128xi32, #tpu.memory_space<hbm>>
          %dma_start3A_179 = arith.constant 0 : i32
          %dma_start3A_180 = tpu.memref_slice %arg4[%mul3A_18, %dma_start3A_179] : memref<12500x128xi32, #tpu.memory_space<hbm>> -> memref<4x128xi32, #tpu.memory_space<hbm>>
          tpu.enqueue_dma source(%dma_start3A_180 : memref<4x128xi32, #tpu.memory_space<hbm>>) target(%arg8 : memref<4x128xi32, #tpu.memory_space<vmem>>) target_semaphore(%run_scoped3A : memref<!tpu.dma_semaphore, #tpu.memory_space<semaphore_mem>>)
          %dma_wait3A_181 = arith.constant 0 : i32
          %dma_wait3A_182 = tpu.memref_slice %arg4[%mul3A_18, %dma_wait3A_181] : memref<12500x128xi32, #tpu.memory_space<hbm>> -> memref<4x128xi32, #tpu.memory_space<hbm>>
          %dma_wait3A_183 = arith.constant 0 : i32
          %dma_wait3A_184 = tpu.memref_slice %arg4[%mul3A_18, %dma_wait3A_183] : memref<12500x128xi32, #tpu.memory_space<hbm>> -> memref<4x128xi32, #tpu.memory_space<hbm>>
          tpu.wait_dma2 semaphore(%run_scoped3A : memref<!tpu.dma_semaphore, #tpu.memory_space<semaphore_mem>>) src(%dma_wait3A_184 : memref<4x128xi32, #tpu.memory_space<hbm>>) dst(%arg8 : memref<4x128xi32, #tpu.memory_space<vmem>>)
          tpu.yield
        }) : () -> ()
        %dma_start3A = arith.constant 0 : i32
        %dma_start3A_19 = arith.constant 0 : i32
        %dma_start3A_20 = arith.constant 0 : i32
        %dma_start3A_21 = tpu.memref_slice %arg9[%dma_start3A_19, %dma_start3A_20] : memref<512x32xf32, #tpu.memory_space<vmem>> -> memref<128x32xf32, #tpu.memory_space<vmem>>
        %dma_start3A_22 = arith.constant 0 : i32
        %dma_start3A_23 = tpu.memref_slice %arg7[%dma_start3A, %dma_start3A_22] : memref<4x128xi32, #tpu.memory_space<vmem>> -> memref<1x128xi32, #tpu.memory_space<vmem>>
        %dma_start3A_24 = tpu.memref_squeeze %dma_start3A_23 : memref<1x128xi32, #tpu.memory_space<vmem>> -> memref<128xi32, #tpu.memory_space<vmem>>
        %dma_start3A_25 = arith.constant 0 : i32
        %dma_start3A_26 = arith.constant 0 : i32
        %dma_start3A_27 = tpu.memref_slice %arg2[%dma_start3A_25, %dma_start3A_26] : memref<100000x32xf32, #tpu.memory_space<hbm>> -> memref<100000x32xf32, #tpu.memory_space<hbm>>
        tpu.enqueue_indirect_dma source(%dma_start3A_27 : memref<100000x32xf32, #tpu.memory_space<hbm>>) target(%dma_start3A_21 : memref<128x32xf32, #tpu.memory_space<vmem>>) offsets(%dma_start3A_24 : memref<128xi32, #tpu.memory_space<vmem>>) semaphore(%arg11 : memref<!tpu.dma_semaphore, #tpu.memory_space<semaphore_mem>>)
        %dma_start3A_28 = arith.constant 0 : i32
        %dma_start3A_29 = arith.constant 0 : i32
        %dma_start3A_30 = arith.constant 0 : i32
        %dma_start3A_31 = tpu.memref_slice %arg10[%dma_start3A_29, %dma_start3A_30] : memref<512x32xf32, #tpu.memory_space<vmem>> -> memref<128x32xf32, #tpu.memory_space<vmem>>
        %dma_start3A_32 = arith.constant 0 : i32
        %dma_start3A_33 = tpu.memref_slice %arg8[%dma_start3A_28, %dma_start3A_32] : memref<4x128xi32, #tpu.memory_space<vmem>> -> memref<1x128xi32, #tpu.memory_space<vmem>>
        %dma_start3A_34 = tpu.memref_squeeze %dma_start3A_33 : memref<1x128xi32, #tpu.memory_space<vmem>> -> memref<128xi32, #tpu.memory_space<vmem>>
        %dma_start3A_35 = arith.constant 0 : i32
        %dma_start3A_36 = arith.constant 0 : i32
        %dma_start3A_37 = tpu.memref_slice %arg2[%dma_start3A_35, %dma_start3A_36] : memref<100000x32xf32, #tpu.memory_space<hbm>> -> memref<100000x32xf32, #tpu.memory_space<hbm>>
        tpu.enqueue_indirect_dma source(%dma_start3A_37 : memref<100000x32xf32, #tpu.memory_space<hbm>>) target(%dma_start3A_31 : memref<128x32xf32, #tpu.memory_space<vmem>>) offsets(%dma_start3A_34 : memref<128xi32, #tpu.memory_space<vmem>>) semaphore(%arg11 : memref<!tpu.dma_semaphore, #tpu.memory_space<semaphore_mem>>)
        %dma_start3A_38 = arith.constant 1 : i32
        %dma_start3A_39 = arith.constant 128 : i32
        %dma_start3A_40 = arith.constant 0 : i32
        %dma_start3A_41 = tpu.memref_slice %arg9[%dma_start3A_39, %dma_start3A_40] : memref<512x32xf32, #tpu.memory_space<vmem>> -> memref<128x32xf32, #tpu.memory_space<vmem>>
        %dma_start3A_42 = arith.constant 0 : i32
        %dma_start3A_43 = tpu.memref_slice %arg7[%dma_start3A_38, %dma_start3A_42] : memref<4x128xi32, #tpu.memory_space<vmem>> -> memref<1x128xi32, #tpu.memory_space<vmem>>
        %dma_start3A_44 = tpu.memref_squeeze %dma_start3A_43 : memref<1x128xi32, #tpu.memory_space<vmem>> -> memref<128xi32, #tpu.memory_space<vmem>>
        %dma_start3A_45 = arith.constant 0 : i32
        %dma_start3A_46 = arith.constant 0 : i32
        %dma_start3A_47 = tpu.memref_slice %arg2[%dma_start3A_45, %dma_start3A_46] : memref<100000x32xf32, #tpu.memory_space<hbm>> -> memref<100000x32xf32, #tpu.memory_space<hbm>>
        tpu.enqueue_indirect_dma source(%dma_start3A_47 : memref<100000x32xf32, #tpu.memory_space<hbm>>) target(%dma_start3A_41 : memref<128x32xf32, #tpu.memory_space<vmem>>) offsets(%dma_start3A_44 : memref<128xi32, #tpu.memory_space<vmem>>) semaphore(%arg11 : memref<!tpu.dma_semaphore, #tpu.memory_space<semaphore_mem>>)
        %dma_start3A_48 = arith.constant 1 : i32
        %dma_start3A_49 = arith.constant 128 : i32
        %dma_start3A_50 = arith.constant 0 : i32
        %dma_start3A_51 = tpu.memref_slice %arg10[%dma_start3A_49, %dma_start3A_50] : memref<512x32xf32, #tpu.memory_space<vmem>> -> memref<128x32xf32, #tpu.memory_space<vmem>>
        %dma_start3A_52 = arith.constant 0 : i32
        %dma_start3A_53 = tpu.memref_slice %arg8[%dma_start3A_48, %dma_start3A_52] : memref<4x128xi32, #tpu.memory_space<vmem>> -> memref<1x128xi32, #tpu.memory_space<vmem>>
        %dma_start3A_54 = tpu.memref_squeeze %dma_start3A_53 : memref<1x128xi32, #tpu.memory_space<vmem>> -> memref<128xi32, #tpu.memory_space<vmem>>
        %dma_start3A_55 = arith.constant 0 : i32
        %dma_start3A_56 = arith.constant 0 : i32
        %dma_start3A_57 = tpu.memref_slice %arg2[%dma_start3A_55, %dma_start3A_56] : memref<100000x32xf32, #tpu.memory_space<hbm>> -> memref<100000x32xf32, #tpu.memory_space<hbm>>
        tpu.enqueue_indirect_dma source(%dma_start3A_57 : memref<100000x32xf32, #tpu.memory_space<hbm>>) target(%dma_start3A_51 : memref<128x32xf32, #tpu.memory_space<vmem>>) offsets(%dma_start3A_54 : memref<128xi32, #tpu.memory_space<vmem>>) semaphore(%arg11 : memref<!tpu.dma_semaphore, #tpu.memory_space<semaphore_mem>>)
        %dma_start3A_58 = arith.constant 2 : i32
        %dma_start3A_59 = arith.constant 256 : i32
        %dma_start3A_60 = arith.constant 0 : i32
        %dma_start3A_61 = tpu.memref_slice %arg9[%dma_start3A_59, %dma_start3A_60] : memref<512x32xf32, #tpu.memory_space<vmem>> -> memref<128x32xf32, #tpu.memory_space<vmem>>
        %dma_start3A_62 = arith.constant 0 : i32
        %dma_start3A_63 = tpu.memref_slice %arg7[%dma_start3A_58, %dma_start3A_62] : memref<4x128xi32, #tpu.memory_space<vmem>> -> memref<1x128xi32, #tpu.memory_space<vmem>>
        %dma_start3A_64 = tpu.memref_squeeze %dma_start3A_63 : memref<1x128xi32, #tpu.memory_space<vmem>> -> memref<128xi32, #tpu.memory_space<vmem>>
        %dma_start3A_65 = arith.constant 0 : i32
        %dma_start3A_66 = arith.constant 0 : i32
        %dma_start3A_67 = tpu.memref_slice %arg2[%dma_start3A_65, %dma_start3A_66] : memref<100000x32xf32, #tpu.memory_space<hbm>> -> memref<100000x32xf32, #tpu.memory_space<hbm>>
        tpu.enqueue_indirect_dma source(%dma_start3A_67 : memref<100000x32xf32, #tpu.memory_space<hbm>>) target(%dma_start3A_61 : memref<128x32xf32, #tpu.memory_space<vmem>>) offsets(%dma_start3A_64 : memref<128xi32, #tpu.memory_space<vmem>>) semaphore(%arg11 : memref<!tpu.dma_semaphore, #tpu.memory_space<semaphore_mem>>)
        %dma_start3A_68 = arith.constant 2 : i32
        %dma_start3A_69 = arith.constant 256 : i32
        %dma_start3A_70 = arith.constant 0 : i32
        %dma_start3A_71 = tpu.memref_slice %arg10[%dma_start3A_69, %dma_start3A_70] : memref<512x32xf32, #tpu.memory_space<vmem>> -> memref<128x32xf32, #tpu.memory_space<vmem>>
        %dma_start3A_72 = arith.constant 0 : i32
        %dma_start3A_73 = tpu.memref_slice %arg8[%dma_start3A_68, %dma_start3A_72] : memref<4x128xi32, #tpu.memory_space<vmem>> -> memref<1x128xi32, #tpu.memory_space<vmem>>
        %dma_start3A_74 = tpu.memref_squeeze %dma_start3A_73 : memref<1x128xi32, #tpu.memory_space<vmem>> -> memref<128xi32, #tpu.memory_space<vmem>>
        %dma_start3A_75 = arith.constant 0 : i32
        %dma_start3A_76 = arith.constant 0 : i32
        %dma_start3A_77 = tpu.memref_slice %arg2[%dma_start3A_75, %dma_start3A_76] : memref<100000x32xf32, #tpu.memory_space<hbm>> -> memref<100000x32xf32, #tpu.memory_space<hbm>>
        tpu.enqueue_indirect_dma source(%dma_start3A_77 : memref<100000x32xf32, #tpu.memory_space<hbm>>) target(%dma_start3A_71 : memref<128x32xf32, #tpu.memory_space<vmem>>) offsets(%dma_start3A_74 : memref<128xi32, #tpu.memory_space<vmem>>) semaphore(%arg11 : memref<!tpu.dma_semaphore, #tpu.memory_space<semaphore_mem>>)
        %dma_start3A_78 = arith.constant 3 : i32
        %dma_start3A_79 = arith.constant 384 : i32
        %dma_start3A_80 = arith.constant 0 : i32
        %dma_start3A_81 = tpu.memref_slice %arg9[%dma_start3A_79, %dma_start3A_80] : memref<512x32xf32, #tpu.memory_space<vmem>> -> memref<128x32xf32, #tpu.memory_space<vmem>>
        %dma_start3A_82 = arith.constant 0 : i32
        %dma_start3A_83 = tpu.memref_slice %arg7[%dma_start3A_78, %dma_start3A_82] : memref<4x128xi32, #tpu.memory_space<vmem>> -> memref<1x128xi32, #tpu.memory_space<vmem>>
        %dma_start3A_84 = tpu.memref_squeeze %dma_start3A_83 : memref<1x128xi32, #tpu.memory_space<vmem>> -> memref<128xi32, #tpu.memory_space<vmem>>
        %dma_start3A_85 = arith.constant 0 : i32
        %dma_start3A_86 = arith.constant 0 : i32
        %dma_start3A_87 = tpu.memref_slice %arg2[%dma_start3A_85, %dma_start3A_86] : memref<100000x32xf32, #tpu.memory_space<hbm>> -> memref<100000x32xf32, #tpu.memory_space<hbm>>
        tpu.enqueue_indirect_dma source(%dma_start3A_87 : memref<100000x32xf32, #tpu.memory_space<hbm>>) target(%dma_start3A_81 : memref<128x32xf32, #tpu.memory_space<vmem>>) offsets(%dma_start3A_84 : memref<128xi32, #tpu.memory_space<vmem>>) semaphore(%arg11 : memref<!tpu.dma_semaphore, #tpu.memory_space<semaphore_mem>>)
        %dma_start3A_88 = arith.constant 3 : i32
        %dma_start3A_89 = arith.constant 384 : i32
        %dma_start3A_90 = arith.constant 0 : i32
        %dma_start3A_91 = tpu.memref_slice %arg10[%dma_start3A_89, %dma_start3A_90] : memref<512x32xf32, #tpu.memory_space<vmem>> -> memref<128x32xf32, #tpu.memory_space<vmem>>
        %dma_start3A_92 = arith.constant 0 : i32
        %dma_start3A_93 = tpu.memref_slice %arg8[%dma_start3A_88, %dma_start3A_92] : memref<4x128xi32, #tpu.memory_space<vmem>> -> memref<1x128xi32, #tpu.memory_space<vmem>>
        %dma_start3A_94 = tpu.memref_squeeze %dma_start3A_93 : memref<1x128xi32, #tpu.memory_space<vmem>> -> memref<128xi32, #tpu.memory_space<vmem>>
        %dma_start3A_95 = arith.constant 0 : i32
        %dma_start3A_96 = arith.constant 0 : i32
        %dma_start3A_97 = tpu.memref_slice %arg2[%dma_start3A_95, %dma_start3A_96] : memref<100000x32xf32, #tpu.memory_space<hbm>> -> memref<100000x32xf32, #tpu.memory_space<hbm>>
        tpu.enqueue_indirect_dma source(%dma_start3A_97 : memref<100000x32xf32, #tpu.memory_space<hbm>>) target(%dma_start3A_91 : memref<128x32xf32, #tpu.memory_space<vmem>>) offsets(%dma_start3A_94 : memref<128xi32, #tpu.memory_space<vmem>>) semaphore(%arg11 : memref<!tpu.dma_semaphore, #tpu.memory_space<semaphore_mem>>)
        %dma_wait3A = arith.constant 0 : i32
        %dma_wait3A_98 = arith.constant 0 : i32
        %dma_wait3A_99 = arith.constant 0 : i32
        %dma_wait3A_100 = tpu.memref_slice %arg9[%dma_wait3A_98, %dma_wait3A_99] : memref<512x32xf32, #tpu.memory_space<vmem>> -> memref<128x32xf32, #tpu.memory_space<vmem>>
        %dma_wait3A_101 = arith.constant 0 : i32
        %dma_wait3A_102 = tpu.memref_slice %arg7[%dma_wait3A, %dma_wait3A_101] : memref<4x128xi32, #tpu.memory_space<vmem>> -> memref<1x128xi32, #tpu.memory_space<vmem>>
        %dma_wait3A_103 = tpu.memref_squeeze %dma_wait3A_102 : memref<1x128xi32, #tpu.memory_space<vmem>> -> memref<128xi32, #tpu.memory_space<vmem>>
        %dma_wait3A_104 = arith.constant 0 : i32
        %dma_wait3A_105 = arith.constant 0 : i32
        %dma_wait3A_106 = tpu.memref_slice %arg2[%dma_wait3A_104, %dma_wait3A_105] : memref<100000x32xf32, #tpu.memory_space<hbm>> -> memref<100000x32xf32, #tpu.memory_space<hbm>>
        tpu.wait_indirect_dma semaphore(%arg11 : memref<!tpu.dma_semaphore, #tpu.memory_space<semaphore_mem>>) src(%dma_wait3A_106 : memref<100000x32xf32, #tpu.memory_space<hbm>>) dst(%dma_wait3A_100 : memref<128x32xf32, #tpu.memory_space<vmem>>)
        %dma_wait3A_107 = arith.constant 0 : i32
        %dma_wait3A_108 = arith.constant 0 : i32
        %dma_wait3A_109 = arith.constant 0 : i32
        %dma_wait3A_110 = tpu.memref_slice %arg10[%dma_wait3A_108, %dma_wait3A_109] : memref<512x32xf32, #tpu.memory_space<vmem>> -> memref<128x32xf32, #tpu.memory_space<vmem>>
        %dma_wait3A_111 = arith.constant 0 : i32
        %dma_wait3A_112 = tpu.memref_slice %arg8[%dma_wait3A_107, %dma_wait3A_111] : memref<4x128xi32, #tpu.memory_space<vmem>> -> memref<1x128xi32, #tpu.memory_space<vmem>>
        %dma_wait3A_113 = tpu.memref_squeeze %dma_wait3A_112 : memref<1x128xi32, #tpu.memory_space<vmem>> -> memref<128xi32, #tpu.memory_space<vmem>>
        %dma_wait3A_114 = arith.constant 0 : i32
        %dma_wait3A_115 = arith.constant 0 : i32
        %dma_wait3A_116 = tpu.memref_slice %arg2[%dma_wait3A_114, %dma_wait3A_115] : memref<100000x32xf32, #tpu.memory_space<hbm>> -> memref<100000x32xf32, #tpu.memory_space<hbm>>
        tpu.wait_indirect_dma semaphore(%arg11 : memref<!tpu.dma_semaphore, #tpu.memory_space<semaphore_mem>>) src(%dma_wait3A_116 : memref<100000x32xf32, #tpu.memory_space<hbm>>) dst(%dma_wait3A_110 : memref<128x32xf32, #tpu.memory_space<vmem>>)
        %dma_wait3A_117 = arith.constant 1 : i32
        %dma_wait3A_118 = arith.constant 128 : i32
        %dma_wait3A_119 = arith.constant 0 : i32
        %dma_wait3A_120 = tpu.memref_slice %arg9[%dma_wait3A_118, %dma_wait3A_119] : memref<512x32xf32, #tpu.memory_space<vmem>> -> memref<128x32xf32, #tpu.memory_space<vmem>>
        %dma_wait3A_121 = arith.constant 0 : i32
        %dma_wait3A_122 = tpu.memref_slice %arg7[%dma_wait3A_117, %dma_wait3A_121] : memref<4x128xi32, #tpu.memory_space<vmem>> -> memref<1x128xi32, #tpu.memory_space<vmem>>
        %dma_wait3A_123 = tpu.memref_squeeze %dma_wait3A_122 : memref<1x128xi32, #tpu.memory_space<vmem>> -> memref<128xi32, #tpu.memory_space<vmem>>
        %dma_wait3A_124 = arith.constant 0 : i32
        %dma_wait3A_125 = arith.constant 0 : i32
        %dma_wait3A_126 = tpu.memref_slice %arg2[%dma_wait3A_124, %dma_wait3A_125] : memref<100000x32xf32, #tpu.memory_space<hbm>> -> memref<100000x32xf32, #tpu.memory_space<hbm>>
        tpu.wait_indirect_dma semaphore(%arg11 : memref<!tpu.dma_semaphore, #tpu.memory_space<semaphore_mem>>) src(%dma_wait3A_126 : memref<100000x32xf32, #tpu.memory_space<hbm>>) dst(%dma_wait3A_120 : memref<128x32xf32, #tpu.memory_space<vmem>>)
        %dma_wait3A_127 = arith.constant 1 : i32
        %dma_wait3A_128 = arith.constant 128 : i32
        %dma_wait3A_129 = arith.constant 0 : i32
        %dma_wait3A_130 = tpu.memref_slice %arg10[%dma_wait3A_128, %dma_wait3A_129] : memref<512x32xf32, #tpu.memory_space<vmem>> -> memref<128x32xf32, #tpu.memory_space<vmem>>
        %dma_wait3A_131 = arith.constant 0 : i32
        %dma_wait3A_132 = tpu.memref_slice %arg8[%dma_wait3A_127, %dma_wait3A_131] : memref<4x128xi32, #tpu.memory_space<vmem>> -> memref<1x128xi32, #tpu.memory_space<vmem>>
        %dma_wait3A_133 = tpu.memref_squeeze %dma_wait3A_132 : memref<1x128xi32, #tpu.memory_space<vmem>> -> memref<128xi32, #tpu.memory_space<vmem>>
        %dma_wait3A_134 = arith.constant 0 : i32
        %dma_wait3A_135 = arith.constant 0 : i32
        %dma_wait3A_136 = tpu.memref_slice %arg2[%dma_wait3A_134, %dma_wait3A_135] : memref<100000x32xf32, #tpu.memory_space<hbm>> -> memref<100000x32xf32, #tpu.memory_space<hbm>>
        tpu.wait_indirect_dma semaphore(%arg11 : memref<!tpu.dma_semaphore, #tpu.memory_space<semaphore_mem>>) src(%dma_wait3A_136 : memref<100000x32xf32, #tpu.memory_space<hbm>>) dst(%dma_wait3A_130 : memref<128x32xf32, #tpu.memory_space<vmem>>)
        %dma_wait3A_137 = arith.constant 2 : i32
        %dma_wait3A_138 = arith.constant 256 : i32
        %dma_wait3A_139 = arith.constant 0 : i32
        %dma_wait3A_140 = tpu.memref_slice %arg9[%dma_wait3A_138, %dma_wait3A_139] : memref<512x32xf32, #tpu.memory_space<vmem>> -> memref<128x32xf32, #tpu.memory_space<vmem>>
        %dma_wait3A_141 = arith.constant 0 : i32
        %dma_wait3A_142 = tpu.memref_slice %arg7[%dma_wait3A_137, %dma_wait3A_141] : memref<4x128xi32, #tpu.memory_space<vmem>> -> memref<1x128xi32, #tpu.memory_space<vmem>>
        %dma_wait3A_143 = tpu.memref_squeeze %dma_wait3A_142 : memref<1x128xi32, #tpu.memory_space<vmem>> -> memref<128xi32, #tpu.memory_space<vmem>>
        %dma_wait3A_144 = arith.constant 0 : i32
        %dma_wait3A_145 = arith.constant 0 : i32
        %dma_wait3A_146 = tpu.memref_slice %arg2[%dma_wait3A_144, %dma_wait3A_145] : memref<100000x32xf32, #tpu.memory_space<hbm>> -> memref<100000x32xf32, #tpu.memory_space<hbm>>
        tpu.wait_indirect_dma semaphore(%arg11 : memref<!tpu.dma_semaphore, #tpu.memory_space<semaphore_mem>>) src(%dma_wait3A_146 : memref<100000x32xf32, #tpu.memory_space<hbm>>) dst(%dma_wait3A_140 : memref<128x32xf32, #tpu.memory_space<vmem>>)
        %dma_wait3A_147 = arith.constant 2 : i32
        %dma_wait3A_148 = arith.constant 256 : i32
        %dma_wait3A_149 = arith.constant 0 : i32
        %dma_wait3A_150 = tpu.memref_slice %arg10[%dma_wait3A_148, %dma_wait3A_149] : memref<512x32xf32, #tpu.memory_space<vmem>> -> memref<128x32xf32, #tpu.memory_space<vmem>>
        %dma_wait3A_151 = arith.constant 0 : i32
        %dma_wait3A_152 = tpu.memref_slice %arg8[%dma_wait3A_147, %dma_wait3A_151] : memref<4x128xi32, #tpu.memory_space<vmem>> -> memref<1x128xi32, #tpu.memory_space<vmem>>
        %dma_wait3A_153 = tpu.memref_squeeze %dma_wait3A_152 : memref<1x128xi32, #tpu.memory_space<vmem>> -> memref<128xi32, #tpu.memory_space<vmem>>
        %dma_wait3A_154 = arith.constant 0 : i32
        %dma_wait3A_155 = arith.constant 0 : i32
        %dma_wait3A_156 = tpu.memref_slice %arg2[%dma_wait3A_154, %dma_wait3A_155] : memref<100000x32xf32, #tpu.memory_space<hbm>> -> memref<100000x32xf32, #tpu.memory_space<hbm>>
        tpu.wait_indirect_dma semaphore(%arg11 : memref<!tpu.dma_semaphore, #tpu.memory_space<semaphore_mem>>) src(%dma_wait3A_156 : memref<100000x32xf32, #tpu.memory_space<hbm>>) dst(%dma_wait3A_150 : memref<128x32xf32, #tpu.memory_space<vmem>>)
        %dma_wait3A_157 = arith.constant 3 : i32
        %dma_wait3A_158 = arith.constant 384 : i32
        %dma_wait3A_159 = arith.constant 0 : i32
        %dma_wait3A_160 = tpu.memref_slice %arg9[%dma_wait3A_158, %dma_wait3A_159] : memref<512x32xf32, #tpu.memory_space<vmem>> -> memref<128x32xf32, #tpu.memory_space<vmem>>
        %dma_wait3A_161 = arith.constant 0 : i32
        %dma_wait3A_162 = tpu.memref_slice %arg7[%dma_wait3A_157, %dma_wait3A_161] : memref<4x128xi32, #tpu.memory_space<vmem>> -> memref<1x128xi32, #tpu.memory_space<vmem>>
        %dma_wait3A_163 = tpu.memref_squeeze %dma_wait3A_162 : memref<1x128xi32, #tpu.memory_space<vmem>> -> memref<128xi32, #tpu.memory_space<vmem>>
        %dma_wait3A_164 = arith.constant 0 : i32
        %dma_wait3A_165 = arith.constant 0 : i32
        %dma_wait3A_166 = tpu.memref_slice %arg2[%dma_wait3A_164, %dma_wait3A_165] : memref<100000x32xf32, #tpu.memory_space<hbm>> -> memref<100000x32xf32, #tpu.memory_space<hbm>>
        tpu.wait_indirect_dma semaphore(%arg11 : memref<!tpu.dma_semaphore, #tpu.memory_space<semaphore_mem>>) src(%dma_wait3A_166 : memref<100000x32xf32, #tpu.memory_space<hbm>>) dst(%dma_wait3A_160 : memref<128x32xf32, #tpu.memory_space<vmem>>)
        %dma_wait3A_167 = arith.constant 3 : i32
        %dma_wait3A_168 = arith.constant 384 : i32
        %dma_wait3A_169 = arith.constant 0 : i32
        %dma_wait3A_170 = tpu.memref_slice %arg10[%dma_wait3A_168, %dma_wait3A_169] : memref<512x32xf32, #tpu.memory_space<vmem>> -> memref<128x32xf32, #tpu.memory_space<vmem>>
        %dma_wait3A_171 = arith.constant 0 : i32
        %dma_wait3A_172 = tpu.memref_slice %arg8[%dma_wait3A_167, %dma_wait3A_171] : memref<4x128xi32, #tpu.memory_space<vmem>> -> memref<1x128xi32, #tpu.memory_space<vmem>>
        %dma_wait3A_173 = tpu.memref_squeeze %dma_wait3A_172 : memref<1x128xi32, #tpu.memory_space<vmem>> -> memref<128xi32, #tpu.memory_space<vmem>>
        %dma_wait3A_174 = arith.constant 0 : i32
        %dma_wait3A_175 = arith.constant 0 : i32
        %dma_wait3A_176 = tpu.memref_slice %arg2[%dma_wait3A_174, %dma_wait3A_175] : memref<100000x32xf32, #tpu.memory_space<hbm>> -> memref<100000x32xf32, #tpu.memory_space<hbm>>
        tpu.wait_indirect_dma semaphore(%arg11 : memref<!tpu.dma_semaphore, #tpu.memory_space<semaphore_mem>>) src(%dma_wait3A_176 : memref<100000x32xf32, #tpu.memory_space<hbm>>) dst(%dma_wait3A_170 : memref<128x32xf32, #tpu.memory_space<vmem>>)
        "tpu.region"() ({
          %run_scoped3A = tpu.sem_alloc : memref<!tpu.dma_semaphore, #tpu.memory_space<semaphore_mem>>
          %dma_start3A_177 = arith.constant 0 : i32
          %dma_start3A_178 = arith.constant 0 : i32
          %dma_start3A_179 = tpu.memref_slice %arg5[%add3A_11, %dma_start3A_177, %dma_start3A_178] : memref<3125x512x32xf32, #tpu.memory_space<hbm>> -> memref<1x512x32xf32, #tpu.memory_space<hbm>>
          %dma_start3A_180 = tpu.memref_squeeze %dma_start3A_179 : memref<1x512x32xf32, #tpu.memory_space<hbm>> -> memref<512x32xf32, #tpu.memory_space<hbm>>
          %dma_start3A_181 = arith.constant 0 : i32
          %dma_start3A_182 = arith.constant 0 : i32
          %dma_start3A_183 = tpu.memref_slice %arg5[%add3A_11, %dma_start3A_181, %dma_start3A_182] : memref<3125x512x32xf32, #tpu.memory_space<hbm>> -> memref<1x512x32xf32, #tpu.memory_space<hbm>>
          %dma_start3A_184 = tpu.memref_squeeze %dma_start3A_183 : memref<1x512x32xf32, #tpu.memory_space<hbm>> -> memref<512x32xf32, #tpu.memory_space<hbm>>
          tpu.enqueue_dma source(%arg9 : memref<512x32xf32, #tpu.memory_space<vmem>>) target(%dma_start3A_184 : memref<512x32xf32, #tpu.memory_space<hbm>>) target_semaphore(%run_scoped3A : memref<!tpu.dma_semaphore, #tpu.memory_space<semaphore_mem>>)
          %dma_wait3A_185 = arith.constant 0 : i32
          %dma_wait3A_186 = arith.constant 0 : i32
          %dma_wait3A_187 = tpu.memref_slice %arg5[%add3A_11, %dma_wait3A_185, %dma_wait3A_186] : memref<3125x512x32xf32, #tpu.memory_space<hbm>> -> memref<1x512x32xf32, #tpu.memory_space<hbm>>
          %dma_wait3A_188 = tpu.memref_squeeze %dma_wait3A_187 : memref<1x512x32xf32, #tpu.memory_space<hbm>> -> memref<512x32xf32, #tpu.memory_space<hbm>>
          %dma_wait3A_189 = arith.constant 0 : i32
          %dma_wait3A_190 = arith.constant 0 : i32
          %dma_wait3A_191 = tpu.memref_slice %arg5[%add3A_11, %dma_wait3A_189, %dma_wait3A_190] : memref<3125x512x32xf32, #tpu.memory_space<hbm>> -> memref<1x512x32xf32, #tpu.memory_space<hbm>>
          %dma_wait3A_192 = tpu.memref_squeeze %dma_wait3A_191 : memref<1x512x32xf32, #tpu.memory_space<hbm>> -> memref<512x32xf32, #tpu.memory_space<hbm>>
          tpu.wait_dma2 semaphore(%run_scoped3A : memref<!tpu.dma_semaphore, #tpu.memory_space<semaphore_mem>>) src(%arg9 : memref<512x32xf32, #tpu.memory_space<vmem>>) dst(%dma_wait3A_192 : memref<512x32xf32, #tpu.memory_space<hbm>>)
          tpu.yield
        }) : () -> ()
        "tpu.region"() ({
          %run_scoped3A = tpu.sem_alloc : memref<!tpu.dma_semaphore, #tpu.memory_space<semaphore_mem>>
          %dma_start3A_177 = arith.constant 0 : i32
          %dma_start3A_178 = arith.constant 0 : i32
          %dma_start3A_179 = tpu.memref_slice %arg6[%add3A_11, %dma_start3A_177, %dma_start3A_178] : memref<3125x512x32xf32, #tpu.memory_space<hbm>> -> memref<1x512x32xf32, #tpu.memory_space<hbm>>
          %dma_start3A_180 = tpu.memref_squeeze %dma_start3A_179 : memref<1x512x32xf32, #tpu.memory_space<hbm>> -> memref<512x32xf32, #tpu.memory_space<hbm>>
          %dma_start3A_181 = arith.constant 0 : i32
          %dma_start3A_182 = arith.constant 0 : i32
          %dma_start3A_183 = tpu.memref_slice %arg6[%add3A_11, %dma_start3A_181, %dma_start3A_182] : memref<3125x512x32xf32, #tpu.memory_space<hbm>> -> memref<1x512x32xf32, #tpu.memory_space<hbm>>
          %dma_start3A_184 = tpu.memref_squeeze %dma_start3A_183 : memref<1x512x32xf32, #tpu.memory_space<hbm>> -> memref<512x32xf32, #tpu.memory_space<hbm>>
          tpu.enqueue_dma source(%arg10 : memref<512x32xf32, #tpu.memory_space<vmem>>) target(%dma_start3A_184 : memref<512x32xf32, #tpu.memory_space<hbm>>) target_semaphore(%run_scoped3A : memref<!tpu.dma_semaphore, #tpu.memory_space<semaphore_mem>>)
          %dma_wait3A_185 = arith.constant 0 : i32
          %dma_wait3A_186 = arith.constant 0 : i32
          %dma_wait3A_187 = tpu.memref_slice %arg6[%add3A_11, %dma_wait3A_185, %dma_wait3A_186] : memref<3125x512x32xf32, #tpu.memory_space<hbm>> -> memref<1x512x32xf32, #tpu.memory_space<hbm>>
          %dma_wait3A_188 = tpu.memref_squeeze %dma_wait3A_187 : memref<1x512x32xf32, #tpu.memory_space<hbm>> -> memref<512x32xf32, #tpu.memory_space<hbm>>
          %dma_wait3A_189 = arith.constant 0 : i32
          %dma_wait3A_190 = arith.constant 0 : i32
          %dma_wait3A_191 = tpu.memref_slice %arg6[%add3A_11, %dma_wait3A_189, %dma_wait3A_190] : memref<3125x512x32xf32, #tpu.memory_space<hbm>> -> memref<1x512x32xf32, #tpu.memory_space<hbm>>
          %dma_wait3A_192 = tpu.memref_squeeze %dma_wait3A_191 : memref<1x512x32xf32, #tpu.memory_space<hbm>> -> memref<512x32xf32, #tpu.memory_space<hbm>>
          tpu.wait_dma2 semaphore(%run_scoped3A : memref<!tpu.dma_semaphore, #tpu.memory_space<semaphore_mem>>) src(%arg10 : memref<512x32xf32, #tpu.memory_space<vmem>>) dst(%dma_wait3A_192 : memref<512x32xf32, #tpu.memory_space<hbm>>)
          tpu.yield
        }) : () -> ()
      } else {
      }
      %scan3A_14 = arith.constant 0 : i32
      scf.yield %scan3A_14 : i32
    }
    %scan3A_6 = arith.constant 98 : i32
    return
  }
}

module attributes {stable_mosaic.version = 14 : i64} {
  func.func @_edge_mlp_body(%arg0: i32, %arg1: memref<2000x128xf32, #tpu.memory_space<vmem>>, %arg2: memref<2000x128xf32, #tpu.memory_space<vmem>>, %arg3: memref<2000x128xf32, #tpu.memory_space<vmem>>, %arg4: memref<384x512xf32, #tpu.memory_space<vmem>>, %arg5: memref<1x512xf32, #tpu.memory_space<vmem>>, %arg6: memref<512x256xf32, #tpu.memory_space<vmem>>, %arg7: memref<1x256xf32, #tpu.memory_space<vmem>>, %arg8: memref<256x128xf32, #tpu.memory_space<vmem>>, %arg9: memref<1x128xf32, #tpu.memory_space<vmem>>, %arg10: memref<2000x128xf32, #tpu.memory_space<vmem>>) attributes {dimension_semantics = [#tpu.dimension_semantics<arbitrary>], iteration_bounds = array<i64: 200>, scalar_prefetch = 0 : i64, scratch_operands = 0 : i64, tpu.core_type = #tpu.core_type<tc>, window_params = [{transform_indices = @transform_0, window_bounds = array<i64: 2000, 128>}, {transform_indices = @transform_1, window_bounds = array<i64: 2000, 128>}, {transform_indices = @transform_2, window_bounds = array<i64: 2000, 128>}, {pipeline_mode = #tpu.pipeline_mode<synchronous>, transform_indices = @transform_3, window_bounds = array<i64: 384, 512>}, {pipeline_mode = #tpu.pipeline_mode<synchronous>, transform_indices = @transform_4, window_bounds = array<i64: 1, 512>}, {pipeline_mode = #tpu.pipeline_mode<synchronous>, transform_indices = @transform_5, window_bounds = array<i64: 512, 256>}, {pipeline_mode = #tpu.pipeline_mode<synchronous>, transform_indices = @transform_6, window_bounds = array<i64: 1, 256>}, {pipeline_mode = #tpu.pipeline_mode<synchronous>, transform_indices = @transform_7, window_bounds = array<i64: 256, 128>}, {pipeline_mode = #tpu.pipeline_mode<synchronous>, transform_indices = @transform_8, window_bounds = array<i64: 1, 128>}, {transform_indices = @transform_9, window_bounds = array<i64: 2000, 128>}]} {
    %get3A = arith.constant 0 : index
    %get3A_0 = arith.constant 0 : index
    %get3A_1 = vector.load %arg1[%get3A, %get3A_0] : memref<2000x128xf32, #tpu.memory_space<vmem>>, vector<2000x128xf32>
    %get3A_2 = arith.constant 0 : index
    %get3A_3 = arith.constant 0 : index
    %get3A_4 = vector.load %arg2[%get3A_2, %get3A_3] : memref<2000x128xf32, #tpu.memory_space<vmem>>, vector<2000x128xf32>
    %get3A_5 = arith.constant 0 : index
    %get3A_6 = arith.constant 0 : index
    %get3A_7 = vector.load %arg3[%get3A_5, %get3A_6] : memref<2000x128xf32, #tpu.memory_space<vmem>>, vector<2000x128xf32>
    %concatenate3A = tpu.concatenate %get3A_1, %get3A_4, %get3A_7 in 1 : vector<2000x128xf32>, vector<2000x128xf32>, vector<2000x128xf32> -> vector<2000x384xf32>
    %get3A_8 = arith.constant 0 : index
    %get3A_9 = arith.constant 0 : index
    %get3A_10 = vector.load %arg4[%get3A_8, %get3A_9] : memref<384x512xf32, #tpu.memory_space<vmem>>, vector<384x512xf32>
    %dot_general3A = arith.constant dense<0.000000e+00> : vector<2000x512xf32>
    %dot_general3A_11 = tpu.matmul %concatenate3A, %get3A_10, %dot_general3A {dimension_numbers = #tpu.dot_dimension_numbers<[1], [0], [0], [1], [0, 0, 1, 1], [], []>, transpose_lhs_hint = false} : vector<2000x384xf32>, vector<384x512xf32>, vector<2000x512xf32> -> vector<2000x512xf32>
    %get3A_12 = arith.constant 0 : index
    %get3A_13 = arith.constant 0 : index
    %get3A_14 = vector.load %arg5[%get3A_12, %get3A_13] : memref<1x512xf32, #tpu.memory_space<vmem>>, vector<1x512xf32>
    %add3A = vector.broadcast %get3A_14 : vector<1x512xf32> to vector<2000x512xf32>
    %add3A_15 = arith.addf %dot_general3A_11, %add3A : vector<2000x512xf32>
    %max3A = arith.constant 0.000000e+00 : f32
    %max3A_16 = vector.broadcast %max3A : f32 to vector<2000x512xf32>
    %max3A_17 = arith.maximumf %add3A_15, %max3A_16 : vector<2000x512xf32>
    %get3A_18 = arith.constant 0 : index
    %get3A_19 = arith.constant 0 : index
    %get3A_20 = vector.load %arg6[%get3A_18, %get3A_19] : memref<512x256xf32, #tpu.memory_space<vmem>>, vector<512x256xf32>
    %dot_general3A_21 = arith.constant dense<0.000000e+00> : vector<2000x256xf32>
    %dot_general3A_22 = tpu.matmul %max3A_17, %get3A_20, %dot_general3A_21 {dimension_numbers = #tpu.dot_dimension_numbers<[1], [0], [0], [1], [0, 0, 1, 1], [], []>, transpose_lhs_hint = false} : vector<2000x512xf32>, vector<512x256xf32>, vector<2000x256xf32> -> vector<2000x256xf32>
    %get3A_23 = arith.constant 0 : index
    %get3A_24 = arith.constant 0 : index
    %get3A_25 = vector.load %arg7[%get3A_23, %get3A_24] : memref<1x256xf32, #tpu.memory_space<vmem>>, vector<1x256xf32>
    %add3A_26 = vector.broadcast %get3A_25 : vector<1x256xf32> to vector<2000x256xf32>
    %add3A_27 = arith.addf %dot_general3A_22, %add3A_26 : vector<2000x256xf32>
    %max3A_28 = arith.constant 0.000000e+00 : f32
    %max3A_29 = vector.broadcast %max3A_28 : f32 to vector<2000x256xf32>
    %max3A_30 = arith.maximumf %add3A_27, %max3A_29 : vector<2000x256xf32>
    %get3A_31 = arith.constant 0 : index
    %get3A_32 = arith.constant 0 : index
    %get3A_33 = vector.load %arg8[%get3A_31, %get3A_32] : memref<256x128xf32, #tpu.memory_space<vmem>>, vector<256x128xf32>
    %dot_general3A_34 = arith.constant dense<0.000000e+00> : vector<2000x128xf32>
    %dot_general3A_35 = tpu.matmul %max3A_30, %get3A_33, %dot_general3A_34 {dimension_numbers = #tpu.dot_dimension_numbers<[1], [0], [0], [1], [0, 0, 1, 1], [], []>, transpose_lhs_hint = false} : vector<2000x256xf32>, vector<256x128xf32>, vector<2000x128xf32> -> vector<2000x128xf32>
    %get3A_36 = arith.constant 0 : index
    %get3A_37 = arith.constant 0 : index
    %get3A_38 = vector.load %arg9[%get3A_36, %get3A_37] : memref<1x128xf32, #tpu.memory_space<vmem>>, vector<1x128xf32>
    %add3A_39 = vector.broadcast %get3A_38 : vector<1x128xf32> to vector<2000x128xf32>
    %add3A_40 = arith.addf %dot_general3A_35, %add3A_39 : vector<2000x128xf32>
    %swap3A = arith.constant 0 : index
    %swap3A_41 = arith.constant 0 : index
    %swap3A_42 = vector.load %arg10[%swap3A, %swap3A_41] : memref<2000x128xf32, #tpu.memory_space<vmem>>, vector<2000x128xf32>
    tpu.vector_store %arg10[%swap3A, %swap3A_41], %add3A_40 {strides = array<i32>} : memref<2000x128xf32, #tpu.memory_space<vmem>>, vector<2000x128xf32>,
    return
  }
  func.func @transform_0(%arg0: i32) -> (i32, i32) {
    %c0_i32 = arith.constant 0 : i32
    %c0_i32_0 = arith.constant 0 : i32
    return %arg0, %c0_i32 : i32, i32
  }
  func.func @transform_1(%arg0: i32) -> (i32, i32) {
    %c0_i32 = arith.constant 0 : i32
    %c0_i32_0 = arith.constant 0 : i32
    return %arg0, %c0_i32 : i32, i32
  }
  func.func @transform_2(%arg0: i32) -> (i32, i32) {
    %c0_i32 = arith.constant 0 : i32
    %c0_i32_0 = arith.constant 0 : i32
    return %arg0, %c0_i32 : i32, i32
  }
  func.func @transform_3(%arg0: i32) -> (i32, i32) {
    %c0_i32 = arith.constant 0 : i32
    %c0_i32_0 = arith.constant 0 : i32
    %c0_i32_1 = arith.constant 0 : i32
    return %c0_i32, %c0_i32_0 : i32, i32
  }
  func.func @transform_4(%arg0: i32) -> (i32, i32) {
    %c0_i32 = arith.constant 0 : i32
    %c0_i32_0 = arith.constant 0 : i32
    %c0_i32_1 = arith.constant 0 : i32
    return %c0_i32, %c0_i32_0 : i32, i32
  }
  func.func @transform_5(%arg0: i32) -> (i32, i32) {
    %c0_i32 = arith.constant 0 : i32
    %c0_i32_0 = arith.constant 0 : i32
    %c0_i32_1 = arith.constant 0 : i32
    return %c0_i32, %c0_i32_0 : i32, i32
  }
  func.func @transform_6(%arg0: i32) -> (i32, i32) {
    %c0_i32 = arith.constant 0 : i32
    %c0_i32_0 = arith.constant 0 : i32
    %c0_i32_1 = arith.constant 0 : i32
    return %c0_i32, %c0_i32_0 : i32, i32
  }
  func.func @transform_7(%arg0: i32) -> (i32, i32) {
    %c0_i32 = arith.constant 0 : i32
    %c0_i32_0 = arith.constant 0 : i32
    %c0_i32_1 = arith.constant 0 : i32
    return %c0_i32, %c0_i32_0 : i32, i32
  }
  func.func @transform_8(%arg0: i32) -> (i32, i32) {
    %c0_i32 = arith.constant 0 : i32
    %c0_i32_0 = arith.constant 0 : i32
    %c0_i32_1 = arith.constant 0 : i32
    return %c0_i32, %c0_i32_0 : i32, i32
  }
  func.func @transform_9(%arg0: i32) -> (i32, i32) {
    %c0_i32 = arith.constant 0 : i32
    %c0_i32_0 = arith.constant 0 : i32
    return %arg0, %c0_i32 : i32, i32
  }
}

module attributes {stable_mosaic.version = 14 : i64} {
  func.func @_node_mlp_body(%arg0: i32, %arg1: memref<1x1000x32xf32, #tpu.memory_space<vmem>>, %arg2: memref<1x1000x1xf32, #tpu.memory_space<vmem>>, %arg3: memref<1x1000x1xf32, #tpu.memory_space<vmem>>, %arg4: memref<1000x32xf32, #tpu.memory_space<vmem>>, %arg5: memref<32x128xf32, #tpu.memory_space<vmem>>, %arg6: memref<32x128xf32, #tpu.memory_space<vmem>>, %arg7: memref<1x128xf32, #tpu.memory_space<vmem>>, %arg8: memref<128x64xf32, #tpu.memory_space<vmem>>, %arg9: memref<1x64xf32, #tpu.memory_space<vmem>>, %arg10: memref<64x32xf32, #tpu.memory_space<vmem>>, %arg11: memref<1x32xf32, #tpu.memory_space<vmem>>, %arg12: memref<1000x32xf32, #tpu.memory_space<vmem>>) attributes {dimension_semantics = [#tpu.dimension_semantics<arbitrary>], iteration_bounds = array<i64: 100>, scalar_prefetch = 0 : i64, scratch_operands = 0 : i64, tpu.core_type = #tpu.core_type<tc>, window_params = [{transform_indices = @transform_0, window_bounds = array<i64: 1, 1000, 32>}, {transform_indices = @transform_1, window_bounds = array<i64: 1, 1000, 1>}, {transform_indices = @transform_2, window_bounds = array<i64: 1, 1000, 1>}, {transform_indices = @transform_3, window_bounds = array<i64: 1000, 32>}, {pipeline_mode = #tpu.pipeline_mode<synchronous>, transform_indices = @transform_4, window_bounds = array<i64: 32, 128>}, {pipeline_mode = #tpu.pipeline_mode<synchronous>, transform_indices = @transform_5, window_bounds = array<i64: 32, 128>}, {pipeline_mode = #tpu.pipeline_mode<synchronous>, transform_indices = @transform_6, window_bounds = array<i64: 1, 128>}, {pipeline_mode = #tpu.pipeline_mode<synchronous>, transform_indices = @transform_7, window_bounds = array<i64: 128, 64>}, {pipeline_mode = #tpu.pipeline_mode<synchronous>, transform_indices = @transform_8, window_bounds = array<i64: 1, 64>}, {pipeline_mode = #tpu.pipeline_mode<synchronous>, transform_indices = @transform_9, window_bounds = array<i64: 64, 32>}, {pipeline_mode = #tpu.pipeline_mode<synchronous>, transform_indices = @transform_10, window_bounds = array<i64: 1, 32>}, {transform_indices = @transform_11, window_bounds = array<i64: 1000, 32>}]} {
    %get3A = arith.constant 0 : index
    %get3A_0 = arith.constant 0 : index
    %get3A_1 = arith.constant 0 : index
    %get3A_2 = vector.load %arg2[%get3A, %get3A_0, %get3A_1] : memref<1x1000x1xf32, #tpu.memory_space<vmem>>, vector<1x1000x1xf32>
    %get3A_3 = vector.shape_cast %get3A_2 : vector<1x1000x1xf32> to vector<1000x1xf32>
    %get3A_4 = arith.constant 0 : index
    %get3A_5 = arith.constant 0 : index
    %get3A_6 = arith.constant 0 : index
    %get3A_7 = vector.load %arg3[%get3A_4, %get3A_5, %get3A_6] : memref<1x1000x1xf32, #tpu.memory_space<vmem>>, vector<1x1000x1xf32>
    %get3A_8 = vector.shape_cast %get3A_7 : vector<1x1000x1xf32> to vector<1000x1xf32>
    %add3A = arith.addf %get3A_3, %get3A_8 : vector<1000x1xf32>
    %mul3A = arith.constant 5.000000e-01 : f32
    %mul3A_9 = vector.broadcast %mul3A : f32 to vector<1000x1xf32>
    %mul3A_10 = arith.mulf %add3A, %mul3A_9 : vector<1000x1xf32>
    %max3A = arith.constant 1.000000e+00 : f32
    %max3A_11 = vector.broadcast %max3A : f32 to vector<1000x1xf32>
    %max3A_12 = arith.maximumf %mul3A_10, %max3A_11 : vector<1000x1xf32>
    %get3A_13 = arith.constant 0 : index
    %get3A_14 = arith.constant 0 : index
    %get3A_15 = arith.constant 0 : index
    %get3A_16 = vector.load %arg1[%get3A_13, %get3A_14, %get3A_15] : memref<1x1000x32xf32, #tpu.memory_space<vmem>>, vector<1x1000x32xf32>
    %get3A_17 = vector.shape_cast %get3A_16 : vector<1x1000x32xf32> to vector<1000x32xf32>
    %div3A = vector.broadcast %max3A_12 : vector<1000x1xf32> to vector<1000x32xf32>
    %div3A_18 = arith.divf %get3A_17, %div3A : vector<1000x32xf32>
    %get3A_19 = arith.constant 0 : index
    %get3A_20 = arith.constant 0 : index
    %get3A_21 = vector.load %arg5[%get3A_19, %get3A_20] : memref<32x128xf32, #tpu.memory_space<vmem>>, vector<32x128xf32>
    %dot_general3A = arith.constant dense<0.000000e+00> : vector<1000x128xf32>
    %dot_general3A_22 = tpu.matmul %div3A_18, %get3A_21, %dot_general3A {dimension_numbers = #tpu.dot_dimension_numbers<[1], [0], [0], [1], [0, 0, 1, 1], [], []>, transpose_lhs_hint = false} : vector<1000x32xf32>, vector<32x128xf32>, vector<1000x128xf32> -> vector<1000x128xf32>
    %get3A_23 = arith.constant 0 : index
    %get3A_24 = arith.constant 0 : index
    %get3A_25 = vector.load %arg4[%get3A_23, %get3A_24] : memref<1000x32xf32, #tpu.memory_space<vmem>>, vector<1000x32xf32>
    %get3A_26 = arith.constant 0 : index
    %get3A_27 = arith.constant 0 : index
    %get3A_28 = vector.load %arg6[%get3A_26, %get3A_27] : memref<32x128xf32, #tpu.memory_space<vmem>>, vector<32x128xf32>
    %dot_general3A_29 = arith.constant dense<0.000000e+00> : vector<1000x128xf32>
    %dot_general3A_30 = tpu.matmul %get3A_25, %get3A_28, %dot_general3A_29 {dimension_numbers = #tpu.dot_dimension_numbers<[1], [0], [0], [1], [0, 0, 1, 1], [], []>, transpose_lhs_hint = false} : vector<1000x32xf32>, vector<32x128xf32>, vector<1000x128xf32> -> vector<1000x128xf32>
    %add3A_31 = arith.addf %dot_general3A_22, %dot_general3A_30 : vector<1000x128xf32>
    %get3A_32 = arith.constant 0 : index
    %get3A_33 = arith.constant 0 : index
    %get3A_34 = vector.load %arg7[%get3A_32, %get3A_33] : memref<1x128xf32, #tpu.memory_space<vmem>>, vector<1x128xf32>
    %add3A_35 = vector.broadcast %get3A_34 : vector<1x128xf32> to vector<1000x128xf32>
    %add3A_36 = arith.addf %add3A_31, %add3A_35 : vector<1000x128xf32>
    %max3A_37 = arith.constant 0.000000e+00 : f32
    %max3A_38 = vector.broadcast %max3A_37 : f32 to vector<1000x128xf32>
    %max3A_39 = arith.maximumf %add3A_36, %max3A_38 : vector<1000x128xf32>
    %get3A_40 = arith.constant 0 : index
    %get3A_41 = arith.constant 0 : index
    %get3A_42 = vector.load %arg8[%get3A_40, %get3A_41] : memref<128x64xf32, #tpu.memory_space<vmem>>, vector<128x64xf32>
    %dot_general3A_43 = arith.constant dense<0.000000e+00> : vector<1000x64xf32>
    %dot_general3A_44 = tpu.matmul %max3A_39, %get3A_42, %dot_general3A_43 {dimension_numbers = #tpu.dot_dimension_numbers<[1], [0], [0], [1], [0, 0, 1, 1], [], []>, transpose_lhs_hint = false} : vector<1000x128xf32>, vector<128x64xf32>, vector<1000x64xf32> -> vector<1000x64xf32>
    %get3A_45 = arith.constant 0 : index
    %get3A_46 = arith.constant 0 : index
    %get3A_47 = vector.load %arg9[%get3A_45, %get3A_46] : memref<1x64xf32, #tpu.memory_space<vmem>>, vector<1x64xf32>
    %add3A_48 = vector.broadcast %get3A_47 : vector<1x64xf32> to vector<1000x64xf32>
    %add3A_49 = arith.addf %dot_general3A_44, %add3A_48 : vector<1000x64xf32>
    %max3A_50 = arith.constant 0.000000e+00 : f32
    %max3A_51 = vector.broadcast %max3A_50 : f32 to vector<1000x64xf32>
    %max3A_52 = arith.maximumf %add3A_49, %max3A_51 : vector<1000x64xf32>
    %get3A_53 = arith.constant 0 : index
    %get3A_54 = arith.constant 0 : index
    %get3A_55 = vector.load %arg10[%get3A_53, %get3A_54] : memref<64x32xf32, #tpu.memory_space<vmem>>, vector<64x32xf32>
    %dot_general3A_56 = arith.constant dense<0.000000e+00> : vector<1000x32xf32>
    %dot_general3A_57 = tpu.matmul %max3A_52, %get3A_55, %dot_general3A_56 {dimension_numbers = #tpu.dot_dimension_numbers<[1], [0], [0], [1], [0, 0, 1, 1], [], []>, transpose_lhs_hint = false} : vector<1000x64xf32>, vector<64x32xf32>, vector<1000x32xf32> -> vector<1000x32xf32>
    %get3A_58 = arith.constant 0 : index
    %get3A_59 = arith.constant 0 : index
    %get3A_60 = vector.load %arg11[%get3A_58, %get3A_59] : memref<1x32xf32, #tpu.memory_space<vmem>>, vector<1x32xf32>
    %add3A_61 = vector.broadcast %get3A_60 : vector<1x32xf32> to vector<1000x32xf32>
    %add3A_62 = arith.addf %dot_general3A_57, %add3A_61 : vector<1000x32xf32>
    %swap3A = arith.constant 0 : index
    %swap3A_63 = arith.constant 0 : index
    %swap3A_64 = vector.load %arg12[%swap3A, %swap3A_63] : memref<1000x32xf32, #tpu.memory_space<vmem>>, vector<1000x32xf32>
    tpu.vector_store %arg12[%swap3A, %swap3A_63], %add3A_62 {strides = array<i32>} : memref<1000x32xf32, #tpu.memory_space<vmem>>, vector<1000x32xf32>,
    return
  }
  func.func @transform_0(%arg0: i32) -> (i32, i32, i32) {
    %jit3A = arith.constant 50 : i32
    %div3A = arith.divsi %arg0, %jit3A : i32
    %sign3A = arith.constant 0 : i32
    %sign3A_0 = arith.cmpi sgt, %arg0, %sign3A : i32
    %sign3A_1 = arith.extui %sign3A_0 : i1 to i32
    %sign3A_2 = arith.constant 0 : i32
    %sign3A_3 = arith.cmpi slt, %arg0, %sign3A_2 : i32
    %sign3A_4 = arith.extui %sign3A_3 : i1 to i32
    %sign3A_5 = arith.subi %sign3A_1, %sign3A_4 : i32
    %sign3A_6 = arith.constant 0 : i32
    %sign3A_7 = arith.cmpi sgt, %jit3A, %sign3A_6 : i32
    %sign3A_8 = arith.extui %sign3A_7 : i1 to i32
    %sign3A_9 = arith.constant 0 : i32
    %sign3A_10 = arith.cmpi slt, %jit3A, %sign3A_9 : i32
    %sign3A_11 = arith.extui %sign3A_10 : i1 to i32
    %sign3A_12 = arith.subi %sign3A_8, %sign3A_11 : i32
    %ne3A = arith.cmpi ne, %sign3A_5, %sign3A_12 : i32
    %rem3A = arith.remsi %arg0, %jit3A : i32
    %ne3A_13 = arith.constant 0 : i32
    %ne3A_14 = arith.cmpi ne, %rem3A, %ne3A_13 : i32
    %and3A = arith.andi %ne3A, %ne3A_14 : i1
    %sub3A = arith.constant 1 : i32
    %sub3A_15 = arith.subi %div3A, %sub3A : i32
    %select_n3A = arith.select %and3A, %sub3A_15, %div3A : i32
    %jit3A_16 = arith.constant 50 : i32
    %eq3A = arith.constant 0 : i32
    %eq3A_17 = arith.cmpi eq, %jit3A_16, %eq3A : i32
    %jit3A_18 = arith.constant 1 : i32
    %select_n3A_19 = arith.select %eq3A_17, %jit3A_18, %jit3A_16 : i32
    %rem3A_20 = arith.remsi %arg0, %select_n3A_19 : i32
    %ne3A_21 = arith.constant 0 : i32
    %ne3A_22 = arith.cmpi ne, %rem3A_20, %ne3A_21 : i32
    %lt3A = arith.constant 0 : i32
    %lt3A_23 = arith.cmpi slt, %rem3A_20, %lt3A : i32
    %lt3A_24 = arith.constant 0 : i32
    %lt3A_25 = arith.cmpi slt, %select_n3A_19, %lt3A_24 : i32
    %ne3A_26 = arith.xori %lt3A_23, %lt3A_25 : i1
    %and3A_27 = arith.andi %ne3A_26, %ne3A_22 : i1
    %add3A = arith.addi %rem3A_20, %select_n3A_19 : i32
    %select_n3A_28 = arith.select %and3A_27, %add3A, %rem3A_20 : i32
    %c0_i32 = arith.constant 0 : i32
    %c0_i32_29 = arith.constant 0 : i32
    return %select_n3A, %select_n3A_28, %c0_i32 : i32, i32, i32
  }
  func.func @transform_1(%arg0: i32) -> (i32, i32, i32) {
    %c0_i32 = arith.constant 0 : i32
    %c0_i32_0 = arith.constant 0 : i32
    %c0_i32_1 = arith.constant 0 : i32
    return %c0_i32, %arg0, %c0_i32_0 : i32, i32, i32
  }
  func.func @transform_2(%arg0: i32) -> (i32, i32, i32) {
    %c1_i32 = arith.constant 1 : i32
    %c0_i32 = arith.constant 0 : i32
    %c0_i32_0 = arith.constant 0 : i32
    return %c1_i32, %arg0, %c0_i32 : i32, i32, i32
  }
  func.func @transform_3(%arg0: i32) -> (i32, i32) {
    %c0_i32 = arith.constant 0 : i32
    %c0_i32_0 = arith.constant 0 : i32
    return %arg0, %c0_i32 : i32, i32
  }
  func.func @transform_4(%arg0: i32) -> (i32, i32) {
    %c0_i32 = arith.constant 0 : i32
    %c0_i32_0 = arith.constant 0 : i32
    %c0_i32_1 = arith.constant 0 : i32
    return %c0_i32, %c0_i32_0 : i32, i32
  }
  func.func @transform_5(%arg0: i32) -> (i32, i32) {
    %c0_i32 = arith.constant 0 : i32
    %c0_i32_0 = arith.constant 0 : i32
    %c0_i32_1 = arith.constant 0 : i32
    return %c0_i32, %c0_i32_0 : i32, i32
  }
  func.func @transform_6(%arg0: i32) -> (i32, i32) {
    %c0_i32 = arith.constant 0 : i32
    %c0_i32_0 = arith.constant 0 : i32
    %c0_i32_1 = arith.constant 0 : i32
    return %c0_i32, %c0_i32_0 : i32, i32
  }
  func.func @transform_7(%arg0: i32) -> (i32, i32) {
    %c0_i32 = arith.constant 0 : i32
    %c0_i32_0 = arith.constant 0 : i32
    %c0_i32_1 = arith.constant 0 : i32
    return %c0_i32, %c0_i32_0 : i32, i32
  }
  func.func @transform_8(%arg0: i32) -> (i32, i32) {
    %c0_i32 = arith.constant 0 : i32
    %c0_i32_0 = arith.constant 0 : i32
    %c0_i32_1 = arith.constant 0 : i32
    return %c0_i32, %c0_i32_0 : i32, i32
  }
  func.func @transform_9(%arg0: i32) -> (i32, i32) {
    %c0_i32 = arith.constant 0 : i32
    %c0_i32_0 = arith.constant 0 : i32
    %c0_i32_1 = arith.constant 0 : i32
    return %c0_i32, %c0_i32_0 : i32, i32
  }
  func.func @transform_10(%arg0: i32) -> (i32, i32) {
    %c0_i32 = arith.constant 0 : i32
    %c0_i32_0 = arith.constant 0 : i32
    %c0_i32_1 = arith.constant 0 : i32
    return %c0_i32, %c0_i32_0 : i32, i32
  }
  func.func @transform_11(%arg0: i32) -> (i32, i32) {
    %c0_i32 = arith.constant 0 : i32
    %c0_i32_0 = arith.constant 0 : i32
    return %arg0, %c0_i32 : i32, i32
  }
}

</mosaic_0001>

<sc_bundles>
// kernel: kernel.6.cloned.1.call-start
scs
__scs_entry_jumppad:
0x0: {  	(pc) =	sbr.rel $0x88, $3  }
0x1: {  	(tag) =	ssettag $0x0;
	lr =	simm.s32 $0x1  }
0x2: {  	[smem:$0x3F91] =	sst lr;
	_ =	strace $0xD0000000  }
0x3: {  	_ = 	snop  }
0x4: {  	_ = 	snop  }
0x5: {  	_ = 	snop  }
0x6: {  	_ = 	snop  }
0x7: {  	_ = 	snop  }
__scs_overlays_trampoline_lowered:
0x8: {  	[smem:$0x3FA0] =	sst s0  }
0x9: {  	[smem:$0x3FA1] =	sst s1  }
0xa: {  	[smem:$0x3FA2] =	sst s2  }
0xb: {  	[smem:$0x3FA3] =	sst s3  }
0xc: {  	[smem:$0x3FA4] =	sst s4  }
0xd: {  	[smem:$0x3FA5] =	sst s5  }
0xe: {  	[smem:$0x3FA6] =	sst s6  }
0xf: {  	[smem:$0x3FA7] =	sst s7  }
0x10: {  	[smem:$0x3FA8] =	sst s8  }
0x11: {  	[smem:$0x3FA9] =	sst s9;
	s0 =	simm.s32 @!p0 $0x0  }
0x12: {  	s1 =	sld [smem:$0x3F8F];
	s0 =	simm.s32 @p0 $0x1  }
0x13: {  	[smem:$0x3FAA] =	sst s0;
	s0 =	simm.s32 @!p1 $0x0  }
0x14: {  	s2 =	sld [smem:$0x3F8E];
	s0 =	simm.s32 @p1 $0x1  }
0x15: {  	[smem:$0x3FAB] =	sst s0;
	s0 =	simm.s32 @!p2 $0x0  }
0x16: {  	s3 =	sld [smem:$0x3FDB];
	s0 =	simm.s32 @p2 $0x1  }
0x17: {  	s4 =	simm.s32 $0x1BF5;
	[smem:$0x3FAD] =	sst s0  }
0x18: {  	s0 =	sld [smem:$0x3F90];
	_ =	swait.ge [sflag:s4], $0x0  }
0x19: {  	s7 =	sld [smem:$0x3F91]  }
0x1a: {  	s8 =	sadd.s32 $0xFFFFE003, lr  }
0x1b: {  	s9 =	sadd.s32 $0xFFFFFEF7, lr;
	s5 =	simm.s32 $0xFFFFFFFF;
	p2 =	slt.u32 s8, $0xFFFFF086  }
0x1c: {  	p1 =	slt.u32 s9, $0xF7A;
	s5 =	simm.s32 @!p2 $0x0  }
0x1d: {  	s5 =	simm.s32 @p1 $0x1;
	p0 =	seq.s32 s7, s2  }
0x1e: {  	s7 =	smul.u32 @!p0 $0xF7A, s2;
	p2 =	seq.s32 @!p0 s5, $0x0  }
0x1f: {  	s9 =	smul.u32 $0xF7A, s1;
	s8 =	simm.s32 @!p0 $0x1BF5;
	p2 =	por !p2, p0  }
0x20: {  	[sflag:s8] =	ssyncset.s32 @!p0 $0xFFFFF086;
	s6 =	sadd.s32 @!p0 s3, s7;
	s7 =	simm.s32 @!p0 $0x108  }
0x21: {  	s3 =	sadd.s32 s3, s9;
	s6 =	sadd.s32 @!p0 $0x88, s6;
	s7 =	simm.s32 @p2 $0x1082  }
0x22: {  	[simem:s7], [sflag:s8] =	dma.local @!p0 [hbm:s6], $0xF7A  }
0x23: {  	s9 =	sor.u32 $0xD0000000, s2;
	s6 =	simm.s32 $0x108;
	_ =	swait.ge @!p0 [sflag:s8], $0x0  }
0x24: {  	s3 =	sadd.s32 $0x88, s3;
	s6 =	simm.s32 @!p1 $0x1082;
	[sflag:s4] =	ssyncset.s32 $0xFFFFF086  }
0x25: {  	[simem:s6], [sflag:s4] =	dma.local [hbm:s3], $0xF7A  }
0x26: {  	[smem:$0x3F91] =	sst s1;
	(tag) =	ssettag s2;
	_ =	strace s9  }
0x27: {  	s1 =	sld [smem:$0x3FA1]  }
0x28: {  	s2 =	sld [smem:$0x3FA2]  }
0x29: {  	s4 =	sld [smem:$0x3FA4]  }
0x2a: {  	p0 =	seq.s32 s5, $0x0;
	s5 =	sld [smem:$0x3FA5]  }
0x2b: {  	s6 =	sld [smem:$0x3FA6]  }
0x2c: {  	s7 =	sld [smem:$0x3FA7]  }
0x2d: {  	s3 =	simm.s32 $0x108;
	s8 =	sld [smem:$0x3FA8]  }
0x2e: {  	s3 =	simm.s32 @!p0 $0x1082;
	s9 =	sld [smem:$0x3FA9]  }
0x2f: {  	lr =	sadd.s32 s0, s3;
	s0 =	sld [smem:$0x3FA0]  }
0x30: {  	s3 =	sld [smem:$0x3FA3]  }
0x31: {  	[smem:$0x3FAC] =	sst s10  }
0x32: {  	s10 =	sld [smem:$0x3FAA];
	_ =	sdelay $0x3  }
0x33: {  	p0 =	seq.s32 s10, $0x1;
	s10 =	sld [smem:$0x3FAC];
	_ =	sdelay $0x3  }
0x34: {  	[smem:$0x3FAC] =	sst s10  }
0x35: {  	s10 =	sld [smem:$0x3FAB];
	_ =	sdelay $0x3  }
0x36: {  	p1 =	seq.s32 s10, $0x1;
	s10 =	sld [smem:$0x3FAC];
	_ =	sdelay $0x3  }
0x37: {  	[smem:$0x3FAC] =	sst s10  }
0x38: {  	s10 =	sld [smem:$0x3FAD]  }
0x39: {  	_ = 	snop;
	(pc) =	sbr.ind lr, $3  }
0x3a: {  	_ = 	snop  }
0x3b: {  	_ = 	snop  }
0x3c: {  	p2 =	seq.s32 s10, $0x1;
	s10 =	sld [smem:$0x3FAC]  }
0x3d: {  	_ =	shalt  }
0x3e: {  	_ =	shalt  }
0x3f: {  	_ =	shalt  }
0x40: {  	_ =	shalt  }
0x41: {  	_ =	shalt  }
0x42: {  	_ =	shalt  }
0x43: {  	_ =	shalt  }
0x44: {  	_ =	shalt  }
0x45: {  	_ =	shalt  }
0x46: {  	_ =	shalt  }
0x47: {  	_ =	shalt  }
0x48: {  	_ =	shalt  }
0x49: {  	_ =	shalt  }
0x4a: {  	_ =	shalt  }
0x4b: {  	_ =	shalt  }
0x4c: {  	_ =	shalt  }
0x4d: {  	_ =	shalt  }
0x4e: {  	_ =	shalt  }
0x4f: {  	_ =	shalt  }
0x50: {  	_ =	shalt  }
0x51: {  	_ =	shalt  }
0x52: {  	_ =	shalt  }
0x53: {  	_ =	shalt  }
0x54: {  	_ =	shalt  }
0x55: {  	_ =	shalt  }
0x56: {  	_ =	shalt  }
0x57: {  	_ =	shalt  }
0x58: {  	_ =	shalt  }
0x59: {  	_ =	shalt  }
0x5a: {  	_ =	shalt  }
0x5b: {  	_ =	shalt  }
0x5c: {  	_ =	shalt  }
0x5d: {  	_ =	shalt  }
0x5e: {  	_ =	shalt  }
0x5f: {  	_ =	shalt  }
0x60: {  	_ =	shalt  }
0x61: {  	_ =	shalt  }
0x62: {  	_ =	shalt  }
0x63: {  	_ =	shalt  }
0x64: {  	_ =	shalt  }
0x65: {  	_ =	shalt  }
0x66: {  	_ =	shalt  }
0x67: {  	_ =	shalt  }
0x68: {  	_ =	shalt  }
0x69: {  	_ =	shalt  }
0x6a: {  	_ =	shalt  }
0x6b: {  	_ =	shalt  }
0x6c: {  	_ =	shalt  }
0x6d: {  	_ =	shalt  }
0x6e: {  	_ =	shalt  }
0x6f: {  	_ =	shalt  }
0x70: {  	_ =	shalt  }
0x71: {  	_ =	shalt  }
0x72: {  	_ =	shalt  }
0x73: {  	_ =	shalt  }
0x74: {  	_ =	shalt  }
0x75: {  	_ =	shalt  }
0x76: {  	_ =	shalt  }
0x77: {  	_ =	shalt  }
0x78: {  	_ =	shalt  }
0x79: {  	_ =	shalt  }
0x7a: {  	_ =	shalt  }
0x7b: {  	_ =	shalt  }
0x7c: {  	_ =	shalt  }
0x7d: {  	_ =	shalt  }
0x7e: {  	_ =	shalt  }
0x7f: {  	_ =	shalt  }
0x80: {  	_ =	shalt  }
0x81: {  	_ =	shalt  }
0x82: {  	_ =	shalt  }
0x83: {  	_ =	shalt  }
0x84: {  	_ =	shalt  }
0x85: {  	_ =	shalt  }
0x86: {  	_ =	shalt  }
0x87: {  	_ =	shalt  }
.Lfunc_end0:
.L_simem_size_0:
called_computation.1_lowered:
.L_overlay_start_0:
0x88: {  	s2 =	sld [smem:$0x3FD9]  }
0x89: {  	s3 =	sld [smem:$0x3FFE];
	_ =	sdelay $0x1  }
0x8a: {  	s1 =	srdreg.scid  }
0x8b: {  	s0 =	sand.u32 $0x1, s1  }
0x8c: {  	s14 =	sshll.u32 s0, $0xA;
	s2 =	sadd.s32 s3, s2  }
0x8d: {  	s2 =	sadd.s32 s2, s14  }
0x8e: {  	[smem:$0x3FB8] =	sst s2  }
0x8f: {  	_ = 	snop  }
0x90: {  	s2 =	sld [smem:$0x3FD0];
	_ =	sdelay $0x1  }
0x91: {  	s15 =	sld [smem:$0x3FC8]  }
0x92: {  	s5 =	simm.s32 $0xB;
	s6 =	simm.s32 $0x10;
	s4 =	sld [smem:$0x3FC7]  }
0x93: {  	[smem:s6], [sflag:s5] =	dma.local [hbm:s2], $0x1  }
0x94: {  	_ =	swait.eq [sflag:s5], $0x1  }
0x95: {  	[sflag:s5] =	ssyncset.done $0x0  }
0x96: {  	[sflag:s5] =	ssyncadd.s32 $0xFFFFFFFF  }
0x97: {  	s16 =	sld [smem:$0x10];
	(tm) =	ssettm $0x1  }
0x98: {  	s17 =	sld [smem:$0x3FFB];
	_ =	sdelay $0x3  }
0x99: {  	_ =	strace s17  }
0x9a: {  	s5 =	sld [smem:$0x3FFC];
	_ =	sdelay $0x3  }
0x9b: {  	_ =	strace s5  }
0x9c: {  	s5 =	sld [smem:$0x3FFD];
	_ =	sdelay $0x3  }
0x9d: {  	_ =	strace s5  }
0x9e: {  	_ =	strace $0x8FFFFFFF  }
0x9f: {  	s18 =	sld [smem:$0x3FDB];
	_ =	sdelay $0x1  }
0xa0: {  	s19 =	simm.s32 $_scs_section_size  }
0xa1: {  	s7 =	simm.s32 $_size__tile_overlayer_lowered;
	s8 =	simm.s32 $_tile_overlayer_lowered  }
0xa2: {  	s22 =	simm.s32 $0x1BFF;
	s21 =	sshll.u32 s8, $0x1;
	s5 =	sadd.s32 s19, s18  }
0xa3: {  	s9 =	simm.s32 $0x0;
	s20 =	sshll.u32 s7, $0x1;
	s7 =	sadd.s32 s21, s5  }
0xa4: {  	[timem:s9], [sflag:s22] =	dma.local [hbm:s7], s20  }
0xa5: {  	_ =	swait.ge [sflag:s22], s20  }
0xa6: {  	s6 =	ssub.s32 $0x0, s20;
	[sflag:s22] =	ssyncset.done $0x0  }
0xa7: {  	[sflag:s22] =	ssyncadd.s32 s6;
	_ =	sdelay $0x1  }
0xa8: {  	s23 =	simm.s32 $0x1B8B  }
0xa9: {  	_ =	swait.ge [sflag:s23], $0x1  }
0xaa: {  	[sflag:s23] =	ssyncset.done $0x0  }
0xab: {  	s25 =	simm.s32 $0x1B8E;
	s24 =	sld [smem:$0x3FFE];
	[sflag:s23] =	ssyncadd.s32 $0xFFFFFFFF  }
0xac: {  	s26 =	simm.s32 $execute0_lowered;
	[smem:$0x3FD2] =	sst s25  }
0xad: {  	s7 =	sshll.u32 s26, $0x1;
	_ =	strace $0x80000046;
	[dreg:$0x1] =	wrdreg $0xFFFFFFFF  }
0xae: {  	s28 =	simm.s32 $_size_execute0_lowered;
	s5 =	sadd.s32 s5, s7;
	[dreg:$0x0] =	wrdreg $0x0  }
0xaf: {  	s7 =	sshll.u32 s28, $0x1;
	[dreg:$0x2] =	wrdreg s5  }
0xb0: {  	[dreg:$0x3] =	wrdreg s7  }
0xb1: {  	[dreg:$0x4] =	wrdreg $0xC0  }
0xb2: {  	_ =	task [dreg:s9], $0x5FFFF  }
0xb3: {  	[dreg:$0x1] =	wrdreg $0xFFFFFFFF  }
0xb4: {  	[dreg:$0x0] =	wrdreg $0x60  }
0xb5: {  	[dreg:$0x2] =	wrdreg s16  }
0xb6: {  	[dreg:$0x3] =	wrdreg s15  }
0xb7: {  	[dreg:$0x4] =	wrdreg s4  }
0xb8: {  	[dreg:$0x5] =	wrdreg s24  }
0xb9: {  	[dreg:$0x6] =	wrdreg $0x9  }
0xba: {  	_ =	task.clear_ibuf [dreg:s9], $0x7FFFF;
	_ =	strace $0x90000046  }
0xbb: {  	s29 =	simm.s32 $0x9;
	_ =	strace $0x80000048  }
0xbc: {  	_ =	swait.ge [sflag:s29], $0x1  }
0xbd: {  	[sflag:s29] =	ssyncadd.s32 $0xFFFFFFFF  }
0xbe: {  	_ =	strace $0x90000048  }
0xbf: {  	_ =	sfence  }
0xc0: {  	s30 =	sld [smem:$0x0];
	_ =	sdelay $0x2  }
0xc1: {  	s31 =	sshll.u32 s1, $0xD;
	s1 =	sshrl.u32 s1, $0x2  }
0xc2: {  	s3 =	sand.u32 $0x4000, s31;
	s1 =	sadd.s32 s1, s30  }
0xc3: {  	s0 =	sor.u32 s3, s0;
	s1 =	sshll.u32 s1, $0x11  }
0xc4: {  	s0 =	sor.u32 s1, s0  }
0xc5: {  	s0 =	sadd.s32 $0x8F2B, s0  }
0xc6: {  	[sflag:s0] =	ssyncadd.remote.s32 $0x1  }
0xc7: {  	_ =	sfence.sel $0xFFFF  }
0xc8: {  	[dreg:$0x0] =	wrdreg $0xFFFFFFFF;
	(pc) =	sbr.abs _section_cstart, $3  }
0xc9: {  	[dreg:$0x1] =	wrdreg $0xFFFFFFFF  }
0xca: {  	_ =	task.clear_ibuf [dreg:s9], $0x2FFFF;
	_ =	strace $0x9FFFFFFF  }
0xcb: {  	(tm) =	ssettm $0x7FFFFFFF  }
tec
execute0_lowered:
.L_overlay_start_1:
0x0: {  	(tag) =	ssettag $0x1  }
0x1: {  	s1 =	rddreg [dreg:$0x0]  }
0x2: {  	s0 =	rddreg [dreg:$0x1]  }
0x3: {  	s2 =	rddreg [dreg:$0x2]  }
0x4: {  	s4 =	rddreg [dreg:$0x3]  }
0x5: {  	s5 =	srdreg.scid;
	s3 =	simm.s32 $0x0;
	s8 =	stileid.u32  }
0x6: {  	s11 =	simm.s32 $0x200;
	s12 =	simm.s32 $0x80;
	s13 =	simm.s32 $0x400  }
0x7: {  	s14 =	simm.s32 $0x4400;
	s15 =	simm.s32 $0x1400;
	s16 =	simm.s32 $0x280  }
0x8: {  	s17 =	simm.s32 $0x5400;
	s18 =	simm.s32 $0x100;
	s19 =	simm.s32 $0x2400  }
0x9: {  	s20 =	simm.s32 $0x300;
	s21 =	simm.s32 $0x6400;
	s22 =	simm.s32 $0x180  }
0xa: {  	s23 =	simm.s32 $0x3400;
	s24 =	simm.s32 $0x380;
	s28 =	simm.s32 $0x2  }
0xb: {  	s29 =	simm.s32 $0x0;
	s7 =	sand.u32 $0x1, s5;
	[smem:$0x7FF] =	sst s3  }
0xc: {  	s25 =	sshll.u32 s8, $0xC;
	s9 =	sshll.u32 s8, $0x1;
	s30 =	sshll.u32 s8, $0x7  }
0xd: {  	s6 =	ssub.s32 $0x2, s7;
	_ =	strace $0x80000047;
	s5 =	sadd.s32 s25, s4  }
0xe: {  	s2 =	sadd.s32 s30, s2;
	s31 =	sshll.u32 s7, $0xB;
	s10 =	sshll.u32 s7, $0x6  }
.Ltmp0:
0xf: {  	s0 =	sadd.s32 s30, s0;
	s9 =	sor.u32 s7, s9;
	(pc) =	sbr.rel .LBB2_1-.Ltmp0, $4  }
0x10: {  	s25 =	simm.s32 $0x7400;
	s26 =	sshrl.u32 s6, $0x1;
	s8 =	sadd.s32 s31, s5  }
0x11: {  	s5 =	sadd.s32 s10, s2;
	s4 =	ssub.s32 s6, s26;
	s6 =	sadd.s32 s10, s0  }
0x12: {  	s0 =	sadd.s32 $0x7A4C00, s8;
	s8 =	sadd.s32 $0x18A400, s8;
	s4 =	smax.u32 s4, $0x1  }
0x13: {  	s10 =	simm.s32 $0x3;
	s26 =	simm.s32 $0x1;
	[dreg:$0x5] =	wrdreg s4  }
.LBB2_5:
0x14: {  	s29 =	sadd.s32 $0x1, s29;
	s2 =	rddreg [dreg:$0x5]  }
0x15: {  	p0 =	sne.s32 s29, s2  }
.Ltmp1:
0x16: {  	_ = 	snop;
	(pc) =	sbr.rel @!p0 .LBB2_6-.Ltmp1, $1  }
0x17: {  	_ =	sdelay $0x3  }
.LBB2_1:
.Ltmp2:
0x18: {  	(pc) =	sbr.rel .LBB2_2-.Ltmp2, $3  }
0x19: {  	_ =	sdelay $0x1  }
0x1a: {  	s30 =	smov.u32 s9  }
0x1b: {  	s31 =	smov.u32 s8;
	s7 =	smov.u32 s0;
	s2 =	simm.s32 $0x0  }
.LBB2_4:
0x1c: {  	s2 =	sadd.s32 $0x800, s2  }
0x1d: {  	p0 =	sne.s32 s2, $0x31000  }
.Ltmp3:
0x1e: {  	_ = 	snop;
	(pc) =	sbr.rel @!p0 .LBB2_5-.Ltmp3, $2  }
0x1f: {  	_ =	sdelay $0x2  }
0x20: {  	s7 =	sadd.s32 $0x10000, s7;
	s31 =	sadd.s32 $0x10000, s31;
	s30 =	sadd.s32 $0x20, s30  }
.LBB2_2:
0x21: {  	p0 =	sgt.u32 s30, $0xC34  }
.Ltmp4:
0x22: {  	_ = 	snop;
	(pc) =	sbr.rel @p0 .LBB2_4-.Ltmp4, $1  }
0x23: {  	_ =	sdelay $0x3  }
0x24: {  	s4 =	sadd.s32 s2, s6  }
0x25: {  	[tilespmem:s3], [sflag:$0x3] =	stream.linear.gather [hbm4b:s4+s3], $0x200, $0x38;
	[tilespmem:$0x8400] =	vst v63  }
0x26: {  	_ =	swait.ge [sflag:s10], $0x200  }
0x27: {  	[sflag:s10] =	ssyncset.done $0x0  }
0x28: {  	s4 =	sadd.s32 s2, s5;
	[sflag:s10] =	ssyncadd.s32 $0xFFFFFE00  }
0x29: {  	[tilespmem:s11], [sflag:$0x3] =	stream.linear.gather [hbm4b:s4+s3], $0x200, $0x38;
	[tilespmem:$0x8400] =	vst v63  }
0x2a: {  	_ =	swait.ge [sflag:s10], $0x200  }
0x2b: {  	[sflag:s10] =	ssyncset.done $0x0  }
0x2c: {  	[sflag:s10] =	ssyncadd.s32 $0xFFFFFE00  }
0x2d: {  	[tilespmem:s13], [sflag:$0x1] =	stream.indirect.gather [hbm4b:s1+s12], $0x20, s3, s12, $0xb8;
	[tilespmem:$0x8400] =	vst v63  }
0x2e: {  	_ = 	snop  }
0x2f: {  	[tilespmem:s14], [sflag:$0x1] =	stream.indirect.gather [hbm4b:s1+s12], $0x20, s11, s12, $0xb8;
	[tilespmem:$0x8400] =	vst v63  }
0x30: {  	_ = 	snop  }
0x31: {  	[tilespmem:s15], [sflag:$0x1] =	stream.indirect.gather [hbm4b:s1+s12], $0x20, s12, s12, $0xb8;
	[tilespmem:$0x8400] =	vst v63  }
0x32: {  	_ = 	snop  }
0x33: {  	[tilespmem:s17], [sflag:$0x1] =	stream.indirect.gather [hbm4b:s1+s12], $0x20, s16, s12, $0xb8;
	[tilespmem:$0x8400] =	vst v63  }
0x34: {  	_ = 	snop  }
0x35: {  	[tilespmem:s19], [sflag:$0x1] =	stream.indirect.gather [hbm4b:s1+s12], $0x20, s18, s12, $0xb8;
	[tilespmem:$0x8400] =	vst v63  }
0x36: {  	_ = 	snop  }
0x37: {  	[tilespmem:s21], [sflag:$0x1] =	stream.indirect.gather [hbm4b:s1+s12], $0x20, s20, s12, $0xb8;
	[tilespmem:$0x8400] =	vst v63  }
0x38: {  	_ = 	snop  }
0x39: {  	[tilespmem:s23], [sflag:$0x1] =	stream.indirect.gather [hbm4b:s1+s12], $0x20, s22, s12, $0xb8;
	[tilespmem:$0x8400] =	vst v63  }
0x3a: {  	_ = 	snop  }
0x3b: {  	[tilespmem:s25], [sflag:$0x1] =	stream.indirect.gather [hbm4b:s1+s12], $0x20, s24, s12, $0xb8;
	[tilespmem:$0x8400] =	vst v63  }
0x3c: {  	_ =	swait.ge [sflag:s26], $0x1000  }
0x3d: {  	[sflag:s26] =	ssyncset.done $0x0  }
0x3e: {  	[sflag:s26] =	ssyncadd.s32 $0xFFFFF000  }
0x3f: {  	_ =	swait.ge [sflag:s26], $0x1000  }
0x40: {  	[sflag:s26] =	ssyncset.done $0x0  }
0x41: {  	[sflag:s26] =	ssyncadd.s32 $0xFFFFF000  }
0x42: {  	_ =	swait.ge [sflag:s26], $0x1000  }
0x43: {  	[sflag:s26] =	ssyncset.done $0x0  }
0x44: {  	[sflag:s26] =	ssyncadd.s32 $0xFFFFF000  }
0x45: {  	_ =	swait.ge [sflag:s26], $0x1000  }
0x46: {  	[sflag:s26] =	ssyncset.done $0x0  }
0x47: {  	[sflag:s26] =	ssyncadd.s32 $0xFFFFF000  }
0x48: {  	_ =	swait.ge [sflag:s26], $0x1000  }
0x49: {  	[sflag:s26] =	ssyncset.done $0x0  }
0x4a: {  	[sflag:s26] =	ssyncadd.s32 $0xFFFFF000  }
0x4b: {  	_ =	swait.ge [sflag:s26], $0x1000  }
0x4c: {  	[sflag:s26] =	ssyncset.done $0x0  }
0x4d: {  	[sflag:s26] =	ssyncadd.s32 $0xFFFFF000  }
0x4e: {  	_ =	swait.ge [sflag:s26], $0x1000  }
0x4f: {  	[sflag:s26] =	ssyncset.done $0x0  }
0x50: {  	[sflag:s26] =	ssyncadd.s32 $0xFFFFF000  }
0x51: {  	_ =	swait.ge [sflag:s26], $0x1000  }
0x52: {  	[sflag:s26] =	ssyncset.done $0x0  }
0x53: {  	[sflag:s26] =	ssyncadd.s32 $0xFFFFF000  }
0x54: {  	[hbm4b:s31+s3] =	stream.linear.scatter [tilespmem:s13], [sflag:$0x3], $0x4000, $0x38;
	[tilespmem:$0x8400] =	vst v63  }
0x55: {  	_ =	swait.ge [sflag:s10], $0x4000  }
0x56: {  	[sflag:s10] =	ssyncset.done $0x0  }
.Ltmp5:
0x57: {  	[sflag:s10] =	ssyncadd.s32 $0xFFFFC000;
	(pc) =	sbr.rel .LBB2_4-.Ltmp5, $4  }
0x58: {  	[hbm4b:s7+s3] =	stream.linear.scatter [tilespmem:s14], [sflag:$0x2], $0x4000, $0x38;
	[tilespmem:$0x8400] =	vst v63  }
0x59: {  	_ =	swait.ge [sflag:s28], $0x4000  }
0x5a: {  	[sflag:s28] =	ssyncset.done $0x0  }
0x5b: {  	[sflag:s28] =	ssyncadd.s32 $0xFFFFC000  }
.LBB2_6:
0x5c: {  	_ =	sfence.sel $0x180000  }
0x5d: {  	[bflag:$0x0] =	sbarrier.arrive $0xFFFF  }
0x5e: {  	_ =	strace $0x90000047  }
0x5f: {  	s0 =	stileid.u32;
	[bflag:$0x2] =	sbarrier.arrive $0xFFFF  }
0x60: {  	p0 =	sne.s32 s0, $0x0;
	s0 =	rddreg [dreg:$0x4]  }
0x61: {  	s0 =	sadd.s32 @!p0 $0x100000, s0  }
0x62: {  	[sflag:s0] =	ssyncadd.tile.s32 @!p0 $0x1;
	_ =	shalt  }
.Lfunc_end2:
_tile_overlayer_lowered:
.L_overlay_start_2:
0x63: {  	(tag) =	ssettag $0x2  }
0x64: {  	s0 =	rddreg [dreg:$0x0];
	s2 =	stileid.u32  }
0x65: {  	s1 =	rddreg [dreg:$0x1];
	p0 =	sne.s32 s2, $0x0  }
0x66: {  	s3 =	rddreg [dreg:$0x2];
	[bflag:$0x3] =	sbarrier.arrive $0xFFFF;
	s2 =	simm.s32 @!p0 $0x1C02  }
0x67: {  	[timem:s3], [sflag:s2] =	dma.local @!p0 [hbm:s0], s1  }
0x68: {  	s0 =	simm.s32 @!p0 $0x2  }
0x69: {  	_ =	swait.ge @!p0 [sflag:s0], s1  }
0x6a: {  	s1 =	ssub.s32 @!p0 $0x0, s1;
	[sflag:s0] =	ssyncset.done @!p0 $0x0  }
0x6b: {  	[sflag:s0] =	ssyncadd.s32 @!p0 s1  }
0x6c: {  	[bflag:$0x3] =	sbarrier.arrive $0xFFFF  }
0x6d: {  	_ =	shalt  }

// kernel: kernel.9.cloned.1.call-start
scs
__scs_entry_jumppad:
0x0: {  	(pc) =	sbr.rel $0x88, $3  }
0x1: {  	(tag) =	ssettag $0x0;
	lr =	simm.s32 $0x1  }
0x2: {  	[smem:$0x3F91] =	sst lr;
	_ =	strace $0xD0000000  }
0x3: {  	_ = 	snop  }
0x4: {  	_ = 	snop  }
0x5: {  	_ = 	snop  }
0x6: {  	_ = 	snop  }
0x7: {  	_ = 	snop  }
__scs_overlays_trampoline_lowered:
0x8: {  	[smem:$0x3FA0] =	sst s0  }
0x9: {  	[smem:$0x3FA1] =	sst s1  }
0xa: {  	[smem:$0x3FA2] =	sst s2  }
0xb: {  	[smem:$0x3FA3] =	sst s3  }
0xc: {  	[smem:$0x3FA4] =	sst s4  }
0xd: {  	[smem:$0x3FA5] =	sst s5  }
0xe: {  	[smem:$0x3FA6] =	sst s6  }
0xf: {  	[smem:$0x3FA7] =	sst s7  }
0x10: {  	[smem:$0x3FA8] =	sst s8  }
0x11: {  	[smem:$0x3FA9] =	sst s9;
	s0 =	simm.s32 @!p0 $0x0  }
0x12: {  	s1 =	sld [smem:$0x3F8F];
	s0 =	simm.s32 @p0 $0x1  }
0x13: {  	[smem:$0x3FAA] =	sst s0;
	s0 =	simm.s32 @!p1 $0x0  }
0x14: {  	s2 =	sld [smem:$0x3F8E];
	s0 =	simm.s32 @p1 $0x1  }
0x15: {  	[smem:$0x3FAB] =	sst s0;
	s0 =	simm.s32 @!p2 $0x0  }
0x16: {  	s3 =	sld [smem:$0x3FDB];
	s0 =	simm.s32 @p2 $0x1  }
0x17: {  	s4 =	simm.s32 $0x1BF5;
	[smem:$0x3FAD] =	sst s0  }
0x18: {  	s0 =	sld [smem:$0x3F90];
	_ =	swait.ge [sflag:s4], $0x0  }
0x19: {  	s7 =	sld [smem:$0x3F91]  }
0x1a: {  	s8 =	sadd.s32 $0xFFFFE003, lr  }
0x1b: {  	s9 =	sadd.s32 $0xFFFFFEF7, lr;
	s5 =	simm.s32 $0xFFFFFFFF;
	p2 =	slt.u32 s8, $0xFFFFF086  }
0x1c: {  	p1 =	slt.u32 s9, $0xF7A;
	s5 =	simm.s32 @!p2 $0x0  }
0x1d: {  	s5 =	simm.s32 @p1 $0x1;
	p0 =	seq.s32 s7, s2  }
0x1e: {  	s7 =	smul.u32 @!p0 $0xF7A, s2;
	p2 =	seq.s32 @!p0 s5, $0x0  }
0x1f: {  	s9 =	smul.u32 $0xF7A, s1;
	s8 =	simm.s32 @!p0 $0x1BF5;
	p2 =	por !p2, p0  }
0x20: {  	[sflag:s8] =	ssyncset.s32 @!p0 $0xFFFFF086;
	s6 =	sadd.s32 @!p0 s3, s7;
	s7 =	simm.s32 @!p0 $0x108  }
0x21: {  	s3 =	sadd.s32 s3, s9;
	s6 =	sadd.s32 @!p0 $0x88, s6;
	s7 =	simm.s32 @p2 $0x1082  }
0x22: {  	[simem:s7], [sflag:s8] =	dma.local @!p0 [hbm:s6], $0xF7A  }
0x23: {  	s9 =	sor.u32 $0xD0000000, s2;
	s6 =	simm.s32 $0x108;
	_ =	swait.ge @!p0 [sflag:s8], $0x0  }
0x24: {  	s3 =	sadd.s32 $0x88, s3;
	s6 =	simm.s32 @!p1 $0x1082;
	[sflag:s4] =	ssyncset.s32 $0xFFFFF086  }
0x25: {  	[simem:s6], [sflag:s4] =	dma.local [hbm:s3], $0xF7A  }
0x26: {  	[smem:$0x3F91] =	sst s1;
	(tag) =	ssettag s2;
	_ =	strace s9  }
0x27: {  	s1 =	sld [smem:$0x3FA1]  }
0x28: {  	s2 =	sld [smem:$0x3FA2]  }
0x29: {  	s4 =	sld [smem:$0x3FA4]  }
0x2a: {  	p0 =	seq.s32 s5, $0x0;
	s5 =	sld [smem:$0x3FA5]  }
0x2b: {  	s6 =	sld [smem:$0x3FA6]  }
0x2c: {  	s7 =	sld [smem:$0x3FA7]  }
0x2d: {  	s3 =	simm.s32 $0x108;
	s8 =	sld [smem:$0x3FA8]  }
0x2e: {  	s3 =	simm.s32 @!p0 $0x1082;
	s9 =	sld [smem:$0x3FA9]  }
0x2f: {  	lr =	sadd.s32 s0, s3;
	s0 =	sld [smem:$0x3FA0]  }
0x30: {  	s3 =	sld [smem:$0x3FA3]  }
0x31: {  	[smem:$0x3FAC] =	sst s10  }
0x32: {  	s10 =	sld [smem:$0x3FAA];
	_ =	sdelay $0x3  }
0x33: {  	p0 =	seq.s32 s10, $0x1;
	s10 =	sld [smem:$0x3FAC];
	_ =	sdelay $0x3  }
0x34: {  	[smem:$0x3FAC] =	sst s10  }
0x35: {  	s10 =	sld [smem:$0x3FAB];
	_ =	sdelay $0x3  }
0x36: {  	p1 =	seq.s32 s10, $0x1;
	s10 =	sld [smem:$0x3FAC];
	_ =	sdelay $0x3  }
0x37: {  	[smem:$0x3FAC] =	sst s10  }
0x38: {  	s10 =	sld [smem:$0x3FAD]  }
0x39: {  	_ = 	snop;
	(pc) =	sbr.ind lr, $3  }
0x3a: {  	_ = 	snop  }
0x3b: {  	_ = 	snop  }
0x3c: {  	p2 =	seq.s32 s10, $0x1;
	s10 =	sld [smem:$0x3FAC]  }
0x3d: {  	_ =	shalt  }
0x3e: {  	_ =	shalt  }
0x3f: {  	_ =	shalt  }
0x40: {  	_ =	shalt  }
0x41: {  	_ =	shalt  }
0x42: {  	_ =	shalt  }
0x43: {  	_ =	shalt  }
0x44: {  	_ =	shalt  }
0x45: {  	_ =	shalt  }
0x46: {  	_ =	shalt  }
0x47: {  	_ =	shalt  }
0x48: {  	_ =	shalt  }
0x49: {  	_ =	shalt  }
0x4a: {  	_ =	shalt  }
0x4b: {  	_ =	shalt  }
0x4c: {  	_ =	shalt  }
0x4d: {  	_ =	shalt  }
0x4e: {  	_ =	shalt  }
0x4f: {  	_ =	shalt  }
0x50: {  	_ =	shalt  }
0x51: {  	_ =	shalt  }
0x52: {  	_ =	shalt  }
0x53: {  	_ =	shalt  }
0x54: {  	_ =	shalt  }
0x55: {  	_ =	shalt  }
0x56: {  	_ =	shalt  }
0x57: {  	_ =	shalt  }
0x58: {  	_ =	shalt  }
0x59: {  	_ =	shalt  }
0x5a: {  	_ =	shalt  }
0x5b: {  	_ =	shalt  }
0x5c: {  	_ =	shalt  }
0x5d: {  	_ =	shalt  }
0x5e: {  	_ =	shalt  }
0x5f: {  	_ =	shalt  }
0x60: {  	_ =	shalt  }
0x61: {  	_ =	shalt  }
0x62: {  	_ =	shalt  }
0x63: {  	_ =	shalt  }
0x64: {  	_ =	shalt  }
0x65: {  	_ =	shalt  }
0x66: {  	_ =	shalt  }
0x67: {  	_ =	shalt  }
0x68: {  	_ =	shalt  }
0x69: {  	_ =	shalt  }
0x6a: {  	_ =	shalt  }
0x6b: {  	_ =	shalt  }
0x6c: {  	_ =	shalt  }
0x6d: {  	_ =	shalt  }
0x6e: {  	_ =	shalt  }
0x6f: {  	_ =	shalt  }
0x70: {  	_ =	shalt  }
0x71: {  	_ =	shalt  }
0x72: {  	_ =	shalt  }
0x73: {  	_ =	shalt  }
0x74: {  	_ =	shalt  }
0x75: {  	_ =	shalt  }
0x76: {  	_ =	shalt  }
0x77: {  	_ =	shalt  }
0x78: {  	_ =	shalt  }
0x79: {  	_ =	shalt  }
0x7a: {  	_ =	shalt  }
0x7b: {  	_ =	shalt  }
0x7c: {  	_ =	shalt  }
0x7d: {  	_ =	shalt  }
0x7e: {  	_ =	shalt  }
0x7f: {  	_ =	shalt  }
0x80: {  	_ =	shalt  }
0x81: {  	_ =	shalt  }
0x82: {  	_ =	shalt  }
0x83: {  	_ =	shalt  }
0x84: {  	_ =	shalt  }
0x85: {  	_ =	shalt  }
0x86: {  	_ =	shalt  }
0x87: {  	_ =	shalt  }
.Lfunc_end0:
.L_simem_size_0:
called_computation.2_lowered:
.L_overlay_start_0:
0x88: {  	s2 =	sld [smem:$0x3FD9]  }
0x89: {  	s3 =	sld [smem:$0x3FFE];
	_ =	sdelay $0x1  }
0x8a: {  	s1 =	srdreg.scid  }
0x8b: {  	s0 =	sand.u32 $0x1, s1  }
0x8c: {  	s14 =	sshll.u32 s0, $0xA;
	s2 =	sadd.s32 s3, s2  }
0x8d: {  	s2 =	sadd.s32 s2, s14  }
0x8e: {  	[smem:$0x3FB8] =	sst s2  }
0x8f: {  	_ = 	snop  }
0x90: {  	s2 =	sld [smem:$0x3FD0];
	_ =	sdelay $0x2  }
0x91: {  	s4 =	simm.s32 $0xB;
	s5 =	simm.s32 $0x10;
	s15 =	sld [smem:$0x3FC7]  }
0x92: {  	[smem:s5], [sflag:s4] =	dma.local [hbm:s2], $0x1  }
0x93: {  	_ =	swait.eq [sflag:s4], $0x1  }
0x94: {  	[sflag:s4] =	ssyncset.done $0x0  }
0x95: {  	[sflag:s4] =	ssyncadd.s32 $0xFFFFFFFF  }
0x96: {  	s16 =	sld [smem:$0x10];
	(tm) =	ssettm $0x1  }
0x97: {  	s17 =	sld [smem:$0x3FFB];
	_ =	sdelay $0x3  }
0x98: {  	_ =	strace s17  }
0x99: {  	s4 =	sld [smem:$0x3FFC];
	_ =	sdelay $0x3  }
0x9a: {  	_ =	strace s4  }
0x9b: {  	s4 =	sld [smem:$0x3FFD];
	_ =	sdelay $0x3  }
0x9c: {  	_ =	strace s4  }
0x9d: {  	_ =	strace $0x8FFFFFFF  }
0x9e: {  	s18 =	sld [smem:$0x3FDB];
	_ =	sdelay $0x1  }
0x9f: {  	s19 =	simm.s32 $_scs_section_size  }
0xa0: {  	s6 =	simm.s32 $_size__tile_overlayer_lowered;
	s7 =	simm.s32 $_tile_overlayer_lowered  }
0xa1: {  	s22 =	simm.s32 $0x1BFF;
	s21 =	sshll.u32 s7, $0x1;
	s4 =	sadd.s32 s19, s18  }
0xa2: {  	s8 =	simm.s32 $0x0;
	s20 =	sshll.u32 s6, $0x1;
	s6 =	sadd.s32 s21, s4  }
0xa3: {  	[timem:s8], [sflag:s22] =	dma.local [hbm:s6], s20  }
0xa4: {  	_ =	swait.ge [sflag:s22], s20  }
0xa5: {  	s5 =	ssub.s32 $0x0, s20;
	[sflag:s22] =	ssyncset.done $0x0  }
0xa6: {  	[sflag:s22] =	ssyncadd.s32 s5;
	_ =	sdelay $0x1  }
0xa7: {  	s23 =	simm.s32 $0x1B8B  }
0xa8: {  	_ =	swait.ge [sflag:s23], $0x1  }
0xa9: {  	[sflag:s23] =	ssyncset.done $0x0  }
0xaa: {  	s25 =	simm.s32 $0x1B8E;
	s24 =	sld [smem:$0x3FFE];
	[sflag:s23] =	ssyncadd.s32 $0xFFFFFFFF  }
0xab: {  	s26 =	simm.s32 $execute0_lowered;
	[smem:$0x3FD2] =	sst s25  }
0xac: {  	s6 =	sshll.u32 s26, $0x1;
	_ =	strace $0x80000049;
	[dreg:$0x1] =	wrdreg $0xFFFFFFFF  }
0xad: {  	s28 =	simm.s32 $_size_execute0_lowered;
	s4 =	sadd.s32 s4, s6;
	[dreg:$0x0] =	wrdreg $0x0  }
0xae: {  	s6 =	sshll.u32 s28, $0x1;
	[dreg:$0x2] =	wrdreg s4  }
0xaf: {  	[dreg:$0x3] =	wrdreg s6  }
0xb0: {  	[dreg:$0x4] =	wrdreg $0xC0  }
0xb1: {  	_ =	task [dreg:s8], $0x5FFFF  }
0xb2: {  	[dreg:$0x1] =	wrdreg $0xFFFFFFFF  }
0xb3: {  	[dreg:$0x0] =	wrdreg $0x60  }
0xb4: {  	[dreg:$0x2] =	wrdreg s24  }
0xb5: {  	[dreg:$0x3] =	wrdreg s15  }
0xb6: {  	[dreg:$0x4] =	wrdreg s16  }
0xb7: {  	[dreg:$0x5] =	wrdreg $0x4CC00  }
0xb8: {  	[dreg:$0x6] =	wrdreg $0x1D4C00  }
0xb9: {  	[dreg:$0x7] =	wrdreg $0xA  }
0xba: {  	_ =	task.clear_ibuf [dreg:s8], $0x8FFFF;
	_ =	strace $0x90000049  }
0xbb: {  	s29 =	simm.s32 $0xA;
	_ =	strace $0x8000004B  }
0xbc: {  	_ =	swait.ge [sflag:s29], $0x1  }
0xbd: {  	[sflag:s29] =	ssyncadd.s32 $0xFFFFFFFF  }
0xbe: {  	_ =	strace $0x9000004B  }
0xbf: {  	_ =	sfence  }
0xc0: {  	s30 =	sld [smem:$0x0];
	_ =	sdelay $0x2  }
0xc1: {  	s31 =	sshll.u32 s1, $0xD;
	s1 =	sshrl.u32 s1, $0x2  }
0xc2: {  	s3 =	sand.u32 $0x4000, s31;
	s1 =	sadd.s32 s1, s30  }
0xc3: {  	s0 =	sor.u32 s3, s0;
	s1 =	sshll.u32 s1, $0x11  }
0xc4: {  	s0 =	sor.u32 s1, s0  }
0xc5: {  	s0 =	sadd.s32 $0x8F2B, s0  }
0xc6: {  	[sflag:s0] =	ssyncadd.remote.s32 $0x1  }
0xc7: {  	_ =	sfence.sel $0xFFFF  }
0xc8: {  	[dreg:$0x0] =	wrdreg $0xFFFFFFFF;
	(pc) =	sbr.abs _section_cstart, $3  }
0xc9: {  	[dreg:$0x1] =	wrdreg $0xFFFFFFFF  }
0xca: {  	_ =	task.clear_ibuf [dreg:s8], $0x2FFFF;
	_ =	strace $0x9FFFFFFF  }
0xcb: {  	(tm) =	ssettm $0x7FFFFFFF  }
tec
execute0_lowered:
.L_overlay_start_1:
0x0: {  	(tag) =	ssettag $0x1  }
0x1: {  	s5 =	rddreg [dreg:$0x0];
	s3 =	stileid.u32  }
0x2: {  	s6 =	rddreg [dreg:$0x1];
	s8 =	smul.u32 $0x62000, s3  }
0x3: {  	s9 =	rddreg [dreg:$0x2]  }
0x4: {  	s1 =	rddreg [dreg:$0x3];
	s13 =	sshrl.u32 s8, $0x2  }
0x5: {  	s2 =	rddreg [dreg:$0x4];
	s4 =	simm.s32 $0x0;
	s13 =	sadd.s32 s13, s1  }
0x6: {  	s0 =	srdreg.scid;
	[smem:$0x7FF] =	sst s4;
	s14 =	sadd.s32 $0x800, s13  }
0x7: {  	_ =	strace $0x8000004A;
	s25 =	sadd.s32 $0x1000, s13;
	[dreg:$0x6] =	wrdreg s14  }
0x8: {  	s10 =	sand.u32 $0x1, s0;
	s26 =	sadd.s32 $0x1800, s13;
	[dreg:$0x7] =	wrdreg s25  }
0x9: {  	s22 =	sshll.u32 s3, $0xA;
	s28 =	sadd.s32 $0x2000, s13;
	[dreg:$0x8] =	wrdreg s26  }
0xa: {  	s12 =	smul.u32 $0x18800, s3;
	s29 =	sadd.s32 $0x2800, s13;
	[dreg:$0x9] =	wrdreg s28  }
0xb: {  	s7 =	smul.u32 $0x31000, s10;
	s30 =	sadd.s32 $0x3000, s13;
	[dreg:$0xa] =	wrdreg s29  }
0xc: {  	s0 =	sadd.s32 s22, s5;
	s31 =	sadd.s32 $0x3800, s13;
	[dreg:$0xb] =	wrdreg s30  }
0xd: {  	s23 =	ssub.s32 $0x2, s10;
	s15 =	sadd.s32 $0x4000, s13;
	[dreg:$0xc] =	wrdreg s31  }
0xe: {  	s24 =	sshrl.u32 s23, $0x1;
	s16 =	sadd.s32 $0x4800, s13;
	[dreg:$0xd] =	wrdreg s15  }
0xf: {  	s8 =	smul.u32 $0xC350, s10;
	s18 =	sadd.s32 $0x5800, s13;
	[dreg:$0xe] =	wrdreg s16  }
0x10: {  	s10 =	smul.u32 $0x3100, s10;
	s21 =	sadd.s32 $0x6000, s13;
	[dreg:$0x11] =	wrdreg s18  }
0x11: {  	s11 =	sadd.s32 s7, s5;
	s22 =	sadd.s32 $0x6800, s13;
	[dreg:$0x14] =	wrdreg s21  }
0x12: {  	s7 =	ssub.s32 s23, s24;
	s23 =	sadd.s32 $0x7000, s13;
	[dreg:$0x15] =	wrdreg s22  }
0x13: {  	s5 =	sadd.s32 s12, s1;
	s24 =	sadd.s32 $0x7800, s13;
	[dreg:$0x16] =	wrdreg s23  }
0x14: {  	s9 =	sadd.s32 s9, s10;
	s10 =	sadd.s32 $0xB000, s13;
	[dreg:$0x17] =	wrdreg s24  }
0x15: {  	s12 =	sshrl.u32 s12, $0x3;
	s7 =	smax.u32 s7, $0x1;
	[dreg:$0x1e] =	wrdreg s10  }
0x16: {  	s11 =	sadd.s32 $0x18A400, s11;
	s15 =	sadd.s32 $0x5000, s13;
	[smem:$0x799] =	sst s7  }
0x17: {  	s19 =	sadd.s32 s12, s11;
	[dreg:$0xf] =	wrdreg s15  }
0x18: {  	s25 =	sadd.s32 $0x8000, s13;
	[dreg:$0x12] =	wrdreg s19  }
0x19: {  	s26 =	sadd.s32 $0x8800, s13;
	[dreg:$0x18] =	wrdreg s25  }
0x1a: {  	s28 =	sadd.s32 $0x9000, s13;
	[dreg:$0x19] =	wrdreg s26  }
0x1b: {  	s29 =	sadd.s32 $0x9800, s13;
	[dreg:$0x1a] =	wrdreg s28  }
0x1c: {  	s30 =	sadd.s32 $0xA000, s13;
	[dreg:$0x1b] =	wrdreg s29  }
0x1d: {  	s31 =	sadd.s32 $0xA800, s13;
	[dreg:$0x1c] =	wrdreg s30  }
0x1e: {  	s11 =	sadd.s32 $0xB800, s13;
	[dreg:$0x1d] =	wrdreg s31  }
0x1f: {  	s12 =	sadd.s32 $0xC000, s13;
	[dreg:$0x1f] =	wrdreg s11  }
0x20: {  	s17 =	sshll.u32 s3, $0x5;
	s16 =	sadd.s32 $0xD000, s13;
	[smem:$0x780] =	sst s12  }
0x21: {  	s14 =	sadd.s32 s6, s17;
	s17 =	sadd.s32 $0xD800, s13;
	[smem:$0x782] =	sst s16  }
0x22: {  	s18 =	sadd.s32 $0xE000, s13;
	[smem:$0x783] =	sst s17  }
0x23: {  	s21 =	sadd.s32 $0xF800, s13;
	[smem:$0x784] =	sst s18  }
0x24: {  	s22 =	sadd.s32 $0x10000, s13;
	[smem:$0x787] =	sst s21  }
0x25: {  	s23 =	sadd.s32 $0x10800, s13;
	[smem:$0x788] =	sst s22  }
0x26: {  	s24 =	sadd.s32 $0x11000, s13;
	[smem:$0x789] =	sst s23  }
0x27: {  	s10 =	sadd.s32 $0x14800, s13;
	[smem:$0x78A] =	sst s24  }
0x28: {  	[smem:$0x791] =	sst s10  }
0x29: {  	s15 =	sadd.s32 $0xC800, s13;
	[dreg:$0x10] =	wrdreg s14  }
0x2a: {  	s19 =	sadd.s32 $0xE800, s13;
	[smem:$0x781] =	sst s15  }
0x2b: {  	s25 =	sadd.s32 $0x11800, s13;
	[smem:$0x785] =	sst s19  }
0x2c: {  	s26 =	sadd.s32 $0x12000, s13;
	[smem:$0x78B] =	sst s25  }
0x2d: {  	s28 =	sadd.s32 $0x12800, s13;
	[smem:$0x78C] =	sst s26  }
0x2e: {  	s29 =	sadd.s32 $0x13000, s13;
	[smem:$0x78D] =	sst s28  }
0x2f: {  	s30 =	sadd.s32 $0x13800, s13;
	[smem:$0x78E] =	sst s29  }
0x30: {  	s31 =	sadd.s32 $0x14000, s13;
	[smem:$0x78F] =	sst s30  }
0x31: {  	s11 =	sadd.s32 $0x15000, s13;
	[smem:$0x790] =	sst s31  }
0x32: {  	s12 =	sadd.s32 $0x15800, s13;
	[smem:$0x792] =	sst s11  }
0x33: {  	s16 =	sadd.s32 $0x16800, s13;
	[smem:$0x793] =	sst s12  }
0x34: {  	s17 =	sadd.s32 $0x17000, s13;
	[smem:$0x795] =	sst s16  }
0x35: {  	s6 =	smul.u32 $0x1880, s3;
	s18 =	sadd.s32 $0x17800, s13;
	[smem:$0x796] =	sst s17  }
0x36: {  	s15 =	sadd.s32 $0x16000, s13;
	[smem:$0x797] =	sst s18  }
0x37: {  	s20 =	sshrl.u32 s6, $0x3;
	s19 =	sadd.s32 $0x18000, s13;
	[smem:$0x794] =	sst s15  }
0x38: {  	s9 =	sadd.s32 s20, s9;
	[smem:$0x798] =	sst s19  }
0x39: {  	s6 =	sadd.s32 s6, s2;
	s20 =	sadd.s32 $0xF000, s13;
	[dreg:$0x13] =	wrdreg s9  }
0x3a: {  	s21 =	sadd.s32 $0x40, s6;
	[smem:$0x786] =	sst s20  }
0x3b: {  	s22 =	sadd.s32 $0x80, s6;
	[smem:$0x79C] =	sst s21  }
0x3c: {  	s23 =	sadd.s32 $0xC0, s6;
	[smem:$0x79D] =	sst s22  }
0x3d: {  	s24 =	sadd.s32 $0x100, s6;
	[smem:$0x79E] =	sst s23  }
0x3e: {  	s25 =	sadd.s32 $0x140, s6;
	[smem:$0x79F] =	sst s24  }
0x3f: {  	s26 =	sadd.s32 $0x180, s6;
	[smem:$0x7A0] =	sst s25  }
0x40: {  	s28 =	sadd.s32 $0x1C0, s6;
	[smem:$0x7A1] =	sst s26  }
0x41: {  	s29 =	sadd.s32 $0x200, s6;
	[smem:$0x7A2] =	sst s28  }
0x42: {  	s30 =	sadd.s32 $0x240, s6;
	[smem:$0x7A3] =	sst s29  }
0x43: {  	s31 =	sadd.s32 $0x280, s6;
	[smem:$0x7A4] =	sst s30  }
0x44: {  	s7 =	sadd.s32 $0x2C0, s6;
	[smem:$0x7A5] =	sst s31  }
0x45: {  	s10 =	sadd.s32 $0x340, s6;
	[smem:$0x7A6] =	sst s7  }
0x46: {  	s11 =	sadd.s32 $0x380, s6;
	[smem:$0x7A8] =	sst s10  }
0x47: {  	s12 =	sadd.s32 $0x3C0, s6;
	[smem:$0x7A9] =	sst s11  }
0x48: {  	s13 =	sadd.s32 $0x400, s6;
	[smem:$0x7AA] =	sst s12  }
0x49: {  	s15 =	sadd.s32 $0x440, s6;
	[smem:$0x7AB] =	sst s13  }
0x4a: {  	s16 =	sadd.s32 $0x480, s6;
	[smem:$0x7AC] =	sst s15  }
0x4b: {  	s17 =	sadd.s32 $0x4C0, s6;
	[smem:$0x7AD] =	sst s16  }
0x4c: {  	s18 =	sadd.s32 $0x500, s6;
	[smem:$0x7AE] =	sst s17  }
0x4d: {  	s19 =	sadd.s32 $0x540, s6;
	[smem:$0x7AF] =	sst s18  }
0x4e: {  	s20 =	sadd.s32 $0xDBF400, s0;
	[smem:$0x7B0] =	sst s19  }
0x4f: {  	s0 =	sadd.s32 $0xDC3400, s0;
	[smem:$0x79A] =	sst s20  }
0x50: {  	s9 =	sadd.s32 $0x300, s6;
	[smem:$0x79B] =	sst s0  }
0x51: {  	s21 =	sadd.s32 $0x5C0, s6;
	[smem:$0x7A7] =	sst s9  }
0x52: {  	s22 =	sadd.s32 $0x600, s6;
	[smem:$0x7B2] =	sst s21  }
0x53: {  	s23 =	sadd.s32 $0x640, s6;
	[smem:$0x7B3] =	sst s22  }
0x54: {  	s24 =	sadd.s32 $0x680, s6;
	[smem:$0x7B4] =	sst s23  }
0x55: {  	s25 =	sadd.s32 $0x6C0, s6;
	[smem:$0x7B5] =	sst s24  }
0x56: {  	s26 =	sadd.s32 $0x700, s6;
	[smem:$0x7B6] =	sst s25  }
0x57: {  	s28 =	sadd.s32 $0x740, s6;
	[smem:$0x7B7] =	sst s26  }
0x58: {  	s29 =	sadd.s32 $0x780, s6;
	[smem:$0x7B8] =	sst s28  }
0x59: {  	s30 =	sadd.s32 $0x7C0, s6;
	[smem:$0x7B9] =	sst s29  }
0x5a: {  	s31 =	sadd.s32 $0x800, s6;
	[smem:$0x7BA] =	sst s30  }
0x5b: {  	s7 =	sadd.s32 $0x840, s6;
	[smem:$0x7BB] =	sst s31  }
0x5c: {  	s10 =	sadd.s32 $0x8C0, s6;
	[smem:$0x7BC] =	sst s7  }
0x5d: {  	s11 =	sadd.s32 $0x900, s6;
	[smem:$0x7BE] =	sst s10  }
0x5e: {  	s12 =	sadd.s32 $0x940, s6;
	[smem:$0x7BF] =	sst s11  }
0x5f: {  	s13 =	sadd.s32 $0x980, s6;
	[smem:$0x7C0] =	sst s12  }
0x60: {  	s15 =	sadd.s32 $0x9C0, s6;
	[smem:$0x7C1] =	sst s13  }
0x61: {  	s16 =	sadd.s32 $0xA00, s6;
	[smem:$0x7C2] =	sst s15  }
0x62: {  	s17 =	sadd.s32 $0xA40, s6;
	[smem:$0x7C3] =	sst s16  }
0x63: {  	s18 =	sadd.s32 $0xA80, s6;
	[smem:$0x7C4] =	sst s17  }
0x64: {  	s19 =	sadd.s32 $0xAC0, s6;
	[smem:$0x7C5] =	sst s18  }
0x65: {  	s20 =	sadd.s32 $0x580, s6;
	[smem:$0x7C6] =	sst s19  }
0x66: {  	s9 =	sadd.s32 $0x880, s6;
	[smem:$0x7B1] =	sst s20  }
0x67: {  	s21 =	sadd.s32 $0xB40, s6;
	[smem:$0x7BD] =	sst s9  }
0x68: {  	s22 =	sadd.s32 $0xB80, s6;
	[smem:$0x7C8] =	sst s21  }
0x69: {  	s23 =	sadd.s32 $0xBC0, s6;
	[smem:$0x7C9] =	sst s22  }
0x6a: {  	s24 =	sadd.s32 $0xC00, s6;
	[smem:$0x7CA] =	sst s23  }
0x6b: {  	s25 =	sadd.s32 $0xC40, s6;
	[smem:$0x7CB] =	sst s24  }
0x6c: {  	s26 =	sadd.s32 $0xC80, s6;
	[smem:$0x7CC] =	sst s25  }
0x6d: {  	s28 =	sadd.s32 $0xCC0, s6;
	[smem:$0x7CD] =	sst s26  }
0x6e: {  	s29 =	sadd.s32 $0xD00, s6;
	[smem:$0x7CE] =	sst s28  }
0x6f: {  	s30 =	sadd.s32 $0xD40, s6;
	[smem:$0x7CF] =	sst s29  }
0x70: {  	s31 =	sadd.s32 $0xD80, s6;
	[smem:$0x7D0] =	sst s30  }
0x71: {  	s7 =	sadd.s32 $0xDC0, s6;
	[smem:$0x7D1] =	sst s31  }
0x72: {  	s10 =	sadd.s32 $0xE40, s6;
	[smem:$0x7D2] =	sst s7  }
0x73: {  	s11 =	sadd.s32 $0xE80, s6;
	[smem:$0x7D4] =	sst s10  }
0x74: {  	s12 =	sadd.s32 $0xEC0, s6;
	[smem:$0x7D5] =	sst s11  }
0x75: {  	s13 =	sadd.s32 $0xF00, s6;
	[smem:$0x7D6] =	sst s12  }
0x76: {  	s15 =	sadd.s32 $0xF40, s6;
	[smem:$0x7D7] =	sst s13  }
0x77: {  	s16 =	sadd.s32 $0xF80, s6;
	[smem:$0x7D8] =	sst s15  }
0x78: {  	s17 =	sadd.s32 $0xFC0, s6;
	[smem:$0x7D9] =	sst s16  }
0x79: {  	s18 =	sadd.s32 $0x1000, s6;
	[smem:$0x7DA] =	sst s17  }
0x7a: {  	s19 =	sadd.s32 $0x1040, s6;
	[smem:$0x7DB] =	sst s18  }
0x7b: {  	s20 =	sadd.s32 $0xB00, s6;
	[smem:$0x7DC] =	sst s19  }
0x7c: {  	s9 =	sadd.s32 $0xE00, s6;
	[smem:$0x7C7] =	sst s20  }
0x7d: {  	s21 =	sadd.s32 $0x10C0, s6;
	[smem:$0x7D3] =	sst s9  }
0x7e: {  	s22 =	sadd.s32 $0x1100, s6;
	[smem:$0x7DE] =	sst s21  }
0x7f: {  	s23 =	sadd.s32 $0x1140, s6;
	[smem:$0x7DF] =	sst s22  }
0x80: {  	s24 =	sadd.s32 $0x1180, s6;
	[smem:$0x7E0] =	sst s23  }
0x81: {  	s25 =	sadd.s32 $0x11C0, s6;
	[smem:$0x7E1] =	sst s24  }
0x82: {  	s26 =	sadd.s32 $0x1200, s6;
	[smem:$0x7E2] =	sst s25  }
0x83: {  	s28 =	sadd.s32 $0x1240, s6;
	[smem:$0x7E3] =	sst s26  }
0x84: {  	s29 =	sadd.s32 $0x1280, s6;
	[smem:$0x7E4] =	sst s28  }
0x85: {  	s30 =	sadd.s32 $0x12C0, s6;
	[smem:$0x7E5] =	sst s29  }
0x86: {  	s31 =	sadd.s32 $0x1300, s6;
	[smem:$0x7E6] =	sst s30  }
0x87: {  	s7 =	sadd.s32 $0x1340, s6;
	[smem:$0x7E7] =	sst s31  }
0x88: {  	s10 =	sadd.s32 $0x13C0, s6;
	[smem:$0x7E8] =	sst s7  }
0x89: {  	s11 =	sadd.s32 $0x1400, s6;
	[smem:$0x7EA] =	sst s10  }
0x8a: {  	s12 =	sadd.s32 $0x1440, s6;
	[smem:$0x7EB] =	sst s11  }
0x8b: {  	s13 =	sadd.s32 $0x1480, s6;
	[smem:$0x7EC] =	sst s12  }
0x8c: {  	s15 =	sadd.s32 $0x14C0, s6;
	[smem:$0x7ED] =	sst s13  }
0x8d: {  	s16 =	sadd.s32 $0x1500, s6;
	[smem:$0x7EE] =	sst s15  }
0x8e: {  	s17 =	sadd.s32 $0x1540, s6;
	[smem:$0x7EF] =	sst s16  }
0x8f: {  	s18 =	sadd.s32 $0x1580, s6;
	[smem:$0x7F0] =	sst s17  }
0x90: {  	s19 =	sadd.s32 $0x15C0, s6;
	[smem:$0x7F1] =	sst s18  }
0x91: {  	s20 =	sadd.s32 $0x1080, s6;
	[smem:$0x7F2] =	sst s19  }
0x92: {  	s9 =	sadd.s32 $0x1380, s6;
	s21 =	sadd.s32 $0x1640, s6;
	[smem:$0x7DD] =	sst s20  }
0x93: {  	s22 =	sadd.s32 $0x1680, s6;
	s23 =	sadd.s32 $0x16C0, s6;
	[smem:$0x7E9] =	sst s9  }
0x94: {  	s24 =	sadd.s32 $0x1700, s6;
	s25 =	sadd.s32 $0x1740, s6;
	[smem:$0x7F4] =	sst s21  }
0x95: {  	s26 =	sadd.s32 $0x1780, s6;
	s28 =	sadd.s32 $0x17C0, s6;
	[smem:$0x7F5] =	sst s22  }
0x96: {  	s29 =	sadd.s32 $0x1800, s6;
	s30 =	sadd.s32 $0x1840, s6;
	[smem:$0x7F6] =	sst s23  }
0x97: {  	s7 =	ssub.s32 $0x186A, s3;
	s31 =	sadd.s32 $0x200, s14;
	[smem:$0x7F7] =	sst s24  }
0x98: {  	s10 =	simm.s32 $0x4480;
	s11 =	simm.s32 $0x5;
	[smem:$0x7F8] =	sst s25  }
0x99: {  	s12 =	simm.s32 $0x4C80;
	s13 =	simm.s32 $0x400;
	[smem:$0x7F9] =	sst s26  }
0x9a: {  	s14 =	simm.s32 $0x1;
	s15 =	simm.s32 $0x80;
	[smem:$0x7FA] =	sst s28  }
0x9b: {  	s16 =	simm.s32 $0x200;
	s17 =	simm.s32 $0x4400;
	[smem:$0x7FB] =	sst s29  }
.Ltmp0:
0x9c: {  	s18 =	simm.s32 $0x280;
	[smem:$0x7FC] =	sst s30;
	(pc) =	sbr.rel .LBB2_1-.Ltmp0, $4  }
0x9d: {  	s19 =	simm.s32 $0x100;
	s20 =	sadd.s32 $0x1600, s6;
	[smem:$0x7FD] =	sst s31  }
0x9e: {  	s9 =	simm.s32 $0x1400;
	s21 =	simm.s32 $0x2;
	s22 =	simm.s32 $0x300  }
0x9f: {  	s23 =	simm.s32 $0x380;
	s24 =	simm.s32 $0x3400;
	s25 =	simm.s32 $0x180  }
0xa0: {  	v1 =	vimm.f32 $0.0e+00;
	v2 =	vimm.f32 $1.000000000e+00;
	v0 =	vmov s8;
	s26 =	simm.s32 $0x0;
	[smem:$0x7F3] =	sst s20;
	s20 =	simm.s32 $0x2400  }
.LBB2_9:
0xa1: {  	s0 =	sshll.u32 s3, $0x6;
	[bflag:$0x0] =	sbarrier.arrive $0xFFFF  }
0xa2: {  	s8 =	sshrl.u32 s5, $0x3;
	s0 =	sor.u32 $0x1C05, s0;
	s28 =	rddreg [dreg:$0x12]  }
0xa3: {  	[hbm:s28], [sflag:s0] =	dma.local [spmem:s8], $0x3100  }
0xa4: {  	_ =	swait.ge [sflag:s11], $0x3100  }
0xa5: {  	[sflag:s11] =	ssyncset.done $0x0  }
0xa6: {  	s29 =	sshrl.u32 s6, $0x3;
	s30 =	rddreg [dreg:$0x13];
	[sflag:s11] =	ssyncadd.s32 $0xFFFFCF00  }
0xa7: {  	[hbm:s30], [sflag:s0] =	dma.local [spmem:s29], $0x310  }
0xa8: {  	_ =	swait.ge [sflag:s11], $0x310  }
0xa9: {  	s31 =	sld [smem:$0x799];
	_ =	sdelay $0x1  }
0xaa: {  	s26 =	sadd.s32 $0x1, s26  }
0xab: {  	p0 =	sne.s32 s26, s31  }
.Ltmp1:
0xac: {  	_ = 	snop;
	(pc) =	sbr.rel @!p0 .LBB2_10-.Ltmp1, $3  }
0xad: {  	_ =	sdelay $0x1  }
0xae: {  	[sflag:s11] =	ssyncset.done $0x0  }
0xaf: {  	[sflag:s11] =	ssyncadd.s32 $0xFFFFFCF0  }
.LBB2_1:
0xb0: {  	s8 =	simm.s32 $0x80;
	s28 =	simm.s32 $0x0  }
.LBB2_2:
0xb1: {  	p0 =	sne.s32 s8, $0x1F80;
	[tilespmem:s28+$0x4480] =	vst v1;
	s30 =	smov.u32 s8;
	s8 =	sadd.s32 $0x80, s8  }
.Ltmp2:
0xb2: {  	[tilespmem:s28+$0x4490] =	vst v1;
	(pc) =	sbr.rel @p0 .LBB2_2-.Ltmp2, $2  }
0xb3: {  	_ =	sdelay $0x2  }
0xb4: {  	s28 =	sshra.s32 s30, $0x2  }
0xb5: {  	[tilespmem:s28+$0x4480] =	vst v1  }
0xb6: {  	[tilespmem:s28+$0x4490] =	vst v1  }
0xb7: {  	[tilespmem:$0x4C80] =	vst v1  }
0xb8: {  	[tilespmem:$0x4C90] =	vst v1  }
0xb9: {  	[tilespmem:$0x4CA0] =	vst v1  }
0xba: {  	[tilespmem:$0x4CB0] =	vst v1  }
0xbb: {  	[tilespmem:$0x4400] =	vst v2  }
0xbc: {  	[tilespmem:$0x4410] =	vst v2  }
0xbd: {  	[tilespmem:$0x4420] =	vst v2  }
0xbe: {  	[tilespmem:$0x4430] =	vst v2  }
0xbf: {  	[tilespmem:$0x4440] =	vst v2  }
0xc0: {  	[tilespmem:$0x4450] =	vst v2  }
0xc1: {  	[tilespmem:$0x4460] =	vst v2  }
0xc2: {  	[tilespmem:$0x4470] =	vst v2  }
0xc3: {  	[spmem:s5] =	stream.linear.scatter [tilespmem:s10], [sflag:$0x5], $0x800, $0x38;
	[tilespmem:$0x1ED40] =	vst v63  }
0xc4: {  	_ =	swait.ge [sflag:s11], $0x800  }
0xc5: {  	[sflag:s11] =	ssyncset.done $0x0  }
0xc6: {  	s0 =	rddreg [dreg:$0x6];
	[sflag:s11] =	ssyncadd.s32 $0xFFFFF800  }
0xc7: {  	[spmem:s0] =	stream.linear.scatter [tilespmem:s10], [sflag:$0x5], $0x800, $0x38;
	[tilespmem:$0x1ED40] =	vst v63  }
0xc8: {  	_ =	swait.ge [sflag:s11], $0x800  }
0xc9: {  	[sflag:s11] =	ssyncset.done $0x0  }
0xca: {  	s29 =	rddreg [dreg:$0x7];
	[sflag:s11] =	ssyncadd.s32 $0xFFFFF800  }
0xcb: {  	[spmem:s29] =	stream.linear.scatter [tilespmem:s10], [sflag:$0x5], $0x800, $0x38;
	[tilespmem:$0x1ED40] =	vst v63  }
0xcc: {  	_ =	swait.ge [sflag:s11], $0x800  }
0xcd: {  	[sflag:s11] =	ssyncset.done $0x0  }
0xce: {  	s31 =	rddreg [dreg:$0x8];
	[sflag:s11] =	ssyncadd.s32 $0xFFFFF800  }
0xcf: {  	[spmem:s31] =	stream.linear.scatter [tilespmem:s10], [sflag:$0x5], $0x800, $0x38;
	[tilespmem:$0x1ED40] =	vst v63  }
0xd0: {  	_ =	swait.ge [sflag:s11], $0x800  }
0xd1: {  	[sflag:s11] =	ssyncset.done $0x0  }
0xd2: {  	s8 =	rddreg [dreg:$0x9];
	[sflag:s11] =	ssyncadd.s32 $0xFFFFF800  }
0xd3: {  	[spmem:s8] =	stream.linear.scatter [tilespmem:s10], [sflag:$0x5], $0x800, $0x38;
	[tilespmem:$0x1ED40] =	vst v63  }
0xd4: {  	_ =	swait.ge [sflag:s11], $0x800  }
0xd5: {  	[sflag:s11] =	ssyncset.done $0x0  }
0xd6: {  	s29 =	rddreg [dreg:$0xa];
	[sflag:s11] =	ssyncadd.s32 $0xFFFFF800  }
0xd7: {  	[spmem:s29] =	stream.linear.scatter [tilespmem:s10], [sflag:$0x5], $0x800, $0x38;
	[tilespmem:$0x1ED40] =	vst v63  }
0xd8: {  	_ =	swait.ge [sflag:s11], $0x800  }
0xd9: {  	[sflag:s11] =	ssyncset.done $0x0  }
0xda: {  	s31 =	rddreg [dreg:$0xb];
	[sflag:s11] =	ssyncadd.s32 $0xFFFFF800  }
0xdb: {  	[spmem:s31] =	stream.linear.scatter [tilespmem:s10], [sflag:$0x5], $0x800, $0x38;
	[tilespmem:$0x1ED40] =	vst v63  }
0xdc: {  	_ =	swait.ge [sflag:s11], $0x800  }
0xdd: {  	[sflag:s11] =	ssyncset.done $0x0  }
0xde: {  	s8 =	rddreg [dreg:$0xc];
	[sflag:s11] =	ssyncadd.s32 $0xFFFFF800  }
0xdf: {  	[spmem:s8] =	stream.linear.scatter [tilespmem:s10], [sflag:$0x5], $0x800, $0x38;
	[tilespmem:$0x1ED40] =	vst v63  }
0xe0: {  	_ =	swait.ge [sflag:s11], $0x800  }
0xe1: {  	[sflag:s11] =	ssyncset.done $0x0  }
0xe2: {  	s29 =	rddreg [dreg:$0xd];
	[sflag:s11] =	ssyncadd.s32 $0xFFFFF800  }
0xe3: {  	[spmem:s29] =	stream.linear.scatter [tilespmem:s10], [sflag:$0x5], $0x800, $0x38;
	[tilespmem:$0x1ED40] =	vst v63  }
0xe4: {  	_ =	swait.ge [sflag:s11], $0x800  }
0xe5: {  	[sflag:s11] =	ssyncset.done $0x0  }
0xe6: {  	s31 =	rddreg [dreg:$0xe];
	[sflag:s11] =	ssyncadd.s32 $0xFFFFF800  }
0xe7: {  	[spmem:s31] =	stream.linear.scatter [tilespmem:s10], [sflag:$0x5], $0x800, $0x38;
	[tilespmem:$0x1ED40] =	vst v63  }
0xe8: {  	_ =	swait.ge [sflag:s11], $0x800  }
0xe9: {  	[sflag:s11] =	ssyncset.done $0x0  }
0xea: {  	s8 =	rddreg [dreg:$0xf];
	[sflag:s11] =	ssyncadd.s32 $0xFFFFF800  }
0xeb: {  	[spmem:s8] =	stream.linear.scatter [tilespmem:s10], [sflag:$0x5], $0x800, $0x38;
	[tilespmem:$0x1ED40] =	vst v63  }
0xec: {  	_ =	swait.ge [sflag:s11], $0x800  }
0xed: {  	[sflag:s11] =	ssyncset.done $0x0  }
0xee: {  	s29 =	rddreg [dreg:$0x11];
	[sflag:s11] =	ssyncadd.s32 $0xFFFFF800  }
0xef: {  	[spmem:s29] =	stream.linear.scatter [tilespmem:s10], [sflag:$0x5], $0x800, $0x38;
	[tilespmem:$0x1ED40] =	vst v63  }
0xf0: {  	_ =	swait.ge [sflag:s11], $0x800  }
0xf1: {  	[sflag:s11] =	ssyncset.done $0x0  }
0xf2: {  	s31 =	rddreg [dreg:$0x14];
	[sflag:s11] =	ssyncadd.s32 $0xFFFFF800  }
0xf3: {  	[spmem:s31] =	stream.linear.scatter [tilespmem:s10], [sflag:$0x5], $0x800, $0x38;
	[tilespmem:$0x1ED40] =	vst v63  }
0xf4: {  	_ =	swait.ge [sflag:s11], $0x800  }
0xf5: {  	[sflag:s11] =	ssyncset.done $0x0  }
0xf6: {  	s8 =	rddreg [dreg:$0x15];
	[sflag:s11] =	ssyncadd.s32 $0xFFFFF800  }
0xf7: {  	[spmem:s8] =	stream.linear.scatter [tilespmem:s10], [sflag:$0x5], $0x800, $0x38;
	[tilespmem:$0x1ED40] =	vst v63  }
0xf8: {  	_ =	swait.ge [sflag:s11], $0x800  }
0xf9: {  	[sflag:s11] =	ssyncset.done $0x0  }
0xfa: {  	s29 =	rddreg [dreg:$0x16];
	[sflag:s11] =	ssyncadd.s32 $0xFFFFF800  }
0xfb: {  	[spmem:s29] =	stream.linear.scatter [tilespmem:s10], [sflag:$0x5], $0x800, $0x38;
	[tilespmem:$0x1ED40] =	vst v63  }
0xfc: {  	_ =	swait.ge [sflag:s11], $0x800  }
0xfd: {  	[sflag:s11] =	ssyncset.done $0x0  }
0xfe: {  	s31 =	rddreg [dreg:$0x17];
	[sflag:s11] =	ssyncadd.s32 $0xFFFFF800  }
0xff: {  	[spmem:s31] =	stream.linear.scatter [tilespmem:s10], [sflag:$0x5], $0x800, $0x38;
	[tilespmem:$0x1ED40] =	vst v63  }
0x100: {  	_ =	swait.ge [sflag:s11], $0x800  }
0x101: {  	[sflag:s11] =	ssyncset.done $0x0  }
0x102: {  	s8 =	rddreg [dreg:$0x18];
	[sflag:s11] =	ssyncadd.s32 $0xFFFFF800  }
0x103: {  	[spmem:s8] =	stream.linear.scatter [tilespmem:s10], [sflag:$0x5], $0x800, $0x38;
	[tilespmem:$0x1ED40] =	vst v63  }
0x104: {  	_ =	swait.ge [sflag:s11], $0x800  }
0x105: {  	[sflag:s11] =	ssyncset.done $0x0  }
0x106: {  	s29 =	rddreg [dreg:$0x19];
	[sflag:s11] =	ssyncadd.s32 $0xFFFFF800  }
0x107: {  	[spmem:s29] =	stream.linear.scatter [tilespmem:s10], [sflag:$0x5], $0x800, $0x38;
	[tilespmem:$0x1ED40] =	vst v63  }
0x108: {  	_ =	swait.ge [sflag:s11], $0x800  }
0x109: {  	[sflag:s11] =	ssyncset.done $0x0  }
0x10a: {  	s31 =	rddreg [dreg:$0x1a];
	[sflag:s11] =	ssyncadd.s32 $0xFFFFF800  }
0x10b: {  	[spmem:s31] =	stream.linear.scatter [tilespmem:s10], [sflag:$0x5], $0x800, $0x38;
	[tilespmem:$0x1ED40] =	vst v63  }
0x10c: {  	_ =	swait.ge [sflag:s11], $0x800  }
0x10d: {  	[sflag:s11] =	ssyncset.done $0x0  }
0x10e: {  	s8 =	rddreg [dreg:$0x1b];
	[sflag:s11] =	ssyncadd.s32 $0xFFFFF800  }
0x10f: {  	[spmem:s8] =	stream.linear.scatter [tilespmem:s10], [sflag:$0x5], $0x800, $0x38;
	[tilespmem:$0x1ED40] =	vst v63  }
0x110: {  	_ =	swait.ge [sflag:s11], $0x800  }
0x111: {  	[sflag:s11] =	ssyncset.done $0x0  }
0x112: {  	s29 =	rddreg [dreg:$0x1c];
	[sflag:s11] =	ssyncadd.s32 $0xFFFFF800  }
0x113: {  	[spmem:s29] =	stream.linear.scatter [tilespmem:s10], [sflag:$0x5], $0x800, $0x38;
	[tilespmem:$0x1ED40] =	vst v63  }
0x114: {  	_ =	swait.ge [sflag:s11], $0x800  }
0x115: {  	[sflag:s11] =	ssyncset.done $0x0  }
0x116: {  	s31 =	rddreg [dreg:$0x1d];
	[sflag:s11] =	ssyncadd.s32 $0xFFFFF800  }
0x117: {  	[spmem:s31] =	stream.linear.scatter [tilespmem:s10], [sflag:$0x5], $0x800, $0x38;
	[tilespmem:$0x1ED40] =	vst v63  }
0x118: {  	_ =	swait.ge [sflag:s11], $0x800  }
0x119: {  	[sflag:s11] =	ssyncset.done $0x0  }
0x11a: {  	s8 =	rddreg [dreg:$0x1e];
	[sflag:s11] =	ssyncadd.s32 $0xFFFFF800  }
0x11b: {  	[spmem:s8] =	stream.linear.scatter [tilespmem:s10], [sflag:$0x5], $0x800, $0x38;
	[tilespmem:$0x1ED40] =	vst v63  }
0x11c: {  	_ =	swait.ge [sflag:s11], $0x800  }
0x11d: {  	[sflag:s11] =	ssyncset.done $0x0  }
0x11e: {  	s29 =	rddreg [dreg:$0x1f];
	[sflag:s11] =	ssyncadd.s32 $0xFFFFF800  }
0x11f: {  	[spmem:s29] =	stream.linear.scatter [tilespmem:s10], [sflag:$0x5], $0x800, $0x38;
	[tilespmem:$0x1ED40] =	vst v63  }
0x120: {  	_ =	swait.ge [sflag:s11], $0x800  }
0x121: {  	s31 =	sld [smem:$0x780]  }
0x122: {  	[sflag:s11] =	ssyncset.done $0x0  }
0x123: {  	[sflag:s11] =	ssyncadd.s32 $0xFFFFF800  }
0x124: {  	[spmem:s31] =	stream.linear.scatter [tilespmem:s10], [sflag:$0x5], $0x800, $0x38;
	[tilespmem:$0x1ED40] =	vst v63  }
0x125: {  	_ =	swait.ge [sflag:s11], $0x800  }
0x126: {  	s8 =	sld [smem:$0x781]  }
0x127: {  	[sflag:s11] =	ssyncset.done $0x0  }
0x128: {  	[sflag:s11] =	ssyncadd.s32 $0xFFFFF800  }
0x129: {  	[spmem:s8] =	stream.linear.scatter [tilespmem:s10], [sflag:$0x5], $0x800, $0x38;
	[tilespmem:$0x1ED40] =	vst v63  }
0x12a: {  	_ =	swait.ge [sflag:s11], $0x800  }
0x12b: {  	s29 =	sld [smem:$0x782]  }
0x12c: {  	[sflag:s11] =	ssyncset.done $0x0  }
0x12d: {  	[sflag:s11] =	ssyncadd.s32 $0xFFFFF800  }
0x12e: {  	[spmem:s29] =	stream.linear.scatter [tilespmem:s10], [sflag:$0x5], $0x800, $0x38;
	[tilespmem:$0x1ED40] =	vst v63  }
0x12f: {  	_ =	swait.ge [sflag:s11], $0x800  }
0x130: {  	s31 =	sld [smem:$0x783]  }
0x131: {  	[sflag:s11] =	ssyncset.done $0x0  }
0x132: {  	[sflag:s11] =	ssyncadd.s32 $0xFFFFF800  }
0x133: {  	[spmem:s31] =	stream.linear.scatter [tilespmem:s10], [sflag:$0x5], $0x800, $0x38;
	[tilespmem:$0x1ED40] =	vst v63  }
0x134: {  	_ =	swait.ge [sflag:s11], $0x800  }
0x135: {  	s8 =	sld [smem:$0x784]  }
0x136: {  	[sflag:s11] =	ssyncset.done $0x0  }
0x137: {  	[sflag:s11] =	ssyncadd.s32 $0xFFFFF800  }
0x138: {  	[spmem:s8] =	stream.linear.scatter [tilespmem:s10], [sflag:$0x5], $0x800, $0x38;
	[tilespmem:$0x1ED40] =	vst v63  }
0x139: {  	_ =	swait.ge [sflag:s11], $0x800  }
0x13a: {  	s29 =	sld [smem:$0x785]  }
0x13b: {  	[sflag:s11] =	ssyncset.done $0x0  }
0x13c: {  	[sflag:s11] =	ssyncadd.s32 $0xFFFFF800  }
0x13d: {  	[spmem:s29] =	stream.linear.scatter [tilespmem:s10], [sflag:$0x5], $0x800, $0x38;
	[tilespmem:$0x1ED40] =	vst v63  }
0x13e: {  	_ =	swait.ge [sflag:s11], $0x800  }
0x13f: {  	s31 =	sld [smem:$0x786]  }
0x140: {  	[sflag:s11] =	ssyncset.done $0x0  }
0x141: {  	[sflag:s11] =	ssyncadd.s32 $0xFFFFF800  }
0x142: {  	[spmem:s31] =	stream.linear.scatter [tilespmem:s10], [sflag:$0x5], $0x800, $0x38;
	[tilespmem:$0x1ED40] =	vst v63  }
0x143: {  	_ =	swait.ge [sflag:s11], $0x800  }
0x144: {  	s8 =	sld [smem:$0x787]  }
0x145: {  	[sflag:s11] =	ssyncset.done $0x0  }
0x146: {  	[sflag:s11] =	ssyncadd.s32 $0xFFFFF800  }
0x147: {  	[spmem:s8] =	stream.linear.scatter [tilespmem:s10], [sflag:$0x5], $0x800, $0x38;
	[tilespmem:$0x1ED40] =	vst v63  }
0x148: {  	_ =	swait.ge [sflag:s11], $0x800  }
0x149: {  	s29 =	sld [smem:$0x788]  }
0x14a: {  	[sflag:s11] =	ssyncset.done $0x0  }
0x14b: {  	[sflag:s11] =	ssyncadd.s32 $0xFFFFF800  }
0x14c: {  	[spmem:s29] =	stream.linear.scatter [tilespmem:s10], [sflag:$0x5], $0x800, $0x38;
	[tilespmem:$0x1ED40] =	vst v63  }
0x14d: {  	_ =	swait.ge [sflag:s11], $0x800  }
0x14e: {  	s31 =	sld [smem:$0x789]  }
0x14f: {  	[sflag:s11] =	ssyncset.done $0x0  }
0x150: {  	[sflag:s11] =	ssyncadd.s32 $0xFFFFF800  }
0x151: {  	[spmem:s31] =	stream.linear.scatter [tilespmem:s10], [sflag:$0x5], $0x800, $0x38;
	[tilespmem:$0x1ED40] =	vst v63  }
0x152: {  	_ =	swait.ge [sflag:s11], $0x800  }
0x153: {  	s8 =	sld [smem:$0x78A]  }
0x154: {  	[sflag:s11] =	ssyncset.done $0x0  }
0x155: {  	[sflag:s11] =	ssyncadd.s32 $0xFFFFF800  }
0x156: {  	[spmem:s8] =	stream.linear.scatter [tilespmem:s10], [sflag:$0x5], $0x800, $0x38;
	[tilespmem:$0x1ED40] =	vst v63  }
0x157: {  	_ =	swait.ge [sflag:s11], $0x800  }
0x158: {  	s29 =	sld [smem:$0x78B]  }
0x159: {  	[sflag:s11] =	ssyncset.done $0x0  }
0x15a: {  	[sflag:s11] =	ssyncadd.s32 $0xFFFFF800  }
0x15b: {  	[spmem:s29] =	stream.linear.scatter [tilespmem:s10], [sflag:$0x5], $0x800, $0x38;
	[tilespmem:$0x1ED40] =	vst v63  }
0x15c: {  	_ =	swait.ge [sflag:s11], $0x800  }
0x15d: {  	s31 =	sld [smem:$0x78C]  }
0x15e: {  	[sflag:s11] =	ssyncset.done $0x0  }
0x15f: {  	[sflag:s11] =	ssyncadd.s32 $0xFFFFF800  }
0x160: {  	[spmem:s31] =	stream.linear.scatter [tilespmem:s10], [sflag:$0x5], $0x800, $0x38;
	[tilespmem:$0x1ED40] =	vst v63  }
0x161: {  	_ =	swait.ge [sflag:s11], $0x800  }
0x162: {  	s8 =	sld [smem:$0x78D]  }
0x163: {  	[sflag:s11] =	ssyncset.done $0x0  }
0x164: {  	[sflag:s11] =	ssyncadd.s32 $0xFFFFF800  }
0x165: {  	[spmem:s8] =	stream.linear.scatter [tilespmem:s10], [sflag:$0x5], $0x800, $0x38;
	[tilespmem:$0x1ED40] =	vst v63  }
0x166: {  	_ =	swait.ge [sflag:s11], $0x800  }
0x167: {  	s29 =	sld [smem:$0x78E]  }
0x168: {  	[sflag:s11] =	ssyncset.done $0x0  }
0x169: {  	[sflag:s11] =	ssyncadd.s32 $0xFFFFF800  }
0x16a: {  	[spmem:s29] =	stream.linear.scatter [tilespmem:s10], [sflag:$0x5], $0x800, $0x38;
	[tilespmem:$0x1ED40] =	vst v63  }
0x16b: {  	_ =	swait.ge [sflag:s11], $0x800  }
0x16c: {  	s31 =	sld [smem:$0x78F]  }
0x16d: {  	[sflag:s11] =	ssyncset.done $0x0  }
0x16e: {  	[sflag:s11] =	ssyncadd.s32 $0xFFFFF800  }
0x16f: {  	[spmem:s31] =	stream.linear.scatter [tilespmem:s10], [sflag:$0x5], $0x800, $0x38;
	[tilespmem:$0x1ED40] =	vst v63  }
0x170: {  	_ =	swait.ge [sflag:s11], $0x800  }
0x171: {  	s8 =	sld [smem:$0x790]  }
0x172: {  	[sflag:s11] =	ssyncset.done $0x0  }
0x173: {  	[sflag:s11] =	ssyncadd.s32 $0xFFFFF800  }
0x174: {  	[spmem:s8] =	stream.linear.scatter [tilespmem:s10], [sflag:$0x5], $0x800, $0x38;
	[tilespmem:$0x1ED40] =	vst v63  }
0x175: {  	_ =	swait.ge [sflag:s11], $0x800  }
0x176: {  	s29 =	sld [smem:$0x791]  }
0x177: {  	[sflag:s11] =	ssyncset.done $0x0  }
0x178: {  	[sflag:s11] =	ssyncadd.s32 $0xFFFFF800  }
0x179: {  	[spmem:s29] =	stream.linear.scatter [tilespmem:s10], [sflag:$0x5], $0x800, $0x38;
	[tilespmem:$0x1ED40] =	vst v63  }
0x17a: {  	_ =	swait.ge [sflag:s11], $0x800  }
0x17b: {  	s31 =	sld [smem:$0x792]  }
0x17c: {  	[sflag:s11] =	ssyncset.done $0x0  }
0x17d: {  	[sflag:s11] =	ssyncadd.s32 $0xFFFFF800  }
0x17e: {  	[spmem:s31] =	stream.linear.scatter [tilespmem:s10], [sflag:$0x5], $0x800, $0x38;
	[tilespmem:$0x1ED40] =	vst v63  }
0x17f: {  	_ =	swait.ge [sflag:s11], $0x800  }
0x180: {  	s8 =	sld [smem:$0x793]  }
0x181: {  	[sflag:s11] =	ssyncset.done $0x0  }
0x182: {  	[sflag:s11] =	ssyncadd.s32 $0xFFFFF800  }
0x183: {  	[spmem:s8] =	stream.linear.scatter [tilespmem:s10], [sflag:$0x5], $0x800, $0x38;
	[tilespmem:$0x1ED40] =	vst v63  }
0x184: {  	_ =	swait.ge [sflag:s11], $0x800  }
0x185: {  	s29 =	sld [smem:$0x794]  }
0x186: {  	[sflag:s11] =	ssyncset.done $0x0  }
0x187: {  	[sflag:s11] =	ssyncadd.s32 $0xFFFFF800  }
0x188: {  	[spmem:s29] =	stream.linear.scatter [tilespmem:s10], [sflag:$0x5], $0x800, $0x38;
	[tilespmem:$0x1ED40] =	vst v63  }
0x189: {  	_ =	swait.ge [sflag:s11], $0x800  }
0x18a: {  	s31 =	sld [smem:$0x795]  }
0x18b: {  	[sflag:s11] =	ssyncset.done $0x0  }
0x18c: {  	[sflag:s11] =	ssyncadd.s32 $0xFFFFF800  }
0x18d: {  	[spmem:s31] =	stream.linear.scatter [tilespmem:s10], [sflag:$0x5], $0x800, $0x38;
	[tilespmem:$0x1ED40] =	vst v63  }
0x18e: {  	_ =	swait.ge [sflag:s11], $0x800  }
0x18f: {  	s8 =	sld [smem:$0x796]  }
0x190: {  	[sflag:s11] =	ssyncset.done $0x0  }
0x191: {  	[sflag:s11] =	ssyncadd.s32 $0xFFFFF800  }
0x192: {  	[spmem:s8] =	stream.linear.scatter [tilespmem:s10], [sflag:$0x5], $0x800, $0x38;
	[tilespmem:$0x1ED40] =	vst v63  }
0x193: {  	_ =	swait.ge [sflag:s11], $0x800  }
0x194: {  	s29 =	sld [smem:$0x797]  }
0x195: {  	[sflag:s11] =	ssyncset.done $0x0  }
0x196: {  	[sflag:s11] =	ssyncadd.s32 $0xFFFFF800  }
0x197: {  	[spmem:s29] =	stream.linear.scatter [tilespmem:s10], [sflag:$0x5], $0x800, $0x38;
	[tilespmem:$0x1ED40] =	vst v63  }
0x198: {  	_ =	swait.ge [sflag:s11], $0x800  }
0x199: {  	s31 =	sld [smem:$0x798]  }
0x19a: {  	[sflag:s11] =	ssyncset.done $0x0  }
0x19b: {  	[sflag:s11] =	ssyncadd.s32 $0xFFFFF800  }
0x19c: {  	[spmem:s31] =	stream.linear.scatter [tilespmem:s10], [sflag:$0x5], $0x800, $0x38;
	[tilespmem:$0x1ED40] =	vst v63  }
0x19d: {  	_ =	swait.ge [sflag:s11], $0x800  }
0x19e: {  	[sflag:s11] =	ssyncset.done $0x0  }
0x19f: {  	[sflag:s11] =	ssyncadd.s32 $0xFFFFF800  }
0x1a0: {  	[spmem:s6] =	stream.linear.scatter [tilespmem:s12], [sflag:$0x5], $0x40, $0x38;
	[tilespmem:$0x1ED40] =	vst v63  }
0x1a1: {  	_ =	swait.ge [sflag:s11], $0x40  }
0x1a2: {  	s8 =	sld [smem:$0x79C]  }
0x1a3: {  	[sflag:s11] =	ssyncset.done $0x0  }
0x1a4: {  	[sflag:s11] =	ssyncadd.s32 $0xFFFFFFC0  }
0x1a5: {  	[spmem:s8] =	stream.linear.scatter [tilespmem:s12], [sflag:$0x5], $0x40, $0x38;
	[tilespmem:$0x1ED40] =	vst v63  }
0x1a6: {  	_ =	swait.ge [sflag:s11], $0x40  }
0x1a7: {  	s29 =	sld [smem:$0x79D]  }
0x1a8: {  	[sflag:s11] =	ssyncset.done $0x0  }
0x1a9: {  	[sflag:s11] =	ssyncadd.s32 $0xFFFFFFC0  }
0x1aa: {  	[spmem:s29] =	stream.linear.scatter [tilespmem:s12], [sflag:$0x5], $0x40, $0x38;
	[tilespmem:$0x1ED40] =	vst v63  }
0x1ab: {  	_ =	swait.ge [sflag:s11], $0x40  }
0x1ac: {  	s31 =	sld [smem:$0x79E]  }
0x1ad: {  	[sflag:s11] =	ssyncset.done $0x0  }
0x1ae: {  	[sflag:s11] =	ssyncadd.s32 $0xFFFFFFC0  }
0x1af: {  	[spmem:s31] =	stream.linear.scatter [tilespmem:s12], [sflag:$0x5], $0x40, $0x38;
	[tilespmem:$0x1ED40] =	vst v63  }
0x1b0: {  	_ =	swait.ge [sflag:s11], $0x40  }
0x1b1: {  	s8 =	sld [smem:$0x79F]  }
0x1b2: {  	[sflag:s11] =	ssyncset.done $0x0  }
0x1b3: {  	[sflag:s11] =	ssyncadd.s32 $0xFFFFFFC0  }
0x1b4: {  	[spmem:s8] =	stream.linear.scatter [tilespmem:s12], [sflag:$0x5], $0x40, $0x38;
	[tilespmem:$0x1ED40] =	vst v63  }
0x1b5: {  	_ =	swait.ge [sflag:s11], $0x40  }
0x1b6: {  	s29 =	sld [smem:$0x7A0]  }
0x1b7: {  	[sflag:s11] =	ssyncset.done $0x0  }
0x1b8: {  	[sflag:s11] =	ssyncadd.s32 $0xFFFFFFC0  }
0x1b9: {  	[spmem:s29] =	stream.linear.scatter [tilespmem:s12], [sflag:$0x5], $0x40, $0x38;
	[tilespmem:$0x1ED40] =	vst v63  }
0x1ba: {  	_ =	swait.ge [sflag:s11], $0x40  }
0x1bb: {  	s31 =	sld [smem:$0x7A1]  }
0x1bc: {  	[sflag:s11] =	ssyncset.done $0x0  }
0x1bd: {  	[sflag:s11] =	ssyncadd.s32 $0xFFFFFFC0  }
0x1be: {  	[spmem:s31] =	stream.linear.scatter [tilespmem:s12], [sflag:$0x5], $0x40, $0x38;
	[tilespmem:$0x1ED40] =	vst v63  }
0x1bf: {  	_ =	swait.ge [sflag:s11], $0x40  }
0x1c0: {  	s8 =	sld [smem:$0x7A2]  }
0x1c1: {  	[sflag:s11] =	ssyncset.done $0x0  }
0x1c2: {  	[sflag:s11] =	ssyncadd.s32 $0xFFFFFFC0  }
0x1c3: {  	[spmem:s8] =	stream.linear.scatter [tilespmem:s12], [sflag:$0x5], $0x40, $0x38;
	[tilespmem:$0x1ED40] =	vst v63  }
0x1c4: {  	_ =	swait.ge [sflag:s11], $0x40  }
0x1c5: {  	s29 =	sld [smem:$0x7A3]  }
0x1c6: {  	[sflag:s11] =	ssyncset.done $0x0  }
0x1c7: {  	[sflag:s11] =	ssyncadd.s32 $0xFFFFFFC0  }
0x1c8: {  	[spmem:s29] =	stream.linear.scatter [tilespmem:s12], [sflag:$0x5], $0x40, $0x38;
	[tilespmem:$0x1ED40] =	vst v63  }
0x1c9: {  	_ =	swait.ge [sflag:s11], $0x40  }
0x1ca: {  	s31 =	sld [smem:$0x7A4]  }
0x1cb: {  	[sflag:s11] =	ssyncset.done $0x0  }
0x1cc: {  	[sflag:s11] =	ssyncadd.s32 $0xFFFFFFC0  }
0x1cd: {  	[spmem:s31] =	stream.linear.scatter [tilespmem:s12], [sflag:$0x5], $0x40, $0x38;
	[tilespmem:$0x1ED40] =	vst v63  }
0x1ce: {  	_ =	swait.ge [sflag:s11], $0x40  }
0x1cf: {  	s8 =	sld [smem:$0x7A5]  }
0x1d0: {  	[sflag:s11] =	ssyncset.done $0x0  }
0x1d1: {  	[sflag:s11] =	ssyncadd.s32 $0xFFFFFFC0  }
0x1d2: {  	[spmem:s8] =	stream.linear.scatter [tilespmem:s12], [sflag:$0x5], $0x40, $0x38;
	[tilespmem:$0x1ED40] =	vst v63  }
0x1d3: {  	_ =	swait.ge [sflag:s11], $0x40  }
0x1d4: {  	s29 =	sld [smem:$0x7A6]  }
0x1d5: {  	[sflag:s11] =	ssyncset.done $0x0  }
0x1d6: {  	[sflag:s11] =	ssyncadd.s32 $0xFFFFFFC0  }
0x1d7: {  	[spmem:s29] =	stream.linear.scatter [tilespmem:s12], [sflag:$0x5], $0x40, $0x38;
	[tilespmem:$0x1ED40] =	vst v63  }
0x1d8: {  	_ =	swait.ge [sflag:s11], $0x40  }
0x1d9: {  	s31 =	sld [smem:$0x7A7]  }
0x1da: {  	[sflag:s11] =	ssyncset.done $0x0  }
0x1db: {  	[sflag:s11] =	ssyncadd.s32 $0xFFFFFFC0  }
0x1dc: {  	[spmem:s31] =	stream.linear.scatter [tilespmem:s12], [sflag:$0x5], $0x40, $0x38;
	[tilespmem:$0x1ED40] =	vst v63  }
0x1dd: {  	_ =	swait.ge [sflag:s11], $0x40  }
0x1de: {  	s8 =	sld [smem:$0x7A8]  }
0x1df: {  	[sflag:s11] =	ssyncset.done $0x0  }
0x1e0: {  	[sflag:s11] =	ssyncadd.s32 $0xFFFFFFC0  }
0x1e1: {  	[spmem:s8] =	stream.linear.scatter [tilespmem:s12], [sflag:$0x5], $0x40, $0x38;
	[tilespmem:$0x1ED40] =	vst v63  }
0x1e2: {  	_ =	swait.ge [sflag:s11], $0x40  }
0x1e3: {  	s29 =	sld [smem:$0x7A9]  }
0x1e4: {  	[sflag:s11] =	ssyncset.done $0x0  }
0x1e5: {  	[sflag:s11] =	ssyncadd.s32 $0xFFFFFFC0  }
0x1e6: {  	[spmem:s29] =	stream.linear.scatter [tilespmem:s12], [sflag:$0x5], $0x40, $0x38;
	[tilespmem:$0x1ED40] =	vst v63  }
0x1e7: {  	_ =	swait.ge [sflag:s11], $0x40  }
0x1e8: {  	s31 =	sld [smem:$0x7AA]  }
0x1e9: {  	[sflag:s11] =	ssyncset.done $0x0  }
0x1ea: {  	[sflag:s11] =	ssyncadd.s32 $0xFFFFFFC0  }
0x1eb: {  	[spmem:s31] =	stream.linear.scatter [tilespmem:s12], [sflag:$0x5], $0x40, $0x38;
	[tilespmem:$0x1ED40] =	vst v63  }
0x1ec: {  	_ =	swait.ge [sflag:s11], $0x40  }
0x1ed: {  	s8 =	sld [smem:$0x7AB]  }
0x1ee: {  	[sflag:s11] =	ssyncset.done $0x0  }
0x1ef: {  	[sflag:s11] =	ssyncadd.s32 $0xFFFFFFC0  }
0x1f0: {  	[spmem:s8] =	stream.linear.scatter [tilespmem:s12], [sflag:$0x5], $0x40, $0x38;
	[tilespmem:$0x1ED40] =	vst v63  }
0x1f1: {  	_ =	swait.ge [sflag:s11], $0x40  }
0x1f2: {  	s29 =	sld [smem:$0x7AC]  }
0x1f3: {  	[sflag:s11] =	ssyncset.done $0x0  }
0x1f4: {  	[sflag:s11] =	ssyncadd.s32 $0xFFFFFFC0  }
0x1f5: {  	[spmem:s29] =	stream.linear.scatter [tilespmem:s12], [sflag:$0x5], $0x40, $0x38;
	[tilespmem:$0x1ED40] =	vst v63  }
0x1f6: {  	_ =	swait.ge [sflag:s11], $0x40  }
0x1f7: {  	s31 =	sld [smem:$0x7AD]  }
0x1f8: {  	[sflag:s11] =	ssyncset.done $0x0  }
0x1f9: {  	[sflag:s11] =	ssyncadd.s32 $0xFFFFFFC0  }
0x1fa: {  	[spmem:s31] =	stream.linear.scatter [tilespmem:s12], [sflag:$0x5], $0x40, $0x38;
	[tilespmem:$0x1ED40] =	vst v63  }
0x1fb: {  	_ =	swait.ge [sflag:s11], $0x40  }
0x1fc: {  	s8 =	sld [smem:$0x7AE]  }
0x1fd: {  	[sflag:s11] =	ssyncset.done $0x0  }
0x1fe: {  	[sflag:s11] =	ssyncadd.s32 $0xFFFFFFC0  }
0x1ff: {  	[spmem:s8] =	stream.linear.scatter [tilespmem:s12], [sflag:$0x5], $0x40, $0x38;
	[tilespmem:$0x1ED40] =	vst v63  }
0x200: {  	_ =	swait.ge [sflag:s11], $0x40  }
0x201: {  	s29 =	sld [smem:$0x7AF]  }
0x202: {  	[sflag:s11] =	ssyncset.done $0x0  }
0x203: {  	[sflag:s11] =	ssyncadd.s32 $0xFFFFFFC0  }
0x204: {  	[spmem:s29] =	stream.linear.scatter [tilespmem:s12], [sflag:$0x5], $0x40, $0x38;
	[tilespmem:$0x1ED40] =	vst v63  }
0x205: {  	_ =	swait.ge [sflag:s11], $0x40  }
0x206: {  	s31 =	sld [smem:$0x7B0]  }
0x207: {  	[sflag:s11] =	ssyncset.done $0x0  }
0x208: {  	[sflag:s11] =	ssyncadd.s32 $0xFFFFFFC0  }
0x209: {  	[spmem:s31] =	stream.linear.scatter [tilespmem:s12], [sflag:$0x5], $0x40, $0x38;
	[tilespmem:$0x1ED40] =	vst v63  }
0x20a: {  	_ =	swait.ge [sflag:s11], $0x40  }
0x20b: {  	s8 =	sld [smem:$0x7B1]  }
0x20c: {  	[sflag:s11] =	ssyncset.done $0x0  }
0x20d: {  	[sflag:s11] =	ssyncadd.s32 $0xFFFFFFC0  }
0x20e: {  	[spmem:s8] =	stream.linear.scatter [tilespmem:s12], [sflag:$0x5], $0x40, $0x38;
	[tilespmem:$0x1ED40] =	vst v63  }
0x20f: {  	_ =	swait.ge [sflag:s11], $0x40  }
0x210: {  	s29 =	sld [smem:$0x7B2]  }
0x211: {  	[sflag:s11] =	ssyncset.done $0x0  }
0x212: {  	[sflag:s11] =	ssyncadd.s32 $0xFFFFFFC0  }
0x213: {  	[spmem:s29] =	stream.linear.scatter [tilespmem:s12], [sflag:$0x5], $0x40, $0x38;
	[tilespmem:$0x1ED40] =	vst v63  }
0x214: {  	_ =	swait.ge [sflag:s11], $0x40  }
0x215: {  	s31 =	sld [smem:$0x7B3]  }
0x216: {  	[sflag:s11] =	ssyncset.done $0x0  }
0x217: {  	[sflag:s11] =	ssyncadd.s32 $0xFFFFFFC0  }
0x218: {  	[spmem:s31] =	stream.linear.scatter [tilespmem:s12], [sflag:$0x5], $0x40, $0x38;
	[tilespmem:$0x1ED40] =	vst v63  }
0x219: {  	_ =	swait.ge [sflag:s11], $0x40  }
0x21a: {  	s8 =	sld [smem:$0x7B4]  }
0x21b: {  	[sflag:s11] =	ssyncset.done $0x0  }
0x21c: {  	[sflag:s11] =	ssyncadd.s32 $0xFFFFFFC0  }
0x21d: {  	[spmem:s8] =	stream.linear.scatter [tilespmem:s12], [sflag:$0x5], $0x40, $0x38;
	[tilespmem:$0x1ED40] =	vst v63  }
0x21e: {  	_ =	swait.ge [sflag:s11], $0x40  }
0x21f: {  	s29 =	sld [smem:$0x7B5]  }
0x220: {  	[sflag:s11] =	ssyncset.done $0x0  }
0x221: {  	[sflag:s11] =	ssyncadd.s32 $0xFFFFFFC0  }
0x222: {  	[spmem:s29] =	stream.linear.scatter [tilespmem:s12], [sflag:$0x5], $0x40, $0x38;
	[tilespmem:$0x1ED40] =	vst v63  }
0x223: {  	_ =	swait.ge [sflag:s11], $0x40  }
0x224: {  	s31 =	sld [smem:$0x7B6]  }
0x225: {  	[sflag:s11] =	ssyncset.done $0x0  }
0x226: {  	[sflag:s11] =	ssyncadd.s32 $0xFFFFFFC0  }
0x227: {  	[spmem:s31] =	stream.linear.scatter [tilespmem:s12], [sflag:$0x5], $0x40, $0x38;
	[tilespmem:$0x1ED40] =	vst v63  }
0x228: {  	_ =	swait.ge [sflag:s11], $0x40  }
0x229: {  	s8 =	sld [smem:$0x7B7]  }
0x22a: {  	[sflag:s11] =	ssyncset.done $0x0  }
0x22b: {  	[sflag:s11] =	ssyncadd.s32 $0xFFFFFFC0  }
0x22c: {  	[spmem:s8] =	stream.linear.scatter [tilespmem:s12], [sflag:$0x5], $0x40, $0x38;
	[tilespmem:$0x1ED40] =	vst v63  }
0x22d: {  	_ =	swait.ge [sflag:s11], $0x40  }
0x22e: {  	s29 =	sld [smem:$0x7B8]  }
0x22f: {  	[sflag:s11] =	ssyncset.done $0x0  }
0x230: {  	[sflag:s11] =	ssyncadd.s32 $0xFFFFFFC0  }
0x231: {  	[spmem:s29] =	stream.linear.scatter [tilespmem:s12], [sflag:$0x5], $0x40, $0x38;
	[tilespmem:$0x1ED40] =	vst v63  }
0x232: {  	_ =	swait.ge [sflag:s11], $0x40  }
0x233: {  	s31 =	sld [smem:$0x7B9]  }
0x234: {  	[sflag:s11] =	ssyncset.done $0x0  }
0x235: {  	[sflag:s11] =	ssyncadd.s32 $0xFFFFFFC0  }
0x236: {  	[spmem:s31] =	stream.linear.scatter [tilespmem:s12], [sflag:$0x5], $0x40, $0x38;
	[tilespmem:$0x1ED40] =	vst v63  }
0x237: {  	_ =	swait.ge [sflag:s11], $0x40  }
0x238: {  	s8 =	sld [smem:$0x7BA]  }
0x239: {  	[sflag:s11] =	ssyncset.done $0x0  }
0x23a: {  	[sflag:s11] =	ssyncadd.s32 $0xFFFFFFC0  }
0x23b: {  	[spmem:s8] =	stream.linear.scatter [tilespmem:s12], [sflag:$0x5], $0x40, $0x38;
	[tilespmem:$0x1ED40] =	vst v63  }
0x23c: {  	_ =	swait.ge [sflag:s11], $0x40  }
0x23d: {  	s29 =	sld [smem:$0x7BB]  }
0x23e: {  	[sflag:s11] =	ssyncset.done $0x0  }
0x23f: {  	[sflag:s11] =	ssyncadd.s32 $0xFFFFFFC0  }
0x240: {  	[spmem:s29] =	stream.linear.scatter [tilespmem:s12], [sflag:$0x5], $0x40, $0x38;
	[tilespmem:$0x1ED40] =	vst v63  }
0x241: {  	_ =	swait.ge [sflag:s11], $0x40  }
0x242: {  	s31 =	sld [smem:$0x7BC]  }
0x243: {  	[sflag:s11] =	ssyncset.done $0x0  }
0x244: {  	[sflag:s11] =	ssyncadd.s32 $0xFFFFFFC0  }
0x245: {  	[spmem:s31] =	stream.linear.scatter [tilespmem:s12], [sflag:$0x5], $0x40, $0x38;
	[tilespmem:$0x1ED40] =	vst v63  }
0x246: {  	_ =	swait.ge [sflag:s11], $0x40  }
0x247: {  	s8 =	sld [smem:$0x7BD]  }
0x248: {  	[sflag:s11] =	ssyncset.done $0x0  }
0x249: {  	[sflag:s11] =	ssyncadd.s32 $0xFFFFFFC0  }
0x24a: {  	[spmem:s8] =	stream.linear.scatter [tilespmem:s12], [sflag:$0x5], $0x40, $0x38;
	[tilespmem:$0x1ED40] =	vst v63  }
0x24b: {  	_ =	swait.ge [sflag:s11], $0x40  }
0x24c: {  	s29 =	sld [smem:$0x7BE]  }
0x24d: {  	[sflag:s11] =	ssyncset.done $0x0  }
0x24e: {  	[sflag:s11] =	ssyncadd.s32 $0xFFFFFFC0  }
0x24f: {  	[spmem:s29] =	stream.linear.scatter [tilespmem:s12], [sflag:$0x5], $0x40, $0x38;
	[tilespmem:$0x1ED40] =	vst v63  }
0x250: {  	_ =	swait.ge [sflag:s11], $0x40  }
0x251: {  	s31 =	sld [smem:$0x7BF]  }
0x252: {  	[sflag:s11] =	ssyncset.done $0x0  }
0x253: {  	[sflag:s11] =	ssyncadd.s32 $0xFFFFFFC0  }
0x254: {  	[spmem:s31] =	stream.linear.scatter [tilespmem:s12], [sflag:$0x5], $0x40, $0x38;
	[tilespmem:$0x1ED40] =	vst v63  }
0x255: {  	_ =	swait.ge [sflag:s11], $0x40  }
0x256: {  	s8 =	sld [smem:$0x7C0]  }
0x257: {  	[sflag:s11] =	ssyncset.done $0x0  }
0x258: {  	[sflag:s11] =	ssyncadd.s32 $0xFFFFFFC0  }
0x259: {  	[spmem:s8] =	stream.linear.scatter [tilespmem:s12], [sflag:$0x5], $0x40, $0x38;
	[tilespmem:$0x1ED40] =	vst v63  }
0x25a: {  	_ =	swait.ge [sflag:s11], $0x40  }
0x25b: {  	s29 =	sld [smem:$0x7C1]  }
0x25c: {  	[sflag:s11] =	ssyncset.done $0x0  }
0x25d: {  	[sflag:s11] =	ssyncadd.s32 $0xFFFFFFC0  }
0x25e: {  	[spmem:s29] =	stream.linear.scatter [tilespmem:s12], [sflag:$0x5], $0x40, $0x38;
	[tilespmem:$0x1ED40] =	vst v63  }
0x25f: {  	_ =	swait.ge [sflag:s11], $0x40  }
0x260: {  	s31 =	sld [smem:$0x7C2]  }
0x261: {  	[sflag:s11] =	ssyncset.done $0x0  }
0x262: {  	[sflag:s11] =	ssyncadd.s32 $0xFFFFFFC0  }
0x263: {  	[spmem:s31] =	stream.linear.scatter [tilespmem:s12], [sflag:$0x5], $0x40, $0x38;
	[tilespmem:$0x1ED40] =	vst v63  }
0x264: {  	_ =	swait.ge [sflag:s11], $0x40  }
0x265: {  	s8 =	sld [smem:$0x7C3]  }
0x266: {  	[sflag:s11] =	ssyncset.done $0x0  }
0x267: {  	[sflag:s11] =	ssyncadd.s32 $0xFFFFFFC0  }
0x268: {  	[spmem:s8] =	stream.linear.scatter [tilespmem:s12], [sflag:$0x5], $0x40, $0x38;
	[tilespmem:$0x1ED40] =	vst v63  }
0x269: {  	_ =	swait.ge [sflag:s11], $0x40  }
0x26a: {  	s29 =	sld [smem:$0x7C4]  }
0x26b: {  	[sflag:s11] =	ssyncset.done $0x0  }
0x26c: {  	[sflag:s11] =	ssyncadd.s32 $0xFFFFFFC0  }
0x26d: {  	[spmem:s29] =	stream.linear.scatter [tilespmem:s12], [sflag:$0x5], $0x40, $0x38;
	[tilespmem:$0x1ED40] =	vst v63  }
0x26e: {  	_ =	swait.ge [sflag:s11], $0x40  }
0x26f: {  	s31 =	sld [smem:$0x7C5]  }
0x270: {  	[sflag:s11] =	ssyncset.done $0x0  }
0x271: {  	[sflag:s11] =	ssyncadd.s32 $0xFFFFFFC0  }
0x272: {  	[spmem:s31] =	stream.linear.scatter [tilespmem:s12], [sflag:$0x5], $0x40, $0x38;
	[tilespmem:$0x1ED40] =	vst v63  }
0x273: {  	_ =	swait.ge [sflag:s11], $0x40  }
0x274: {  	s8 =	sld [smem:$0x7C6]  }
0x275: {  	[sflag:s11] =	ssyncset.done $0x0  }
0x276: {  	[sflag:s11] =	ssyncadd.s32 $0xFFFFFFC0  }
0x277: {  	[spmem:s8] =	stream.linear.scatter [tilespmem:s12], [sflag:$0x5], $0x40, $0x38;
	[tilespmem:$0x1ED40] =	vst v63  }
0x278: {  	_ =	swait.ge [sflag:s11], $0x40  }
0x279: {  	s29 =	sld [smem:$0x7C7]  }
0x27a: {  	[sflag:s11] =	ssyncset.done $0x0  }
0x27b: {  	[sflag:s11] =	ssyncadd.s32 $0xFFFFFFC0  }
0x27c: {  	[spmem:s29] =	stream.linear.scatter [tilespmem:s12], [sflag:$0x5], $0x40, $0x38;
	[tilespmem:$0x1ED40] =	vst v63  }
0x27d: {  	_ =	swait.ge [sflag:s11], $0x40  }
0x27e: {  	s31 =	sld [smem:$0x7C8]  }
0x27f: {  	[sflag:s11] =	ssyncset.done $0x0  }
0x280: {  	[sflag:s11] =	ssyncadd.s32 $0xFFFFFFC0  }
0x281: {  	[spmem:s31] =	stream.linear.scatter [tilespmem:s12], [sflag:$0x5], $0x40, $0x38;
	[tilespmem:$0x1ED40] =	vst v63  }
0x282: {  	_ =	swait.ge [sflag:s11], $0x40  }
0x283: {  	s8 =	sld [smem:$0x7C9]  }
0x284: {  	[sflag:s11] =	ssyncset.done $0x0  }
0x285: {  	[sflag:s11] =	ssyncadd.s32 $0xFFFFFFC0  }
0x286: {  	[spmem:s8] =	stream.linear.scatter [tilespmem:s12], [sflag:$0x5], $0x40, $0x38;
	[tilespmem:$0x1ED40] =	vst v63  }
0x287: {  	_ =	swait.ge [sflag:s11], $0x40  }
0x288: {  	s29 =	sld [smem:$0x7CA]  }
0x289: {  	[sflag:s11] =	ssyncset.done $0x0  }
0x28a: {  	[sflag:s11] =	ssyncadd.s32 $0xFFFFFFC0  }
0x28b: {  	[spmem:s29] =	stream.linear.scatter [tilespmem:s12], [sflag:$0x5], $0x40, $0x38;
	[tilespmem:$0x1ED40] =	vst v63  }
0x28c: {  	_ =	swait.ge [sflag:s11], $0x40  }
0x28d: {  	s31 =	sld [smem:$0x7CB]  }
0x28e: {  	[sflag:s11] =	ssyncset.done $0x0  }
0x28f: {  	[sflag:s11] =	ssyncadd.s32 $0xFFFFFFC0  }
0x290: {  	[spmem:s31] =	stream.linear.scatter [tilespmem:s12], [sflag:$0x5], $0x40, $0x38;
	[tilespmem:$0x1ED40] =	vst v63  }
0x291: {  	_ =	swait.ge [sflag:s11], $0x40  }
0x292: {  	s8 =	sld [smem:$0x7CC]  }
0x293: {  	[sflag:s11] =	ssyncset.done $0x0  }
0x294: {  	[sflag:s11] =	ssyncadd.s32 $0xFFFFFFC0  }
0x295: {  	[spmem:s8] =	stream.linear.scatter [tilespmem:s12], [sflag:$0x5], $0x40, $0x38;
	[tilespmem:$0x1ED40] =	vst v63  }
0x296: {  	_ =	swait.ge [sflag:s11], $0x40  }
0x297: {  	s29 =	sld [smem:$0x7CD]  }
0x298: {  	[sflag:s11] =	ssyncset.done $0x0  }
0x299: {  	[sflag:s11] =	ssyncadd.s32 $0xFFFFFFC0  }
0x29a: {  	[spmem:s29] =	stream.linear.scatter [tilespmem:s12], [sflag:$0x5], $0x40, $0x38;
	[tilespmem:$0x1ED40] =	vst v63  }
0x29b: {  	_ =	swait.ge [sflag:s11], $0x40  }
0x29c: {  	s31 =	sld [smem:$0x7CE]  }
0x29d: {  	[sflag:s11] =	ssyncset.done $0x0  }
0x29e: {  	[sflag:s11] =	ssyncadd.s32 $0xFFFFFFC0  }
0x29f: {  	[spmem:s31] =	stream.linear.scatter [tilespmem:s12], [sflag:$0x5], $0x40, $0x38;
	[tilespmem:$0x1ED40] =	vst v63  }
0x2a0: {  	_ =	swait.ge [sflag:s11], $0x40  }
0x2a1: {  	s8 =	sld [smem:$0x7CF]  }
0x2a2: {  	[sflag:s11] =	ssyncset.done $0x0  }
0x2a3: {  	[sflag:s11] =	ssyncadd.s32 $0xFFFFFFC0  }
0x2a4: {  	[spmem:s8] =	stream.linear.scatter [tilespmem:s12], [sflag:$0x5], $0x40, $0x38;
	[tilespmem:$0x1ED40] =	vst v63  }
0x2a5: {  	_ =	swait.ge [sflag:s11], $0x40  }
0x2a6: {  	s29 =	sld [smem:$0x7D0]  }
0x2a7: {  	[sflag:s11] =	ssyncset.done $0x0  }
0x2a8: {  	[sflag:s11] =	ssyncadd.s32 $0xFFFFFFC0  }
0x2a9: {  	[spmem:s29] =	stream.linear.scatter [tilespmem:s12], [sflag:$0x5], $0x40, $0x38;
	[tilespmem:$0x1ED40] =	vst v63  }
0x2aa: {  	_ =	swait.ge [sflag:s11], $0x40  }
0x2ab: {  	s31 =	sld [smem:$0x7D1]  }
0x2ac: {  	[sflag:s11] =	ssyncset.done $0x0  }
0x2ad: {  	[sflag:s11] =	ssyncadd.s32 $0xFFFFFFC0  }
0x2ae: {  	[spmem:s31] =	stream.linear.scatter [tilespmem:s12], [sflag:$0x5], $0x40, $0x38;
	[tilespmem:$0x1ED40] =	vst v63  }
0x2af: {  	_ =	swait.ge [sflag:s11], $0x40  }
0x2b0: {  	s8 =	sld [smem:$0x7D2]  }
0x2b1: {  	[sflag:s11] =	ssyncset.done $0x0  }
0x2b2: {  	[sflag:s11] =	ssyncadd.s32 $0xFFFFFFC0  }
0x2b3: {  	[spmem:s8] =	stream.linear.scatter [tilespmem:s12], [sflag:$0x5], $0x40, $0x38;
	[tilespmem:$0x1ED40] =	vst v63  }
0x2b4: {  	_ =	swait.ge [sflag:s11], $0x40  }
0x2b5: {  	s29 =	sld [smem:$0x7D3]  }
0x2b6: {  	[sflag:s11] =	ssyncset.done $0x0  }
0x2b7: {  	[sflag:s11] =	ssyncadd.s32 $0xFFFFFFC0  }
0x2b8: {  	[spmem:s29] =	stream.linear.scatter [tilespmem:s12], [sflag:$0x5], $0x40, $0x38;
	[tilespmem:$0x1ED40] =	vst v63  }
0x2b9: {  	_ =	swait.ge [sflag:s11], $0x40  }
0x2ba: {  	s31 =	sld [smem:$0x7D4]  }
0x2bb: {  	[sflag:s11] =	ssyncset.done $0x0  }
0x2bc: {  	[sflag:s11] =	ssyncadd.s32 $0xFFFFFFC0  }
0x2bd: {  	[spmem:s31] =	stream.linear.scatter [tilespmem:s12], [sflag:$0x5], $0x40, $0x38;
	[tilespmem:$0x1ED40] =	vst v63  }
0x2be: {  	_ =	swait.ge [sflag:s11], $0x40  }
0x2bf: {  	s8 =	sld [smem:$0x7D5]  }
0x2c0: {  	[sflag:s11] =	ssyncset.done $0x0  }
0x2c1: {  	[sflag:s11] =	ssyncadd.s32 $0xFFFFFFC0  }
0x2c2: {  	[spmem:s8] =	stream.linear.scatter [tilespmem:s12], [sflag:$0x5], $0x40, $0x38;
	[tilespmem:$0x1ED40] =	vst v63  }
0x2c3: {  	_ =	swait.ge [sflag:s11], $0x40  }
0x2c4: {  	s29 =	sld [smem:$0x7D6]  }
0x2c5: {  	[sflag:s11] =	ssyncset.done $0x0  }
0x2c6: {  	[sflag:s11] =	ssyncadd.s32 $0xFFFFFFC0  }
0x2c7: {  	[spmem:s29] =	stream.linear.scatter [tilespmem:s12], [sflag:$0x5], $0x40, $0x38;
	[tilespmem:$0x1ED40] =	vst v63  }
0x2c8: {  	_ =	swait.ge [sflag:s11], $0x40  }
0x2c9: {  	s31 =	sld [smem:$0x7D7]  }
0x2ca: {  	[sflag:s11] =	ssyncset.done $0x0  }
0x2cb: {  	[sflag:s11] =	ssyncadd.s32 $0xFFFFFFC0  }
0x2cc: {  	[spmem:s31] =	stream.linear.scatter [tilespmem:s12], [sflag:$0x5], $0x40, $0x38;
	[tilespmem:$0x1ED40] =	vst v63  }
0x2cd: {  	_ =	swait.ge [sflag:s11], $0x40  }
0x2ce: {  	s8 =	sld [smem:$0x7D8]  }
0x2cf: {  	[sflag:s11] =	ssyncset.done $0x0  }
0x2d0: {  	[sflag:s11] =	ssyncadd.s32 $0xFFFFFFC0  }
0x2d1: {  	[spmem:s8] =	stream.linear.scatter [tilespmem:s12], [sflag:$0x5], $0x40, $0x38;
	[tilespmem:$0x1ED40] =	vst v63  }
0x2d2: {  	_ =	swait.ge [sflag:s11], $0x40  }
0x2d3: {  	s29 =	sld [smem:$0x7D9]  }
0x2d4: {  	[sflag:s11] =	ssyncset.done $0x0  }
0x2d5: {  	[sflag:s11] =	ssyncadd.s32 $0xFFFFFFC0  }
0x2d6: {  	[spmem:s29] =	stream.linear.scatter [tilespmem:s12], [sflag:$0x5], $0x40, $0x38;
	[tilespmem:$0x1ED40] =	vst v63  }
0x2d7: {  	_ =	swait.ge [sflag:s11], $0x40  }
0x2d8: {  	s31 =	sld [smem:$0x7DA]  }
0x2d9: {  	[sflag:s11] =	ssyncset.done $0x0  }
0x2da: {  	[sflag:s11] =	ssyncadd.s32 $0xFFFFFFC0  }
0x2db: {  	[spmem:s31] =	stream.linear.scatter [tilespmem:s12], [sflag:$0x5], $0x40, $0x38;
	[tilespmem:$0x1ED40] =	vst v63  }
0x2dc: {  	_ =	swait.ge [sflag:s11], $0x40  }
0x2dd: {  	s8 =	sld [smem:$0x7DB]  }
0x2de: {  	[sflag:s11] =	ssyncset.done $0x0  }
0x2df: {  	[sflag:s11] =	ssyncadd.s32 $0xFFFFFFC0  }
0x2e0: {  	[spmem:s8] =	stream.linear.scatter [tilespmem:s12], [sflag:$0x5], $0x40, $0x38;
	[tilespmem:$0x1ED40] =	vst v63  }
0x2e1: {  	_ =	swait.ge [sflag:s11], $0x40  }
0x2e2: {  	s29 =	sld [smem:$0x7DC]  }
0x2e3: {  	[sflag:s11] =	ssyncset.done $0x0  }
0x2e4: {  	[sflag:s11] =	ssyncadd.s32 $0xFFFFFFC0  }
0x2e5: {  	[spmem:s29] =	stream.linear.scatter [tilespmem:s12], [sflag:$0x5], $0x40, $0x38;
	[tilespmem:$0x1ED40] =	vst v63  }
0x2e6: {  	_ =	swait.ge [sflag:s11], $0x40  }
0x2e7: {  	s31 =	sld [smem:$0x7DD]  }
0x2e8: {  	[sflag:s11] =	ssyncset.done $0x0  }
0x2e9: {  	[sflag:s11] =	ssyncadd.s32 $0xFFFFFFC0  }
0x2ea: {  	[spmem:s31] =	stream.linear.scatter [tilespmem:s12], [sflag:$0x5], $0x40, $0x38;
	[tilespmem:$0x1ED40] =	vst v63  }
0x2eb: {  	_ =	swait.ge [sflag:s11], $0x40  }
0x2ec: {  	s8 =	sld [smem:$0x7DE]  }
0x2ed: {  	[sflag:s11] =	ssyncset.done $0x0  }
0x2ee: {  	[sflag:s11] =	ssyncadd.s32 $0xFFFFFFC0  }
0x2ef: {  	[spmem:s8] =	stream.linear.scatter [tilespmem:s12], [sflag:$0x5], $0x40, $0x38;
	[tilespmem:$0x1ED40] =	vst v63  }
0x2f0: {  	_ =	swait.ge [sflag:s11], $0x40  }
0x2f1: {  	s29 =	sld [smem:$0x7DF]  }
0x2f2: {  	[sflag:s11] =	ssyncset.done $0x0  }
0x2f3: {  	[sflag:s11] =	ssyncadd.s32 $0xFFFFFFC0  }
0x2f4: {  	[spmem:s29] =	stream.linear.scatter [tilespmem:s12], [sflag:$0x5], $0x40, $0x38;
	[tilespmem:$0x1ED40] =	vst v63  }
0x2f5: {  	_ =	swait.ge [sflag:s11], $0x40  }
0x2f6: {  	s31 =	sld [smem:$0x7E0]  }
0x2f7: {  	[sflag:s11] =	ssyncset.done $0x0  }
0x2f8: {  	[sflag:s11] =	ssyncadd.s32 $0xFFFFFFC0  }
0x2f9: {  	[spmem:s31] =	stream.linear.scatter [tilespmem:s12], [sflag:$0x5], $0x40, $0x38;
	[tilespmem:$0x1ED40] =	vst v63  }
0x2fa: {  	_ =	swait.ge [sflag:s11], $0x40  }
0x2fb: {  	s8 =	sld [smem:$0x7E1]  }
0x2fc: {  	[sflag:s11] =	ssyncset.done $0x0  }
0x2fd: {  	[sflag:s11] =	ssyncadd.s32 $0xFFFFFFC0  }
0x2fe: {  	[spmem:s8] =	stream.linear.scatter [tilespmem:s12], [sflag:$0x5], $0x40, $0x38;
	[tilespmem:$0x1ED40] =	vst v63  }
0x2ff: {  	_ =	swait.ge [sflag:s11], $0x40  }
0x300: {  	s29 =	sld [smem:$0x7E2]  }
0x301: {  	[sflag:s11] =	ssyncset.done $0x0  }
0x302: {  	[sflag:s11] =	ssyncadd.s32 $0xFFFFFFC0  }
0x303: {  	[spmem:s29] =	stream.linear.scatter [tilespmem:s12], [sflag:$0x5], $0x40, $0x38;
	[tilespmem:$0x1ED40] =	vst v63  }
0x304: {  	_ =	swait.ge [sflag:s11], $0x40  }
0x305: {  	s31 =	sld [smem:$0x7E3]  }
0x306: {  	[sflag:s11] =	ssyncset.done $0x0  }
0x307: {  	[sflag:s11] =	ssyncadd.s32 $0xFFFFFFC0  }
0x308: {  	[spmem:s31] =	stream.linear.scatter [tilespmem:s12], [sflag:$0x5], $0x40, $0x38;
	[tilespmem:$0x1ED40] =	vst v63  }
0x309: {  	_ =	swait.ge [sflag:s11], $0x40  }
0x30a: {  	s8 =	sld [smem:$0x7E4]  }
0x30b: {  	[sflag:s11] =	ssyncset.done $0x0  }
0x30c: {  	[sflag:s11] =	ssyncadd.s32 $0xFFFFFFC0  }
0x30d: {  	[spmem:s8] =	stream.linear.scatter [tilespmem:s12], [sflag:$0x5], $0x40, $0x38;
	[tilespmem:$0x1ED40] =	vst v63  }
0x30e: {  	_ =	swait.ge [sflag:s11], $0x40  }
0x30f: {  	s29 =	sld [smem:$0x7E5]  }
0x310: {  	[sflag:s11] =	ssyncset.done $0x0  }
0x311: {  	[sflag:s11] =	ssyncadd.s32 $0xFFFFFFC0  }
0x312: {  	[spmem:s29] =	stream.linear.scatter [tilespmem:s12], [sflag:$0x5], $0x40, $0x38;
	[tilespmem:$0x1ED40] =	vst v63  }
0x313: {  	_ =	swait.ge [sflag:s11], $0x40  }
0x314: {  	s31 =	sld [smem:$0x7E6]  }
0x315: {  	[sflag:s11] =	ssyncset.done $0x0  }
0x316: {  	[sflag:s11] =	ssyncadd.s32 $0xFFFFFFC0  }
0x317: {  	[spmem:s31] =	stream.linear.scatter [tilespmem:s12], [sflag:$0x5], $0x40, $0x38;
	[tilespmem:$0x1ED40] =	vst v63  }
0x318: {  	_ =	swait.ge [sflag:s11], $0x40  }
0x319: {  	s8 =	sld [smem:$0x7E7]  }
0x31a: {  	[sflag:s11] =	ssyncset.done $0x0  }
0x31b: {  	[sflag:s11] =	ssyncadd.s32 $0xFFFFFFC0  }
0x31c: {  	[spmem:s8] =	stream.linear.scatter [tilespmem:s12], [sflag:$0x5], $0x40, $0x38;
	[tilespmem:$0x1ED40] =	vst v63  }
0x31d: {  	_ =	swait.ge [sflag:s11], $0x40  }
0x31e: {  	s29 =	sld [smem:$0x7E8]  }
0x31f: {  	[sflag:s11] =	ssyncset.done $0x0  }
0x320: {  	[sflag:s11] =	ssyncadd.s32 $0xFFFFFFC0  }
0x321: {  	[spmem:s29] =	stream.linear.scatter [tilespmem:s12], [sflag:$0x5], $0x40, $0x38;
	[tilespmem:$0x1ED40] =	vst v63  }
0x322: {  	_ =	swait.ge [sflag:s11], $0x40  }
0x323: {  	s31 =	sld [smem:$0x7E9]  }
0x324: {  	[sflag:s11] =	ssyncset.done $0x0  }
0x325: {  	[sflag:s11] =	ssyncadd.s32 $0xFFFFFFC0  }
0x326: {  	[spmem:s31] =	stream.linear.scatter [tilespmem:s12], [sflag:$0x5], $0x40, $0x38;
	[tilespmem:$0x1ED40] =	vst v63  }
0x327: {  	_ =	swait.ge [sflag:s11], $0x40  }
0x328: {  	s8 =	sld [smem:$0x7EA]  }
0x329: {  	[sflag:s11] =	ssyncset.done $0x0  }
0x32a: {  	[sflag:s11] =	ssyncadd.s32 $0xFFFFFFC0  }
0x32b: {  	[spmem:s8] =	stream.linear.scatter [tilespmem:s12], [sflag:$0x5], $0x40, $0x38;
	[tilespmem:$0x1ED40] =	vst v63  }
0x32c: {  	_ =	swait.ge [sflag:s11], $0x40  }
0x32d: {  	s29 =	sld [smem:$0x7EB]  }
0x32e: {  	[sflag:s11] =	ssyncset.done $0x0  }
0x32f: {  	[sflag:s11] =	ssyncadd.s32 $0xFFFFFFC0  }
0x330: {  	[spmem:s29] =	stream.linear.scatter [tilespmem:s12], [sflag:$0x5], $0x40, $0x38;
	[tilespmem:$0x1ED40] =	vst v63  }
0x331: {  	_ =	swait.ge [sflag:s11], $0x40  }
0x332: {  	s31 =	sld [smem:$0x7EC]  }
0x333: {  	[sflag:s11] =	ssyncset.done $0x0  }
0x334: {  	[sflag:s11] =	ssyncadd.s32 $0xFFFFFFC0  }
0x335: {  	[spmem:s31] =	stream.linear.scatter [tilespmem:s12], [sflag:$0x5], $0x40, $0x38;
	[tilespmem:$0x1ED40] =	vst v63  }
0x336: {  	_ =	swait.ge [sflag:s11], $0x40  }
0x337: {  	s8 =	sld [smem:$0x7ED]  }
0x338: {  	[sflag:s11] =	ssyncset.done $0x0  }
0x339: {  	[sflag:s11] =	ssyncadd.s32 $0xFFFFFFC0  }
0x33a: {  	[spmem:s8] =	stream.linear.scatter [tilespmem:s12], [sflag:$0x5], $0x40, $0x38;
	[tilespmem:$0x1ED40] =	vst v63  }
0x33b: {  	_ =	swait.ge [sflag:s11], $0x40  }
0x33c: {  	s29 =	sld [smem:$0x7EE]  }
0x33d: {  	[sflag:s11] =	ssyncset.done $0x0  }
0x33e: {  	[sflag:s11] =	ssyncadd.s32 $0xFFFFFFC0  }
0x33f: {  	[spmem:s29] =	stream.linear.scatter [tilespmem:s12], [sflag:$0x5], $0x40, $0x38;
	[tilespmem:$0x1ED40] =	vst v63  }
0x340: {  	_ =	swait.ge [sflag:s11], $0x40  }
0x341: {  	s31 =	sld [smem:$0x7EF]  }
0x342: {  	[sflag:s11] =	ssyncset.done $0x0  }
0x343: {  	[sflag:s11] =	ssyncadd.s32 $0xFFFFFFC0  }
0x344: {  	[spmem:s31] =	stream.linear.scatter [tilespmem:s12], [sflag:$0x5], $0x40, $0x38;
	[tilespmem:$0x1ED40] =	vst v63  }
0x345: {  	_ =	swait.ge [sflag:s11], $0x40  }
0x346: {  	s8 =	sld [smem:$0x7F0]  }
0x347: {  	[sflag:s11] =	ssyncset.done $0x0  }
0x348: {  	[sflag:s11] =	ssyncadd.s32 $0xFFFFFFC0  }
0x349: {  	[spmem:s8] =	stream.linear.scatter [tilespmem:s12], [sflag:$0x5], $0x40, $0x38;
	[tilespmem:$0x1ED40] =	vst v63  }
0x34a: {  	_ =	swait.ge [sflag:s11], $0x40  }
0x34b: {  	s29 =	sld [smem:$0x7F1]  }
0x34c: {  	[sflag:s11] =	ssyncset.done $0x0  }
0x34d: {  	[sflag:s11] =	ssyncadd.s32 $0xFFFFFFC0  }
0x34e: {  	[spmem:s29] =	stream.linear.scatter [tilespmem:s12], [sflag:$0x5], $0x40, $0x38;
	[tilespmem:$0x1ED40] =	vst v63  }
0x34f: {  	_ =	swait.ge [sflag:s11], $0x40  }
0x350: {  	s31 =	sld [smem:$0x7F2]  }
0x351: {  	[sflag:s11] =	ssyncset.done $0x0  }
0x352: {  	[sflag:s11] =	ssyncadd.s32 $0xFFFFFFC0  }
0x353: {  	[spmem:s31] =	stream.linear.scatter [tilespmem:s12], [sflag:$0x5], $0x40, $0x38;
	[tilespmem:$0x1ED40] =	vst v63  }
0x354: {  	_ =	swait.ge [sflag:s11], $0x40  }
0x355: {  	s8 =	sld [smem:$0x7F3]  }
0x356: {  	[sflag:s11] =	ssyncset.done $0x0  }
0x357: {  	[sflag:s11] =	ssyncadd.s32 $0xFFFFFFC0  }
0x358: {  	[spmem:s8] =	stream.linear.scatter [tilespmem:s12], [sflag:$0x5], $0x40, $0x38;
	[tilespmem:$0x1ED40] =	vst v63  }
0x359: {  	_ =	swait.ge [sflag:s11], $0x40  }
0x35a: {  	s29 =	sld [smem:$0x7F4]  }
0x35b: {  	[sflag:s11] =	ssyncset.done $0x0  }
0x35c: {  	[sflag:s11] =	ssyncadd.s32 $0xFFFFFFC0  }
0x35d: {  	[spmem:s29] =	stream.linear.scatter [tilespmem:s12], [sflag:$0x5], $0x40, $0x38;
	[tilespmem:$0x1ED40] =	vst v63  }
0x35e: {  	_ =	swait.ge [sflag:s11], $0x40  }
0x35f: {  	s31 =	sld [smem:$0x7F5]  }
0x360: {  	[sflag:s11] =	ssyncset.done $0x0  }
0x361: {  	[sflag:s11] =	ssyncadd.s32 $0xFFFFFFC0  }
0x362: {  	[spmem:s31] =	stream.linear.scatter [tilespmem:s12], [sflag:$0x5], $0x40, $0x38;
	[tilespmem:$0x1ED40] =	vst v63  }
0x363: {  	_ =	swait.ge [sflag:s11], $0x40  }
0x364: {  	s8 =	sld [smem:$0x7F6]  }
0x365: {  	[sflag:s11] =	ssyncset.done $0x0  }
0x366: {  	[sflag:s11] =	ssyncadd.s32 $0xFFFFFFC0  }
0x367: {  	[spmem:s8] =	stream.linear.scatter [tilespmem:s12], [sflag:$0x5], $0x40, $0x38;
	[tilespmem:$0x1ED40] =	vst v63  }
0x368: {  	_ =	swait.ge [sflag:s11], $0x40  }
0x369: {  	s29 =	sld [smem:$0x7F7]  }
0x36a: {  	[sflag:s11] =	ssyncset.done $0x0  }
0x36b: {  	[sflag:s11] =	ssyncadd.s32 $0xFFFFFFC0  }
0x36c: {  	[spmem:s29] =	stream.linear.scatter [tilespmem:s12], [sflag:$0x5], $0x40, $0x38;
	[tilespmem:$0x1ED40] =	vst v63  }
0x36d: {  	_ =	swait.ge [sflag:s11], $0x40  }
0x36e: {  	s31 =	sld [smem:$0x7F8]  }
0x36f: {  	[sflag:s11] =	ssyncset.done $0x0  }
0x370: {  	[sflag:s11] =	ssyncadd.s32 $0xFFFFFFC0  }
0x371: {  	[spmem:s31] =	stream.linear.scatter [tilespmem:s12], [sflag:$0x5], $0x40, $0x38;
	[tilespmem:$0x1ED40] =	vst v63  }
0x372: {  	_ =	swait.ge [sflag:s11], $0x40  }
0x373: {  	s8 =	sld [smem:$0x7F9]  }
0x374: {  	[sflag:s11] =	ssyncset.done $0x0  }
0x375: {  	[sflag:s11] =	ssyncadd.s32 $0xFFFFFFC0  }
0x376: {  	[spmem:s8] =	stream.linear.scatter [tilespmem:s12], [sflag:$0x5], $0x40, $0x38;
	[tilespmem:$0x1ED40] =	vst v63  }
0x377: {  	_ =	swait.ge [sflag:s11], $0x40  }
0x378: {  	s29 =	sld [smem:$0x7FA]  }
0x379: {  	[sflag:s11] =	ssyncset.done $0x0  }
0x37a: {  	[sflag:s11] =	ssyncadd.s32 $0xFFFFFFC0  }
0x37b: {  	[spmem:s29] =	stream.linear.scatter [tilespmem:s12], [sflag:$0x5], $0x40, $0x38;
	[tilespmem:$0x1ED40] =	vst v63  }
0x37c: {  	_ =	swait.ge [sflag:s11], $0x40  }
0x37d: {  	s31 =	sld [smem:$0x7FB]  }
0x37e: {  	[sflag:s11] =	ssyncset.done $0x0  }
0x37f: {  	[sflag:s11] =	ssyncadd.s32 $0xFFFFFFC0  }
0x380: {  	[spmem:s31] =	stream.linear.scatter [tilespmem:s12], [sflag:$0x5], $0x40, $0x38;
	[tilespmem:$0x1ED40] =	vst v63  }
0x381: {  	_ =	swait.ge [sflag:s11], $0x40  }
0x382: {  	s8 =	sld [smem:$0x7FC]  }
0x383: {  	[sflag:s11] =	ssyncset.done $0x0  }
0x384: {  	[sflag:s11] =	ssyncadd.s32 $0xFFFFFFC0  }
0x385: {  	[spmem:s8] =	stream.linear.scatter [tilespmem:s12], [sflag:$0x5], $0x40, $0x38;
	[tilespmem:$0x1ED40] =	vst v63  }
0x386: {  	_ =	swait.ge [sflag:s11], $0x40  }
0x387: {  	[sflag:s11] =	ssyncset.done $0x0  }
0x388: {  	[sflag:s11] =	ssyncadd.s32 $0xFFFFFFC0  }
0x389: {  	[bflag:$0x0] =	sbarrier.arrive $0xFFFF  }
0x38a: {  	s29 =	rddreg [dreg:$0x10]  }
.Ltmp3:
0x38b: {  	s31 =	sld [smem:$0x79A];
	(pc) =	sbr.rel .LBB2_4-.Ltmp3, $4  }
0x38c: {  	s28 =	simm.s32 $0x0;
	s8 =	sld [smem:$0x7FD]  }
0x38d: {  	[tilespmem:s28], [sflag:$0x1] =	stream.linear.gather [hbm4b:s29+s28], $0x100, $0x38;
	[tilespmem:$0x1ED40] =	vst v63  }
0x38e: {  	s30 =	sld [smem:$0x79B]  }
0x38f: {  	[tilespmem:s13], [sflag:$0x1] =	stream.linear.gather [hbm4b:s31+s28], $0x2000, $0x38;
	[tilespmem:$0x1ED40] =	vst v63  }
.LBB2_8:
0x390: {  	s0 =	simm.s32 @!p0 $0x3  }
0x391: {  	_ =	swait.ge @!p0 [sflag:s0], $0x1000  }
0x392: {  	[sflag:s0] =	ssyncset.done @!p0 $0x0  }
0x393: {  	[sflag:s0] =	ssyncadd.s32 @!p0 $0xFFFFF000  }
0x394: {  	_ =	swait.ge @!p0 [sflag:s0], $0x80  }
0x395: {  	[sflag:s0] =	ssyncset.done @!p0 $0x0  }
0x396: {  	[sflag:s0] =	ssyncadd.s32 @!p0 $0xFFFFFF80  }
0x397: {  	_ =	swait.ge @!p0 [sflag:s0], $0x1000  }
0x398: {  	[sflag:s0] =	ssyncset.done @!p0 $0x0  }
0x399: {  	[sflag:s0] =	ssyncadd.s32 @!p0 $0xFFFFF000  }
0x39a: {  	_ =	swait.ge @!p0 [sflag:s0], $0x80  }
0x39b: {  	s28 =	sadd.s32 $0x20, s28;
	[sflag:s0] =	ssyncset.done @!p0 $0x0  }
0x39c: {  	s29 =	sadd.s32 $0x20, s31;
	[sflag:s0] =	ssyncadd.s32 @!p0 $0xFFFFFF80;
	p0 =	sne.s32 s28, $0x1880  }
.Ltmp4:
0x39d: {  	p1 =	sgt.u32 s29, $0x1869;
	(pc) =	sbr.rel @!p0 .LBB2_9-.Ltmp4, $4  }
0x39e: {  	s29 =	simm.s32 @!p1 $0x0;
	s31 =	simm.s32 @!p1 $0x400;
	s0 =	sadd.s32 @!p1 $0x200, s8  }
0x39f: {  	[tilespmem:s29], [sflag:$0x1] =	stream.linear.gather @!p1 [hbm4b:s0+s29], $0x100, $0x38;
	[tilespmem:$0x1ED40] =	vst v63  }
0x3a0: {  	s8 =	sadd.s32 $0x400, s8;
	s0 =	sadd.s32 @!p1 $0x4000, s30;
	s30 =	sadd.s32 $0x8000, s30  }
0x3a1: {  	[tilespmem:s31], [sflag:$0x1] =	stream.linear.gather @!p1 [hbm4b:s0+s29], $0x2000, $0x38;
	[tilespmem:$0x1ED40] =	vst v63  }
.LBB2_4:
0x3a2: {  	p0 =	sge.u32 s28, s7  }
.Ltmp5:
0x3a3: {  	_ = 	snop;
	(pc) =	sbr.rel @p0 .LBB2_6-.Ltmp5, $1  }
0x3a4: {  	_ =	sdelay $0x3  }
0x3a5: {  	_ =	swait.ge [sflag:s14], $0x100  }
0x3a6: {  	[sflag:s14] =	ssyncset.done $0x0  }
0x3a7: {  	[sflag:s14] =	ssyncadd.s32 $0xFFFFFF00  }
0x3a8: {  	_ =	swait.ge [sflag:s14], $0x2000  }
0x3a9: {  	[sflag:s14] =	ssyncset.done $0x0  }
0x3aa: {  	[sflag:s14] =	ssyncadd.s32 $0xFFFFE000  }
0x3ab: {  	v3 =	vld [tilespmem:$0x0]  }
0x3ac: {  	v4 =	vld [tilespmem:$0x10]  }
0x3ad: {  	v5 =	vld [tilespmem:$0x20]  }
0x3ae: {  	v6 =	vld [tilespmem:$0x30]  }
0x3af: {  	v7 =	vld [tilespmem:$0x40]  }
0x3b0: {  	v8 =	vld [tilespmem:$0x50];
	v3 =	vsub.s32 v3, v0  }
0x3b1: {  	v9 =	vld [tilespmem:$0x60];
	v4 =	vsub.s32 v4, v0;
	v3 =	vmin.u32 v3, $0xC350  }
0x3b2: {  	v42 =	vld [tilespmem:$0x70];
	v41 =	vsub.s32 v5, v0;
	[tilespmem:$0x200] =	vst v3;
	v3 =	vmin.u32 v4, $0xC350  }
0x3b3: {  	v44 =	vld [tilespmem:$0x80];
	v43 =	vsub.s32 v6, v0;
	[tilespmem:$0x210] =	vst v3;
	v3 =	vmin.u32 v41, $0xC350  }
0x3b4: {  	v46 =	vld [tilespmem:$0x90];
	v45 =	vsub.s32 v7, v0;
	[tilespmem:$0x220] =	vst v3;
	v3 =	vmin.u32 v43, $0xC350  }
0x3b5: {  	v48 =	vld [tilespmem:$0xA0];
	v47 =	vsub.s32 v8, v0;
	[tilespmem:$0x230] =	vst v3;
	v3 =	vmin.u32 v45, $0xC350  }
0x3b6: {  	v50 =	vld [tilespmem:$0xB0];
	v49 =	vsub.s32 v9, v0;
	[tilespmem:$0x240] =	vst v3;
	v3 =	vmin.u32 v47, $0xC350  }
0x3b7: {  	v52 =	vld [tilespmem:$0xC0];
	v51 =	vsub.s32 v42, v0;
	[tilespmem:$0x250] =	vst v3;
	v3 =	vmin.u32 v49, $0xC350  }
0x3b8: {  	v54 =	vld [tilespmem:$0xD0];
	v53 =	vsub.s32 v44, v0;
	[tilespmem:$0x260] =	vst v3;
	v3 =	vmin.u32 v51, $0xC350  }
0x3b9: {  	v56 =	vld [tilespmem:$0xE0];
	v55 =	vsub.s32 v46, v0;
	[tilespmem:$0x270] =	vst v3;
	v3 =	vmin.u32 v53, $0xC350  }
0x3ba: {  	v58 =	vld [tilespmem:$0xF0];
	v57 =	vsub.s32 v48, v0;
	[tilespmem:$0x280] =	vst v3;
	v3 =	vmin.u32 v55, $0xC350  }
0x3bb: {  	v59 =	vsub.s32 v50, v0;
	[tilespmem:$0x290] =	vst v3;
	v3 =	vmin.u32 v57, $0xC350  }
0x3bc: {  	v60 =	vsub.s32 v52, v0;
	[tilespmem:$0x2A0] =	vst v3;
	v3 =	vmin.u32 v59, $0xC350  }
0x3bd: {  	v61 =	vsub.s32 v54, v0;
	[tilespmem:$0x2B0] =	vst v3;
	v3 =	vmin.u32 v60, $0xC350  }
0x3be: {  	v62 =	vsub.s32 v56, v0;
	[tilespmem:$0x2C0] =	vst v3;
	v3 =	vmin.u32 v61, $0xC350  }
0x3bf: {  	v63 =	vsub.s32 v58, v0;
	[tilespmem:$0x2D0] =	vst v3;
	v3 =	vmin.u32 v62, $0xC350  }
0x3c0: {  	[tilespmem:$0x2E0] =	vst v3;
	v3 =	vmin.u32 v63, $0xC350  }
0x3c1: {  	[tilespmem:$0x2F0] =	vst v3  }
0x3c2: {  	[spmem:s1] =	stream.indirect.scatter.add.f32 [tilespmem:s13], [sflag:$0x3], $0x20, s16, s15, $0xb8;
	[tilespmem:$0x1ED40] =	vst v63  }
0x3c3: {  	_ = 	snop  }
0x3c4: {  	[spmem:s2] =	stream.indirect.scatter.add.f32 [tilespmem:s17], [sflag:$0x3], $0x1, s4, s15, $0xb8;
	[tilespmem:$0x1ED40] =	vst v63  }
0x3c5: {  	_ = 	snop  }
0x3c6: {  	[spmem:s1] =	stream.indirect.scatter.add.f32 [tilespmem:s9], [sflag:$0x3], $0x20, s18, s15, $0xb8;
	[tilespmem:$0x1ED40] =	vst v63  }
0x3c7: {  	_ = 	snop  }
0x3c8: {  	[spmem:s2] =	stream.indirect.scatter.add.f32 [tilespmem:s17], [sflag:$0x3], $0x1, s15, s15, $0xb8;
	[tilespmem:$0x1ED40] =	vst v63  }
.LBB2_6:
0x3c9: {  	p1 =	seq.s32 s28, $0x0  }
0x3ca: {  	s0 =	simm.s32 @!p1 $0x4  }
0x3cb: {  	_ =	swait.ge @!p1 [sflag:s0], $0x1000  }
0x3cc: {  	[sflag:s0] =	ssyncset.done @!p1 $0x0  }
0x3cd: {  	[sflag:s0] =	ssyncadd.s32 @!p1 $0xFFFFF000  }
0x3ce: {  	_ =	swait.ge @!p1 [sflag:s0], $0x80  }
0x3cf: {  	s31 =	sadd.s32 s28, s3;
	[sflag:s0] =	ssyncset.done @!p1 $0x0  }
0x3d0: {  	s29 =	sadd.s32 $0x10, s31;
	[sflag:s0] =	ssyncadd.s32 @!p1 $0xFFFFFF80  }
0x3d1: {  	p2 =	sgt.u32 s29, $0x1869;
	_ =	swait.ge @!p1 [sflag:s0], $0x1000  }
.Ltmp6:
0x3d2: {  	[sflag:s0] =	ssyncset.done @!p1 $0x0;
	(pc) =	sbr.rel @p2 .LBB2_8-.Ltmp6, $4  }
0x3d3: {  	[sflag:s0] =	ssyncadd.s32 @!p1 $0xFFFFF000  }
0x3d4: {  	_ =	swait.ge @!p1 [sflag:s0], $0x80  }
0x3d5: {  	[sflag:s0] =	ssyncset.done @!p1 $0x0  }
0x3d6: {  	[sflag:s0] =	ssyncadd.s32 @!p1 $0xFFFFFF80  }
0x3d7: {  	[tilespmem:s19], [sflag:$0x2] =	stream.linear.gather [hbm4b:s8+s4], $0x100, $0x38;
	[tilespmem:$0x1ED40] =	vst v63  }
0x3d8: {  	_ = 	snop  }
0x3d9: {  	[tilespmem:s20], [sflag:$0x2] =	stream.linear.gather [hbm4b:s30+s4], $0x2000, $0x38;
	[tilespmem:$0x1ED40] =	vst v63  }
0x3da: {  	_ =	swait.ge [sflag:s21], $0x100  }
0x3db: {  	[sflag:s21] =	ssyncset.done $0x0  }
0x3dc: {  	[sflag:s21] =	ssyncadd.s32 $0xFFFFFF00  }
0x3dd: {  	_ =	swait.ge [sflag:s21], $0x2000  }
0x3de: {  	[sflag:s21] =	ssyncset.done $0x0  }
0x3df: {  	[sflag:s21] =	ssyncadd.s32 $0xFFFFE000  }
0x3e0: {  	v3 =	vld [tilespmem:$0x100]  }
0x3e1: {  	v4 =	vld [tilespmem:$0x110]  }
0x3e2: {  	v5 =	vld [tilespmem:$0x120]  }
0x3e3: {  	v6 =	vld [tilespmem:$0x130]  }
0x3e4: {  	v7 =	vld [tilespmem:$0x140]  }
0x3e5: {  	v8 =	vld [tilespmem:$0x150];
	v3 =	vsub.s32 v3, v0  }
0x3e6: {  	v9 =	vld [tilespmem:$0x160];
	v4 =	vsub.s32 v4, v0;
	v3 =	vmin.u32 v3, $0xC350  }
0x3e7: {  	v42 =	vld [tilespmem:$0x170];
	v41 =	vsub.s32 v5, v0;
	[tilespmem:$0x300] =	vst v3;
	v3 =	vmin.u32 v4, $0xC350  }
0x3e8: {  	v44 =	vld [tilespmem:$0x180];
	v43 =	vsub.s32 v6, v0;
	[tilespmem:$0x310] =	vst v3;
	v3 =	vmin.u32 v41, $0xC350  }
0x3e9: {  	v46 =	vld [tilespmem:$0x190];
	v45 =	vsub.s32 v7, v0;
	[tilespmem:$0x320] =	vst v3;
	v3 =	vmin.u32 v43, $0xC350  }
0x3ea: {  	v48 =	vld [tilespmem:$0x1A0];
	v47 =	vsub.s32 v8, v0;
	[tilespmem:$0x330] =	vst v3;
	v3 =	vmin.u32 v45, $0xC350  }
0x3eb: {  	v50 =	vld [tilespmem:$0x1B0];
	v49 =	vsub.s32 v9, v0;
	[tilespmem:$0x340] =	vst v3;
	v3 =	vmin.u32 v47, $0xC350  }
0x3ec: {  	v52 =	vld [tilespmem:$0x1C0];
	v51 =	vsub.s32 v42, v0;
	[tilespmem:$0x350] =	vst v3;
	v3 =	vmin.u32 v49, $0xC350  }
0x3ed: {  	v54 =	vld [tilespmem:$0x1D0];
	v53 =	vsub.s32 v44, v0;
	[tilespmem:$0x360] =	vst v3;
	v3 =	vmin.u32 v51, $0xC350  }
0x3ee: {  	v56 =	vld [tilespmem:$0x1E0];
	v55 =	vsub.s32 v46, v0;
	[tilespmem:$0x370] =	vst v3;
	v3 =	vmin.u32 v53, $0xC350  }
0x3ef: {  	v58 =	vld [tilespmem:$0x1F0];
	v57 =	vsub.s32 v48, v0;
	[tilespmem:$0x380] =	vst v3;
	v3 =	vmin.u32 v55, $0xC350  }
0x3f0: {  	v59 =	vsub.s32 v50, v0;
	[tilespmem:$0x390] =	vst v3;
	v3 =	vmin.u32 v57, $0xC350  }
0x3f1: {  	v60 =	vsub.s32 v52, v0;
	[tilespmem:$0x3A0] =	vst v3;
	v3 =	vmin.u32 v59, $0xC350  }
0x3f2: {  	v61 =	vsub.s32 v54, v0;
	[tilespmem:$0x3B0] =	vst v3;
	v3 =	vmin.u32 v60, $0xC350  }
0x3f3: {  	v62 =	vsub.s32 v56, v0;
	[tilespmem:$0x3C0] =	vst v3;
	v3 =	vmin.u32 v61, $0xC350  }
0x3f4: {  	v63 =	vsub.s32 v58, v0;
	[tilespmem:$0x3D0] =	vst v3;
	v3 =	vmin.u32 v62, $0xC350  }
0x3f5: {  	[tilespmem:$0x3E0] =	vst v3;
	v3 =	vmin.u32 v63, $0xC350  }
0x3f6: {  	[tilespmem:$0x3F0] =	vst v3  }
0x3f7: {  	[spmem:s1] =	stream.indirect.scatter.add.f32 [tilespmem:s20], [sflag:$0x4], $0x20, s22, s15, $0xb8;
	[tilespmem:$0x1ED40] =	vst v63  }
0x3f8: {  	_ = 	snop  }
0x3f9: {  	[spmem:s2] =	stream.indirect.scatter.add.f32 [tilespmem:s17], [sflag:$0x4], $0x1, s19, s15, $0xb8;
	[tilespmem:$0x1ED40] =	vst v63  }
.Ltmp7:
0x3fa: {  	_ = 	snop;
	(pc) =	sbr.rel .LBB2_8-.Ltmp7, $4  }
0x3fb: {  	_ = 	snop  }
0x3fc: {  	[spmem:s1] =	stream.indirect.scatter.add.f32 [tilespmem:s24], [sflag:$0x4], $0x20, s23, s15, $0xb8;
	[tilespmem:$0x1ED40] =	vst v63  }
0x3fd: {  	_ = 	snop  }
0x3fe: {  	[spmem:s2] =	stream.indirect.scatter.add.f32 [tilespmem:s17], [sflag:$0x4], $0x1, s25, s15, $0xb8;
	[tilespmem:$0x1ED40] =	vst v63  }
.LBB2_10:
0x3ff: {  	_ =	sfence.sel $0x180000  }
0x400: {  	[bflag:$0x0] =	sbarrier.arrive $0xFFFF  }
0x401: {  	_ =	strace $0x9000004A  }
0x402: {  	[bflag:$0x2] =	sbarrier.arrive $0xFFFF  }
0x403: {  	p0 =	sne.s32 s3, $0x0;
	s0 =	rddreg [dreg:$0x5]  }
0x404: {  	s0 =	sadd.s32 @!p0 $0x100000, s0  }
0x405: {  	[sflag:s0] =	ssyncadd.tile.s32 @!p0 $0x1;
	_ =	shalt  }
.Lfunc_end2:
_tile_overlayer_lowered:
.L_overlay_start_2:
0x406: {  	(tag) =	ssettag $0x2  }
0x407: {  	s0 =	rddreg [dreg:$0x0];
	s2 =	stileid.u32  }
0x408: {  	s1 =	rddreg [dreg:$0x1];
	p0 =	sne.s32 s2, $0x0  }
0x409: {  	s3 =	rddreg [dreg:$0x2];
	[bflag:$0x3] =	sbarrier.arrive $0xFFFF;
	s2 =	simm.s32 @!p0 $0x1C05  }
0x40a: {  	[timem:s3], [sflag:s2] =	dma.local @!p0 [hbm:s0], s1  }
0x40b: {  	s0 =	simm.s32 @!p0 $0x5  }
0x40c: {  	_ =	swait.ge @!p0 [sflag:s0], s1  }
0x40d: {  	s1 =	ssub.s32 @!p0 $0x0, s1;
	[sflag:s0] =	ssyncset.done @!p0 $0x0  }
0x40e: {  	[sflag:s0] =	ssyncadd.s32 @!p0 s1  }
0x40f: {  	[bflag:$0x3] =	sbarrier.arrive $0xFFFF  }
0x410: {  	_ =	shalt  }

// kernel: sparse-core-data-format-call.cloned.1.call-start
scs
called_computation_lowered:
.L_overlay_start_0:
0x0: {  	s2 =	sld [smem:$0x3FD9]  }
0x1: {  	s3 =	sld [smem:$0x3FFE];
	_ =	sdelay $0x1  }
0x2: {  	s1 =	srdreg.scid  }
0x3: {  	s0 =	sand.u32 $0x1, s1  }
0x4: {  	s16 =	sshll.u32 s0, $0xA;
	s2 =	sadd.s32 s3, s2  }
0x5: {  	s2 =	sadd.s32 s2, s16  }
0x6: {  	[smem:$0x3FB8] =	sst s2  }
0x7: {  	_ = 	snop  }
0x8: {  	s2 =	sld [smem:$0x3FD0];
	_ =	sdelay $0x2  }
0x9: {  	s17 =	simm.s32 $0xB;
	s4 =	simm.s32 $0x10  }
0xa: {  	[smem:s4], [sflag:s17] =	dma.local [hbm:s2], $0x1  }
0xb: {  	_ =	swait.eq [sflag:s17], $0x1  }
0xc: {  	[sflag:s17] =	ssyncset.done $0x0  }
0xd: {  	[sflag:s17] =	ssyncadd.s32 $0xFFFFFFFF  }
0xe: {  	s18 =	sld [smem:$0x11];
	(tm) =	ssettm $0x1  }
0xf: {  	s19 =	sld [smem:$0x3FFB];
	_ =	sdelay $0x3  }
0x10: {  	_ =	strace s19  }
0x11: {  	s2 =	sld [smem:$0x3FFC];
	_ =	sdelay $0x3  }
0x12: {  	_ =	strace s2  }
0x13: {  	s2 =	sld [smem:$0x3FFD];
	_ =	sdelay $0x3  }
0x14: {  	_ =	strace s2  }
0x15: {  	_ =	strace $0x8FFFFFFF  }
0x16: {  	s20 =	sld [smem:$0x3FDB];
	_ =	sdelay $0x1  }
0x17: {  	s21 =	simm.s32 $_scs_section_size  }
0x18: {  	s5 =	simm.s32 $_size__tile_overlayer_lowered;
	s6 =	simm.s32 $_tile_overlayer_lowered  }
0x19: {  	s7 =	simm.s32 $0x1BFF;
	s22 =	sshll.u32 s6, $0x1;
	s4 =	sadd.s32 s21, s20  }
0x1a: {  	s23 =	simm.s32 $0x0;
	s5 =	sshll.u32 s5, $0x1;
	s6 =	sadd.s32 s22, s4  }
0x1b: {  	[timem:s23], [sflag:s7] =	dma.local [hbm:s6], s5  }
0x1c: {  	_ =	swait.ge [sflag:s7], s5  }
0x1d: {  	s5 =	ssub.s32 $0x0, s5;
	[sflag:s7] =	ssyncset.done $0x0  }
0x1e: {  	[sflag:s7] =	ssyncadd.s32 s5;
	_ =	sdelay $0x1  }
0x1f: {  	s24 =	simm.s32 $0x1B8B  }
0x20: {  	_ =	swait.ge [sflag:s24], $0x1  }
0x21: {  	[sflag:s24] =	ssyncset.done $0x0  }
0x22: {  	[sflag:s24] =	ssyncadd.s32 $0xFFFFFFFF  }
0x23: {  	s5 =	sld [smem:$0x0]  }
0x24: {  	s6 =	sand.u32 $0xFFFFFFFE, s1  }
0x25: {  	p0 =	sne.s32 s1, s6  }
0x26: {  	s6 =	sshll.u32 @p0 s6, $0xE  }
0x27: {  	s6 =	sadd.s32 @p0 $0x11B8D, s6;
	s7 =	sshll.u32 @p0 s5, $0x11  }
0x28: {  	s6 =	sor.u32 @p0 s7, s6  }
0x29: {  	[sflag:s6] =	ssyncadd.remote.s32 @p0 $0x1;
	_ =	sdelay $0x1  }
0x2a: {  	s6 =	simm.s32 @p0 $0x1B8D  }
0x2b: {  	_ =	swait.eq @p0 [sflag:s6], $0x1  }
0x2c: {  	[sflag:s6] =	ssyncadd.s32 @p0 $0xFFFFFFFF  }
0x2d: {  	s7 =	sshll.u32 @!p0 s1, $0xE  }
0x2e: {  	s7 =	sor.u32 @!p0 $0x4000, s7;
	s6 =	simm.s32 @!p0 $0x1B8D  }
0x2f: {  	s5 =	sshll.u32 @!p0 s5, $0x11;
	s7 =	sadd.s32 @!p0 $0x11B8D, s7;
	_ =	swait.eq @!p0 [sflag:s6], $0x1  }
0x30: {  	s5 =	sor.u32 @!p0 s5, s7;
	[sflag:s6] =	ssyncadd.s32 @!p0 $0xFFFFFFFF  }
0x31: {  	s26 =	simm.s32 $0x1B8E;
	s25 =	sld [smem:$0x3FFE];
	[sflag:s5] =	ssyncadd.remote.s32 @!p0 $0x1  }
0x32: {  	s27 =	simm.s32 $execute0_lowered;
	[smem:$0x3FD2] =	sst s26  }
0x33: {  	s6 =	sshll.u32 s27, $0x1;
	_ =	strace $0x8000004C;
	[dreg:$0x1] =	wrdreg $0xFFFFFFFF  }
0x34: {  	s28 =	simm.s32 $_size_execute0_lowered;
	s4 =	sadd.s32 s4, s6;
	[dreg:$0x0] =	wrdreg $0x0  }
0x35: {  	s6 =	sshll.u32 s28, $0x1;
	[dreg:$0x2] =	wrdreg s4  }
0x36: {  	[dreg:$0x3] =	wrdreg s6  }
0x37: {  	[dreg:$0x4] =	wrdreg $0xC0  }
0x38: {  	_ =	task [dreg:s23], $0x5FFFF  }
0x39: {  	[dreg:$0x1] =	wrdreg $0xFFFFFFFF  }
0x3a: {  	[dreg:$0x0] =	wrdreg $0x60  }
0x3b: {  	[dreg:$0x2] =	wrdreg s25  }
0x3c: {  	[dreg:$0x3] =	wrdreg s18  }
0x3d: {  	[dreg:$0x4] =	wrdreg $0x9  }
0x3e: {  	_ =	task.clear_ibuf [dreg:s23], $0x5FFFF;
	_ =	strace $0x9000004C  }
0x3f: {  	s29 =	simm.s32 $0x9;
	_ =	strace $0x8000004E  }
0x40: {  	_ =	swait.ge [sflag:s29], $0x1  }
0x41: {  	[sflag:s29] =	ssyncadd.s32 $0xFFFFFFFF  }
0x42: {  	_ =	strace $0x9000004E  }
0x43: {  	_ =	sfence  }
0x44: {  	s30 =	sld [smem:$0x0];
	_ =	sdelay $0x2  }
0x45: {  	s31 =	sshll.u32 s1, $0xD;
	s1 =	sshrl.u32 s1, $0x2  }
0x46: {  	s4 =	sand.u32 $0x4000, s31;
	s1 =	sadd.s32 s1, s30  }
0x47: {  	s0 =	sor.u32 s4, s0;
	s1 =	sshll.u32 s1, $0x11  }
0x48: {  	s0 =	sor.u32 s1, s0  }
0x49: {  	s0 =	sadd.s32 $0x8F2B, s0  }
0x4a: {  	[sflag:s0] =	ssyncadd.remote.s32 $0x1  }
0x4b: {  	_ =	sfence.sel $0xFFFF  }
0x4c: {  	[dreg:$0x0] =	wrdreg $0xFFFFFFFF;
	(pc) =	sbr.abs _section_cstart, $3  }
0x4d: {  	[dreg:$0x1] =	wrdreg $0xFFFFFFFF  }
0x4e: {  	_ =	task.clear_ibuf [dreg:s23], $0x2FFFF;
	_ =	strace $0x9FFFFFFF  }
0x4f: {  	(tm) =	ssettm $0x7FFFFFFF  }
tec
execute0_lowered:
.L_overlay_start_1:
0x0: {  	(tag) =	ssettag $0x1  }
0x1: {  	s0 =	srdreg.scid  }
0x2: {  	s1 =	sshll.u32 s0, $0x4  }
0x3: {  	s4 =	rddreg [dreg:$0x0];
	s0 =	stileid.u32;
	s1 =	sand.u32 $0x10, s1  }
0x4: {  	s2 =	rddreg [dreg:$0x1];
	s7 =	simm.s32 $0x1;
	s1 =	sor.u32 s0, s1  }
0x5: {  	s8 =	simm.s32 $0x2;
	s11 =	simm.s32 $0x0;
	s3 =	sshll.u32 s1, $0x7  }
0x6: {  	s10 =	simm.s32 $0x0;
	s4 =	sadd.s32 $0x13D9C00, s4;
	s6 =	ssub.s32 $0x186A00, s3  }
.Ltmp0:
0x7: {  	s1 =	rddreg [dreg:$0x2];
	s5 =	sand.u32 $0xF80, s6;
	(pc) =	sbr.rel .LBB1_1-.Ltmp0, $4  }
0x8: {  	_ =	strace $0x8000004D;
	s9 =	smov.u32 s3;
	p0 =	sne.s32 s5, $0x0  }
0x9: {  	s6 =	sshrl.u32 s6, $0xC;
	s5 =	simm.s32 $0x1;
	s7 =	simm.s32 @!p0 $0x0  }
0xa: {  	[sflag:s5] =	ssyncpa.u1 $0x0;
	p0 =	por $0x0, $0x0;
	s6 =	sadd.s32 s7, s6  }
0xb: {  	[sflag:s8] =	ssyncpa.u1 $0x0;
	s8 =	simm.s32 $0xC35000;
	s7 =	sadd.s32 $0x1, s6  }
.LBB1_4:
0xc: {  	s14 =	sshll.u32 s11, $0x3  }
0xd: {  	s14 =	sand.u32 $0xFFFFFC00, s14  }
0xe: {  	s15 =	sshrl.u32 s14, $0x9  }
0xf: {  	s15 =	smulhi.u32 $0xA7C5AD, s15;
	_ =	sdelay $0x1  }
0x10: {  	s15 =	sshrl.u32 s15, $0x3  }
0x11: {  	s28 =	sand.u32 $0x7F, s11;
	s16 =	smul.u32 $0x186A00, s15  }
0x12: {  	s11 =	sor.u32 s28, s14  }
0x13: {  	s29 =	sand.u32 $0x1F, s15;
	s11 =	ssub.s32 s11, s16  }
0x14: {  	s14 =	smul.u32 $0x30D40, s29;
	s30 =	sshrl.u32 s11, $0x3;
	s11 =	sand.u32 $0x7, s11  }
0x15: {  	s15 =	sadd.s32 s2, s30;
	s11 =	sshll.u32 s11, $0x12  }
0x16: {  	[tilespmem:s13+$0x0 ss:$0x81] =	vst.msk $0xffff, v0;
	s31 =	sadd.s32 s14, s15;
	s11 =	sor.u32 $0x400, s11  }
0x17: {  	[hbm4b:s31+s11] =	stream.strided.scatter [tilespmem:s12], [sflag:$0x2], $0x1000, s8, s11, $0x20;
	[tilespmem:$0x4040] =	vst v63  }
.LBB1_5:
0x18: {  	s13 =	sadd.s32 $0x1000, s9  }
0x19: {  	p2 =	sgt.s32 s13, $0x1869FF  }
0x1a: {  	s13 =	smov.u32 @p2 s3;
	p2 =	sne.s32 s10, s7  }
.Ltmp1:
0x1b: {  	p1 =	slt.u32 s10, $0x2;
	(pc) =	sbr.rel @!p2 .LBB1_6-.Ltmp1, $4  }
0x1c: {  	s12 =	simm.s32 @!p1 $0x2  }
0x1d: {  	s14 =	sadd.s32 $0x1, s10;
	_ =	swait.ge @!p1 [sflag:s12], $0x1000  }
0x1e: {  	s11 =	smov.u32 s9;
	p0 =	por !p0, !p0;
	[sflag:s12] =	ssyncset.done @!p1 $0x0  }
0x1f: {  	s10 =	smov.u32 s14;
	s9 =	smov.u32 s13;
	[sflag:s12] =	ssyncadd.s32 @!p1 $0xFFFFF000  }
.LBB1_1:
0x20: {  	p1 =	sge.u32 s10, s6  }
0x21: {  	s12 =	sand.u32 @!p1 $0x1FFFFFF, s9  }
0x22: {  	s13 =	smulhi.u32 @!p1 $0x14F8B59, s12;
	_ =	sdelay $0x1  }
0x23: {  	s13 =	sshrl.u32 @!p1 s13, $0xD  }
0x24: {  	s13 =	smul.u32 @!p1 $0x186A00, s13;
	_ =	sdelay $0x1  }
0x25: {  	s31 =	sadd.s32 $0xFFFFFFFF, s10;
	s14 =	sxor.u32 @!p1 $0xFFFFFFFF, s10;
	s12 =	ssub.s32 @!p1 s12, s13  }
0x26: {  	s15 =	simm.s32 @!p1 $0x80;
	s14 =	sshll.u32 @!p1 s14, $0xC;
	s12 =	sshll.u32 @!p1 s12, $0x4  }
0x27: {  	s13 =	sand.u32 @!p1 $0x1000, s14;
	s14 =	simm.s32 @!p1 $0x20;
	s12 =	sadd.s32 @!p1 s4, s12  }
0x28: {  	[tilespmem:s13], [sflag:$0x1] =	stream.strided.gather @!p1 [hbm4b:s12+s14], $0x1000, s15, s14, $0x38;
	[tilespmem:$0x4040] =	vst v63  }
0x29: {  	p1 =	sge.u32 s31, s6  }
.Ltmp2:
0x2a: {  	_ = 	snop;
	(pc) =	sbr.rel @p1 .LBB1_5-.Ltmp2, $1  }
0x2b: {  	_ =	sdelay $0x3  }
0x2c: {  	s12 =	simm.s32 $0x1  }
0x2d: {  	_ =	swait.ge [sflag:s5], $0x1000;
	s12 =	simm.s32 @!p0 $0x0  }
0x2e: {  	[sflag:s5] =	ssyncset.done $0x0;
	s13 =	sshll.u32 s12, $0xC  }
0x2f: {  	[sflag:s5] =	ssyncadd.s32 $0xFFFFF000;
	s16 =	sor.u32 $0x10, s13  }
0x30: {  	s12 =	smul.u32 $0x4080, s12;
	v1 =	vld [tilespmem:s16+$0x0]  }
0x31: {  	s30 =	sand.u32 $0x1, s10;
	v0 =	vld [tilespmem:s16+$0xFFFFFFF0]  }
0x32: {  	s13 =	smul.u32 $0x4080, s30;
	s12 =	sshrl.u32 s12, $0x2  }
0x33: {  	s14 =	sor.u32 $0x2000, s12  }
0x34: {  	s31 =	sshrl.u32 s13, $0x2;
	s13 =	sadd.s32 $0x0, s14  }
0x35: {  	s15 =	simm.s32 $0x4;
	s16 =	sadd.s32 $0x20, s16;
	s12 =	sor.u32 $0x2000, s31;
	[tilespmem:s13+$0x810 ss:$0x81] =	vst.msk $0xffff, v1  }
.LBB1_3:
0x36: {  	v1 =	vld [tilespmem:s16+$0x0];
	p1 =	sne.s32 s15, $0x1FC;
	[tilespmem:s13+$0x0 ss:$0x81] =	vst.msk $0xffff, v0;
	s13 =	smov.u32 s15;
	s15 =	sadd.s32 $0x4, s15  }
.Ltmp3:
0x37: {  	v0 =	vld [tilespmem:s16+$0xFFFFFFF0];
	(pc) =	sbr.rel @p1 .LBB1_3-.Ltmp3, $4  }
0x38: {  	_ = 	snop  }
0x39: {  	s13 =	sshra.s32 s13, $0x2  }
0x3a: {  	s13 =	sadd.s32 s13, s14  }
0x3b: {  	s16 =	sadd.s32 $0x20, s16;
	[tilespmem:s13+$0x810 ss:$0x81] =	vst.msk $0xffff, v1  }
.Ltmp4:
0x3c: {  	_ = 	snop;
	(pc) =	sbr.rel .LBB1_4-.Ltmp4, $1  }
0x3d: {  	_ =	sdelay $0x3  }
.LBB1_6:
0x3e: {  	_ =	sfence.sel $0x180000  }
0x3f: {  	s2 =	simm.s32 $0x1;
	[bflag:$0x0] =	sbarrier.arrive $0xFFFF  }
0x40: {  	s31 =	simm.s32 $0x2;
	[sflag:s2] =	ssyncpa.u1 $0x1  }
0x41: {  	[sflag:s31] =	ssyncpa.u1 $0x1  }
0x42: {  	p0 =	sne.s32 s0, $0x0;
	_ =	strace $0x9000004D  }
0x43: {  	s0 =	sadd.s32 @!p0 $0x100000, s1;
	[bflag:$0x2] =	sbarrier.arrive $0xFFFF  }
0x44: {  	[sflag:s0] =	ssyncadd.tile.s32 @!p0 $0x1;
	_ =	shalt  }
.Lfunc_end1:
_tile_overlayer_lowered:
.L_overlay_start_2:
0x45: {  	(tag) =	ssettag $0x2  }
0x46: {  	s0 =	rddreg [dreg:$0x0];
	s2 =	stileid.u32  }
0x47: {  	s1 =	rddreg [dreg:$0x1];
	p0 =	sne.s32 s2, $0x0  }
0x48: {  	s3 =	rddreg [dreg:$0x2];
	[bflag:$0x3] =	sbarrier.arrive $0xFFFF;
	s2 =	simm.s32 @!p0 $0x1C01  }
0x49: {  	[timem:s3], [sflag:s2] =	dma.local @!p0 [hbm:s0], s1  }
0x4a: {  	s0 =	simm.s32 @!p0 $0x1  }
0x4b: {  	_ =	swait.ge @!p0 [sflag:s0], s1  }
0x4c: {  	s1 =	ssub.s32 @!p0 $0x0, s1;
	[sflag:s0] =	ssyncset.done @!p0 $0x0  }
0x4d: {  	[sflag:s0] =	ssyncadd.s32 @!p0 s1  }
0x4e: {  	[bflag:$0x3] =	sbarrier.arrive $0xFFFF  }
0x4f: {  	_ =	shalt  }

</sc_bundles>
